<compile_context>
chip_gen: v7x
topology: tpu7x:2x2x1
jax: 0.10.2.dev20260603
libtpu: 0.0.44.dev20260713+nightly
codegen_flags: <defaults>
</compile_context>

<pallas_src>
import functools

import jax
import jax.numpy as jnp
from jax import lax
from jax.experimental import pallas as pl
from jax.experimental.pallas import tpu as pltpu
from jax.experimental.pallas import tpu_sc as plsc

_N_DIMS = 64
_SEQ_LEN = 200
_BATCH = 4096
_NW = 32
_BC = 128
_NBC = _BATCH // _BC
_NTASK = _SEQ_LEN * _NBC
_TPW = _NTASK // _NW

_mesh = plsc.VectorSubcoreMesh(core_axis_name="c", subcore_axis_name="s")


@functools.partial(
    pl.kernel,
    mesh=_mesh,
    out_type=jax.ShapeDtypeStruct((_SEQ_LEN, _N_DIMS, _BATCH), jnp.float32),
    scratch_types=[
        pltpu.VMEM((2, _BC), jnp.int32),
        pltpu.VMEM((2, _BC), jnp.int32),
        pltpu.VMEM((2, _BC, _N_DIMS), jnp.float32),
        pltpu.VMEM((1000, _N_DIMS), jnp.float32),
        pltpu.VMEM((_SEQ_LEN // 2, 128), jnp.float32),
        pltpu.VMEM((2, _N_DIMS, _BC + 1), jnp.float32),
        pltpu.SemaphoreType.DMA,
        pltpu.SemaphoreType.DMA,
        pltpu.SemaphoreType.DMA,
        pltpu.SemaphoreType.DMA,
        pltpu.SemaphoreType.DMA,
        pltpu.SemaphoreType.DMA,
        pltpu.SemaphoreType.DMA,
        pltpu.SemaphoreType.DMA,
        pltpu.SemaphoreType.DMA,
        pltpu.SemaphoreType.DMA,
    ],
    compiler_params=pltpu.CompilerParams(use_tc_tiling_on_sc=False,
                                         needs_layout_passes=False),
)
def _embed_kernel(eidx_hbm, cidx_hbm, etab_hbm, ctab_hbm, ptab_hbm, out_hbm,
                  eidx_v, cidx_v, erows_v, ctab_v, pos_v, obuf_v,
                  sem_ie0, sem_ie1, sem_ic0, sem_ic1,
                  sem_ge0, sem_ge1, sem_gc0, sem_gc1, sem_o0, sem_o1):
    sem_ie = (sem_ie0, sem_ie1)
    sem_ic = (sem_ic0, sem_ic1)
    sem_ge = (sem_ge0, sem_ge1)
    sem_o = (sem_o0, sem_o1)
    wid = lax.axis_index("s") * 2 + lax.axis_index("c")
    tbase = wid * _TPW
    pltpu.sync_copy(ptab_hbm, pos_v)
    pltpu.sync_copy(ctab_hbm, ctab_v)

    def task_sb(t):
        gt = tbase + t
        return gt // _NBC, gt % _NBC

    def idx_fetch_start(t, b):
        s, bc = task_sb(t)
        pltpu.async_copy(eidx_hbm.at[s, pl.ds(bc * _BC, _BC)],
                         eidx_v.at[b], sem_ie[b])
        pltpu.async_copy(cidx_hbm.at[s, pl.ds(bc * _BC, _BC)],
                         cidx_v.at[b], sem_ic[b])

    def idx_wait(b):
        pltpu.make_async_copy(
            eidx_hbm.at[0, pl.ds(0, _BC)], eidx_v.at[b], sem_ie[b]).wait()
        pltpu.make_async_copy(
            cidx_hbm.at[0, pl.ds(0, _BC)], cidx_v.at[b], sem_ic[b]).wait()

    def gather_start(b):
        pltpu.async_copy(etab_hbm.at[eidx_v.at[b]], erows_v.at[b], sem_ge[b])

    def gather_wait(b):
        pltpu.make_async_copy(
            etab_hbm.at[eidx_v.at[0]], erows_v.at[b], sem_ge[b]).wait()

    def out_start(t, b):
        s, bc = task_sb(t)
        pltpu.async_copy(obuf_v.at[b, slice(None), pl.ds(0, _BC)],
                         out_hbm.at[s, slice(None), pl.ds(bc * _BC, _BC)],
                         sem_o[b])

    def out_wait(b):
        pltpu.make_async_copy(
            obuf_v.at[b, slice(None), pl.ds(0, _BC)],
            out_hbm.at[0, slice(None), pl.ds(0, _BC)],
            sem_o[b]).wait()

    idx_fetch_start(0, 0)
    idx_fetch_start(1, 1)
    idx_wait(0)
    gather_start(0)

    _iota = jnp.arange(16, dtype=jnp.int32)
    _drows = tuple(_iota + g * 16 for g in range(_N_DIMS // 16))
    _usel = tuple(jnp.full((16, 1), u, jnp.int32) for u in range(16))
    _gdims = lax.GatherDimensionNumbers(
        offset_dims=(), collapsed_slice_dims=(0,), start_index_map=(0,))

    def _splat(vec, usel):
        return lax.gather(vec, usel, dimension_numbers=_gdims,
                          slice_sizes=(1,),
                          mode=lax.GatherScatterMode.PROMISE_IN_BOUNDS)

    def body(half, _):
        for tb in range(2):
            t = half * 2 + tb
            nb = 1 - tb

            @pl.when(t < _TPW - 1)
            def _():
                idx_wait(nb)
                gather_start(nb)

            gather_wait(tb)

            @pl.when(t < _TPW - 2)
            def _():
                idx_fetch_start(t + 2, tb)

            @pl.when(t >= 2)
            def _():
                out_wait(tb)

            s, _bc = task_sb(t)
            s2 = s // 2
            pcol0 = (s % 2) * _N_DIMS
            prow = tuple(
                pos_v[s2, pl.ds(pcol0 + g * 16, 16)]
                for g in range(_N_DIMS // 16))
            erows = erows_v.at[tb]
            cidxs = cidx_v.at[tb]
            obufT = obuf_v.at[tb]

            @plsc.parallel_loop(0, _BC // 16, unroll=2)
            def blk_body(k):
                civ = cidxs[pl.ds(k * 16, 16)]
                for u in range(16):
                    r = k * 16 + u
                    csplat = _splat(civ, _usel[u])
                    cvec = jnp.full((16,), r, jnp.int32)
                    for g in range(_N_DIMS // 16):
                        cval = plsc.load_gather(ctab_v, [csplat, _drows[g]])
                        val = (erows[r, pl.ds(g * 16, 16)] + cval + prow[g])
                        plsc.store_scatter(obufT, [_drows[g], cvec], val)
            out_start(t, tb)
        return 0

    lax.fori_loop(0, _TPW // 2, body, 0)
    out_wait(0)
    out_wait(1)


def kernel(exercises, categories, exercise_embed, category_embed, position_embed):
    eidx = exercises.astype(jnp.int32).T
    cidx = categories.astype(jnp.int32).T
    pos128 = position_embed.reshape(_SEQ_LEN // 2, 128)
    out = _embed_kernel(eidx, cidx, exercise_embed, category_embed, pos128)
    return out.transpose(2, 0, 1)

# --- scband reference (transcript-rebuilt; emitter-appended) ---
"""Pipeline reference for scband-encoder-embedding-18545668784449 (READ-ONLY COPY).

The authoritative reference and input builder live on the scoring server;
editing this copy changes nothing except your own understanding.
"""

import jax, jax.numpy as jnp
import numpy as np

N_EXERCISES = 100000
N_CATEGORIES = 1000
N_DIMS = 64
SEQ_LEN = 200
BATCH = 4096


def setup_inputs(seed: int = 0) -> dict:
    key = jax.random.key(seed)
    k1, k2, k3, k4, k5 = jax.random.split(key, 5)
    exercises = jax.random.randint(k1, (BATCH, SEQ_LEN), 0, N_EXERCISES, dtype=jnp.int64 if jax.config.read('jax_enable_x64') else jnp.int32)
    categories = jax.random.randint(k2, (BATCH, SEQ_LEN), 0, N_CATEGORIES, dtype=jnp.int64 if jax.config.read('jax_enable_x64') else jnp.int32)
    exercise_embed = jax.random.normal(k3, (N_EXERCISES, N_DIMS), dtype=jnp.float32)
    category_embed = jax.random.normal(k4, (N_CATEGORIES, N_DIMS), dtype=jnp.float32)
    position_embed = jax.random.normal(k5, (SEQ_LEN, N_DIMS), dtype=jnp.float32)
    return {
        'exercises': exercises,
        'categories': categories,
        'exercise_embed': exercise_embed,
        'category_embed': category_embed,
        'position_embed': position_embed,
    }


def reference(exercises, categories, exercise_embed, category_embed, position_embed):
    # e = self.exercise_embed(exercises)
    e = jnp.take(exercise_embed, exercises, axis=0)          # [B, S, D]
    # c = self.category_embed(categories)
    c = jnp.take(category_embed, categories, axis=0)         # [B, S, D]
    # seq = arange(seq_len)[None]; p = self.position_embed(seq)
    seq = jnp.arange(SEQ_LEN)[None, :]                       # [1, S]
    p = jnp.take(position_embed, seq, axis=0)                # [1, S, D]
    return p + c + e

if __name__ == "__main__":
    import jax
    _d = setup_inputs()
    print(jax.jit(kernel)(*tuple(_d.values())))

</pallas_src>

<mosaic_0001>
#map = affine_map<(d0, d1) -> (0, 0)>
#map1 = affine_map<(d0, d1) -> (0, 0, 0)>
module attributes {stable_mosaic.version = 14 : i64} {
  func.func @_embed_kernel(%arg0: i32, %arg1: i32, %arg2: memref<200x4096xi32, #tpu.memory_space<hbm>>, %arg3: memref<200x4096xi32, #tpu.memory_space<hbm>>, %arg4: memref<100000x64xf32, #tpu.memory_space<hbm>>, %arg5: memref<1000x64xf32, #tpu.memory_space<hbm>>, %arg6: memref<100x128xf32, #tpu.memory_space<hbm>>, %arg7: memref<200x64x4096xf32, #tpu.memory_space<hbm>>, %arg8: memref<2x128xi32, #tpu.memory_space<vmem>>, %arg9: memref<2x128xi32, #tpu.memory_space<vmem>>, %arg10: memref<2x128x64xf32, #tpu.memory_space<vmem>>, %arg11: memref<1000x64xf32, #tpu.memory_space<vmem>>, %arg12: memref<100x128xf32, #tpu.memory_space<vmem>>, %arg13: memref<2x64x129xf32, #tpu.memory_space<vmem>>, %arg14: memref<!tpu.dma_semaphore, #tpu.memory_space<semaphore_mem>>, %arg15: memref<!tpu.dma_semaphore, #tpu.memory_space<semaphore_mem>>, %arg16: memref<!tpu.dma_semaphore, #tpu.memory_space<semaphore_mem>>, %arg17: memref<!tpu.dma_semaphore, #tpu.memory_space<semaphore_mem>>, %arg18: memref<!tpu.dma_semaphore, #tpu.memory_space<semaphore_mem>>, %arg19: memref<!tpu.dma_semaphore, #tpu.memory_space<semaphore_mem>>, %arg20: memref<!tpu.dma_semaphore, #tpu.memory_space<semaphore_mem>>, %arg21: memref<!tpu.dma_semaphore, #tpu.memory_space<semaphore_mem>>, %arg22: memref<!tpu.dma_semaphore, #tpu.memory_space<semaphore_mem>>, %arg23: memref<!tpu.dma_semaphore, #tpu.memory_space<semaphore_mem>>) attributes {dimension_semantics = [#tpu.dimension_semantics<core_parallel>, #tpu.dimension_semantics<subcore_parallel>], iteration_bounds = array<i64: 2, 16>, scalar_prefetch = 0 : i64, scratch_operands = 16 : i64, tpu.core_type = #tpu.core_type<sc_vector_subcore>, window_params = [{transform_indices = #map}, {transform_indices = #map}, {transform_indices = #map}, {transform_indices = #map}, {transform_indices = #map}, {transform_indices = #map1}]} {
    %mul3A = arith.constant 2 : i32
    %mul3A_0 = arith.muli %arg1, %mul3A : i32
    %add3A = arith.addi %mul3A_0, %arg0 : i32
    %mul3A_1 = arith.constant 200 : i32
    %mul3A_2 = arith.muli %add3A, %mul3A_1 : i32
    "tpu.region"() ({
      %run_scoped3A = tpu.sem_alloc : memref<!tpu.dma_semaphore, #tpu.memory_space<semaphore_mem>>
      tpu.enqueue_dma source(%arg6 : memref<100x128xf32, #tpu.memory_space<hbm>>) target(%arg12 : memref<100x128xf32, #tpu.memory_space<vmem>>) target_semaphore(%run_scoped3A : memref<!tpu.dma_semaphore, #tpu.memory_space<semaphore_mem>>)
      tpu.wait_dma2 semaphore(%run_scoped3A : memref<!tpu.dma_semaphore, #tpu.memory_space<semaphore_mem>>) src(%arg6 : memref<100x128xf32, #tpu.memory_space<hbm>>) dst(%arg12 : memref<100x128xf32, #tpu.memory_space<vmem>>)
      tpu.yield
    }) : () -> ()
    "tpu.region"() ({
      %run_scoped3A = tpu.sem_alloc : memref<!tpu.dma_semaphore, #tpu.memory_space<semaphore_mem>>
      tpu.enqueue_dma source(%arg5 : memref<1000x64xf32, #tpu.memory_space<hbm>>) target(%arg11 : memref<1000x64xf32, #tpu.memory_space<vmem>>) target_semaphore(%run_scoped3A : memref<!tpu.dma_semaphore, #tpu.memory_space<semaphore_mem>>)
      tpu.wait_dma2 semaphore(%run_scoped3A : memref<!tpu.dma_semaphore, #tpu.memory_space<semaphore_mem>>) src(%arg5 : memref<1000x64xf32, #tpu.memory_space<hbm>>) dst(%arg11 : memref<1000x64xf32, #tpu.memory_space<vmem>>)
      tpu.yield
    }) : () -> ()
    %add3A_3 = arith.constant 0 : i32
    %add3A_4 = arith.addi %mul3A_2, %add3A_3 : i32
    %jit3A = arith.constant 32 : i32
    %div3A = arith.divsi %add3A_4, %jit3A : i32
    %sign3A = arith.constant 0 : i32
    %sign3A_5 = arith.cmpi sgt, %add3A_4, %sign3A : i32
    %sign3A_6 = arith.extui %sign3A_5 : i1 to i32
    %sign3A_7 = arith.constant 0 : i32
    %sign3A_8 = arith.cmpi slt, %add3A_4, %sign3A_7 : i32
    %sign3A_9 = arith.extui %sign3A_8 : i1 to i32
    %sign3A_10 = arith.subi %sign3A_6, %sign3A_9 : i32
    %sign3A_11 = arith.constant 0 : i32
    %sign3A_12 = arith.cmpi sgt, %jit3A, %sign3A_11 : i32
    %sign3A_13 = arith.extui %sign3A_12 : i1 to i32
    %sign3A_14 = arith.constant 0 : i32
    %sign3A_15 = arith.cmpi slt, %jit3A, %sign3A_14 : i32
    %sign3A_16 = arith.extui %sign3A_15 : i1 to i32
    %sign3A_17 = arith.subi %sign3A_13, %sign3A_16 : i32
    %ne3A = arith.cmpi ne, %sign3A_10, %sign3A_17 : i32
    %rem3A = arith.remsi %add3A_4, %jit3A : i32
    %ne3A_18 = arith.constant 0 : i32
    %ne3A_19 = arith.cmpi ne, %rem3A, %ne3A_18 : i32
    %and3A = arith.andi %ne3A, %ne3A_19 : i1
    %sub3A = arith.constant 1 : i32
    %sub3A_20 = arith.subi %div3A, %sub3A : i32
    %select_n3A = arith.select %and3A, %sub3A_20, %div3A : i32
    %jit3A_21 = arith.constant 32 : i32
    %eq3A = arith.constant 0 : i32
    %eq3A_22 = arith.cmpi eq, %jit3A_21, %eq3A : i32
    %jit3A_23 = arith.constant 1 : i32
    %select_n3A_24 = arith.select %eq3A_22, %jit3A_23, %jit3A_21 : i32
    %rem3A_25 = arith.remsi %add3A_4, %select_n3A_24 : i32
    %ne3A_26 = arith.constant 0 : i32
    %ne3A_27 = arith.cmpi ne, %rem3A_25, %ne3A_26 : i32
    %lt3A = arith.constant 0 : i32
    %lt3A_28 = arith.cmpi slt, %rem3A_25, %lt3A : i32
    %lt3A_29 = arith.constant 0 : i32
    %lt3A_30 = arith.cmpi slt, %select_n3A_24, %lt3A_29 : i32
    %ne3A_31 = arith.xori %lt3A_28, %lt3A_30 : i1
    %and3A_32 = arith.andi %ne3A_31, %ne3A_27 : i1
    %add3A_33 = arith.addi %rem3A_25, %select_n3A_24 : i32
    %select_n3A_34 = arith.select %and3A_32, %add3A_33, %rem3A_25 : i32
    %mul3A_35 = arith.constant 128 : i32
    %mul3A_36 = arith.muli %select_n3A_34, %mul3A_35 : i32
    %dma_start3A = arith.constant 0 : i32
    %dma_start3A_37 = arith.constant 0 : i32
    %dma_start3A_38 = tpu.memref_slice %arg8[%dma_start3A, %dma_start3A_37] : memref<2x128xi32, #tpu.memory_space<vmem>> -> memref<1x128xi32, #tpu.memory_space<vmem>>
    %dma_start3A_39 = tpu.memref_squeeze %dma_start3A_38 : memref<1x128xi32, #tpu.memory_space<vmem>> -> memref<128xi32, #tpu.memory_space<vmem>>
    %dma_start3A_40 = tpu.memref_slice %arg2[%select_n3A, %mul3A_36] : memref<200x4096xi32, #tpu.memory_space<hbm>> -> memref<1x128xi32, #tpu.memory_space<hbm>>
    %dma_start3A_41 = tpu.memref_squeeze %dma_start3A_40 : memref<1x128xi32, #tpu.memory_space<hbm>> -> memref<128xi32, #tpu.memory_space<hbm>>
    %dma_start3A_42 = arith.constant 0 : i32
    %dma_start3A_43 = tpu.memref_slice %arg8[%dma_start3A, %dma_start3A_42] : memref<2x128xi32, #tpu.memory_space<vmem>> -> memref<1x128xi32, #tpu.memory_space<vmem>>
    %dma_start3A_44 = tpu.memref_squeeze %dma_start3A_43 : memref<1x128xi32, #tpu.memory_space<vmem>> -> memref<128xi32, #tpu.memory_space<vmem>>
    %dma_start3A_45 = tpu.memref_slice %arg2[%select_n3A, %mul3A_36] : memref<200x4096xi32, #tpu.memory_space<hbm>> -> memref<1x128xi32, #tpu.memory_space<hbm>>
    %dma_start3A_46 = tpu.memref_squeeze %dma_start3A_45 : memref<1x128xi32, #tpu.memory_space<hbm>> -> memref<128xi32, #tpu.memory_space<hbm>>
    tpu.enqueue_dma source(%dma_start3A_46 : memref<128xi32, #tpu.memory_space<hbm>>) target(%dma_start3A_44 : memref<128xi32, #tpu.memory_space<vmem>>) target_semaphore(%arg14 : memref<!tpu.dma_semaphore, #tpu.memory_space<semaphore_mem>>)
    %mul3A_47 = arith.constant 128 : i32
    %mul3A_48 = arith.muli %select_n3A_34, %mul3A_47 : i32
    %dma_start3A_49 = arith.constant 0 : i32
    %dma_start3A_50 = arith.constant 0 : i32
    %dma_start3A_51 = tpu.memref_slice %arg9[%dma_start3A_49, %dma_start3A_50] : memref<2x128xi32, #tpu.memory_space<vmem>> -> memref<1x128xi32, #tpu.memory_space<vmem>>
    %dma_start3A_52 = tpu.memref_squeeze %dma_start3A_51 : memref<1x128xi32, #tpu.memory_space<vmem>> -> memref<128xi32, #tpu.memory_space<vmem>>
    %dma_start3A_53 = tpu.memref_slice %arg3[%select_n3A, %mul3A_48] : memref<200x4096xi32, #tpu.memory_space<hbm>> -> memref<1x128xi32, #tpu.memory_space<hbm>>
    %dma_start3A_54 = tpu.memref_squeeze %dma_start3A_53 : memref<1x128xi32, #tpu.memory_space<hbm>> -> memref<128xi32, #tpu.memory_space<hbm>>
    %dma_start3A_55 = arith.constant 0 : i32
    %dma_start3A_56 = tpu.memref_slice %arg9[%dma_start3A_49, %dma_start3A_55] : memref<2x128xi32, #tpu.memory_space<vmem>> -> memref<1x128xi32, #tpu.memory_space<vmem>>
    %dma_start3A_57 = tpu.memref_squeeze %dma_start3A_56 : memref<1x128xi32, #tpu.memory_space<vmem>> -> memref<128xi32, #tpu.memory_space<vmem>>
    %dma_start3A_58 = tpu.memref_slice %arg3[%select_n3A, %mul3A_48] : memref<200x4096xi32, #tpu.memory_space<hbm>> -> memref<1x128xi32, #tpu.memory_space<hbm>>
    %dma_start3A_59 = tpu.memref_squeeze %dma_start3A_58 : memref<1x128xi32, #tpu.memory_space<hbm>> -> memref<128xi32, #tpu.memory_space<hbm>>
    tpu.enqueue_dma source(%dma_start3A_59 : memref<128xi32, #tpu.memory_space<hbm>>) target(%dma_start3A_57 : memref<128xi32, #tpu.memory_space<vmem>>) target_semaphore(%arg16 : memref<!tpu.dma_semaphore, #tpu.memory_space<semaphore_mem>>)
    %add3A_60 = arith.constant 1 : i32
    %add3A_61 = arith.addi %mul3A_2, %add3A_60 : i32
    %jit3A_62 = arith.constant 32 : i32
    %div3A_63 = arith.divsi %add3A_61, %jit3A_62 : i32
    %sign3A_64 = arith.constant 0 : i32
    %sign3A_65 = arith.cmpi sgt, %add3A_61, %sign3A_64 : i32
    %sign3A_66 = arith.extui %sign3A_65 : i1 to i32
    %sign3A_67 = arith.constant 0 : i32
    %sign3A_68 = arith.cmpi slt, %add3A_61, %sign3A_67 : i32
    %sign3A_69 = arith.extui %sign3A_68 : i1 to i32
    %sign3A_70 = arith.subi %sign3A_66, %sign3A_69 : i32
    %sign3A_71 = arith.constant 0 : i32
    %sign3A_72 = arith.cmpi sgt, %jit3A_62, %sign3A_71 : i32
    %sign3A_73 = arith.extui %sign3A_72 : i1 to i32
    %sign3A_74 = arith.constant 0 : i32
    %sign3A_75 = arith.cmpi slt, %jit3A_62, %sign3A_74 : i32
    %sign3A_76 = arith.extui %sign3A_75 : i1 to i32
    %sign3A_77 = arith.subi %sign3A_73, %sign3A_76 : i32
    %ne3A_78 = arith.cmpi ne, %sign3A_70, %sign3A_77 : i32
    %rem3A_79 = arith.remsi %add3A_61, %jit3A_62 : i32
    %ne3A_80 = arith.constant 0 : i32
    %ne3A_81 = arith.cmpi ne, %rem3A_79, %ne3A_80 : i32
    %and3A_82 = arith.andi %ne3A_78, %ne3A_81 : i1
    %sub3A_83 = arith.constant 1 : i32
    %sub3A_84 = arith.subi %div3A_63, %sub3A_83 : i32
    %select_n3A_85 = arith.select %and3A_82, %sub3A_84, %div3A_63 : i32
    %jit3A_86 = arith.constant 32 : i32
    %eq3A_87 = arith.constant 0 : i32
    %eq3A_88 = arith.cmpi eq, %jit3A_86, %eq3A_87 : i32
    %jit3A_89 = arith.constant 1 : i32
    %select_n3A_90 = arith.select %eq3A_88, %jit3A_89, %jit3A_86 : i32
    %rem3A_91 = arith.remsi %add3A_61, %select_n3A_90 : i32
    %ne3A_92 = arith.constant 0 : i32
    %ne3A_93 = arith.cmpi ne, %rem3A_91, %ne3A_92 : i32
    %lt3A_94 = arith.constant 0 : i32
    %lt3A_95 = arith.cmpi slt, %rem3A_91, %lt3A_94 : i32
    %lt3A_96 = arith.constant 0 : i32
    %lt3A_97 = arith.cmpi slt, %select_n3A_90, %lt3A_96 : i32
    %ne3A_98 = arith.xori %lt3A_95, %lt3A_97 : i1
    %and3A_99 = arith.andi %ne3A_98, %ne3A_93 : i1
    %add3A_100 = arith.addi %rem3A_91, %select_n3A_90 : i32
    %select_n3A_101 = arith.select %and3A_99, %add3A_100, %rem3A_91 : i32
    %mul3A_102 = arith.constant 128 : i32
    %mul3A_103 = arith.muli %select_n3A_101, %mul3A_102 : i32
    %dma_start3A_104 = arith.constant 1 : i32
    %dma_start3A_105 = arith.constant 0 : i32
    %dma_start3A_106 = tpu.memref_slice %arg8[%dma_start3A_104, %dma_start3A_105] : memref<2x128xi32, #tpu.memory_space<vmem>> -> memref<1x128xi32, #tpu.memory_space<vmem>>
    %dma_start3A_107 = tpu.memref_squeeze %dma_start3A_106 : memref<1x128xi32, #tpu.memory_space<vmem>> -> memref<128xi32, #tpu.memory_space<vmem>>
    %dma_start3A_108 = tpu.memref_slice %arg2[%select_n3A_85, %mul3A_103] : memref<200x4096xi32, #tpu.memory_space<hbm>> -> memref<1x128xi32, #tpu.memory_space<hbm>>
    %dma_start3A_109 = tpu.memref_squeeze %dma_start3A_108 : memref<1x128xi32, #tpu.memory_space<hbm>> -> memref<128xi32, #tpu.memory_space<hbm>>
    %dma_start3A_110 = arith.constant 0 : i32
    %dma_start3A_111 = tpu.memref_slice %arg8[%dma_start3A_104, %dma_start3A_110] : memref<2x128xi32, #tpu.memory_space<vmem>> -> memref<1x128xi32, #tpu.memory_space<vmem>>
    %dma_start3A_112 = tpu.memref_squeeze %dma_start3A_111 : memref<1x128xi32, #tpu.memory_space<vmem>> -> memref<128xi32, #tpu.memory_space<vmem>>
    %dma_start3A_113 = tpu.memref_slice %arg2[%select_n3A_85, %mul3A_103] : memref<200x4096xi32, #tpu.memory_space<hbm>> -> memref<1x128xi32, #tpu.memory_space<hbm>>
    %dma_start3A_114 = tpu.memref_squeeze %dma_start3A_113 : memref<1x128xi32, #tpu.memory_space<hbm>> -> memref<128xi32, #tpu.memory_space<hbm>>
    tpu.enqueue_dma source(%dma_start3A_114 : memref<128xi32, #tpu.memory_space<hbm>>) target(%dma_start3A_112 : memref<128xi32, #tpu.memory_space<vmem>>) target_semaphore(%arg15 : memref<!tpu.dma_semaphore, #tpu.memory_space<semaphore_mem>>)
    %mul3A_115 = arith.constant 128 : i32
    %mul3A_116 = arith.muli %select_n3A_101, %mul3A_115 : i32
    %dma_start3A_117 = arith.constant 1 : i32
    %dma_start3A_118 = arith.constant 0 : i32
    %dma_start3A_119 = tpu.memref_slice %arg9[%dma_start3A_117, %dma_start3A_118] : memref<2x128xi32, #tpu.memory_space<vmem>> -> memref<1x128xi32, #tpu.memory_space<vmem>>
    %dma_start3A_120 = tpu.memref_squeeze %dma_start3A_119 : memref<1x128xi32, #tpu.memory_space<vmem>> -> memref<128xi32, #tpu.memory_space<vmem>>
    %dma_start3A_121 = tpu.memref_slice %arg3[%select_n3A_85, %mul3A_116] : memref<200x4096xi32, #tpu.memory_space<hbm>> -> memref<1x128xi32, #tpu.memory_space<hbm>>
    %dma_start3A_122 = tpu.memref_squeeze %dma_start3A_121 : memref<1x128xi32, #tpu.memory_space<hbm>> -> memref<128xi32, #tpu.memory_space<hbm>>
    %dma_start3A_123 = arith.constant 0 : i32
    %dma_start3A_124 = tpu.memref_slice %arg9[%dma_start3A_117, %dma_start3A_123] : memref<2x128xi32, #tpu.memory_space<vmem>> -> memref<1x128xi32, #tpu.memory_space<vmem>>
    %dma_start3A_125 = tpu.memref_squeeze %dma_start3A_124 : memref<1x128xi32, #tpu.memory_space<vmem>> -> memref<128xi32, #tpu.memory_space<vmem>>
    %dma_start3A_126 = tpu.memref_slice %arg3[%select_n3A_85, %mul3A_116] : memref<200x4096xi32, #tpu.memory_space<hbm>> -> memref<1x128xi32, #tpu.memory_space<hbm>>
    %dma_start3A_127 = tpu.memref_squeeze %dma_start3A_126 : memref<1x128xi32, #tpu.memory_space<hbm>> -> memref<128xi32, #tpu.memory_space<hbm>>
    tpu.enqueue_dma source(%dma_start3A_127 : memref<128xi32, #tpu.memory_space<hbm>>) target(%dma_start3A_125 : memref<128xi32, #tpu.memory_space<vmem>>) target_semaphore(%arg17 : memref<!tpu.dma_semaphore, #tpu.memory_space<semaphore_mem>>)
    %dma_wait3A = arith.constant 0 : i32
    %dma_wait3A_128 = arith.constant 0 : i32
    %dma_wait3A_129 = arith.constant 0 : i32
    %dma_wait3A_130 = tpu.memref_slice %arg8[%dma_wait3A_128, %dma_wait3A_129] : memref<2x128xi32, #tpu.memory_space<vmem>> -> memref<1x128xi32, #tpu.memory_space<vmem>>
    %dma_wait3A_131 = tpu.memref_squeeze %dma_wait3A_130 : memref<1x128xi32, #tpu.memory_space<vmem>> -> memref<128xi32, #tpu.memory_space<vmem>>
    %dma_wait3A_132 = arith.constant 0 : i32
    %dma_wait3A_133 = tpu.memref_slice %arg2[%dma_wait3A, %dma_wait3A_132] : memref<200x4096xi32, #tpu.memory_space<hbm>> -> memref<1x128xi32, #tpu.memory_space<hbm>>
    %dma_wait3A_134 = tpu.memref_squeeze %dma_wait3A_133 : memref<1x128xi32, #tpu.memory_space<hbm>> -> memref<128xi32, #tpu.memory_space<hbm>>
    %dma_wait3A_135 = arith.constant 0 : i32
    %dma_wait3A_136 = tpu.memref_slice %arg8[%dma_wait3A_128, %dma_wait3A_135] : memref<2x128xi32, #tpu.memory_space<vmem>> -> memref<1x128xi32, #tpu.memory_space<vmem>>
    %dma_wait3A_137 = tpu.memref_squeeze %dma_wait3A_136 : memref<1x128xi32, #tpu.memory_space<vmem>> -> memref<128xi32, #tpu.memory_space<vmem>>
    %dma_wait3A_138 = arith.constant 0 : i32
    %dma_wait3A_139 = tpu.memref_slice %arg2[%dma_wait3A, %dma_wait3A_138] : memref<200x4096xi32, #tpu.memory_space<hbm>> -> memref<1x128xi32, #tpu.memory_space<hbm>>
    %dma_wait3A_140 = tpu.memref_squeeze %dma_wait3A_139 : memref<1x128xi32, #tpu.memory_space<hbm>> -> memref<128xi32, #tpu.memory_space<hbm>>
    tpu.wait_dma2 semaphore(%arg14 : memref<!tpu.dma_semaphore, #tpu.memory_space<semaphore_mem>>) src(%dma_wait3A_140 : memref<128xi32, #tpu.memory_space<hbm>>) dst(%dma_wait3A_137 : memref<128xi32, #tpu.memory_space<vmem>>)
    %dma_wait3A_141 = arith.constant 0 : i32
    %dma_wait3A_142 = arith.constant 0 : i32
    %dma_wait3A_143 = arith.constant 0 : i32
    %dma_wait3A_144 = tpu.memref_slice %arg9[%dma_wait3A_142, %dma_wait3A_143] : memref<2x128xi32, #tpu.memory_space<vmem>> -> memref<1x128xi32, #tpu.memory_space<vmem>>
    %dma_wait3A_145 = tpu.memref_squeeze %dma_wait3A_144 : memref<1x128xi32, #tpu.memory_space<vmem>> -> memref<128xi32, #tpu.memory_space<vmem>>
    %dma_wait3A_146 = arith.constant 0 : i32
    %dma_wait3A_147 = tpu.memref_slice %arg3[%dma_wait3A_141, %dma_wait3A_146] : memref<200x4096xi32, #tpu.memory_space<hbm>> -> memref<1x128xi32, #tpu.memory_space<hbm>>
    %dma_wait3A_148 = tpu.memref_squeeze %dma_wait3A_147 : memref<1x128xi32, #tpu.memory_space<hbm>> -> memref<128xi32, #tpu.memory_space<hbm>>
    %dma_wait3A_149 = arith.constant 0 : i32
    %dma_wait3A_150 = tpu.memref_slice %arg9[%dma_wait3A_142, %dma_wait3A_149] : memref<2x128xi32, #tpu.memory_space<vmem>> -> memref<1x128xi32, #tpu.memory_space<vmem>>
    %dma_wait3A_151 = tpu.memref_squeeze %dma_wait3A_150 : memref<1x128xi32, #tpu.memory_space<vmem>> -> memref<128xi32, #tpu.memory_space<vmem>>
    %dma_wait3A_152 = arith.constant 0 : i32
    %dma_wait3A_153 = tpu.memref_slice %arg3[%dma_wait3A_141, %dma_wait3A_152] : memref<200x4096xi32, #tpu.memory_space<hbm>> -> memref<1x128xi32, #tpu.memory_space<hbm>>
    %dma_wait3A_154 = tpu.memref_squeeze %dma_wait3A_153 : memref<1x128xi32, #tpu.memory_space<hbm>> -> memref<128xi32, #tpu.memory_space<hbm>>
    tpu.wait_dma2 semaphore(%arg16 : memref<!tpu.dma_semaphore, #tpu.memory_space<semaphore_mem>>) src(%dma_wait3A_154 : memref<128xi32, #tpu.memory_space<hbm>>) dst(%dma_wait3A_151 : memref<128xi32, #tpu.memory_space<vmem>>)
    %dma_start3A_155 = arith.constant 0 : i32
    %dma_start3A_156 = arith.constant 0 : i32
    %dma_start3A_157 = arith.constant 0 : i32
    %dma_start3A_158 = arith.constant 0 : i32
    %dma_start3A_159 = tpu.memref_slice %arg10[%dma_start3A_156, %dma_start3A_157, %dma_start3A_158] : memref<2x128x64xf32, #tpu.memory_space<vmem>> -> memref<1x128x64xf32, #tpu.memory_space<vmem>>
    %dma_start3A_160 = tpu.memref_squeeze %dma_start3A_159 : memref<1x128x64xf32, #tpu.memory_space<vmem>> -> memref<128x64xf32, #tpu.memory_space<vmem>>
    %dma_start3A_161 = arith.constant 0 : i32
    %dma_start3A_162 = tpu.memref_slice %arg8[%dma_start3A_155, %dma_start3A_161] : memref<2x128xi32, #tpu.memory_space<vmem>> -> memref<1x128xi32, #tpu.memory_space<vmem>>
    %dma_start3A_163 = tpu.memref_squeeze %dma_start3A_162 : memref<1x128xi32, #tpu.memory_space<vmem>> -> memref<128xi32, #tpu.memory_space<vmem>>
    %dma_start3A_164 = arith.constant 0 : i32
    %dma_start3A_165 = arith.constant 0 : i32
    %dma_start3A_166 = tpu.memref_slice %arg4[%dma_start3A_164, %dma_start3A_165] : memref<100000x64xf32, #tpu.memory_space<hbm>> -> memref<100000x64xf32, #tpu.memory_space<hbm>>
    tpu.enqueue_indirect_dma source(%dma_start3A_166 : memref<100000x64xf32, #tpu.memory_space<hbm>>) target(%dma_start3A_160 : memref<128x64xf32, #tpu.memory_space<vmem>>) offsets(%dma_start3A_163 : memref<128xi32, #tpu.memory_space<vmem>>) semaphore(%arg18 : memref<!tpu.dma_semaphore, #tpu.memory_space<semaphore_mem>>)
    %iota3A = tpu.iota {dimensions = array<i32: 0>} : vector<16xi32>
    %add3A_167 = arith.constant 0 : i32
    %add3A_168 = vector.broadcast %add3A_167 : i32 to vector<16xi32>
    %add3A_169 = arith.addi %iota3A, %add3A_168 : vector<16xi32>
    %add3A_170 = arith.constant 16 : i32
    %add3A_171 = vector.broadcast %add3A_170 : i32 to vector<16xi32>
    %add3A_172 = arith.addi %iota3A, %add3A_171 : vector<16xi32>
    %add3A_173 = arith.constant 32 : i32
    %add3A_174 = vector.broadcast %add3A_173 : i32 to vector<16xi32>
    %add3A_175 = arith.addi %iota3A, %add3A_174 : vector<16xi32>
    %add3A_176 = arith.constant 48 : i32
    %add3A_177 = vector.broadcast %add3A_176 : i32 to vector<16xi32>
    %add3A_178 = arith.addi %iota3A, %add3A_177 : vector<16xi32>
    %broadcast_in_dim3A = arith.constant 0 : i32
    %broadcast_in_dim3A_179 = vector.broadcast %broadcast_in_dim3A : i32 to vector<16x1xi32>
    %broadcast_in_dim3A_180 = arith.constant 1 : i32
    %broadcast_in_dim3A_181 = vector.broadcast %broadcast_in_dim3A_180 : i32 to vector<16x1xi32>
    %broadcast_in_dim3A_182 = arith.constant 2 : i32
    %broadcast_in_dim3A_183 = vector.broadcast %broadcast_in_dim3A_182 : i32 to vector<16x1xi32>
    %broadcast_in_dim3A_184 = arith.constant 3 : i32
    %broadcast_in_dim3A_185 = vector.broadcast %broadcast_in_dim3A_184 : i32 to vector<16x1xi32>
    %broadcast_in_dim3A_186 = arith.constant 4 : i32
    %broadcast_in_dim3A_187 = vector.broadcast %broadcast_in_dim3A_186 : i32 to vector<16x1xi32>
    %broadcast_in_dim3A_188 = arith.constant 5 : i32
    %broadcast_in_dim3A_189 = vector.broadcast %broadcast_in_dim3A_188 : i32 to vector<16x1xi32>
    %broadcast_in_dim3A_190 = arith.constant 6 : i32
    %broadcast_in_dim3A_191 = vector.broadcast %broadcast_in_dim3A_190 : i32 to vector<16x1xi32>
    %broadcast_in_dim3A_192 = arith.constant 7 : i32
    %broadcast_in_dim3A_193 = vector.broadcast %broadcast_in_dim3A_192 : i32 to vector<16x1xi32>
    %broadcast_in_dim3A_194 = arith.constant 8 : i32
    %broadcast_in_dim3A_195 = vector.broadcast %broadcast_in_dim3A_194 : i32 to vector<16x1xi32>
    %broadcast_in_dim3A_196 = arith.constant 9 : i32
    %broadcast_in_dim3A_197 = vector.broadcast %broadcast_in_dim3A_196 : i32 to vector<16x1xi32>
    %broadcast_in_dim3A_198 = arith.constant 10 : i32
    %broadcast_in_dim3A_199 = vector.broadcast %broadcast_in_dim3A_198 : i32 to vector<16x1xi32>
    %broadcast_in_dim3A_200 = arith.constant 11 : i32
    %broadcast_in_dim3A_201 = vector.broadcast %broadcast_in_dim3A_200 : i32 to vector<16x1xi32>
    %broadcast_in_dim3A_202 = arith.constant 12 : i32
    %broadcast_in_dim3A_203 = vector.broadcast %broadcast_in_dim3A_202 : i32 to vector<16x1xi32>
    %broadcast_in_dim3A_204 = arith.constant 13 : i32
    %broadcast_in_dim3A_205 = vector.broadcast %broadcast_in_dim3A_204 : i32 to vector<16x1xi32>
    %broadcast_in_dim3A_206 = arith.constant 14 : i32
    %broadcast_in_dim3A_207 = vector.broadcast %broadcast_in_dim3A_206 : i32 to vector<16x1xi32>
    %broadcast_in_dim3A_208 = arith.constant 15 : i32
    %broadcast_in_dim3A_209 = vector.broadcast %broadcast_in_dim3A_208 : i32 to vector<16x1xi32>
    %scan3A = arith.constant 0 : i32
    %scan3A_210 = arith.constant 0 : i32
    %scan3A_211 = arith.constant 100 : i32
    %scan3A_212 = arith.addi %scan3A_210, %scan3A_211 : i32
    %scan3A_213 = arith.constant 1 : i32
    %scan3A_214 = scf.for %scan3A_252 = %scan3A_210 to %scan3A_212 step %scan3A_213 iter_args(%scan3A_253 = %scan3A) -> (i32)  : i32 {
      %mul3A_254 = arith.constant 2 : i32
      %mul3A_255 = arith.muli %scan3A_252, %mul3A_254 : i32
      %add3A_256 = arith.constant 0 : i32
      %add3A_257 = arith.addi %mul3A_255, %add3A_256 : i32
      %lt3A_258 = arith.constant 199 : i32
      %lt3A_259 = arith.cmpi slt, %add3A_257, %lt3A_258 : i32
      %convert_element_type3A = arith.extui %lt3A_259 : i1 to i32
      %cond3A = arith.constant 0 : i32
      %cond3A_260 = arith.cmpi ne, %convert_element_type3A, %cond3A : i32
      scf.if %cond3A_260 {
        %dma_wait3A_646 = arith.constant 0 : i32
        %dma_wait3A_647 = arith.constant 1 : i32
        %dma_wait3A_648 = arith.constant 0 : i32
        %dma_wait3A_649 = tpu.memref_slice %arg8[%dma_wait3A_647, %dma_wait3A_648] : memref<2x128xi32, #tpu.memory_space<vmem>> -> memref<1x128xi32, #tpu.memory_space<vmem>>
        %dma_wait3A_650 = tpu.memref_squeeze %dma_wait3A_649 : memref<1x128xi32, #tpu.memory_space<vmem>> -> memref<128xi32, #tpu.memory_space<vmem>>
        %dma_wait3A_651 = arith.constant 0 : i32
        %dma_wait3A_652 = tpu.memref_slice %arg2[%dma_wait3A_646, %dma_wait3A_651] : memref<200x4096xi32, #tpu.memory_space<hbm>> -> memref<1x128xi32, #tpu.memory_space<hbm>>
        %dma_wait3A_653 = tpu.memref_squeeze %dma_wait3A_652 : memref<1x128xi32, #tpu.memory_space<hbm>> -> memref<128xi32, #tpu.memory_space<hbm>>
        %dma_wait3A_654 = arith.constant 0 : i32
        %dma_wait3A_655 = tpu.memref_slice %arg8[%dma_wait3A_647, %dma_wait3A_654] : memref<2x128xi32, #tpu.memory_space<vmem>> -> memref<1x128xi32, #tpu.memory_space<vmem>>
        %dma_wait3A_656 = tpu.memref_squeeze %dma_wait3A_655 : memref<1x128xi32, #tpu.memory_space<vmem>> -> memref<128xi32, #tpu.memory_space<vmem>>
        %dma_wait3A_657 = arith.constant 0 : i32
        %dma_wait3A_658 = tpu.memref_slice %arg2[%dma_wait3A_646, %dma_wait3A_657] : memref<200x4096xi32, #tpu.memory_space<hbm>> -> memref<1x128xi32, #tpu.memory_space<hbm>>
        %dma_wait3A_659 = tpu.memref_squeeze %dma_wait3A_658 : memref<1x128xi32, #tpu.memory_space<hbm>> -> memref<128xi32, #tpu.memory_space<hbm>>
        tpu.wait_dma2 semaphore(%arg15 : memref<!tpu.dma_semaphore, #tpu.memory_space<semaphore_mem>>) src(%dma_wait3A_659 : memref<128xi32, #tpu.memory_space<hbm>>) dst(%dma_wait3A_656 : memref<128xi32, #tpu.memory_space<vmem>>)
        %dma_wait3A_660 = arith.constant 0 : i32
        %dma_wait3A_661 = arith.constant 1 : i32
        %dma_wait3A_662 = arith.constant 0 : i32
        %dma_wait3A_663 = tpu.memref_slice %arg9[%dma_wait3A_661, %dma_wait3A_662] : memref<2x128xi32, #tpu.memory_space<vmem>> -> memref<1x128xi32, #tpu.memory_space<vmem>>
        %dma_wait3A_664 = tpu.memref_squeeze %dma_wait3A_663 : memref<1x128xi32, #tpu.memory_space<vmem>> -> memref<128xi32, #tpu.memory_space<vmem>>
        %dma_wait3A_665 = arith.constant 0 : i32
        %dma_wait3A_666 = tpu.memref_slice %arg3[%dma_wait3A_660, %dma_wait3A_665] : memref<200x4096xi32, #tpu.memory_space<hbm>> -> memref<1x128xi32, #tpu.memory_space<hbm>>
        %dma_wait3A_667 = tpu.memref_squeeze %dma_wait3A_666 : memref<1x128xi32, #tpu.memory_space<hbm>> -> memref<128xi32, #tpu.memory_space<hbm>>
        %dma_wait3A_668 = arith.constant 0 : i32
        %dma_wait3A_669 = tpu.memref_slice %arg9[%dma_wait3A_661, %dma_wait3A_668] : memref<2x128xi32, #tpu.memory_space<vmem>> -> memref<1x128xi32, #tpu.memory_space<vmem>>
        %dma_wait3A_670 = tpu.memref_squeeze %dma_wait3A_669 : memref<1x128xi32, #tpu.memory_space<vmem>> -> memref<128xi32, #tpu.memory_space<vmem>>
        %dma_wait3A_671 = arith.constant 0 : i32
        %dma_wait3A_672 = tpu.memref_slice %arg3[%dma_wait3A_660, %dma_wait3A_671] : memref<200x4096xi32, #tpu.memory_space<hbm>> -> memref<1x128xi32, #tpu.memory_space<hbm>>
        %dma_wait3A_673 = tpu.memref_squeeze %dma_wait3A_672 : memref<1x128xi32, #tpu.memory_space<hbm>> -> memref<128xi32, #tpu.memory_space<hbm>>
        tpu.wait_dma2 semaphore(%arg17 : memref<!tpu.dma_semaphore, #tpu.memory_space<semaphore_mem>>) src(%dma_wait3A_673 : memref<128xi32, #tpu.memory_space<hbm>>) dst(%dma_wait3A_670 : memref<128xi32, #tpu.memory_space<vmem>>)
        %dma_start3A_674 = arith.constant 1 : i32
        %dma_start3A_675 = arith.constant 1 : i32
        %dma_start3A_676 = arith.constant 0 : i32
        %dma_start3A_677 = arith.constant 0 : i32
        %dma_start3A_678 = tpu.memref_slice %arg10[%dma_start3A_675, %dma_start3A_676, %dma_start3A_677] : memref<2x128x64xf32, #tpu.memory_space<vmem>> -> memref<1x128x64xf32, #tpu.memory_space<vmem>>
        %dma_start3A_679 = tpu.memref_squeeze %dma_start3A_678 : memref<1x128x64xf32, #tpu.memory_space<vmem>> -> memref<128x64xf32, #tpu.memory_space<vmem>>
        %dma_start3A_680 = arith.constant 0 : i32
        %dma_start3A_681 = tpu.memref_slice %arg8[%dma_start3A_674, %dma_start3A_680] : memref<2x128xi32, #tpu.memory_space<vmem>> -> memref<1x128xi32, #tpu.memory_space<vmem>>
        %dma_start3A_682 = tpu.memref_squeeze %dma_start3A_681 : memref<1x128xi32, #tpu.memory_space<vmem>> -> memref<128xi32, #tpu.memory_space<vmem>>
        %dma_start3A_683 = arith.constant 0 : i32
        %dma_start3A_684 = arith.constant 0 : i32
        %dma_start3A_685 = tpu.memref_slice %arg4[%dma_start3A_683, %dma_start3A_684] : memref<100000x64xf32, #tpu.memory_space<hbm>> -> memref<100000x64xf32, #tpu.memory_space<hbm>>
        tpu.enqueue_indirect_dma source(%dma_start3A_685 : memref<100000x64xf32, #tpu.memory_space<hbm>>) target(%dma_start3A_679 : memref<128x64xf32, #tpu.memory_space<vmem>>) offsets(%dma_start3A_682 : memref<128xi32, #tpu.memory_space<vmem>>) semaphore(%arg19 : memref<!tpu.dma_semaphore, #tpu.memory_space<semaphore_mem>>)
      } else {
      }
      %dma_wait3A_261 = arith.constant 0 : i32
      %dma_wait3A_262 = arith.constant 0 : i32
      %dma_wait3A_263 = arith.constant 0 : i32
      %dma_wait3A_264 = arith.constant 0 : i32
      %dma_wait3A_265 = tpu.memref_slice %arg10[%dma_wait3A_262, %dma_wait3A_263, %dma_wait3A_264] : memref<2x128x64xf32, #tpu.memory_space<vmem>> -> memref<1x128x64xf32, #tpu.memory_space<vmem>>
      %dma_wait3A_266 = tpu.memref_squeeze %dma_wait3A_265 : memref<1x128x64xf32, #tpu.memory_space<vmem>> -> memref<128x64xf32, #tpu.memory_space<vmem>>
      %dma_wait3A_267 = arith.constant 0 : i32
      %dma_wait3A_268 = tpu.memref_slice %arg8[%dma_wait3A_261, %dma_wait3A_267] : memref<2x128xi32, #tpu.memory_space<vmem>> -> memref<1x128xi32, #tpu.memory_space<vmem>>
      %dma_wait3A_269 = tpu.memref_squeeze %dma_wait3A_268 : memref<1x128xi32, #tpu.memory_space<vmem>> -> memref<128xi32, #tpu.memory_space<vmem>>
      %dma_wait3A_270 = arith.constant 0 : i32
      %dma_wait3A_271 = arith.constant 0 : i32
      %dma_wait3A_272 = tpu.memref_slice %arg4[%dma_wait3A_270, %dma_wait3A_271] : memref<100000x64xf32, #tpu.memory_space<hbm>> -> memref<100000x64xf32, #tpu.memory_space<hbm>>
      tpu.wait_indirect_dma semaphore(%arg18 : memref<!tpu.dma_semaphore, #tpu.memory_space<semaphore_mem>>) src(%dma_wait3A_272 : memref<100000x64xf32, #tpu.memory_space<hbm>>) dst(%dma_wait3A_266 : memref<128x64xf32, #tpu.memory_space<vmem>>)
      %lt3A_273 = arith.constant 198 : i32
      %lt3A_274 = arith.cmpi slt, %add3A_257, %lt3A_273 : i32
      %convert_element_type3A_275 = arith.extui %lt3A_274 : i1 to i32
      %cond3A_276 = arith.constant 0 : i32
      %cond3A_277 = arith.cmpi ne, %convert_element_type3A_275, %cond3A_276 : i32
      scf.if %cond3A_277 {
        %add3A_646 = arith.constant 2 : i32
        %add3A_647 = arith.addi %add3A_257, %add3A_646 : i32
        %add3A_648 = arith.addi %mul3A_2, %add3A_647 : i32
        %jit3A_649 = arith.constant 32 : i32
        %div3A_650 = arith.divsi %add3A_648, %jit3A_649 : i32
        %sign3A_651 = arith.constant 0 : i32
        %sign3A_652 = arith.cmpi sgt, %add3A_648, %sign3A_651 : i32
        %sign3A_653 = arith.extui %sign3A_652 : i1 to i32
        %sign3A_654 = arith.constant 0 : i32
        %sign3A_655 = arith.cmpi slt, %add3A_648, %sign3A_654 : i32
        %sign3A_656 = arith.extui %sign3A_655 : i1 to i32
        %sign3A_657 = arith.subi %sign3A_653, %sign3A_656 : i32
        %sign3A_658 = arith.constant 0 : i32
        %sign3A_659 = arith.cmpi sgt, %jit3A_649, %sign3A_658 : i32
        %sign3A_660 = arith.extui %sign3A_659 : i1 to i32
        %sign3A_661 = arith.constant 0 : i32
        %sign3A_662 = arith.cmpi slt, %jit3A_649, %sign3A_661 : i32
        %sign3A_663 = arith.extui %sign3A_662 : i1 to i32
        %sign3A_664 = arith.subi %sign3A_660, %sign3A_663 : i32
        %ne3A_665 = arith.cmpi ne, %sign3A_657, %sign3A_664 : i32
        %rem3A_666 = arith.remsi %add3A_648, %jit3A_649 : i32
        %ne3A_667 = arith.constant 0 : i32
        %ne3A_668 = arith.cmpi ne, %rem3A_666, %ne3A_667 : i32
        %and3A_669 = arith.andi %ne3A_665, %ne3A_668 : i1
        %sub3A_670 = arith.constant 1 : i32
        %sub3A_671 = arith.subi %div3A_650, %sub3A_670 : i32
        %select_n3A_672 = arith.select %and3A_669, %sub3A_671, %div3A_650 : i32
        %jit3A_673 = arith.constant 32 : i32
        %eq3A_674 = arith.constant 0 : i32
        %eq3A_675 = arith.cmpi eq, %jit3A_673, %eq3A_674 : i32
        %jit3A_676 = arith.constant 1 : i32
        %select_n3A_677 = arith.select %eq3A_675, %jit3A_676, %jit3A_673 : i32
        %rem3A_678 = arith.remsi %add3A_648, %select_n3A_677 : i32
        %ne3A_679 = arith.constant 0 : i32
        %ne3A_680 = arith.cmpi ne, %rem3A_678, %ne3A_679 : i32
        %lt3A_681 = arith.constant 0 : i32
        %lt3A_682 = arith.cmpi slt, %rem3A_678, %lt3A_681 : i32
        %lt3A_683 = arith.constant 0 : i32
        %lt3A_684 = arith.cmpi slt, %select_n3A_677, %lt3A_683 : i32
        %ne3A_685 = arith.xori %lt3A_682, %lt3A_684 : i1
        %and3A_686 = arith.andi %ne3A_685, %ne3A_680 : i1
        %add3A_687 = arith.addi %rem3A_678, %select_n3A_677 : i32
        %select_n3A_688 = arith.select %and3A_686, %add3A_687, %rem3A_678 : i32
        %mul3A_689 = arith.constant 128 : i32
        %mul3A_690 = arith.muli %select_n3A_688, %mul3A_689 : i32
        %dma_start3A_691 = arith.constant 0 : i32
        %dma_start3A_692 = arith.constant 0 : i32
        %dma_start3A_693 = tpu.memref_slice %arg8[%dma_start3A_691, %dma_start3A_692] : memref<2x128xi32, #tpu.memory_space<vmem>> -> memref<1x128xi32, #tpu.memory_space<vmem>>
        %dma_start3A_694 = tpu.memref_squeeze %dma_start3A_693 : memref<1x128xi32, #tpu.memory_space<vmem>> -> memref<128xi32, #tpu.memory_space<vmem>>
        %dma_start3A_695 = tpu.memref_slice %arg2[%select_n3A_672, %mul3A_690] : memref<200x4096xi32, #tpu.memory_space<hbm>> -> memref<1x128xi32, #tpu.memory_space<hbm>>
        %dma_start3A_696 = tpu.memref_squeeze %dma_start3A_695 : memref<1x128xi32, #tpu.memory_space<hbm>> -> memref<128xi32, #tpu.memory_space<hbm>>
        %dma_start3A_697 = arith.constant 0 : i32
        %dma_start3A_698 = tpu.memref_slice %arg8[%dma_start3A_691, %dma_start3A_697] : memref<2x128xi32, #tpu.memory_space<vmem>> -> memref<1x128xi32, #tpu.memory_space<vmem>>
        %dma_start3A_699 = tpu.memref_squeeze %dma_start3A_698 : memref<1x128xi32, #tpu.memory_space<vmem>> -> memref<128xi32, #tpu.memory_space<vmem>>
        %dma_start3A_700 = tpu.memref_slice %arg2[%select_n3A_672, %mul3A_690] : memref<200x4096xi32, #tpu.memory_space<hbm>> -> memref<1x128xi32, #tpu.memory_space<hbm>>
        %dma_start3A_701 = tpu.memref_squeeze %dma_start3A_700 : memref<1x128xi32, #tpu.memory_space<hbm>> -> memref<128xi32, #tpu.memory_space<hbm>>
        tpu.enqueue_dma source(%dma_start3A_701 : memref<128xi32, #tpu.memory_space<hbm>>) target(%dma_start3A_699 : memref<128xi32, #tpu.memory_space<vmem>>) target_semaphore(%arg14 : memref<!tpu.dma_semaphore, #tpu.memory_space<semaphore_mem>>)
        %mul3A_702 = arith.constant 128 : i32
        %mul3A_703 = arith.muli %select_n3A_688, %mul3A_702 : i32
        %dma_start3A_704 = arith.constant 0 : i32
        %dma_start3A_705 = arith.constant 0 : i32
        %dma_start3A_706 = tpu.memref_slice %arg9[%dma_start3A_704, %dma_start3A_705] : memref<2x128xi32, #tpu.memory_space<vmem>> -> memref<1x128xi32, #tpu.memory_space<vmem>>
        %dma_start3A_707 = tpu.memref_squeeze %dma_start3A_706 : memref<1x128xi32, #tpu.memory_space<vmem>> -> memref<128xi32, #tpu.memory_space<vmem>>
        %dma_start3A_708 = tpu.memref_slice %arg3[%select_n3A_672, %mul3A_703] : memref<200x4096xi32, #tpu.memory_space<hbm>> -> memref<1x128xi32, #tpu.memory_space<hbm>>
        %dma_start3A_709 = tpu.memref_squeeze %dma_start3A_708 : memref<1x128xi32, #tpu.memory_space<hbm>> -> memref<128xi32, #tpu.memory_space<hbm>>
        %dma_start3A_710 = arith.constant 0 : i32
        %dma_start3A_711 = tpu.memref_slice %arg9[%dma_start3A_704, %dma_start3A_710] : memref<2x128xi32, #tpu.memory_space<vmem>> -> memref<1x128xi32, #tpu.memory_space<vmem>>
        %dma_start3A_712 = tpu.memref_squeeze %dma_start3A_711 : memref<1x128xi32, #tpu.memory_space<vmem>> -> memref<128xi32, #tpu.memory_space<vmem>>
        %dma_start3A_713 = tpu.memref_slice %arg3[%select_n3A_672, %mul3A_703] : memref<200x4096xi32, #tpu.memory_space<hbm>> -> memref<1x128xi32, #tpu.memory_space<hbm>>
        %dma_start3A_714 = tpu.memref_squeeze %dma_start3A_713 : memref<1x128xi32, #tpu.memory_space<hbm>> -> memref<128xi32, #tpu.memory_space<hbm>>
        tpu.enqueue_dma source(%dma_start3A_714 : memref<128xi32, #tpu.memory_space<hbm>>) target(%dma_start3A_712 : memref<128xi32, #tpu.memory_space<vmem>>) target_semaphore(%arg16 : memref<!tpu.dma_semaphore, #tpu.memory_space<semaphore_mem>>)
      } else {
      }
      %ge3A = arith.constant 2 : i32
      %ge3A_278 = arith.cmpi sge, %add3A_257, %ge3A : i32
      %convert_element_type3A_279 = arith.extui %ge3A_278 : i1 to i32
      %cond3A_280 = arith.constant 0 : i32
      %cond3A_281 = arith.cmpi ne, %convert_element_type3A_279, %cond3A_280 : i32
      scf.if %cond3A_281 {
        %dma_wait3A_646 = arith.constant 0 : i32
        %dma_wait3A_647 = arith.constant 0 : i32
        %dma_wait3A_648 = arith.constant 0 : i32
        %dma_wait3A_649 = arith.constant 0 : i32
        %dma_wait3A_650 = tpu.memref_slice %arg13[%dma_wait3A_646, %dma_wait3A_648, %dma_wait3A_649] : memref<2x64x129xf32, #tpu.memory_space<vmem>> -> memref<1x64x128xf32, #tpu.memory_space<vmem>>
        %dma_wait3A_651 = tpu.memref_squeeze %dma_wait3A_650 : memref<1x64x128xf32, #tpu.memory_space<vmem>> -> memref<64x128xf32, #tpu.memory_space<vmem>>
        %dma_wait3A_652 = arith.constant 0 : i32
        %dma_wait3A_653 = arith.constant 0 : i32
        %dma_wait3A_654 = tpu.memref_slice %arg7[%dma_wait3A_647, %dma_wait3A_652, %dma_wait3A_653] : memref<200x64x4096xf32, #tpu.memory_space<hbm>> -> memref<1x64x128xf32, #tpu.memory_space<hbm>>
        %dma_wait3A_655 = tpu.memref_squeeze %dma_wait3A_654 : memref<1x64x128xf32, #tpu.memory_space<hbm>> -> memref<64x128xf32, #tpu.memory_space<hbm>>
        %dma_wait3A_656 = arith.constant 0 : i32
        %dma_wait3A_657 = arith.constant 0 : i32
        %dma_wait3A_658 = tpu.memref_slice %arg7[%dma_wait3A_647, %dma_wait3A_656, %dma_wait3A_657] : memref<200x64x4096xf32, #tpu.memory_space<hbm>> -> memref<1x64x128xf32, #tpu.memory_space<hbm>>
        %dma_wait3A_659 = tpu.memref_squeeze %dma_wait3A_658 : memref<1x64x128xf32, #tpu.memory_space<hbm>> -> memref<64x128xf32, #tpu.memory_space<hbm>>
        %dma_wait3A_660 = arith.constant 0 : i32
        %dma_wait3A_661 = arith.constant 0 : i32
        %dma_wait3A_662 = tpu.memref_slice %arg13[%dma_wait3A_646, %dma_wait3A_660, %dma_wait3A_661] : memref<2x64x129xf32, #tpu.memory_space<vmem>> -> memref<1x64x128xf32, #tpu.memory_space<vmem>>
        %dma_wait3A_663 = tpu.memref_squeeze %dma_wait3A_662 : memref<1x64x128xf32, #tpu.memory_space<vmem>> -> memref<64x128xf32, #tpu.memory_space<vmem>>
        tpu.wait_dma2 semaphore(%arg22 : memref<!tpu.dma_semaphore, #tpu.memory_space<semaphore_mem>>) src(%dma_wait3A_663 : memref<64x128xf32, #tpu.memory_space<vmem>>) dst(%dma_wait3A_659 : memref<64x128xf32, #tpu.memory_space<hbm>>)
      } else {
      }
      %add3A_282 = arith.addi %mul3A_2, %add3A_257 : i32
      %jit3A_283 = arith.constant 32 : i32
      %div3A_284 = arith.divsi %add3A_282, %jit3A_283 : i32
      %sign3A_285 = arith.constant 0 : i32
      %sign3A_286 = arith.cmpi sgt, %add3A_282, %sign3A_285 : i32
      %sign3A_287 = arith.extui %sign3A_286 : i1 to i32
      %sign3A_288 = arith.constant 0 : i32
      %sign3A_289 = arith.cmpi slt, %add3A_282, %sign3A_288 : i32
      %sign3A_290 = arith.extui %sign3A_289 : i1 to i32
      %sign3A_291 = arith.subi %sign3A_287, %sign3A_290 : i32
      %sign3A_292 = arith.constant 0 : i32
      %sign3A_293 = arith.cmpi sgt, %jit3A_283, %sign3A_292 : i32
      %sign3A_294 = arith.extui %sign3A_293 : i1 to i32
      %sign3A_295 = arith.constant 0 : i32
      %sign3A_296 = arith.cmpi slt, %jit3A_283, %sign3A_295 : i32
      %sign3A_297 = arith.extui %sign3A_296 : i1 to i32
      %sign3A_298 = arith.subi %sign3A_294, %sign3A_297 : i32
      %ne3A_299 = arith.cmpi ne, %sign3A_291, %sign3A_298 : i32
      %rem3A_300 = arith.remsi %add3A_282, %jit3A_283 : i32
      %ne3A_301 = arith.constant 0 : i32
      %ne3A_302 = arith.cmpi ne, %rem3A_300, %ne3A_301 : i32
      %and3A_303 = arith.andi %ne3A_299, %ne3A_302 : i1
      %sub3A_304 = arith.constant 1 : i32
      %sub3A_305 = arith.subi %div3A_284, %sub3A_304 : i32
      %select_n3A_306 = arith.select %and3A_303, %sub3A_305, %div3A_284 : i32
      %jit3A_307 = arith.constant 32 : i32
      %eq3A_308 = arith.constant 0 : i32
      %eq3A_309 = arith.cmpi eq, %jit3A_307, %eq3A_308 : i32
      %jit3A_310 = arith.constant 1 : i32
      %select_n3A_311 = arith.select %eq3A_309, %jit3A_310, %jit3A_307 : i32
      %rem3A_312 = arith.remsi %add3A_282, %select_n3A_311 : i32
      %ne3A_313 = arith.constant 0 : i32
      %ne3A_314 = arith.cmpi ne, %rem3A_312, %ne3A_313 : i32
      %lt3A_315 = arith.constant 0 : i32
      %lt3A_316 = arith.cmpi slt, %rem3A_312, %lt3A_315 : i32
      %lt3A_317 = arith.constant 0 : i32
      %lt3A_318 = arith.cmpi slt, %select_n3A_311, %lt3A_317 : i32
      %ne3A_319 = arith.xori %lt3A_316, %lt3A_318 : i1
      %and3A_320 = arith.andi %ne3A_319, %ne3A_314 : i1
      %add3A_321 = arith.addi %rem3A_312, %select_n3A_311 : i32
      %select_n3A_322 = arith.select %and3A_320, %add3A_321, %rem3A_312 : i32
      %jit3A_323 = arith.constant 2 : i32
      %div3A_324 = arith.divsi %select_n3A_306, %jit3A_323 : i32
      %sign3A_325 = arith.constant 0 : i32
      %sign3A_326 = arith.cmpi sgt, %select_n3A_306, %sign3A_325 : i32
      %sign3A_327 = arith.extui %sign3A_326 : i1 to i32
      %sign3A_328 = arith.constant 0 : i32
      %sign3A_329 = arith.cmpi slt, %select_n3A_306, %sign3A_328 : i32
      %sign3A_330 = arith.extui %sign3A_329 : i1 to i32
      %sign3A_331 = arith.subi %sign3A_327, %sign3A_330 : i32
      %sign3A_332 = arith.constant 0 : i32
      %sign3A_333 = arith.cmpi sgt, %jit3A_323, %sign3A_332 : i32
      %sign3A_334 = arith.extui %sign3A_333 : i1 to i32
      %sign3A_335 = arith.constant 0 : i32
      %sign3A_336 = arith.cmpi slt, %jit3A_323, %sign3A_335 : i32
      %sign3A_337 = arith.extui %sign3A_336 : i1 to i32
      %sign3A_338 = arith.subi %sign3A_334, %sign3A_337 : i32
      %ne3A_339 = arith.cmpi ne, %sign3A_331, %sign3A_338 : i32
      %rem3A_340 = arith.remsi %select_n3A_306, %jit3A_323 : i32
      %ne3A_341 = arith.constant 0 : i32
      %ne3A_342 = arith.cmpi ne, %rem3A_340, %ne3A_341 : i32
      %and3A_343 = arith.andi %ne3A_339, %ne3A_342 : i1
      %sub3A_344 = arith.constant 1 : i32
      %sub3A_345 = arith.subi %div3A_324, %sub3A_344 : i32
      %select_n3A_346 = arith.select %and3A_343, %sub3A_345, %div3A_324 : i32
      %jit3A_347 = arith.constant 2 : i32
      %eq3A_348 = arith.constant 0 : i32
      %eq3A_349 = arith.cmpi eq, %jit3A_347, %eq3A_348 : i32
      %jit3A_350 = arith.constant 1 : i32
      %select_n3A_351 = arith.select %eq3A_349, %jit3A_350, %jit3A_347 : i32
      %rem3A_352 = arith.remsi %select_n3A_306, %select_n3A_351 : i32
      %ne3A_353 = arith.constant 0 : i32
      %ne3A_354 = arith.cmpi ne, %rem3A_352, %ne3A_353 : i32
      %lt3A_355 = arith.constant 0 : i32
      %lt3A_356 = arith.cmpi slt, %rem3A_352, %lt3A_355 : i32
      %lt3A_357 = arith.constant 0 : i32
      %lt3A_358 = arith.cmpi slt, %select_n3A_351, %lt3A_357 : i32
      %ne3A_359 = arith.xori %lt3A_356, %lt3A_358 : i1
      %and3A_360 = arith.andi %ne3A_359, %ne3A_354 : i1
      %add3A_361 = arith.addi %rem3A_352, %select_n3A_351 : i32
      %select_n3A_362 = arith.select %and3A_360, %add3A_361, %rem3A_352 : i32
      %mul3A_363 = arith.constant 64 : i32
      %mul3A_364 = arith.muli %select_n3A_362, %mul3A_363 : i32
      %add3A_365 = arith.constant 0 : i32
      %add3A_366 = arith.addi %mul3A_364, %add3A_365 : i32
      %get3A = arith.index_cast %select_n3A_346 : i32 to index
      %get3A_367 = arith.index_cast %add3A_366 : i32 to index
      %get3A_368 = tpu.vector_load %arg12[%get3A, %get3A_367] {strides = array<i32>} : memref<100x128xf32, #tpu.memory_space<vmem>>, vector<16xf32>,
      %add3A_369 = arith.constant 16 : i32
      %add3A_370 = arith.addi %mul3A_364, %add3A_369 : i32
      %get3A_371 = arith.index_cast %select_n3A_346 : i32 to index
      %get3A_372 = arith.index_cast %add3A_370 : i32 to index
      %get3A_373 = tpu.vector_load %arg12[%get3A_371, %get3A_372] {strides = array<i32>} : memref<100x128xf32, #tpu.memory_space<vmem>>, vector<16xf32>,
      %add3A_374 = arith.constant 32 : i32
      %add3A_375 = arith.addi %mul3A_364, %add3A_374 : i32
      %get3A_376 = arith.index_cast %select_n3A_346 : i32 to index
      %get3A_377 = arith.index_cast %add3A_375 : i32 to index
      %get3A_378 = tpu.vector_load %arg12[%get3A_376, %get3A_377] {strides = array<i32>} : memref<100x128xf32, #tpu.memory_space<vmem>>, vector<16xf32>,
      %add3A_379 = arith.constant 48 : i32
      %add3A_380 = arith.addi %mul3A_364, %add3A_379 : i32
      %get3A_381 = arith.index_cast %select_n3A_346 : i32 to index
      %get3A_382 = arith.index_cast %add3A_380 : i32 to index
      %get3A_383 = tpu.vector_load %arg12[%get3A_381, %get3A_382] {strides = array<i32>} : memref<100x128xf32, #tpu.memory_space<vmem>>, vector<16xf32>,
      %parallel_loop3A = arith.constant 0 : i32
      %parallel_loop3A_384 = arith.constant 8 : i32
      %parallel_loop3A_385 = arith.constant 1 : i32
      %parallel_loop3A_386 = arith.constant 0 : i32
      %parallel_loop3A_387 = arith.constant 0 : i32
      %parallel_loop3A_388 = arith.constant 0 : i32
      scf.for %parallel_loop3A_646 = %parallel_loop3A to %parallel_loop3A_384 step %parallel_loop3A_385  : i32 {
        %parallel_loop3A_647 = arith.constant 16 : i32
        %parallel_loop3A_648 = arith.muli %parallel_loop3A_646, %parallel_loop3A_647 : i32
        %parallel_loop3A_649 = arith.constant 0 : i32
        %parallel_loop3A_650 = tpu.memref_slice %arg9[%parallel_loop3A_386, %parallel_loop3A_649] : memref<2x128xi32, #tpu.memory_space<vmem>> -> memref<1x128xi32, #tpu.memory_space<vmem>>
        %parallel_loop3A_651 = tpu.memref_squeeze %parallel_loop3A_650 : memref<1x128xi32, #tpu.memory_space<vmem>> -> memref<128xi32, #tpu.memory_space<vmem>>
        %parallel_loop3A_652 = arith.index_cast %parallel_loop3A_648 : i32 to index
        %parallel_loop3A_653 = tpu.vector_load %parallel_loop3A_651[%parallel_loop3A_652] {strides = array<i32>} : memref<128xi32, #tpu.memory_space<vmem>>, vector<16xi32>,
        %parallel_loop3A_654 = arith.constant 16 : i32
        %parallel_loop3A_655 = arith.muli %parallel_loop3A_646, %parallel_loop3A_654 : i32
        %parallel_loop3A_656 = arith.constant 0 : i32
        %parallel_loop3A_657 = arith.addi %parallel_loop3A_655, %parallel_loop3A_656 : i32
        %parallel_loop3A_658 = vector.shape_cast %broadcast_in_dim3A_179 : vector<16x1xi32> to vector<16xi32>
        %parallel_loop3A_659 = tpu.dynamic_gather %parallel_loop3A_653[%parallel_loop3A_658] in [0] : vector<16xi32>, vector<16xi32> -> vector<16xi32>
        %parallel_loop3A_660 = vector.broadcast %parallel_loop3A_657 : i32 to vector<16xi32>
        %parallel_loop3A_661 = tpu.vector_load_idx %arg11[%parallel_loop3A_659, %add3A_169] : memref<1000x64xf32, #tpu.memory_space<vmem>>[vector<16xi32>, vector<16xi32>], vector<16xf32>,
        %parallel_loop3A_662 = arith.constant 0 : i32
        %parallel_loop3A_663 = arith.constant 0 : i32
        %parallel_loop3A_664 = tpu.memref_slice %arg10[%parallel_loop3A_387, %parallel_loop3A_662, %parallel_loop3A_663] : memref<2x128x64xf32, #tpu.memory_space<vmem>> -> memref<1x128x64xf32, #tpu.memory_space<vmem>>
        %parallel_loop3A_665 = tpu.memref_squeeze %parallel_loop3A_664 : memref<1x128x64xf32, #tpu.memory_space<vmem>> -> memref<128x64xf32, #tpu.memory_space<vmem>>
        %parallel_loop3A_666 = arith.index_cast %parallel_loop3A_657 : i32 to index
        %parallel_loop3A_667 = arith.constant 0 : index
        %parallel_loop3A_668 = tpu.vector_load %parallel_loop3A_665[%parallel_loop3A_666, %parallel_loop3A_667] {strides = array<i32>} : memref<128x64xf32, #tpu.memory_space<vmem>>, vector<16xf32>,
        %parallel_loop3A_669 = arith.addf %parallel_loop3A_668, %parallel_loop3A_661 : vector<16xf32>
        %parallel_loop3A_670 = arith.addf %parallel_loop3A_669, %get3A_368 : vector<16xf32>
        %parallel_loop3A_671 = arith.constant 0 : i32
        %parallel_loop3A_672 = arith.constant 0 : i32
        %parallel_loop3A_673 = tpu.memref_slice %arg13[%parallel_loop3A_388, %parallel_loop3A_671, %parallel_loop3A_672] : memref<2x64x129xf32, #tpu.memory_space<vmem>> -> memref<1x64x129xf32, #tpu.memory_space<vmem>>
        %parallel_loop3A_674 = tpu.memref_squeeze %parallel_loop3A_673 : memref<1x64x129xf32, #tpu.memory_space<vmem>> -> memref<64x129xf32, #tpu.memory_space<vmem>>
        tpu.vector_store_idx %parallel_loop3A_674[%add3A_169, %parallel_loop3A_660], %parallel_loop3A_670 : memref<64x129xf32, #tpu.memory_space<vmem>>[vector<16xi32>, vector<16xi32>], vector<16xf32>,
        %parallel_loop3A_675 = tpu.vector_load_idx %arg11[%parallel_loop3A_659, %add3A_172] : memref<1000x64xf32, #tpu.memory_space<vmem>>[vector<16xi32>, vector<16xi32>], vector<16xf32>,
        %parallel_loop3A_676 = arith.constant 0 : i32
        %parallel_loop3A_677 = arith.constant 0 : i32
        %parallel_loop3A_678 = tpu.memref_slice %arg10[%parallel_loop3A_387, %parallel_loop3A_676, %parallel_loop3A_677] : memref<2x128x64xf32, #tpu.memory_space<vmem>> -> memref<1x128x64xf32, #tpu.memory_space<vmem>>
        %parallel_loop3A_679 = tpu.memref_squeeze %parallel_loop3A_678 : memref<1x128x64xf32, #tpu.memory_space<vmem>> -> memref<128x64xf32, #tpu.memory_space<vmem>>
        %parallel_loop3A_680 = arith.index_cast %parallel_loop3A_657 : i32 to index
        %parallel_loop3A_681 = arith.constant 16 : index
        %parallel_loop3A_682 = tpu.vector_load %parallel_loop3A_679[%parallel_loop3A_680, %parallel_loop3A_681] {strides = array<i32>} : memref<128x64xf32, #tpu.memory_space<vmem>>, vector<16xf32>,
        %parallel_loop3A_683 = arith.addf %parallel_loop3A_682, %parallel_loop3A_675 : vector<16xf32>
        %parallel_loop3A_684 = arith.addf %parallel_loop3A_683, %get3A_373 : vector<16xf32>
        %parallel_loop3A_685 = arith.constant 0 : i32
        %parallel_loop3A_686 = arith.constant 0 : i32
        %parallel_loop3A_687 = tpu.memref_slice %arg13[%parallel_loop3A_388, %parallel_loop3A_685, %parallel_loop3A_686] : memref<2x64x129xf32, #tpu.memory_space<vmem>> -> memref<1x64x129xf32, #tpu.memory_space<vmem>>
        %parallel_loop3A_688 = tpu.memref_squeeze %parallel_loop3A_687 : memref<1x64x129xf32, #tpu.memory_space<vmem>> -> memref<64x129xf32, #tpu.memory_space<vmem>>
        tpu.vector_store_idx %parallel_loop3A_688[%add3A_172, %parallel_loop3A_660], %parallel_loop3A_684 : memref<64x129xf32, #tpu.memory_space<vmem>>[vector<16xi32>, vector<16xi32>], vector<16xf32>,
        %parallel_loop3A_689 = tpu.vector_load_idx %arg11[%parallel_loop3A_659, %add3A_175] : memref<1000x64xf32, #tpu.memory_space<vmem>>[vector<16xi32>, vector<16xi32>], vector<16xf32>,
        %parallel_loop3A_690 = arith.constant 0 : i32
        %parallel_loop3A_691 = arith.constant 0 : i32
        %parallel_loop3A_692 = tpu.memref_slice %arg10[%parallel_loop3A_387, %parallel_loop3A_690, %parallel_loop3A_691] : memref<2x128x64xf32, #tpu.memory_space<vmem>> -> memref<1x128x64xf32, #tpu.memory_space<vmem>>
        %parallel_loop3A_693 = tpu.memref_squeeze %parallel_loop3A_692 : memref<1x128x64xf32, #tpu.memory_space<vmem>> -> memref<128x64xf32, #tpu.memory_space<vmem>>
        %parallel_loop3A_694 = arith.index_cast %parallel_loop3A_657 : i32 to index
        %parallel_loop3A_695 = arith.constant 32 : index
        %parallel_loop3A_696 = tpu.vector_load %parallel_loop3A_693[%parallel_loop3A_694, %parallel_loop3A_695] {strides = array<i32>} : memref<128x64xf32, #tpu.memory_space<vmem>>, vector<16xf32>,
        %parallel_loop3A_697 = arith.addf %parallel_loop3A_696, %parallel_loop3A_689 : vector<16xf32>
        %parallel_loop3A_698 = arith.addf %parallel_loop3A_697, %get3A_378 : vector<16xf32>
        %parallel_loop3A_699 = arith.constant 0 : i32
        %parallel_loop3A_700 = arith.constant 0 : i32
        %parallel_loop3A_701 = tpu.memref_slice %arg13[%parallel_loop3A_388, %parallel_loop3A_699, %parallel_loop3A_700] : memref<2x64x129xf32, #tpu.memory_space<vmem>> -> memref<1x64x129xf32, #tpu.memory_space<vmem>>
        %parallel_loop3A_702 = tpu.memref_squeeze %parallel_loop3A_701 : memref<1x64x129xf32, #tpu.memory_space<vmem>> -> memref<64x129xf32, #tpu.memory_space<vmem>>
        tpu.vector_store_idx %parallel_loop3A_702[%add3A_175, %parallel_loop3A_660], %parallel_loop3A_698 : memref<64x129xf32, #tpu.memory_space<vmem>>[vector<16xi32>, vector<16xi32>], vector<16xf32>,
        %parallel_loop3A_703 = tpu.vector_load_idx %arg11[%parallel_loop3A_659, %add3A_178] : memref<1000x64xf32, #tpu.memory_space<vmem>>[vector<16xi32>, vector<16xi32>], vector<16xf32>,
        %parallel_loop3A_704 = arith.constant 0 : i32
        %parallel_loop3A_705 = arith.constant 0 : i32
        %parallel_loop3A_706 = tpu.memref_slice %arg10[%parallel_loop3A_387, %parallel_loop3A_704, %parallel_loop3A_705] : memref<2x128x64xf32, #tpu.memory_space<vmem>> -> memref<1x128x64xf32, #tpu.memory_space<vmem>>
        %parallel_loop3A_707 = tpu.memref_squeeze %parallel_loop3A_706 : memref<1x128x64xf32, #tpu.memory_space<vmem>> -> memref<128x64xf32, #tpu.memory_space<vmem>>
        %parallel_loop3A_708 = arith.index_cast %parallel_loop3A_657 : i32 to index
        %parallel_loop3A_709 = arith.constant 48 : index
        %parallel_loop3A_710 = tpu.vector_load %parallel_loop3A_707[%parallel_loop3A_708, %parallel_loop3A_709] {strides = array<i32>} : memref<128x64xf32, #tpu.memory_space<vmem>>, vector<16xf32>,
        %parallel_loop3A_711 = arith.addf %parallel_loop3A_710, %parallel_loop3A_703 : vector<16xf32>
        %parallel_loop3A_712 = arith.addf %parallel_loop3A_711, %get3A_383 : vector<16xf32>
        %parallel_loop3A_713 = arith.constant 0 : i32
        %parallel_loop3A_714 = arith.constant 0 : i32
        %parallel_loop3A_715 = tpu.memref_slice %arg13[%parallel_loop3A_388, %parallel_loop3A_713, %parallel_loop3A_714] : memref<2x64x129xf32, #tpu.memory_space<vmem>> -> memref<1x64x129xf32, #tpu.memory_space<vmem>>
        %parallel_loop3A_716 = tpu.memref_squeeze %parallel_loop3A_715 : memref<1x64x129xf32, #tpu.memory_space<vmem>> -> memref<64x129xf32, #tpu.memory_space<vmem>>
        tpu.vector_store_idx %parallel_loop3A_716[%add3A_178, %parallel_loop3A_660], %parallel_loop3A_712 : memref<64x129xf32, #tpu.memory_space<vmem>>[vector<16xi32>, vector<16xi32>], vector<16xf32>,
        %parallel_loop3A_717 = arith.constant 16 : i32
        %parallel_loop3A_718 = arith.muli %parallel_loop3A_646, %parallel_loop3A_717 : i32
        %parallel_loop3A_719 = arith.constant 1 : i32
        %parallel_loop3A_720 = arith.addi %parallel_loop3A_718, %parallel_loop3A_719 : i32
        %parallel_loop3A_721 = vector.shape_cast %broadcast_in_dim3A_181 : vector<16x1xi32> to vector<16xi32>
        %parallel_loop3A_722 = tpu.dynamic_gather %parallel_loop3A_653[%parallel_loop3A_721] in [0] : vector<16xi32>, vector<16xi32> -> vector<16xi32>
        %parallel_loop3A_723 = vector.broadcast %parallel_loop3A_720 : i32 to vector<16xi32>
        %parallel_loop3A_724 = tpu.vector_load_idx %arg11[%parallel_loop3A_722, %add3A_169] : memref<1000x64xf32, #tpu.memory_space<vmem>>[vector<16xi32>, vector<16xi32>], vector<16xf32>,
        %parallel_loop3A_725 = arith.constant 0 : i32
        %parallel_loop3A_726 = arith.constant 0 : i32
        %parallel_loop3A_727 = tpu.memref_slice %arg10[%parallel_loop3A_387, %parallel_loop3A_725, %parallel_loop3A_726] : memref<2x128x64xf32, #tpu.memory_space<vmem>> -> memref<1x128x64xf32, #tpu.memory_space<vmem>>
        %parallel_loop3A_728 = tpu.memref_squeeze %parallel_loop3A_727 : memref<1x128x64xf32, #tpu.memory_space<vmem>> -> memref<128x64xf32, #tpu.memory_space<vmem>>
        %parallel_loop3A_729 = arith.index_cast %parallel_loop3A_720 : i32 to index
        %parallel_loop3A_730 = arith.constant 0 : index
        %parallel_loop3A_731 = tpu.vector_load %parallel_loop3A_728[%parallel_loop3A_729, %parallel_loop3A_730] {strides = array<i32>} : memref<128x64xf32, #tpu.memory_space<vmem>>, vector<16xf32>,
        %parallel_loop3A_732 = arith.addf %parallel_loop3A_731, %parallel_loop3A_724 : vector<16xf32>
        %parallel_loop3A_733 = arith.addf %parallel_loop3A_732, %get3A_368 : vector<16xf32>
        %parallel_loop3A_734 = arith.constant 0 : i32
        %parallel_loop3A_735 = arith.constant 0 : i32
        %parallel_loop3A_736 = tpu.memref_slice %arg13[%parallel_loop3A_388, %parallel_loop3A_734, %parallel_loop3A_735] : memref<2x64x129xf32, #tpu.memory_space<vmem>> -> memref<1x64x129xf32, #tpu.memory_space<vmem>>
        %parallel_loop3A_737 = tpu.memref_squeeze %parallel_loop3A_736 : memref<1x64x129xf32, #tpu.memory_space<vmem>> -> memref<64x129xf32, #tpu.memory_space<vmem>>
        tpu.vector_store_idx %parallel_loop3A_737[%add3A_169, %parallel_loop3A_723], %parallel_loop3A_733 : memref<64x129xf32, #tpu.memory_space<vmem>>[vector<16xi32>, vector<16xi32>], vector<16xf32>,
        %parallel_loop3A_738 = tpu.vector_load_idx %arg11[%parallel_loop3A_722, %add3A_172] : memref<1000x64xf32, #tpu.memory_space<vmem>>[vector<16xi32>, vector<16xi32>], vector<16xf32>,
        %parallel_loop3A_739 = arith.constant 0 : i32
        %parallel_loop3A_740 = arith.constant 0 : i32
        %parallel_loop3A_741 = tpu.memref_slice %arg10[%parallel_loop3A_387, %parallel_loop3A_739, %parallel_loop3A_740] : memref<2x128x64xf32, #tpu.memory_space<vmem>> -> memref<1x128x64xf32, #tpu.memory_space<vmem>>
        %parallel_loop3A_742 = tpu.memref_squeeze %parallel_loop3A_741 : memref<1x128x64xf32, #tpu.memory_space<vmem>> -> memref<128x64xf32, #tpu.memory_space<vmem>>
        %parallel_loop3A_743 = arith.index_cast %parallel_loop3A_720 : i32 to index
        %parallel_loop3A_744 = arith.constant 16 : index
        %parallel_loop3A_745 = tpu.vector_load %parallel_loop3A_742[%parallel_loop3A_743, %parallel_loop3A_744] {strides = array<i32>} : memref<128x64xf32, #tpu.memory_space<vmem>>, vector<16xf32>,
        %parallel_loop3A_746 = arith.addf %parallel_loop3A_745, %parallel_loop3A_738 : vector<16xf32>
        %parallel_loop3A_747 = arith.addf %parallel_loop3A_746, %get3A_373 : vector<16xf32>
        %parallel_loop3A_748 = arith.constant 0 : i32
        %parallel_loop3A_749 = arith.constant 0 : i32
        %parallel_loop3A_750 = tpu.memref_slice %arg13[%parallel_loop3A_388, %parallel_loop3A_748, %parallel_loop3A_749] : memref<2x64x129xf32, #tpu.memory_space<vmem>> -> memref<1x64x129xf32, #tpu.memory_space<vmem>>
        %parallel_loop3A_751 = tpu.memref_squeeze %parallel_loop3A_750 : memref<1x64x129xf32, #tpu.memory_space<vmem>> -> memref<64x129xf32, #tpu.memory_space<vmem>>
        tpu.vector_store_idx %parallel_loop3A_751[%add3A_172, %parallel_loop3A_723], %parallel_loop3A_747 : memref<64x129xf32, #tpu.memory_space<vmem>>[vector<16xi32>, vector<16xi32>], vector<16xf32>,
        %parallel_loop3A_752 = tpu.vector_load_idx %arg11[%parallel_loop3A_722, %add3A_175] : memref<1000x64xf32, #tpu.memory_space<vmem>>[vector<16xi32>, vector<16xi32>], vector<16xf32>,
        %parallel_loop3A_753 = arith.constant 0 : i32
        %parallel_loop3A_754 = arith.constant 0 : i32
        %parallel_loop3A_755 = tpu.memref_slice %arg10[%parallel_loop3A_387, %parallel_loop3A_753, %parallel_loop3A_754] : memref<2x128x64xf32, #tpu.memory_space<vmem>> -> memref<1x128x64xf32, #tpu.memory_space<vmem>>
        %parallel_loop3A_756 = tpu.memref_squeeze %parallel_loop3A_755 : memref<1x128x64xf32, #tpu.memory_space<vmem>> -> memref<128x64xf32, #tpu.memory_space<vmem>>
        %parallel_loop3A_757 = arith.index_cast %parallel_loop3A_720 : i32 to index
        %parallel_loop3A_758 = arith.constant 32 : index
        %parallel_loop3A_759 = tpu.vector_load %parallel_loop3A_756[%parallel_loop3A_757, %parallel_loop3A_758] {strides = array<i32>} : memref<128x64xf32, #tpu.memory_space<vmem>>, vector<16xf32>,
        %parallel_loop3A_760 = arith.addf %parallel_loop3A_759, %parallel_loop3A_752 : vector<16xf32>
        %parallel_loop3A_761 = arith.addf %parallel_loop3A_760, %get3A_378 : vector<16xf32>
        %parallel_loop3A_762 = arith.constant 0 : i32
        %parallel_loop3A_763 = arith.constant 0 : i32
        %parallel_loop3A_764 = tpu.memref_slice %arg13[%parallel_loop3A_388, %parallel_loop3A_762, %parallel_loop3A_763] : memref<2x64x129xf32, #tpu.memory_space<vmem>> -> memref<1x64x129xf32, #tpu.memory_space<vmem>>
        %parallel_loop3A_765 = tpu.memref_squeeze %parallel_loop3A_764 : memref<1x64x129xf32, #tpu.memory_space<vmem>> -> memref<64x129xf32, #tpu.memory_space<vmem>>
        tpu.vector_store_idx %parallel_loop3A_765[%add3A_175, %parallel_loop3A_723], %parallel_loop3A_761 : memref<64x129xf32, #tpu.memory_space<vmem>>[vector<16xi32>, vector<16xi32>], vector<16xf32>,
        %parallel_loop3A_766 = tpu.vector_load_idx %arg11[%parallel_loop3A_722, %add3A_178] : memref<1000x64xf32, #tpu.memory_space<vmem>>[vector<16xi32>, vector<16xi32>], vector<16xf32>,
        %parallel_loop3A_767 = arith.constant 0 : i32
        %parallel_loop3A_768 = arith.constant 0 : i32
        %parallel_loop3A_769 = tpu.memref_slice %arg10[%parallel_loop3A_387, %parallel_loop3A_767, %parallel_loop3A_768] : memref<2x128x64xf32, #tpu.memory_space<vmem>> -> memref<1x128x64xf32, #tpu.memory_space<vmem>>
        %parallel_loop3A_770 = tpu.memref_squeeze %parallel_loop3A_769 : memref<1x128x64xf32, #tpu.memory_space<vmem>> -> memref<128x64xf32, #tpu.memory_space<vmem>>
        %parallel_loop3A_771 = arith.index_cast %parallel_loop3A_720 : i32 to index
        %parallel_loop3A_772 = arith.constant 48 : index
        %parallel_loop3A_773 = tpu.vector_load %parallel_loop3A_770[%parallel_loop3A_771, %parallel_loop3A_772] {strides = array<i32>} : memref<128x64xf32, #tpu.memory_space<vmem>>, vector<16xf32>,
        %parallel_loop3A_774 = arith.addf %parallel_loop3A_773, %parallel_loop3A_766 : vector<16xf32>
        %parallel_loop3A_775 = arith.addf %parallel_loop3A_774, %get3A_383 : vector<16xf32>
        %parallel_loop3A_776 = arith.constant 0 : i32
        %parallel_loop3A_777 = arith.constant 0 : i32
        %parallel_loop3A_778 = tpu.memref_slice %arg13[%parallel_loop3A_388, %parallel_loop3A_776, %parallel_loop3A_777] : memref<2x64x129xf32, #tpu.memory_space<vmem>> -> memref<1x64x129xf32, #tpu.memory_space<vmem>>
        %parallel_loop3A_779 = tpu.memref_squeeze %parallel_loop3A_778 : memref<1x64x129xf32, #tpu.memory_space<vmem>> -> memref<64x129xf32, #tpu.memory_space<vmem>>
        tpu.vector_store_idx %parallel_loop3A_779[%add3A_178, %parallel_loop3A_723], %parallel_loop3A_775 : memref<64x129xf32, #tpu.memory_space<vmem>>[vector<16xi32>, vector<16xi32>], vector<16xf32>,
        %parallel_loop3A_780 = arith.constant 16 : i32
        %parallel_loop3A_781 = arith.muli %parallel_loop3A_646, %parallel_loop3A_780 : i32
        %parallel_loop3A_782 = arith.constant 2 : i32
        %parallel_loop3A_783 = arith.addi %parallel_loop3A_781, %parallel_loop3A_782 : i32
        %parallel_loop3A_784 = vector.shape_cast %broadcast_in_dim3A_183 : vector<16x1xi32> to vector<16xi32>
        %parallel_loop3A_785 = tpu.dynamic_gather %parallel_loop3A_653[%parallel_loop3A_784] in [0] : vector<16xi32>, vector<16xi32> -> vector<16xi32>
        %parallel_loop3A_786 = vector.broadcast %parallel_loop3A_783 : i32 to vector<16xi32>
        %parallel_loop3A_787 = tpu.vector_load_idx %arg11[%parallel_loop3A_785, %add3A_169] : memref<1000x64xf32, #tpu.memory_space<vmem>>[vector<16xi32>, vector<16xi32>], vector<16xf32>,
        %parallel_loop3A_788 = arith.constant 0 : i32
        %parallel_loop3A_789 = arith.constant 0 : i32
        %parallel_loop3A_790 = tpu.memref_slice %arg10[%parallel_loop3A_387, %parallel_loop3A_788, %parallel_loop3A_789] : memref<2x128x64xf32, #tpu.memory_space<vmem>> -> memref<1x128x64xf32, #tpu.memory_space<vmem>>
        %parallel_loop3A_791 = tpu.memref_squeeze %parallel_loop3A_790 : memref<1x128x64xf32, #tpu.memory_space<vmem>> -> memref<128x64xf32, #tpu.memory_space<vmem>>
        %parallel_loop3A_792 = arith.index_cast %parallel_loop3A_783 : i32 to index
        %parallel_loop3A_793 = arith.constant 0 : index
        %parallel_loop3A_794 = tpu.vector_load %parallel_loop3A_791[%parallel_loop3A_792, %parallel_loop3A_793] {strides = array<i32>} : memref<128x64xf32, #tpu.memory_space<vmem>>, vector<16xf32>,
        %parallel_loop3A_795 = arith.addf %parallel_loop3A_794, %parallel_loop3A_787 : vector<16xf32>
        %parallel_loop3A_796 = arith.addf %parallel_loop3A_795, %get3A_368 : vector<16xf32>
        %parallel_loop3A_797 = arith.constant 0 : i32
        %parallel_loop3A_798 = arith.constant 0 : i32
        %parallel_loop3A_799 = tpu.memref_slice %arg13[%parallel_loop3A_388, %parallel_loop3A_797, %parallel_loop3A_798] : memref<2x64x129xf32, #tpu.memory_space<vmem>> -> memref<1x64x129xf32, #tpu.memory_space<vmem>>
        %parallel_loop3A_800 = tpu.memref_squeeze %parallel_loop3A_799 : memref<1x64x129xf32, #tpu.memory_space<vmem>> -> memref<64x129xf32, #tpu.memory_space<vmem>>
        tpu.vector_store_idx %parallel_loop3A_800[%add3A_169, %parallel_loop3A_786], %parallel_loop3A_796 : memref<64x129xf32, #tpu.memory_space<vmem>>[vector<16xi32>, vector<16xi32>], vector<16xf32>,
        %parallel_loop3A_801 = tpu.vector_load_idx %arg11[%parallel_loop3A_785, %add3A_172] : memref<1000x64xf32, #tpu.memory_space<vmem>>[vector<16xi32>, vector<16xi32>], vector<16xf32>,
        %parallel_loop3A_802 = arith.constant 0 : i32
        %parallel_loop3A_803 = arith.constant 0 : i32
        %parallel_loop3A_804 = tpu.memref_slice %arg10[%parallel_loop3A_387, %parallel_loop3A_802, %parallel_loop3A_803] : memref<2x128x64xf32, #tpu.memory_space<vmem>> -> memref<1x128x64xf32, #tpu.memory_space<vmem>>
        %parallel_loop3A_805 = tpu.memref_squeeze %parallel_loop3A_804 : memref<1x128x64xf32, #tpu.memory_space<vmem>> -> memref<128x64xf32, #tpu.memory_space<vmem>>
        %parallel_loop3A_806 = arith.index_cast %parallel_loop3A_783 : i32 to index
        %parallel_loop3A_807 = arith.constant 16 : index
        %parallel_loop3A_808 = tpu.vector_load %parallel_loop3A_805[%parallel_loop3A_806, %parallel_loop3A_807] {strides = array<i32>} : memref<128x64xf32, #tpu.memory_space<vmem>>, vector<16xf32>,
        %parallel_loop3A_809 = arith.addf %parallel_loop3A_808, %parallel_loop3A_801 : vector<16xf32>
        %parallel_loop3A_810 = arith.addf %parallel_loop3A_809, %get3A_373 : vector<16xf32>
        %parallel_loop3A_811 = arith.constant 0 : i32
        %parallel_loop3A_812 = arith.constant 0 : i32
        %parallel_loop3A_813 = tpu.memref_slice %arg13[%parallel_loop3A_388, %parallel_loop3A_811, %parallel_loop3A_812] : memref<2x64x129xf32, #tpu.memory_space<vmem>> -> memref<1x64x129xf32, #tpu.memory_space<vmem>>
        %parallel_loop3A_814 = tpu.memref_squeeze %parallel_loop3A_813 : memref<1x64x129xf32, #tpu.memory_space<vmem>> -> memref<64x129xf32, #tpu.memory_space<vmem>>
        tpu.vector_store_idx %parallel_loop3A_814[%add3A_172, %parallel_loop3A_786], %parallel_loop3A_810 : memref<64x129xf32, #tpu.memory_space<vmem>>[vector<16xi32>, vector<16xi32>], vector<16xf32>,
        %parallel_loop3A_815 = tpu.vector_load_idx %arg11[%parallel_loop3A_785, %add3A_175] : memref<1000x64xf32, #tpu.memory_space<vmem>>[vector<16xi32>, vector<16xi32>], vector<16xf32>,
        %parallel_loop3A_816 = arith.constant 0 : i32
        %parallel_loop3A_817 = arith.constant 0 : i32
        %parallel_loop3A_818 = tpu.memref_slice %arg10[%parallel_loop3A_387, %parallel_loop3A_816, %parallel_loop3A_817] : memref<2x128x64xf32, #tpu.memory_space<vmem>> -> memref<1x128x64xf32, #tpu.memory_space<vmem>>
        %parallel_loop3A_819 = tpu.memref_squeeze %parallel_loop3A_818 : memref<1x128x64xf32, #tpu.memory_space<vmem>> -> memref<128x64xf32, #tpu.memory_space<vmem>>
        %parallel_loop3A_820 = arith.index_cast %parallel_loop3A_783 : i32 to index
        %parallel_loop3A_821 = arith.constant 32 : index
        %parallel_loop3A_822 = tpu.vector_load %parallel_loop3A_819[%parallel_loop3A_820, %parallel_loop3A_821] {strides = array<i32>} : memref<128x64xf32, #tpu.memory_space<vmem>>, vector<16xf32>,
        %parallel_loop3A_823 = arith.addf %parallel_loop3A_822, %parallel_loop3A_815 : vector<16xf32>
        %parallel_loop3A_824 = arith.addf %parallel_loop3A_823, %get3A_378 : vector<16xf32>
        %parallel_loop3A_825 = arith.constant 0 : i32
        %parallel_loop3A_826 = arith.constant 0 : i32
        %parallel_loop3A_827 = tpu.memref_slice %arg13[%parallel_loop3A_388, %parallel_loop3A_825, %parallel_loop3A_826] : memref<2x64x129xf32, #tpu.memory_space<vmem>> -> memref<1x64x129xf32, #tpu.memory_space<vmem>>
        %parallel_loop3A_828 = tpu.memref_squeeze %parallel_loop3A_827 : memref<1x64x129xf32, #tpu.memory_space<vmem>> -> memref<64x129xf32, #tpu.memory_space<vmem>>
        tpu.vector_store_idx %parallel_loop3A_828[%add3A_175, %parallel_loop3A_786], %parallel_loop3A_824 : memref<64x129xf32, #tpu.memory_space<vmem>>[vector<16xi32>, vector<16xi32>], vector<16xf32>,
        %parallel_loop3A_829 = tpu.vector_load_idx %arg11[%parallel_loop3A_785, %add3A_178] : memref<1000x64xf32, #tpu.memory_space<vmem>>[vector<16xi32>, vector<16xi32>], vector<16xf32>,
        %parallel_loop3A_830 = arith.constant 0 : i32
        %parallel_loop3A_831 = arith.constant 0 : i32
        %parallel_loop3A_832 = tpu.memref_slice %arg10[%parallel_loop3A_387, %parallel_loop3A_830, %parallel_loop3A_831] : memref<2x128x64xf32, #tpu.memory_space<vmem>> -> memref<1x128x64xf32, #tpu.memory_space<vmem>>
        %parallel_loop3A_833 = tpu.memref_squeeze %parallel_loop3A_832 : memref<1x128x64xf32, #tpu.memory_space<vmem>> -> memref<128x64xf32, #tpu.memory_space<vmem>>
        %parallel_loop3A_834 = arith.index_cast %parallel_loop3A_783 : i32 to index
        %parallel_loop3A_835 = arith.constant 48 : index
        %parallel_loop3A_836 = tpu.vector_load %parallel_loop3A_833[%parallel_loop3A_834, %parallel_loop3A_835] {strides = array<i32>} : memref<128x64xf32, #tpu.memory_space<vmem>>, vector<16xf32>,
        %parallel_loop3A_837 = arith.addf %parallel_loop3A_836, %parallel_loop3A_829 : vector<16xf32>
        %parallel_loop3A_838 = arith.addf %parallel_loop3A_837, %get3A_383 : vector<16xf32>
        %parallel_loop3A_839 = arith.constant 0 : i32
        %parallel_loop3A_840 = arith.constant 0 : i32
        %parallel_loop3A_841 = tpu.memref_slice %arg13[%parallel_loop3A_388, %parallel_loop3A_839, %parallel_loop3A_840] : memref<2x64x129xf32, #tpu.memory_space<vmem>> -> memref<1x64x129xf32, #tpu.memory_space<vmem>>
        %parallel_loop3A_842 = tpu.memref_squeeze %parallel_loop3A_841 : memref<1x64x129xf32, #tpu.memory_space<vmem>> -> memref<64x129xf32, #tpu.memory_space<vmem>>
        tpu.vector_store_idx %parallel_loop3A_842[%add3A_178, %parallel_loop3A_786], %parallel_loop3A_838 : memref<64x129xf32, #tpu.memory_space<vmem>>[vector<16xi32>, vector<16xi32>], vector<16xf32>,
        %parallel_loop3A_843 = arith.constant 16 : i32
        %parallel_loop3A_844 = arith.muli %parallel_loop3A_646, %parallel_loop3A_843 : i32
        %parallel_loop3A_845 = arith.constant 3 : i32
        %parallel_loop3A_846 = arith.addi %parallel_loop3A_844, %parallel_loop3A_845 : i32
        %parallel_loop3A_847 = vector.shape_cast %broadcast_in_dim3A_185 : vector<16x1xi32> to vector<16xi32>
        %parallel_loop3A_848 = tpu.dynamic_gather %parallel_loop3A_653[%parallel_loop3A_847] in [0] : vector<16xi32>, vector<16xi32> -> vector<16xi32>
        %parallel_loop3A_849 = vector.broadcast %parallel_loop3A_846 : i32 to vector<16xi32>
        %parallel_loop3A_850 = tpu.vector_load_idx %arg11[%parallel_loop3A_848, %add3A_169] : memref<1000x64xf32, #tpu.memory_space<vmem>>[vector<16xi32>, vector<16xi32>], vector<16xf32>,
        %parallel_loop3A_851 = arith.constant 0 : i32
        %parallel_loop3A_852 = arith.constant 0 : i32
        %parallel_loop3A_853 = tpu.memref_slice %arg10[%parallel_loop3A_387, %parallel_loop3A_851, %parallel_loop3A_852] : memref<2x128x64xf32, #tpu.memory_space<vmem>> -> memref<1x128x64xf32, #tpu.memory_space<vmem>>
        %parallel_loop3A_854 = tpu.memref_squeeze %parallel_loop3A_853 : memref<1x128x64xf32, #tpu.memory_space<vmem>> -> memref<128x64xf32, #tpu.memory_space<vmem>>
        %parallel_loop3A_855 = arith.index_cast %parallel_loop3A_846 : i32 to index
        %parallel_loop3A_856 = arith.constant 0 : index
        %parallel_loop3A_857 = tpu.vector_load %parallel_loop3A_854[%parallel_loop3A_855, %parallel_loop3A_856] {strides = array<i32>} : memref<128x64xf32, #tpu.memory_space<vmem>>, vector<16xf32>,
        %parallel_loop3A_858 = arith.addf %parallel_loop3A_857, %parallel_loop3A_850 : vector<16xf32>
        %parallel_loop3A_859 = arith.addf %parallel_loop3A_858, %get3A_368 : vector<16xf32>
        %parallel_loop3A_860 = arith.constant 0 : i32
        %parallel_loop3A_861 = arith.constant 0 : i32
        %parallel_loop3A_862 = tpu.memref_slice %arg13[%parallel_loop3A_388, %parallel_loop3A_860, %parallel_loop3A_861] : memref<2x64x129xf32, #tpu.memory_space<vmem>> -> memref<1x64x129xf32, #tpu.memory_space<vmem>>
        %parallel_loop3A_863 = tpu.memref_squeeze %parallel_loop3A_862 : memref<1x64x129xf32, #tpu.memory_space<vmem>> -> memref<64x129xf32, #tpu.memory_space<vmem>>
        tpu.vector_store_idx %parallel_loop3A_863[%add3A_169, %parallel_loop3A_849], %parallel_loop3A_859 : memref<64x129xf32, #tpu.memory_space<vmem>>[vector<16xi32>, vector<16xi32>], vector<16xf32>,
        %parallel_loop3A_864 = tpu.vector_load_idx %arg11[%parallel_loop3A_848, %add3A_172] : memref<1000x64xf32, #tpu.memory_space<vmem>>[vector<16xi32>, vector<16xi32>], vector<16xf32>,
        %parallel_loop3A_865 = arith.constant 0 : i32
        %parallel_loop3A_866 = arith.constant 0 : i32
        %parallel_loop3A_867 = tpu.memref_slice %arg10[%parallel_loop3A_387, %parallel_loop3A_865, %parallel_loop3A_866] : memref<2x128x64xf32, #tpu.memory_space<vmem>> -> memref<1x128x64xf32, #tpu.memory_space<vmem>>
        %parallel_loop3A_868 = tpu.memref_squeeze %parallel_loop3A_867 : memref<1x128x64xf32, #tpu.memory_space<vmem>> -> memref<128x64xf32, #tpu.memory_space<vmem>>
        %parallel_loop3A_869 = arith.index_cast %parallel_loop3A_846 : i32 to index
        %parallel_loop3A_870 = arith.constant 16 : index
        %parallel_loop3A_871 = tpu.vector_load %parallel_loop3A_868[%parallel_loop3A_869, %parallel_loop3A_870] {strides = array<i32>} : memref<128x64xf32, #tpu.memory_space<vmem>>, vector<16xf32>,
        %parallel_loop3A_872 = arith.addf %parallel_loop3A_871, %parallel_loop3A_864 : vector<16xf32>
        %parallel_loop3A_873 = arith.addf %parallel_loop3A_872, %get3A_373 : vector<16xf32>
        %parallel_loop3A_874 = arith.constant 0 : i32
        %parallel_loop3A_875 = arith.constant 0 : i32
        %parallel_loop3A_876 = tpu.memref_slice %arg13[%parallel_loop3A_388, %parallel_loop3A_874, %parallel_loop3A_875] : memref<2x64x129xf32, #tpu.memory_space<vmem>> -> memref<1x64x129xf32, #tpu.memory_space<vmem>>
        %parallel_loop3A_877 = tpu.memref_squeeze %parallel_loop3A_876 : memref<1x64x129xf32, #tpu.memory_space<vmem>> -> memref<64x129xf32, #tpu.memory_space<vmem>>
        tpu.vector_store_idx %parallel_loop3A_877[%add3A_172, %parallel_loop3A_849], %parallel_loop3A_873 : memref<64x129xf32, #tpu.memory_space<vmem>>[vector<16xi32>, vector<16xi32>], vector<16xf32>,
        %parallel_loop3A_878 = tpu.vector_load_idx %arg11[%parallel_loop3A_848, %add3A_175] : memref<1000x64xf32, #tpu.memory_space<vmem>>[vector<16xi32>, vector<16xi32>], vector<16xf32>,
        %parallel_loop3A_879 = arith.constant 0 : i32
        %parallel_loop3A_880 = arith.constant 0 : i32
        %parallel_loop3A_881 = tpu.memref_slice %arg10[%parallel_loop3A_387, %parallel_loop3A_879, %parallel_loop3A_880] : memref<2x128x64xf32, #tpu.memory_space<vmem>> -> memref<1x128x64xf32, #tpu.memory_space<vmem>>
        %parallel_loop3A_882 = tpu.memref_squeeze %parallel_loop3A_881 : memref<1x128x64xf32, #tpu.memory_space<vmem>> -> memref<128x64xf32, #tpu.memory_space<vmem>>
        %parallel_loop3A_883 = arith.index_cast %parallel_loop3A_846 : i32 to index
        %parallel_loop3A_884 = arith.constant 32 : index
        %parallel_loop3A_885 = tpu.vector_load %parallel_loop3A_882[%parallel_loop3A_883, %parallel_loop3A_884] {strides = array<i32>} : memref<128x64xf32, #tpu.memory_space<vmem>>, vector<16xf32>,
        %parallel_loop3A_886 = arith.addf %parallel_loop3A_885, %parallel_loop3A_878 : vector<16xf32>
        %parallel_loop3A_887 = arith.addf %parallel_loop3A_886, %get3A_378 : vector<16xf32>
        %parallel_loop3A_888 = arith.constant 0 : i32
        %parallel_loop3A_889 = arith.constant 0 : i32
        %parallel_loop3A_890 = tpu.memref_slice %arg13[%parallel_loop3A_388, %parallel_loop3A_888, %parallel_loop3A_889] : memref<2x64x129xf32, #tpu.memory_space<vmem>> -> memref<1x64x129xf32, #tpu.memory_space<vmem>>
        %parallel_loop3A_891 = tpu.memref_squeeze %parallel_loop3A_890 : memref<1x64x129xf32, #tpu.memory_space<vmem>> -> memref<64x129xf32, #tpu.memory_space<vmem>>
        tpu.vector_store_idx %parallel_loop3A_891[%add3A_175, %parallel_loop3A_849], %parallel_loop3A_887 : memref<64x129xf32, #tpu.memory_space<vmem>>[vector<16xi32>, vector<16xi32>], vector<16xf32>,
        %parallel_loop3A_892 = tpu.vector_load_idx %arg11[%parallel_loop3A_848, %add3A_178] : memref<1000x64xf32, #tpu.memory_space<vmem>>[vector<16xi32>, vector<16xi32>], vector<16xf32>,
        %parallel_loop3A_893 = arith.constant 0 : i32
        %parallel_loop3A_894 = arith.constant 0 : i32
        %parallel_loop3A_895 = tpu.memref_slice %arg10[%parallel_loop3A_387, %parallel_loop3A_893, %parallel_loop3A_894] : memref<2x128x64xf32, #tpu.memory_space<vmem>> -> memref<1x128x64xf32, #tpu.memory_space<vmem>>
        %parallel_loop3A_896 = tpu.memref_squeeze %parallel_loop3A_895 : memref<1x128x64xf32, #tpu.memory_space<vmem>> -> memref<128x64xf32, #tpu.memory_space<vmem>>
        %parallel_loop3A_897 = arith.index_cast %parallel_loop3A_846 : i32 to index
        %parallel_loop3A_898 = arith.constant 48 : index
        %parallel_loop3A_899 = tpu.vector_load %parallel_loop3A_896[%parallel_loop3A_897, %parallel_loop3A_898] {strides = array<i32>} : memref<128x64xf32, #tpu.memory_space<vmem>>, vector<16xf32>,
        %parallel_loop3A_900 = arith.addf %parallel_loop3A_899, %parallel_loop3A_892 : vector<16xf32>
        %parallel_loop3A_901 = arith.addf %parallel_loop3A_900, %get3A_383 : vector<16xf32>
        %parallel_loop3A_902 = arith.constant 0 : i32
        %parallel_loop3A_903 = arith.constant 0 : i32
        %parallel_loop3A_904 = tpu.memref_slice %arg13[%parallel_loop3A_388, %parallel_loop3A_902, %parallel_loop3A_903] : memref<2x64x129xf32, #tpu.memory_space<vmem>> -> memref<1x64x129xf32, #tpu.memory_space<vmem>>
        %parallel_loop3A_905 = tpu.memref_squeeze %parallel_loop3A_904 : memref<1x64x129xf32, #tpu.memory_space<vmem>> -> memref<64x129xf32, #tpu.memory_space<vmem>>
        tpu.vector_store_idx %parallel_loop3A_905[%add3A_178, %parallel_loop3A_849], %parallel_loop3A_901 : memref<64x129xf32, #tpu.memory_space<vmem>>[vector<16xi32>, vector<16xi32>], vector<16xf32>,
        %parallel_loop3A_906 = arith.constant 16 : i32
        %parallel_loop3A_907 = arith.muli %parallel_loop3A_646, %parallel_loop3A_906 : i32
        %parallel_loop3A_908 = arith.constant 4 : i32
        %parallel_loop3A_909 = arith.addi %parallel_loop3A_907, %parallel_loop3A_908 : i32
        %parallel_loop3A_910 = vector.shape_cast %broadcast_in_dim3A_187 : vector<16x1xi32> to vector<16xi32>
        %parallel_loop3A_911 = tpu.dynamic_gather %parallel_loop3A_653[%parallel_loop3A_910] in [0] : vector<16xi32>, vector<16xi32> -> vector<16xi32>
        %parallel_loop3A_912 = vector.broadcast %parallel_loop3A_909 : i32 to vector<16xi32>
        %parallel_loop3A_913 = tpu.vector_load_idx %arg11[%parallel_loop3A_911, %add3A_169] : memref<1000x64xf32, #tpu.memory_space<vmem>>[vector<16xi32>, vector<16xi32>], vector<16xf32>,
        %parallel_loop3A_914 = arith.constant 0 : i32
        %parallel_loop3A_915 = arith.constant 0 : i32
        %parallel_loop3A_916 = tpu.memref_slice %arg10[%parallel_loop3A_387, %parallel_loop3A_914, %parallel_loop3A_915] : memref<2x128x64xf32, #tpu.memory_space<vmem>> -> memref<1x128x64xf32, #tpu.memory_space<vmem>>
        %parallel_loop3A_917 = tpu.memref_squeeze %parallel_loop3A_916 : memref<1x128x64xf32, #tpu.memory_space<vmem>> -> memref<128x64xf32, #tpu.memory_space<vmem>>
        %parallel_loop3A_918 = arith.index_cast %parallel_loop3A_909 : i32 to index
        %parallel_loop3A_919 = arith.constant 0 : index
        %parallel_loop3A_920 = tpu.vector_load %parallel_loop3A_917[%parallel_loop3A_918, %parallel_loop3A_919] {strides = array<i32>} : memref<128x64xf32, #tpu.memory_space<vmem>>, vector<16xf32>,
        %parallel_loop3A_921 = arith.addf %parallel_loop3A_920, %parallel_loop3A_913 : vector<16xf32>
        %parallel_loop3A_922 = arith.addf %parallel_loop3A_921, %get3A_368 : vector<16xf32>
        %parallel_loop3A_923 = arith.constant 0 : i32
        %parallel_loop3A_924 = arith.constant 0 : i32
        %parallel_loop3A_925 = tpu.memref_slice %arg13[%parallel_loop3A_388, %parallel_loop3A_923, %parallel_loop3A_924] : memref<2x64x129xf32, #tpu.memory_space<vmem>> -> memref<1x64x129xf32, #tpu.memory_space<vmem>>
        %parallel_loop3A_926 = tpu.memref_squeeze %parallel_loop3A_925 : memref<1x64x129xf32, #tpu.memory_space<vmem>> -> memref<64x129xf32, #tpu.memory_space<vmem>>
        tpu.vector_store_idx %parallel_loop3A_926[%add3A_169, %parallel_loop3A_912], %parallel_loop3A_922 : memref<64x129xf32, #tpu.memory_space<vmem>>[vector<16xi32>, vector<16xi32>], vector<16xf32>,
        %parallel_loop3A_927 = tpu.vector_load_idx %arg11[%parallel_loop3A_911, %add3A_172] : memref<1000x64xf32, #tpu.memory_space<vmem>>[vector<16xi32>, vector<16xi32>], vector<16xf32>,
        %parallel_loop3A_928 = arith.constant 0 : i32
        %parallel_loop3A_929 = arith.constant 0 : i32
        %parallel_loop3A_930 = tpu.memref_slice %arg10[%parallel_loop3A_387, %parallel_loop3A_928, %parallel_loop3A_929] : memref<2x128x64xf32, #tpu.memory_space<vmem>> -> memref<1x128x64xf32, #tpu.memory_space<vmem>>
        %parallel_loop3A_931 = tpu.memref_squeeze %parallel_loop3A_930 : memref<1x128x64xf32, #tpu.memory_space<vmem>> -> memref<128x64xf32, #tpu.memory_space<vmem>>
        %parallel_loop3A_932 = arith.index_cast %parallel_loop3A_909 : i32 to index
        %parallel_loop3A_933 = arith.constant 16 : index
        %parallel_loop3A_934 = tpu.vector_load %parallel_loop3A_931[%parallel_loop3A_932, %parallel_loop3A_933] {strides = array<i32>} : memref<128x64xf32, #tpu.memory_space<vmem>>, vector<16xf32>,
        %parallel_loop3A_935 = arith.addf %parallel_loop3A_934, %parallel_loop3A_927 : vector<16xf32>
        %parallel_loop3A_936 = arith.addf %parallel_loop3A_935, %get3A_373 : vector<16xf32>
        %parallel_loop3A_937 = arith.constant 0 : i32
        %parallel_loop3A_938 = arith.constant 0 : i32
        %parallel_loop3A_939 = tpu.memref_slice %arg13[%parallel_loop3A_388, %parallel_loop3A_937, %parallel_loop3A_938] : memref<2x64x129xf32, #tpu.memory_space<vmem>> -> memref<1x64x129xf32, #tpu.memory_space<vmem>>
        %parallel_loop3A_940 = tpu.memref_squeeze %parallel_loop3A_939 : memref<1x64x129xf32, #tpu.memory_space<vmem>> -> memref<64x129xf32, #tpu.memory_space<vmem>>
        tpu.vector_store_idx %parallel_loop3A_940[%add3A_172, %parallel_loop3A_912], %parallel_loop3A_936 : memref<64x129xf32, #tpu.memory_space<vmem>>[vector<16xi32>, vector<16xi32>], vector<16xf32>,
        %parallel_loop3A_941 = tpu.vector_load_idx %arg11[%parallel_loop3A_911, %add3A_175] : memref<1000x64xf32, #tpu.memory_space<vmem>>[vector<16xi32>, vector<16xi32>], vector<16xf32>,
        %parallel_loop3A_942 = arith.constant 0 : i32
        %parallel_loop3A_943 = arith.constant 0 : i32
        %parallel_loop3A_944 = tpu.memref_slice %arg10[%parallel_loop3A_387, %parallel_loop3A_942, %parallel_loop3A_943] : memref<2x128x64xf32, #tpu.memory_space<vmem>> -> memref<1x128x64xf32, #tpu.memory_space<vmem>>
        %parallel_loop3A_945 = tpu.memref_squeeze %parallel_loop3A_944 : memref<1x128x64xf32, #tpu.memory_space<vmem>> -> memref<128x64xf32, #tpu.memory_space<vmem>>
        %parallel_loop3A_946 = arith.index_cast %parallel_loop3A_909 : i32 to index
        %parallel_loop3A_947 = arith.constant 32 : index
        %parallel_loop3A_948 = tpu.vector_load %parallel_loop3A_945[%parallel_loop3A_946, %parallel_loop3A_947] {strides = array<i32>} : memref<128x64xf32, #tpu.memory_space<vmem>>, vector<16xf32>,
        %parallel_loop3A_949 = arith.addf %parallel_loop3A_948, %parallel_loop3A_941 : vector<16xf32>
        %parallel_loop3A_950 = arith.addf %parallel_loop3A_949, %get3A_378 : vector<16xf32>
        %parallel_loop3A_951 = arith.constant 0 : i32
        %parallel_loop3A_952 = arith.constant 0 : i32
        %parallel_loop3A_953 = tpu.memref_slice %arg13[%parallel_loop3A_388, %parallel_loop3A_951, %parallel_loop3A_952] : memref<2x64x129xf32, #tpu.memory_space<vmem>> -> memref<1x64x129xf32, #tpu.memory_space<vmem>>
        %parallel_loop3A_954 = tpu.memref_squeeze %parallel_loop3A_953 : memref<1x64x129xf32, #tpu.memory_space<vmem>> -> memref<64x129xf32, #tpu.memory_space<vmem>>
        tpu.vector_store_idx %parallel_loop3A_954[%add3A_175, %parallel_loop3A_912], %parallel_loop3A_950 : memref<64x129xf32, #tpu.memory_space<vmem>>[vector<16xi32>, vector<16xi32>], vector<16xf32>,
        %parallel_loop3A_955 = tpu.vector_load_idx %arg11[%parallel_loop3A_911, %add3A_178] : memref<1000x64xf32, #tpu.memory_space<vmem>>[vector<16xi32>, vector<16xi32>], vector<16xf32>,
        %parallel_loop3A_956 = arith.constant 0 : i32
        %parallel_loop3A_957 = arith.constant 0 : i32
        %parallel_loop3A_958 = tpu.memref_slice %arg10[%parallel_loop3A_387, %parallel_loop3A_956, %parallel_loop3A_957] : memref<2x128x64xf32, #tpu.memory_space<vmem>> -> memref<1x128x64xf32, #tpu.memory_space<vmem>>
        %parallel_loop3A_959 = tpu.memref_squeeze %parallel_loop3A_958 : memref<1x128x64xf32, #tpu.memory_space<vmem>> -> memref<128x64xf32, #tpu.memory_space<vmem>>
        %parallel_loop3A_960 = arith.index_cast %parallel_loop3A_909 : i32 to index
        %parallel_loop3A_961 = arith.constant 48 : index
        %parallel_loop3A_962 = tpu.vector_load %parallel_loop3A_959[%parallel_loop3A_960, %parallel_loop3A_961] {strides = array<i32>} : memref<128x64xf32, #tpu.memory_space<vmem>>, vector<16xf32>,
        %parallel_loop3A_963 = arith.addf %parallel_loop3A_962, %parallel_loop3A_955 : vector<16xf32>
        %parallel_loop3A_964 = arith.addf %parallel_loop3A_963, %get3A_383 : vector<16xf32>
        %parallel_loop3A_965 = arith.constant 0 : i32
        %parallel_loop3A_966 = arith.constant 0 : i32
        %parallel_loop3A_967 = tpu.memref_slice %arg13[%parallel_loop3A_388, %parallel_loop3A_965, %parallel_loop3A_966] : memref<2x64x129xf32, #tpu.memory_space<vmem>> -> memref<1x64x129xf32, #tpu.memory_space<vmem>>
        %parallel_loop3A_968 = tpu.memref_squeeze %parallel_loop3A_967 : memref<1x64x129xf32, #tpu.memory_space<vmem>> -> memref<64x129xf32, #tpu.memory_space<vmem>>
        tpu.vector_store_idx %parallel_loop3A_968[%add3A_178, %parallel_loop3A_912], %parallel_loop3A_964 : memref<64x129xf32, #tpu.memory_space<vmem>>[vector<16xi32>, vector<16xi32>], vector<16xf32>,
        %parallel_loop3A_969 = arith.constant 16 : i32
        %parallel_loop3A_970 = arith.muli %parallel_loop3A_646, %parallel_loop3A_969 : i32
        %parallel_loop3A_971 = arith.constant 5 : i32
        %parallel_loop3A_972 = arith.addi %parallel_loop3A_970, %parallel_loop3A_971 : i32
        %parallel_loop3A_973 = vector.shape_cast %broadcast_in_dim3A_189 : vector<16x1xi32> to vector<16xi32>
        %parallel_loop3A_974 = tpu.dynamic_gather %parallel_loop3A_653[%parallel_loop3A_973] in [0] : vector<16xi32>, vector<16xi32> -> vector<16xi32>
        %parallel_loop3A_975 = vector.broadcast %parallel_loop3A_972 : i32 to vector<16xi32>
        %parallel_loop3A_976 = tpu.vector_load_idx %arg11[%parallel_loop3A_974, %add3A_169] : memref<1000x64xf32, #tpu.memory_space<vmem>>[vector<16xi32>, vector<16xi32>], vector<16xf32>,
        %parallel_loop3A_977 = arith.constant 0 : i32
        %parallel_loop3A_978 = arith.constant 0 : i32
        %parallel_loop3A_979 = tpu.memref_slice %arg10[%parallel_loop3A_387, %parallel_loop3A_977, %parallel_loop3A_978] : memref<2x128x64xf32, #tpu.memory_space<vmem>> -> memref<1x128x64xf32, #tpu.memory_space<vmem>>
        %parallel_loop3A_980 = tpu.memref_squeeze %parallel_loop3A_979 : memref<1x128x64xf32, #tpu.memory_space<vmem>> -> memref<128x64xf32, #tpu.memory_space<vmem>>
        %parallel_loop3A_981 = arith.index_cast %parallel_loop3A_972 : i32 to index
        %parallel_loop3A_982 = arith.constant 0 : index
        %parallel_loop3A_983 = tpu.vector_load %parallel_loop3A_980[%parallel_loop3A_981, %parallel_loop3A_982] {strides = array<i32>} : memref<128x64xf32, #tpu.memory_space<vmem>>, vector<16xf32>,
        %parallel_loop3A_984 = arith.addf %parallel_loop3A_983, %parallel_loop3A_976 : vector<16xf32>
        %parallel_loop3A_985 = arith.addf %parallel_loop3A_984, %get3A_368 : vector<16xf32>
        %parallel_loop3A_986 = arith.constant 0 : i32
        %parallel_loop3A_987 = arith.constant 0 : i32
        %parallel_loop3A_988 = tpu.memref_slice %arg13[%parallel_loop3A_388, %parallel_loop3A_986, %parallel_loop3A_987] : memref<2x64x129xf32, #tpu.memory_space<vmem>> -> memref<1x64x129xf32, #tpu.memory_space<vmem>>
        %parallel_loop3A_989 = tpu.memref_squeeze %parallel_loop3A_988 : memref<1x64x129xf32, #tpu.memory_space<vmem>> -> memref<64x129xf32, #tpu.memory_space<vmem>>
        tpu.vector_store_idx %parallel_loop3A_989[%add3A_169, %parallel_loop3A_975], %parallel_loop3A_985 : memref<64x129xf32, #tpu.memory_space<vmem>>[vector<16xi32>, vector<16xi32>], vector<16xf32>,
        %parallel_loop3A_990 = tpu.vector_load_idx %arg11[%parallel_loop3A_974, %add3A_172] : memref<1000x64xf32, #tpu.memory_space<vmem>>[vector<16xi32>, vector<16xi32>], vector<16xf32>,
        %parallel_loop3A_991 = arith.constant 0 : i32
        %parallel_loop3A_992 = arith.constant 0 : i32
        %parallel_loop3A_993 = tpu.memref_slice %arg10[%parallel_loop3A_387, %parallel_loop3A_991, %parallel_loop3A_992] : memref<2x128x64xf32, #tpu.memory_space<vmem>> -> memref<1x128x64xf32, #tpu.memory_space<vmem>>
        %parallel_loop3A_994 = tpu.memref_squeeze %parallel_loop3A_993 : memref<1x128x64xf32, #tpu.memory_space<vmem>> -> memref<128x64xf32, #tpu.memory_space<vmem>>
        %parallel_loop3A_995 = arith.index_cast %parallel_loop3A_972 : i32 to index
        %parallel_loop3A_996 = arith.constant 16 : index
        %parallel_loop3A_997 = tpu.vector_load %parallel_loop3A_994[%parallel_loop3A_995, %parallel_loop3A_996] {strides = array<i32>} : memref<128x64xf32, #tpu.memory_space<vmem>>, vector<16xf32>,
        %parallel_loop3A_998 = arith.addf %parallel_loop3A_997, %parallel_loop3A_990 : vector<16xf32>
        %parallel_loop3A_999 = arith.addf %parallel_loop3A_998, %get3A_373 : vector<16xf32>
        %parallel_loop3A_1000 = arith.constant 0 : i32
        %parallel_loop3A_1001 = arith.constant 0 : i32
        %parallel_loop3A_1002 = tpu.memref_slice %arg13[%parallel_loop3A_388, %parallel_loop3A_1000, %parallel_loop3A_1001] : memref<2x64x129xf32, #tpu.memory_space<vmem>> -> memref<1x64x129xf32, #tpu.memory_space<vmem>>
        %parallel_loop3A_1003 = tpu.memref_squeeze %parallel_loop3A_1002 : memref<1x64x129xf32, #tpu.memory_space<vmem>> -> memref<64x129xf32, #tpu.memory_space<vmem>>
        tpu.vector_store_idx %parallel_loop3A_1003[%add3A_172, %parallel_loop3A_975], %parallel_loop3A_999 : memref<64x129xf32, #tpu.memory_space<vmem>>[vector<16xi32>, vector<16xi32>], vector<16xf32>,
        %parallel_loop3A_1004 = tpu.vector_load_idx %arg11[%parallel_loop3A_974, %add3A_175] : memref<1000x64xf32, #tpu.memory_space<vmem>>[vector<16xi32>, vector<16xi32>], vector<16xf32>,
        %parallel_loop3A_1005 = arith.constant 0 : i32
        %parallel_loop3A_1006 = arith.constant 0 : i32
        %parallel_loop3A_1007 = tpu.memref_slice %arg10[%parallel_loop3A_387, %parallel_loop3A_1005, %parallel_loop3A_1006] : memref<2x128x64xf32, #tpu.memory_space<vmem>> -> memref<1x128x64xf32, #tpu.memory_space<vmem>>
        %parallel_loop3A_1008 = tpu.memref_squeeze %parallel_loop3A_1007 : memref<1x128x64xf32, #tpu.memory_space<vmem>> -> memref<128x64xf32, #tpu.memory_space<vmem>>
        %parallel_loop3A_1009 = arith.index_cast %parallel_loop3A_972 : i32 to index
        %parallel_loop3A_1010 = arith.constant 32 : index
        %parallel_loop3A_1011 = tpu.vector_load %parallel_loop3A_1008[%parallel_loop3A_1009, %parallel_loop3A_1010] {strides = array<i32>} : memref<128x64xf32, #tpu.memory_space<vmem>>, vector<16xf32>,
        %parallel_loop3A_1012 = arith.addf %parallel_loop3A_1011, %parallel_loop3A_1004 : vector<16xf32>
        %parallel_loop3A_1013 = arith.addf %parallel_loop3A_1012, %get3A_378 : vector<16xf32>
        %parallel_loop3A_1014 = arith.constant 0 : i32
        %parallel_loop3A_1015 = arith.constant 0 : i32
        %parallel_loop3A_1016 = tpu.memref_slice %arg13[%parallel_loop3A_388, %parallel_loop3A_1014, %parallel_loop3A_1015] : memref<2x64x129xf32, #tpu.memory_space<vmem>> -> memref<1x64x129xf32, #tpu.memory_space<vmem>>
        %parallel_loop3A_1017 = tpu.memref_squeeze %parallel_loop3A_1016 : memref<1x64x129xf32, #tpu.memory_space<vmem>> -> memref<64x129xf32, #tpu.memory_space<vmem>>
        tpu.vector_store_idx %parallel_loop3A_1017[%add3A_175, %parallel_loop3A_975], %parallel_loop3A_1013 : memref<64x129xf32, #tpu.memory_space<vmem>>[vector<16xi32>, vector<16xi32>], vector<16xf32>,
        %parallel_loop3A_1018 = tpu.vector_load_idx %arg11[%parallel_loop3A_974, %add3A_178] : memref<1000x64xf32, #tpu.memory_space<vmem>>[vector<16xi32>, vector<16xi32>], vector<16xf32>,
        %parallel_loop3A_1019 = arith.constant 0 : i32
        %parallel_loop3A_1020 = arith.constant 0 : i32
        %parallel_loop3A_1021 = tpu.memref_slice %arg10[%parallel_loop3A_387, %parallel_loop3A_1019, %parallel_loop3A_1020] : memref<2x128x64xf32, #tpu.memory_space<vmem>> -> memref<1x128x64xf32, #tpu.memory_space<vmem>>
        %parallel_loop3A_1022 = tpu.memref_squeeze %parallel_loop3A_1021 : memref<1x128x64xf32, #tpu.memory_space<vmem>> -> memref<128x64xf32, #tpu.memory_space<vmem>>
        %parallel_loop3A_1023 = arith.index_cast %parallel_loop3A_972 : i32 to index
        %parallel_loop3A_1024 = arith.constant 48 : index
        %parallel_loop3A_1025 = tpu.vector_load %parallel_loop3A_1022[%parallel_loop3A_1023, %parallel_loop3A_1024] {strides = array<i32>} : memref<128x64xf32, #tpu.memory_space<vmem>>, vector<16xf32>,
        %parallel_loop3A_1026 = arith.addf %parallel_loop3A_1025, %parallel_loop3A_1018 : vector<16xf32>
        %parallel_loop3A_1027 = arith.addf %parallel_loop3A_1026, %get3A_383 : vector<16xf32>
        %parallel_loop3A_1028 = arith.constant 0 : i32
        %parallel_loop3A_1029 = arith.constant 0 : i32
        %parallel_loop3A_1030 = tpu.memref_slice %arg13[%parallel_loop3A_388, %parallel_loop3A_1028, %parallel_loop3A_1029] : memref<2x64x129xf32, #tpu.memory_space<vmem>> -> memref<1x64x129xf32, #tpu.memory_space<vmem>>
        %parallel_loop3A_1031 = tpu.memref_squeeze %parallel_loop3A_1030 : memref<1x64x129xf32, #tpu.memory_space<vmem>> -> memref<64x129xf32, #tpu.memory_space<vmem>>
        tpu.vector_store_idx %parallel_loop3A_1031[%add3A_178, %parallel_loop3A_975], %parallel_loop3A_1027 : memref<64x129xf32, #tpu.memory_space<vmem>>[vector<16xi32>, vector<16xi32>], vector<16xf32>,
        %parallel_loop3A_1032 = arith.constant 16 : i32
        %parallel_loop3A_1033 = arith.muli %parallel_loop3A_646, %parallel_loop3A_1032 : i32
        %parallel_loop3A_1034 = arith.constant 6 : i32
        %parallel_loop3A_1035 = arith.addi %parallel_loop3A_1033, %parallel_loop3A_1034 : i32
        %parallel_loop3A_1036 = vector.shape_cast %broadcast_in_dim3A_191 : vector<16x1xi32> to vector<16xi32>
        %parallel_loop3A_1037 = tpu.dynamic_gather %parallel_loop3A_653[%parallel_loop3A_1036] in [0] : vector<16xi32>, vector<16xi32> -> vector<16xi32>
        %parallel_loop3A_1038 = vector.broadcast %parallel_loop3A_1035 : i32 to vector<16xi32>
        %parallel_loop3A_1039 = tpu.vector_load_idx %arg11[%parallel_loop3A_1037, %add3A_169] : memref<1000x64xf32, #tpu.memory_space<vmem>>[vector<16xi32>, vector<16xi32>], vector<16xf32>,
        %parallel_loop3A_1040 = arith.constant 0 : i32
        %parallel_loop3A_1041 = arith.constant 0 : i32
        %parallel_loop3A_1042 = tpu.memref_slice %arg10[%parallel_loop3A_387, %parallel_loop3A_1040, %parallel_loop3A_1041] : memref<2x128x64xf32, #tpu.memory_space<vmem>> -> memref<1x128x64xf32, #tpu.memory_space<vmem>>
        %parallel_loop3A_1043 = tpu.memref_squeeze %parallel_loop3A_1042 : memref<1x128x64xf32, #tpu.memory_space<vmem>> -> memref<128x64xf32, #tpu.memory_space<vmem>>
        %parallel_loop3A_1044 = arith.index_cast %parallel_loop3A_1035 : i32 to index
        %parallel_loop3A_1045 = arith.constant 0 : index
        %parallel_loop3A_1046 = tpu.vector_load %parallel_loop3A_1043[%parallel_loop3A_1044, %parallel_loop3A_1045] {strides = array<i32>} : memref<128x64xf32, #tpu.memory_space<vmem>>, vector<16xf32>,
        %parallel_loop3A_1047 = arith.addf %parallel_loop3A_1046, %parallel_loop3A_1039 : vector<16xf32>
        %parallel_loop3A_1048 = arith.addf %parallel_loop3A_1047, %get3A_368 : vector<16xf32>
        %parallel_loop3A_1049 = arith.constant 0 : i32
        %parallel_loop3A_1050 = arith.constant 0 : i32
        %parallel_loop3A_1051 = tpu.memref_slice %arg13[%parallel_loop3A_388, %parallel_loop3A_1049, %parallel_loop3A_1050] : memref<2x64x129xf32, #tpu.memory_space<vmem>> -> memref<1x64x129xf32, #tpu.memory_space<vmem>>
        %parallel_loop3A_1052 = tpu.memref_squeeze %parallel_loop3A_1051 : memref<1x64x129xf32, #tpu.memory_space<vmem>> -> memref<64x129xf32, #tpu.memory_space<vmem>>
        tpu.vector_store_idx %parallel_loop3A_1052[%add3A_169, %parallel_loop3A_1038], %parallel_loop3A_1048 : memref<64x129xf32, #tpu.memory_space<vmem>>[vector<16xi32>, vector<16xi32>], vector<16xf32>,
        %parallel_loop3A_1053 = tpu.vector_load_idx %arg11[%parallel_loop3A_1037, %add3A_172] : memref<1000x64xf32, #tpu.memory_space<vmem>>[vector<16xi32>, vector<16xi32>], vector<16xf32>,
        %parallel_loop3A_1054 = arith.constant 0 : i32
        %parallel_loop3A_1055 = arith.constant 0 : i32
        %parallel_loop3A_1056 = tpu.memref_slice %arg10[%parallel_loop3A_387, %parallel_loop3A_1054, %parallel_loop3A_1055] : memref<2x128x64xf32, #tpu.memory_space<vmem>> -> memref<1x128x64xf32, #tpu.memory_space<vmem>>
        %parallel_loop3A_1057 = tpu.memref_squeeze %parallel_loop3A_1056 : memref<1x128x64xf32, #tpu.memory_space<vmem>> -> memref<128x64xf32, #tpu.memory_space<vmem>>
        %parallel_loop3A_1058 = arith.index_cast %parallel_loop3A_1035 : i32 to index
        %parallel_loop3A_1059 = arith.constant 16 : index
        %parallel_loop3A_1060 = tpu.vector_load %parallel_loop3A_1057[%parallel_loop3A_1058, %parallel_loop3A_1059] {strides = array<i32>} : memref<128x64xf32, #tpu.memory_space<vmem>>, vector<16xf32>,
        %parallel_loop3A_1061 = arith.addf %parallel_loop3A_1060, %parallel_loop3A_1053 : vector<16xf32>
        %parallel_loop3A_1062 = arith.addf %parallel_loop3A_1061, %get3A_373 : vector<16xf32>
        %parallel_loop3A_1063 = arith.constant 0 : i32
        %parallel_loop3A_1064 = arith.constant 0 : i32
        %parallel_loop3A_1065 = tpu.memref_slice %arg13[%parallel_loop3A_388, %parallel_loop3A_1063, %parallel_loop3A_1064] : memref<2x64x129xf32, #tpu.memory_space<vmem>> -> memref<1x64x129xf32, #tpu.memory_space<vmem>>
        %parallel_loop3A_1066 = tpu.memref_squeeze %parallel_loop3A_1065 : memref<1x64x129xf32, #tpu.memory_space<vmem>> -> memref<64x129xf32, #tpu.memory_space<vmem>>
        tpu.vector_store_idx %parallel_loop3A_1066[%add3A_172, %parallel_loop3A_1038], %parallel_loop3A_1062 : memref<64x129xf32, #tpu.memory_space<vmem>>[vector<16xi32>, vector<16xi32>], vector<16xf32>,
        %parallel_loop3A_1067 = tpu.vector_load_idx %arg11[%parallel_loop3A_1037, %add3A_175] : memref<1000x64xf32, #tpu.memory_space<vmem>>[vector<16xi32>, vector<16xi32>], vector<16xf32>,
        %parallel_loop3A_1068 = arith.constant 0 : i32
        %parallel_loop3A_1069 = arith.constant 0 : i32
        %parallel_loop3A_1070 = tpu.memref_slice %arg10[%parallel_loop3A_387, %parallel_loop3A_1068, %parallel_loop3A_1069] : memref<2x128x64xf32, #tpu.memory_space<vmem>> -> memref<1x128x64xf32, #tpu.memory_space<vmem>>
        %parallel_loop3A_1071 = tpu.memref_squeeze %parallel_loop3A_1070 : memref<1x128x64xf32, #tpu.memory_space<vmem>> -> memref<128x64xf32, #tpu.memory_space<vmem>>
        %parallel_loop3A_1072 = arith.index_cast %parallel_loop3A_1035 : i32 to index
        %parallel_loop3A_1073 = arith.constant 32 : index
        %parallel_loop3A_1074 = tpu.vector_load %parallel_loop3A_1071[%parallel_loop3A_1072, %parallel_loop3A_1073] {strides = array<i32>} : memref<128x64xf32, #tpu.memory_space<vmem>>, vector<16xf32>,
        %parallel_loop3A_1075 = arith.addf %parallel_loop3A_1074, %parallel_loop3A_1067 : vector<16xf32>
        %parallel_loop3A_1076 = arith.addf %parallel_loop3A_1075, %get3A_378 : vector<16xf32>
        %parallel_loop3A_1077 = arith.constant 0 : i32
        %parallel_loop3A_1078 = arith.constant 0 : i32
        %parallel_loop3A_1079 = tpu.memref_slice %arg13[%parallel_loop3A_388, %parallel_loop3A_1077, %parallel_loop3A_1078] : memref<2x64x129xf32, #tpu.memory_space<vmem>> -> memref<1x64x129xf32, #tpu.memory_space<vmem>>
        %parallel_loop3A_1080 = tpu.memref_squeeze %parallel_loop3A_1079 : memref<1x64x129xf32, #tpu.memory_space<vmem>> -> memref<64x129xf32, #tpu.memory_space<vmem>>
        tpu.vector_store_idx %parallel_loop3A_1080[%add3A_175, %parallel_loop3A_1038], %parallel_loop3A_1076 : memref<64x129xf32, #tpu.memory_space<vmem>>[vector<16xi32>, vector<16xi32>], vector<16xf32>,
        %parallel_loop3A_1081 = tpu.vector_load_idx %arg11[%parallel_loop3A_1037, %add3A_178] : memref<1000x64xf32, #tpu.memory_space<vmem>>[vector<16xi32>, vector<16xi32>], vector<16xf32>,
        %parallel_loop3A_1082 = arith.constant 0 : i32
        %parallel_loop3A_1083 = arith.constant 0 : i32
        %parallel_loop3A_1084 = tpu.memref_slice %arg10[%parallel_loop3A_387, %parallel_loop3A_1082, %parallel_loop3A_1083] : memref<2x128x64xf32, #tpu.memory_space<vmem>> -> memref<1x128x64xf32, #tpu.memory_space<vmem>>
        %parallel_loop3A_1085 = tpu.memref_squeeze %parallel_loop3A_1084 : memref<1x128x64xf32, #tpu.memory_space<vmem>> -> memref<128x64xf32, #tpu.memory_space<vmem>>
        %parallel_loop3A_1086 = arith.index_cast %parallel_loop3A_1035 : i32 to index
        %parallel_loop3A_1087 = arith.constant 48 : index
        %parallel_loop3A_1088 = tpu.vector_load %parallel_loop3A_1085[%parallel_loop3A_1086, %parallel_loop3A_1087] {strides = array<i32>} : memref<128x64xf32, #tpu.memory_space<vmem>>, vector<16xf32>,
        %parallel_loop3A_1089 = arith.addf %parallel_loop3A_1088, %parallel_loop3A_1081 : vector<16xf32>
        %parallel_loop3A_1090 = arith.addf %parallel_loop3A_1089, %get3A_383 : vector<16xf32>
        %parallel_loop3A_1091 = arith.constant 0 : i32
        %parallel_loop3A_1092 = arith.constant 0 : i32
        %parallel_loop3A_1093 = tpu.memref_slice %arg13[%parallel_loop3A_388, %parallel_loop3A_1091, %parallel_loop3A_1092] : memref<2x64x129xf32, #tpu.memory_space<vmem>> -> memref<1x64x129xf32, #tpu.memory_space<vmem>>
        %parallel_loop3A_1094 = tpu.memref_squeeze %parallel_loop3A_1093 : memref<1x64x129xf32, #tpu.memory_space<vmem>> -> memref<64x129xf32, #tpu.memory_space<vmem>>
        tpu.vector_store_idx %parallel_loop3A_1094[%add3A_178, %parallel_loop3A_1038], %parallel_loop3A_1090 : memref<64x129xf32, #tpu.memory_space<vmem>>[vector<16xi32>, vector<16xi32>], vector<16xf32>,
        %parallel_loop3A_1095 = arith.constant 16 : i32
        %parallel_loop3A_1096 = arith.muli %parallel_loop3A_646, %parallel_loop3A_1095 : i32
        %parallel_loop3A_1097 = arith.constant 7 : i32
        %parallel_loop3A_1098 = arith.addi %parallel_loop3A_1096, %parallel_loop3A_1097 : i32
        %parallel_loop3A_1099 = vector.shape_cast %broadcast_in_dim3A_193 : vector<16x1xi32> to vector<16xi32>
        %parallel_loop3A_1100 = tpu.dynamic_gather %parallel_loop3A_653[%parallel_loop3A_1099] in [0] : vector<16xi32>, vector<16xi32> -> vector<16xi32>
        %parallel_loop3A_1101 = vector.broadcast %parallel_loop3A_1098 : i32 to vector<16xi32>
        %parallel_loop3A_1102 = tpu.vector_load_idx %arg11[%parallel_loop3A_1100, %add3A_169] : memref<1000x64xf32, #tpu.memory_space<vmem>>[vector<16xi32>, vector<16xi32>], vector<16xf32>,
        %parallel_loop3A_1103 = arith.constant 0 : i32
        %parallel_loop3A_1104 = arith.constant 0 : i32
        %parallel_loop3A_1105 = tpu.memref_slice %arg10[%parallel_loop3A_387, %parallel_loop3A_1103, %parallel_loop3A_1104] : memref<2x128x64xf32, #tpu.memory_space<vmem>> -> memref<1x128x64xf32, #tpu.memory_space<vmem>>
        %parallel_loop3A_1106 = tpu.memref_squeeze %parallel_loop3A_1105 : memref<1x128x64xf32, #tpu.memory_space<vmem>> -> memref<128x64xf32, #tpu.memory_space<vmem>>
        %parallel_loop3A_1107 = arith.index_cast %parallel_loop3A_1098 : i32 to index
        %parallel_loop3A_1108 = arith.constant 0 : index
        %parallel_loop3A_1109 = tpu.vector_load %parallel_loop3A_1106[%parallel_loop3A_1107, %parallel_loop3A_1108] {strides = array<i32>} : memref<128x64xf32, #tpu.memory_space<vmem>>, vector<16xf32>,
        %parallel_loop3A_1110 = arith.addf %parallel_loop3A_1109, %parallel_loop3A_1102 : vector<16xf32>
        %parallel_loop3A_1111 = arith.addf %parallel_loop3A_1110, %get3A_368 : vector<16xf32>
        %parallel_loop3A_1112 = arith.constant 0 : i32
        %parallel_loop3A_1113 = arith.constant 0 : i32
        %parallel_loop3A_1114 = tpu.memref_slice %arg13[%parallel_loop3A_388, %parallel_loop3A_1112, %parallel_loop3A_1113] : memref<2x64x129xf32, #tpu.memory_space<vmem>> -> memref<1x64x129xf32, #tpu.memory_space<vmem>>
        %parallel_loop3A_1115 = tpu.memref_squeeze %parallel_loop3A_1114 : memref<1x64x129xf32, #tpu.memory_space<vmem>> -> memref<64x129xf32, #tpu.memory_space<vmem>>
        tpu.vector_store_idx %parallel_loop3A_1115[%add3A_169, %parallel_loop3A_1101], %parallel_loop3A_1111 : memref<64x129xf32, #tpu.memory_space<vmem>>[vector<16xi32>, vector<16xi32>], vector<16xf32>,
        %parallel_loop3A_1116 = tpu.vector_load_idx %arg11[%parallel_loop3A_1100, %add3A_172] : memref<1000x64xf32, #tpu.memory_space<vmem>>[vector<16xi32>, vector<16xi32>], vector<16xf32>,
        %parallel_loop3A_1117 = arith.constant 0 : i32
        %parallel_loop3A_1118 = arith.constant 0 : i32
        %parallel_loop3A_1119 = tpu.memref_slice %arg10[%parallel_loop3A_387, %parallel_loop3A_1117, %parallel_loop3A_1118] : memref<2x128x64xf32, #tpu.memory_space<vmem>> -> memref<1x128x64xf32, #tpu.memory_space<vmem>>
        %parallel_loop3A_1120 = tpu.memref_squeeze %parallel_loop3A_1119 : memref<1x128x64xf32, #tpu.memory_space<vmem>> -> memref<128x64xf32, #tpu.memory_space<vmem>>
        %parallel_loop3A_1121 = arith.index_cast %parallel_loop3A_1098 : i32 to index
        %parallel_loop3A_1122 = arith.constant 16 : index
        %parallel_loop3A_1123 = tpu.vector_load %parallel_loop3A_1120[%parallel_loop3A_1121, %parallel_loop3A_1122] {strides = array<i32>} : memref<128x64xf32, #tpu.memory_space<vmem>>, vector<16xf32>,
        %parallel_loop3A_1124 = arith.addf %parallel_loop3A_1123, %parallel_loop3A_1116 : vector<16xf32>
        %parallel_loop3A_1125 = arith.addf %parallel_loop3A_1124, %get3A_373 : vector<16xf32>
        %parallel_loop3A_1126 = arith.constant 0 : i32
        %parallel_loop3A_1127 = arith.constant 0 : i32
        %parallel_loop3A_1128 = tpu.memref_slice %arg13[%parallel_loop3A_388, %parallel_loop3A_1126, %parallel_loop3A_1127] : memref<2x64x129xf32, #tpu.memory_space<vmem>> -> memref<1x64x129xf32, #tpu.memory_space<vmem>>
        %parallel_loop3A_1129 = tpu.memref_squeeze %parallel_loop3A_1128 : memref<1x64x129xf32, #tpu.memory_space<vmem>> -> memref<64x129xf32, #tpu.memory_space<vmem>>
        tpu.vector_store_idx %parallel_loop3A_1129[%add3A_172, %parallel_loop3A_1101], %parallel_loop3A_1125 : memref<64x129xf32, #tpu.memory_space<vmem>>[vector<16xi32>, vector<16xi32>], vector<16xf32>,
        %parallel_loop3A_1130 = tpu.vector_load_idx %arg11[%parallel_loop3A_1100, %add3A_175] : memref<1000x64xf32, #tpu.memory_space<vmem>>[vector<16xi32>, vector<16xi32>], vector<16xf32>,
        %parallel_loop3A_1131 = arith.constant 0 : i32
        %parallel_loop3A_1132 = arith.constant 0 : i32
        %parallel_loop3A_1133 = tpu.memref_slice %arg10[%parallel_loop3A_387, %parallel_loop3A_1131, %parallel_loop3A_1132] : memref<2x128x64xf32, #tpu.memory_space<vmem>> -> memref<1x128x64xf32, #tpu.memory_space<vmem>>
        %parallel_loop3A_1134 = tpu.memref_squeeze %parallel_loop3A_1133 : memref<1x128x64xf32, #tpu.memory_space<vmem>> -> memref<128x64xf32, #tpu.memory_space<vmem>>
        %parallel_loop3A_1135 = arith.index_cast %parallel_loop3A_1098 : i32 to index
        %parallel_loop3A_1136 = arith.constant 32 : index
        %parallel_loop3A_1137 = tpu.vector_load %parallel_loop3A_1134[%parallel_loop3A_1135, %parallel_loop3A_1136] {strides = array<i32>} : memref<128x64xf32, #tpu.memory_space<vmem>>, vector<16xf32>,
        %parallel_loop3A_1138 = arith.addf %parallel_loop3A_1137, %parallel_loop3A_1130 : vector<16xf32>
        %parallel_loop3A_1139 = arith.addf %parallel_loop3A_1138, %get3A_378 : vector<16xf32>
        %parallel_loop3A_1140 = arith.constant 0 : i32
        %parallel_loop3A_1141 = arith.constant 0 : i32
        %parallel_loop3A_1142 = tpu.memref_slice %arg13[%parallel_loop3A_388, %parallel_loop3A_1140, %parallel_loop3A_1141] : memref<2x64x129xf32, #tpu.memory_space<vmem>> -> memref<1x64x129xf32, #tpu.memory_space<vmem>>
        %parallel_loop3A_1143 = tpu.memref_squeeze %parallel_loop3A_1142 : memref<1x64x129xf32, #tpu.memory_space<vmem>> -> memref<64x129xf32, #tpu.memory_space<vmem>>
        tpu.vector_store_idx %parallel_loop3A_1143[%add3A_175, %parallel_loop3A_1101], %parallel_loop3A_1139 : memref<64x129xf32, #tpu.memory_space<vmem>>[vector<16xi32>, vector<16xi32>], vector<16xf32>,
        %parallel_loop3A_1144 = tpu.vector_load_idx %arg11[%parallel_loop3A_1100, %add3A_178] : memref<1000x64xf32, #tpu.memory_space<vmem>>[vector<16xi32>, vector<16xi32>], vector<16xf32>,
        %parallel_loop3A_1145 = arith.constant 0 : i32
        %parallel_loop3A_1146 = arith.constant 0 : i32
        %parallel_loop3A_1147 = tpu.memref_slice %arg10[%parallel_loop3A_387, %parallel_loop3A_1145, %parallel_loop3A_1146] : memref<2x128x64xf32, #tpu.memory_space<vmem>> -> memref<1x128x64xf32, #tpu.memory_space<vmem>>
        %parallel_loop3A_1148 = tpu.memref_squeeze %parallel_loop3A_1147 : memref<1x128x64xf32, #tpu.memory_space<vmem>> -> memref<128x64xf32, #tpu.memory_space<vmem>>
        %parallel_loop3A_1149 = arith.index_cast %parallel_loop3A_1098 : i32 to index
        %parallel_loop3A_1150 = arith.constant 48 : index
        %parallel_loop3A_1151 = tpu.vector_load %parallel_loop3A_1148[%parallel_loop3A_1149, %parallel_loop3A_1150] {strides = array<i32>} : memref<128x64xf32, #tpu.memory_space<vmem>>, vector<16xf32>,
        %parallel_loop3A_1152 = arith.addf %parallel_loop3A_1151, %parallel_loop3A_1144 : vector<16xf32>
        %parallel_loop3A_1153 = arith.addf %parallel_loop3A_1152, %get3A_383 : vector<16xf32>
        %parallel_loop3A_1154 = arith.constant 0 : i32
        %parallel_loop3A_1155 = arith.constant 0 : i32
        %parallel_loop3A_1156 = tpu.memref_slice %arg13[%parallel_loop3A_388, %parallel_loop3A_1154, %parallel_loop3A_1155] : memref<2x64x129xf32, #tpu.memory_space<vmem>> -> memref<1x64x129xf32, #tpu.memory_space<vmem>>
        %parallel_loop3A_1157 = tpu.memref_squeeze %parallel_loop3A_1156 : memref<1x64x129xf32, #tpu.memory_space<vmem>> -> memref<64x129xf32, #tpu.memory_space<vmem>>
        tpu.vector_store_idx %parallel_loop3A_1157[%add3A_178, %parallel_loop3A_1101], %parallel_loop3A_1153 : memref<64x129xf32, #tpu.memory_space<vmem>>[vector<16xi32>, vector<16xi32>], vector<16xf32>,
        %parallel_loop3A_1158 = arith.constant 16 : i32
        %parallel_loop3A_1159 = arith.muli %parallel_loop3A_646, %parallel_loop3A_1158 : i32
        %parallel_loop3A_1160 = arith.constant 8 : i32
        %parallel_loop3A_1161 = arith.addi %parallel_loop3A_1159, %parallel_loop3A_1160 : i32
        %parallel_loop3A_1162 = vector.shape_cast %broadcast_in_dim3A_195 : vector<16x1xi32> to vector<16xi32>
        %parallel_loop3A_1163 = tpu.dynamic_gather %parallel_loop3A_653[%parallel_loop3A_1162] in [0] : vector<16xi32>, vector<16xi32> -> vector<16xi32>
        %parallel_loop3A_1164 = vector.broadcast %parallel_loop3A_1161 : i32 to vector<16xi32>
        %parallel_loop3A_1165 = tpu.vector_load_idx %arg11[%parallel_loop3A_1163, %add3A_169] : memref<1000x64xf32, #tpu.memory_space<vmem>>[vector<16xi32>, vector<16xi32>], vector<16xf32>,
        %parallel_loop3A_1166 = arith.constant 0 : i32
        %parallel_loop3A_1167 = arith.constant 0 : i32
        %parallel_loop3A_1168 = tpu.memref_slice %arg10[%parallel_loop3A_387, %parallel_loop3A_1166, %parallel_loop3A_1167] : memref<2x128x64xf32, #tpu.memory_space<vmem>> -> memref<1x128x64xf32, #tpu.memory_space<vmem>>
        %parallel_loop3A_1169 = tpu.memref_squeeze %parallel_loop3A_1168 : memref<1x128x64xf32, #tpu.memory_space<vmem>> -> memref<128x64xf32, #tpu.memory_space<vmem>>
        %parallel_loop3A_1170 = arith.index_cast %parallel_loop3A_1161 : i32 to index
        %parallel_loop3A_1171 = arith.constant 0 : index
        %parallel_loop3A_1172 = tpu.vector_load %parallel_loop3A_1169[%parallel_loop3A_1170, %parallel_loop3A_1171] {strides = array<i32>} : memref<128x64xf32, #tpu.memory_space<vmem>>, vector<16xf32>,
        %parallel_loop3A_1173 = arith.addf %parallel_loop3A_1172, %parallel_loop3A_1165 : vector<16xf32>
        %parallel_loop3A_1174 = arith.addf %parallel_loop3A_1173, %get3A_368 : vector<16xf32>
        %parallel_loop3A_1175 = arith.constant 0 : i32
        %parallel_loop3A_1176 = arith.constant 0 : i32
        %parallel_loop3A_1177 = tpu.memref_slice %arg13[%parallel_loop3A_388, %parallel_loop3A_1175, %parallel_loop3A_1176] : memref<2x64x129xf32, #tpu.memory_space<vmem>> -> memref<1x64x129xf32, #tpu.memory_space<vmem>>
        %parallel_loop3A_1178 = tpu.memref_squeeze %parallel_loop3A_1177 : memref<1x64x129xf32, #tpu.memory_space<vmem>> -> memref<64x129xf32, #tpu.memory_space<vmem>>
        tpu.vector_store_idx %parallel_loop3A_1178[%add3A_169, %parallel_loop3A_1164], %parallel_loop3A_1174 : memref<64x129xf32, #tpu.memory_space<vmem>>[vector<16xi32>, vector<16xi32>], vector<16xf32>,
        %parallel_loop3A_1179 = tpu.vector_load_idx %arg11[%parallel_loop3A_1163, %add3A_172] : memref<1000x64xf32, #tpu.memory_space<vmem>>[vector<16xi32>, vector<16xi32>], vector<16xf32>,
        %parallel_loop3A_1180 = arith.constant 0 : i32
        %parallel_loop3A_1181 = arith.constant 0 : i32
        %parallel_loop3A_1182 = tpu.memref_slice %arg10[%parallel_loop3A_387, %parallel_loop3A_1180, %parallel_loop3A_1181] : memref<2x128x64xf32, #tpu.memory_space<vmem>> -> memref<1x128x64xf32, #tpu.memory_space<vmem>>
        %parallel_loop3A_1183 = tpu.memref_squeeze %parallel_loop3A_1182 : memref<1x128x64xf32, #tpu.memory_space<vmem>> -> memref<128x64xf32, #tpu.memory_space<vmem>>
        %parallel_loop3A_1184 = arith.index_cast %parallel_loop3A_1161 : i32 to index
        %parallel_loop3A_1185 = arith.constant 16 : index
        %parallel_loop3A_1186 = tpu.vector_load %parallel_loop3A_1183[%parallel_loop3A_1184, %parallel_loop3A_1185] {strides = array<i32>} : memref<128x64xf32, #tpu.memory_space<vmem>>, vector<16xf32>,
        %parallel_loop3A_1187 = arith.addf %parallel_loop3A_1186, %parallel_loop3A_1179 : vector<16xf32>
        %parallel_loop3A_1188 = arith.addf %parallel_loop3A_1187, %get3A_373 : vector<16xf32>
        %parallel_loop3A_1189 = arith.constant 0 : i32
        %parallel_loop3A_1190 = arith.constant 0 : i32
        %parallel_loop3A_1191 = tpu.memref_slice %arg13[%parallel_loop3A_388, %parallel_loop3A_1189, %parallel_loop3A_1190] : memref<2x64x129xf32, #tpu.memory_space<vmem>> -> memref<1x64x129xf32, #tpu.memory_space<vmem>>
        %parallel_loop3A_1192 = tpu.memref_squeeze %parallel_loop3A_1191 : memref<1x64x129xf32, #tpu.memory_space<vmem>> -> memref<64x129xf32, #tpu.memory_space<vmem>>
        tpu.vector_store_idx %parallel_loop3A_1192[%add3A_172, %parallel_loop3A_1164], %parallel_loop3A_1188 : memref<64x129xf32, #tpu.memory_space<vmem>>[vector<16xi32>, vector<16xi32>], vector<16xf32>,
        %parallel_loop3A_1193 = tpu.vector_load_idx %arg11[%parallel_loop3A_1163, %add3A_175] : memref<1000x64xf32, #tpu.memory_space<vmem>>[vector<16xi32>, vector<16xi32>], vector<16xf32>,
        %parallel_loop3A_1194 = arith.constant 0 : i32
        %parallel_loop3A_1195 = arith.constant 0 : i32
        %parallel_loop3A_1196 = tpu.memref_slice %arg10[%parallel_loop3A_387, %parallel_loop3A_1194, %parallel_loop3A_1195] : memref<2x128x64xf32, #tpu.memory_space<vmem>> -> memref<1x128x64xf32, #tpu.memory_space<vmem>>
        %parallel_loop3A_1197 = tpu.memref_squeeze %parallel_loop3A_1196 : memref<1x128x64xf32, #tpu.memory_space<vmem>> -> memref<128x64xf32, #tpu.memory_space<vmem>>
        %parallel_loop3A_1198 = arith.index_cast %parallel_loop3A_1161 : i32 to index
        %parallel_loop3A_1199 = arith.constant 32 : index
        %parallel_loop3A_1200 = tpu.vector_load %parallel_loop3A_1197[%parallel_loop3A_1198, %parallel_loop3A_1199] {strides = array<i32>} : memref<128x64xf32, #tpu.memory_space<vmem>>, vector<16xf32>,
        %parallel_loop3A_1201 = arith.addf %parallel_loop3A_1200, %parallel_loop3A_1193 : vector<16xf32>
        %parallel_loop3A_1202 = arith.addf %parallel_loop3A_1201, %get3A_378 : vector<16xf32>
        %parallel_loop3A_1203 = arith.constant 0 : i32
        %parallel_loop3A_1204 = arith.constant 0 : i32
        %parallel_loop3A_1205 = tpu.memref_slice %arg13[%parallel_loop3A_388, %parallel_loop3A_1203, %parallel_loop3A_1204] : memref<2x64x129xf32, #tpu.memory_space<vmem>> -> memref<1x64x129xf32, #tpu.memory_space<vmem>>
        %parallel_loop3A_1206 = tpu.memref_squeeze %parallel_loop3A_1205 : memref<1x64x129xf32, #tpu.memory_space<vmem>> -> memref<64x129xf32, #tpu.memory_space<vmem>>
        tpu.vector_store_idx %parallel_loop3A_1206[%add3A_175, %parallel_loop3A_1164], %parallel_loop3A_1202 : memref<64x129xf32, #tpu.memory_space<vmem>>[vector<16xi32>, vector<16xi32>], vector<16xf32>,
        %parallel_loop3A_1207 = tpu.vector_load_idx %arg11[%parallel_loop3A_1163, %add3A_178] : memref<1000x64xf32, #tpu.memory_space<vmem>>[vector<16xi32>, vector<16xi32>], vector<16xf32>,
        %parallel_loop3A_1208 = arith.constant 0 : i32
        %parallel_loop3A_1209 = arith.constant 0 : i32
        %parallel_loop3A_1210 = tpu.memref_slice %arg10[%parallel_loop3A_387, %parallel_loop3A_1208, %parallel_loop3A_1209] : memref<2x128x64xf32, #tpu.memory_space<vmem>> -> memref<1x128x64xf32, #tpu.memory_space<vmem>>
        %parallel_loop3A_1211 = tpu.memref_squeeze %parallel_loop3A_1210 : memref<1x128x64xf32, #tpu.memory_space<vmem>> -> memref<128x64xf32, #tpu.memory_space<vmem>>
        %parallel_loop3A_1212 = arith.index_cast %parallel_loop3A_1161 : i32 to index
        %parallel_loop3A_1213 = arith.constant 48 : index
        %parallel_loop3A_1214 = tpu.vector_load %parallel_loop3A_1211[%parallel_loop3A_1212, %parallel_loop3A_1213] {strides = array<i32>} : memref<128x64xf32, #tpu.memory_space<vmem>>, vector<16xf32>,
        %parallel_loop3A_1215 = arith.addf %parallel_loop3A_1214, %parallel_loop3A_1207 : vector<16xf32>
        %parallel_loop3A_1216 = arith.addf %parallel_loop3A_1215, %get3A_383 : vector<16xf32>
        %parallel_loop3A_1217 = arith.constant 0 : i32
        %parallel_loop3A_1218 = arith.constant 0 : i32
        %parallel_loop3A_1219 = tpu.memref_slice %arg13[%parallel_loop3A_388, %parallel_loop3A_1217, %parallel_loop3A_1218] : memref<2x64x129xf32, #tpu.memory_space<vmem>> -> memref<1x64x129xf32, #tpu.memory_space<vmem>>
        %parallel_loop3A_1220 = tpu.memref_squeeze %parallel_loop3A_1219 : memref<1x64x129xf32, #tpu.memory_space<vmem>> -> memref<64x129xf32, #tpu.memory_space<vmem>>
        tpu.vector_store_idx %parallel_loop3A_1220[%add3A_178, %parallel_loop3A_1164], %parallel_loop3A_1216 : memref<64x129xf32, #tpu.memory_space<vmem>>[vector<16xi32>, vector<16xi32>], vector<16xf32>,
        %parallel_loop3A_1221 = arith.constant 16 : i32
        %parallel_loop3A_1222 = arith.muli %parallel_loop3A_646, %parallel_loop3A_1221 : i32
        %parallel_loop3A_1223 = arith.constant 9 : i32
        %parallel_loop3A_1224 = arith.addi %parallel_loop3A_1222, %parallel_loop3A_1223 : i32
        %parallel_loop3A_1225 = vector.shape_cast %broadcast_in_dim3A_197 : vector<16x1xi32> to vector<16xi32>
        %parallel_loop3A_1226 = tpu.dynamic_gather %parallel_loop3A_653[%parallel_loop3A_1225] in [0] : vector<16xi32>, vector<16xi32> -> vector<16xi32>
        %parallel_loop3A_1227 = vector.broadcast %parallel_loop3A_1224 : i32 to vector<16xi32>
        %parallel_loop3A_1228 = tpu.vector_load_idx %arg11[%parallel_loop3A_1226, %add3A_169] : memref<1000x64xf32, #tpu.memory_space<vmem>>[vector<16xi32>, vector<16xi32>], vector<16xf32>,
        %parallel_loop3A_1229 = arith.constant 0 : i32
        %parallel_loop3A_1230 = arith.constant 0 : i32
        %parallel_loop3A_1231 = tpu.memref_slice %arg10[%parallel_loop3A_387, %parallel_loop3A_1229, %parallel_loop3A_1230] : memref<2x128x64xf32, #tpu.memory_space<vmem>> -> memref<1x128x64xf32, #tpu.memory_space<vmem>>
        %parallel_loop3A_1232 = tpu.memref_squeeze %parallel_loop3A_1231 : memref<1x128x64xf32, #tpu.memory_space<vmem>> -> memref<128x64xf32, #tpu.memory_space<vmem>>
        %parallel_loop3A_1233 = arith.index_cast %parallel_loop3A_1224 : i32 to index
        %parallel_loop3A_1234 = arith.constant 0 : index
        %parallel_loop3A_1235 = tpu.vector_load %parallel_loop3A_1232[%parallel_loop3A_1233, %parallel_loop3A_1234] {strides = array<i32>} : memref<128x64xf32, #tpu.memory_space<vmem>>, vector<16xf32>,
        %parallel_loop3A_1236 = arith.addf %parallel_loop3A_1235, %parallel_loop3A_1228 : vector<16xf32>
        %parallel_loop3A_1237 = arith.addf %parallel_loop3A_1236, %get3A_368 : vector<16xf32>
        %parallel_loop3A_1238 = arith.constant 0 : i32
        %parallel_loop3A_1239 = arith.constant 0 : i32
        %parallel_loop3A_1240 = tpu.memref_slice %arg13[%parallel_loop3A_388, %parallel_loop3A_1238, %parallel_loop3A_1239] : memref<2x64x129xf32, #tpu.memory_space<vmem>> -> memref<1x64x129xf32, #tpu.memory_space<vmem>>
        %parallel_loop3A_1241 = tpu.memref_squeeze %parallel_loop3A_1240 : memref<1x64x129xf32, #tpu.memory_space<vmem>> -> memref<64x129xf32, #tpu.memory_space<vmem>>
        tpu.vector_store_idx %parallel_loop3A_1241[%add3A_169, %parallel_loop3A_1227], %parallel_loop3A_1237 : memref<64x129xf32, #tpu.memory_space<vmem>>[vector<16xi32>, vector<16xi32>], vector<16xf32>,
        %parallel_loop3A_1242 = tpu.vector_load_idx %arg11[%parallel_loop3A_1226, %add3A_172] : memref<1000x64xf32, #tpu.memory_space<vmem>>[vector<16xi32>, vector<16xi32>], vector<16xf32>,
        %parallel_loop3A_1243 = arith.constant 0 : i32
        %parallel_loop3A_1244 = arith.constant 0 : i32
        %parallel_loop3A_1245 = tpu.memref_slice %arg10[%parallel_loop3A_387, %parallel_loop3A_1243, %parallel_loop3A_1244] : memref<2x128x64xf32, #tpu.memory_space<vmem>> -> memref<1x128x64xf32, #tpu.memory_space<vmem>>
        %parallel_loop3A_1246 = tpu.memref_squeeze %parallel_loop3A_1245 : memref<1x128x64xf32, #tpu.memory_space<vmem>> -> memref<128x64xf32, #tpu.memory_space<vmem>>
        %parallel_loop3A_1247 = arith.index_cast %parallel_loop3A_1224 : i32 to index
        %parallel_loop3A_1248 = arith.constant 16 : index
        %parallel_loop3A_1249 = tpu.vector_load %parallel_loop3A_1246[%parallel_loop3A_1247, %parallel_loop3A_1248] {strides = array<i32>} : memref<128x64xf32, #tpu.memory_space<vmem>>, vector<16xf32>,
        %parallel_loop3A_1250 = arith.addf %parallel_loop3A_1249, %parallel_loop3A_1242 : vector<16xf32>
        %parallel_loop3A_1251 = arith.addf %parallel_loop3A_1250, %get3A_373 : vector<16xf32>
        %parallel_loop3A_1252 = arith.constant 0 : i32
        %parallel_loop3A_1253 = arith.constant 0 : i32
        %parallel_loop3A_1254 = tpu.memref_slice %arg13[%parallel_loop3A_388, %parallel_loop3A_1252, %parallel_loop3A_1253] : memref<2x64x129xf32, #tpu.memory_space<vmem>> -> memref<1x64x129xf32, #tpu.memory_space<vmem>>
        %parallel_loop3A_1255 = tpu.memref_squeeze %parallel_loop3A_1254 : memref<1x64x129xf32, #tpu.memory_space<vmem>> -> memref<64x129xf32, #tpu.memory_space<vmem>>
        tpu.vector_store_idx %parallel_loop3A_1255[%add3A_172, %parallel_loop3A_1227], %parallel_loop3A_1251 : memref<64x129xf32, #tpu.memory_space<vmem>>[vector<16xi32>, vector<16xi32>], vector<16xf32>,
        %parallel_loop3A_1256 = tpu.vector_load_idx %arg11[%parallel_loop3A_1226, %add3A_175] : memref<1000x64xf32, #tpu.memory_space<vmem>>[vector<16xi32>, vector<16xi32>], vector<16xf32>,
        %parallel_loop3A_1257 = arith.constant 0 : i32
        %parallel_loop3A_1258 = arith.constant 0 : i32
        %parallel_loop3A_1259 = tpu.memref_slice %arg10[%parallel_loop3A_387, %parallel_loop3A_1257, %parallel_loop3A_1258] : memref<2x128x64xf32, #tpu.memory_space<vmem>> -> memref<1x128x64xf32, #tpu.memory_space<vmem>>
        %parallel_loop3A_1260 = tpu.memref_squeeze %parallel_loop3A_1259 : memref<1x128x64xf32, #tpu.memory_space<vmem>> -> memref<128x64xf32, #tpu.memory_space<vmem>>
        %parallel_loop3A_1261 = arith.index_cast %parallel_loop3A_1224 : i32 to index
        %parallel_loop3A_1262 = arith.constant 32 : index
        %parallel_loop3A_1263 = tpu.vector_load %parallel_loop3A_1260[%parallel_loop3A_1261, %parallel_loop3A_1262] {strides = array<i32>} : memref<128x64xf32, #tpu.memory_space<vmem>>, vector<16xf32>,
        %parallel_loop3A_1264 = arith.addf %parallel_loop3A_1263, %parallel_loop3A_1256 : vector<16xf32>
        %parallel_loop3A_1265 = arith.addf %parallel_loop3A_1264, %get3A_378 : vector<16xf32>
        %parallel_loop3A_1266 = arith.constant 0 : i32
        %parallel_loop3A_1267 = arith.constant 0 : i32
        %parallel_loop3A_1268 = tpu.memref_slice %arg13[%parallel_loop3A_388, %parallel_loop3A_1266, %parallel_loop3A_1267] : memref<2x64x129xf32, #tpu.memory_space<vmem>> -> memref<1x64x129xf32, #tpu.memory_space<vmem>>
        %parallel_loop3A_1269 = tpu.memref_squeeze %parallel_loop3A_1268 : memref<1x64x129xf32, #tpu.memory_space<vmem>> -> memref<64x129xf32, #tpu.memory_space<vmem>>
        tpu.vector_store_idx %parallel_loop3A_1269[%add3A_175, %parallel_loop3A_1227], %parallel_loop3A_1265 : memref<64x129xf32, #tpu.memory_space<vmem>>[vector<16xi32>, vector<16xi32>], vector<16xf32>,
        %parallel_loop3A_1270 = tpu.vector_load_idx %arg11[%parallel_loop3A_1226, %add3A_178] : memref<1000x64xf32, #tpu.memory_space<vmem>>[vector<16xi32>, vector<16xi32>], vector<16xf32>,
        %parallel_loop3A_1271 = arith.constant 0 : i32
        %parallel_loop3A_1272 = arith.constant 0 : i32
        %parallel_loop3A_1273 = tpu.memref_slice %arg10[%parallel_loop3A_387, %parallel_loop3A_1271, %parallel_loop3A_1272] : memref<2x128x64xf32, #tpu.memory_space<vmem>> -> memref<1x128x64xf32, #tpu.memory_space<vmem>>
        %parallel_loop3A_1274 = tpu.memref_squeeze %parallel_loop3A_1273 : memref<1x128x64xf32, #tpu.memory_space<vmem>> -> memref<128x64xf32, #tpu.memory_space<vmem>>
        %parallel_loop3A_1275 = arith.index_cast %parallel_loop3A_1224 : i32 to index
        %parallel_loop3A_1276 = arith.constant 48 : index
        %parallel_loop3A_1277 = tpu.vector_load %parallel_loop3A_1274[%parallel_loop3A_1275, %parallel_loop3A_1276] {strides = array<i32>} : memref<128x64xf32, #tpu.memory_space<vmem>>, vector<16xf32>,
        %parallel_loop3A_1278 = arith.addf %parallel_loop3A_1277, %parallel_loop3A_1270 : vector<16xf32>
        %parallel_loop3A_1279 = arith.addf %parallel_loop3A_1278, %get3A_383 : vector<16xf32>
        %parallel_loop3A_1280 = arith.constant 0 : i32
        %parallel_loop3A_1281 = arith.constant 0 : i32
        %parallel_loop3A_1282 = tpu.memref_slice %arg13[%parallel_loop3A_388, %parallel_loop3A_1280, %parallel_loop3A_1281] : memref<2x64x129xf32, #tpu.memory_space<vmem>> -> memref<1x64x129xf32, #tpu.memory_space<vmem>>
        %parallel_loop3A_1283 = tpu.memref_squeeze %parallel_loop3A_1282 : memref<1x64x129xf32, #tpu.memory_space<vmem>> -> memref<64x129xf32, #tpu.memory_space<vmem>>
        tpu.vector_store_idx %parallel_loop3A_1283[%add3A_178, %parallel_loop3A_1227], %parallel_loop3A_1279 : memref<64x129xf32, #tpu.memory_space<vmem>>[vector<16xi32>, vector<16xi32>], vector<16xf32>,
        %parallel_loop3A_1284 = arith.constant 16 : i32
        %parallel_loop3A_1285 = arith.muli %parallel_loop3A_646, %parallel_loop3A_1284 : i32
        %parallel_loop3A_1286 = arith.constant 10 : i32
        %parallel_loop3A_1287 = arith.addi %parallel_loop3A_1285, %parallel_loop3A_1286 : i32
        %parallel_loop3A_1288 = vector.shape_cast %broadcast_in_dim3A_199 : vector<16x1xi32> to vector<16xi32>
        %parallel_loop3A_1289 = tpu.dynamic_gather %parallel_loop3A_653[%parallel_loop3A_1288] in [0] : vector<16xi32>, vector<16xi32> -> vector<16xi32>
        %parallel_loop3A_1290 = vector.broadcast %parallel_loop3A_1287 : i32 to vector<16xi32>
        %parallel_loop3A_1291 = tpu.vector_load_idx %arg11[%parallel_loop3A_1289, %add3A_169] : memref<1000x64xf32, #tpu.memory_space<vmem>>[vector<16xi32>, vector<16xi32>], vector<16xf32>,
        %parallel_loop3A_1292 = arith.constant 0 : i32
        %parallel_loop3A_1293 = arith.constant 0 : i32
        %parallel_loop3A_1294 = tpu.memref_slice %arg10[%parallel_loop3A_387, %parallel_loop3A_1292, %parallel_loop3A_1293] : memref<2x128x64xf32, #tpu.memory_space<vmem>> -> memref<1x128x64xf32, #tpu.memory_space<vmem>>
        %parallel_loop3A_1295 = tpu.memref_squeeze %parallel_loop3A_1294 : memref<1x128x64xf32, #tpu.memory_space<vmem>> -> memref<128x64xf32, #tpu.memory_space<vmem>>
        %parallel_loop3A_1296 = arith.index_cast %parallel_loop3A_1287 : i32 to index
        %parallel_loop3A_1297 = arith.constant 0 : index
        %parallel_loop3A_1298 = tpu.vector_load %parallel_loop3A_1295[%parallel_loop3A_1296, %parallel_loop3A_1297] {strides = array<i32>} : memref<128x64xf32, #tpu.memory_space<vmem>>, vector<16xf32>,
        %parallel_loop3A_1299 = arith.addf %parallel_loop3A_1298, %parallel_loop3A_1291 : vector<16xf32>
        %parallel_loop3A_1300 = arith.addf %parallel_loop3A_1299, %get3A_368 : vector<16xf32>
        %parallel_loop3A_1301 = arith.constant 0 : i32
        %parallel_loop3A_1302 = arith.constant 0 : i32
        %parallel_loop3A_1303 = tpu.memref_slice %arg13[%parallel_loop3A_388, %parallel_loop3A_1301, %parallel_loop3A_1302] : memref<2x64x129xf32, #tpu.memory_space<vmem>> -> memref<1x64x129xf32, #tpu.memory_space<vmem>>
        %parallel_loop3A_1304 = tpu.memref_squeeze %parallel_loop3A_1303 : memref<1x64x129xf32, #tpu.memory_space<vmem>> -> memref<64x129xf32, #tpu.memory_space<vmem>>
        tpu.vector_store_idx %parallel_loop3A_1304[%add3A_169, %parallel_loop3A_1290], %parallel_loop3A_1300 : memref<64x129xf32, #tpu.memory_space<vmem>>[vector<16xi32>, vector<16xi32>], vector<16xf32>,
        %parallel_loop3A_1305 = tpu.vector_load_idx %arg11[%parallel_loop3A_1289, %add3A_172] : memref<1000x64xf32, #tpu.memory_space<vmem>>[vector<16xi32>, vector<16xi32>], vector<16xf32>,
        %parallel_loop3A_1306 = arith.constant 0 : i32
        %parallel_loop3A_1307 = arith.constant 0 : i32
        %parallel_loop3A_1308 = tpu.memref_slice %arg10[%parallel_loop3A_387, %parallel_loop3A_1306, %parallel_loop3A_1307] : memref<2x128x64xf32, #tpu.memory_space<vmem>> -> memref<1x128x64xf32, #tpu.memory_space<vmem>>
        %parallel_loop3A_1309 = tpu.memref_squeeze %parallel_loop3A_1308 : memref<1x128x64xf32, #tpu.memory_space<vmem>> -> memref<128x64xf32, #tpu.memory_space<vmem>>
        %parallel_loop3A_1310 = arith.index_cast %parallel_loop3A_1287 : i32 to index
        %parallel_loop3A_1311 = arith.constant 16 : index
        %parallel_loop3A_1312 = tpu.vector_load %parallel_loop3A_1309[%parallel_loop3A_1310, %parallel_loop3A_1311] {strides = array<i32>} : memref<128x64xf32, #tpu.memory_space<vmem>>, vector<16xf32>,
        %parallel_loop3A_1313 = arith.addf %parallel_loop3A_1312, %parallel_loop3A_1305 : vector<16xf32>
        %parallel_loop3A_1314 = arith.addf %parallel_loop3A_1313, %get3A_373 : vector<16xf32>
        %parallel_loop3A_1315 = arith.constant 0 : i32
        %parallel_loop3A_1316 = arith.constant 0 : i32
        %parallel_loop3A_1317 = tpu.memref_slice %arg13[%parallel_loop3A_388, %parallel_loop3A_1315, %parallel_loop3A_1316] : memref<2x64x129xf32, #tpu.memory_space<vmem>> -> memref<1x64x129xf32, #tpu.memory_space<vmem>>
        %parallel_loop3A_1318 = tpu.memref_squeeze %parallel_loop3A_1317 : memref<1x64x129xf32, #tpu.memory_space<vmem>> -> memref<64x129xf32, #tpu.memory_space<vmem>>
        tpu.vector_store_idx %parallel_loop3A_1318[%add3A_172, %parallel_loop3A_1290], %parallel_loop3A_1314 : memref<64x129xf32, #tpu.memory_space<vmem>>[vector<16xi32>, vector<16xi32>], vector<16xf32>,
        %parallel_loop3A_1319 = tpu.vector_load_idx %arg11[%parallel_loop3A_1289, %add3A_175] : memref<1000x64xf32, #tpu.memory_space<vmem>>[vector<16xi32>, vector<16xi32>], vector<16xf32>,
        %parallel_loop3A_1320 = arith.constant 0 : i32
        %parallel_loop3A_1321 = arith.constant 0 : i32
        %parallel_loop3A_1322 = tpu.memref_slice %arg10[%parallel_loop3A_387, %parallel_loop3A_1320, %parallel_loop3A_1321] : memref<2x128x64xf32, #tpu.memory_space<vmem>> -> memref<1x128x64xf32, #tpu.memory_space<vmem>>
        %parallel_loop3A_1323 = tpu.memref_squeeze %parallel_loop3A_1322 : memref<1x128x64xf32, #tpu.memory_space<vmem>> -> memref<128x64xf32, #tpu.memory_space<vmem>>
        %parallel_loop3A_1324 = arith.index_cast %parallel_loop3A_1287 : i32 to index
        %parallel_loop3A_1325 = arith.constant 32 : index
        %parallel_loop3A_1326 = tpu.vector_load %parallel_loop3A_1323[%parallel_loop3A_1324, %parallel_loop3A_1325] {strides = array<i32>} : memref<128x64xf32, #tpu.memory_space<vmem>>, vector<16xf32>,
        %parallel_loop3A_1327 = arith.addf %parallel_loop3A_1326, %parallel_loop3A_1319 : vector<16xf32>
        %parallel_loop3A_1328 = arith.addf %parallel_loop3A_1327, %get3A_378 : vector<16xf32>
        %parallel_loop3A_1329 = arith.constant 0 : i32
        %parallel_loop3A_1330 = arith.constant 0 : i32
        %parallel_loop3A_1331 = tpu.memref_slice %arg13[%parallel_loop3A_388, %parallel_loop3A_1329, %parallel_loop3A_1330] : memref<2x64x129xf32, #tpu.memory_space<vmem>> -> memref<1x64x129xf32, #tpu.memory_space<vmem>>
        %parallel_loop3A_1332 = tpu.memref_squeeze %parallel_loop3A_1331 : memref<1x64x129xf32, #tpu.memory_space<vmem>> -> memref<64x129xf32, #tpu.memory_space<vmem>>
        tpu.vector_store_idx %parallel_loop3A_1332[%add3A_175, %parallel_loop3A_1290], %parallel_loop3A_1328 : memref<64x129xf32, #tpu.memory_space<vmem>>[vector<16xi32>, vector<16xi32>], vector<16xf32>,
        %parallel_loop3A_1333 = tpu.vector_load_idx %arg11[%parallel_loop3A_1289, %add3A_178] : memref<1000x64xf32, #tpu.memory_space<vmem>>[vector<16xi32>, vector<16xi32>], vector<16xf32>,
        %parallel_loop3A_1334 = arith.constant 0 : i32
        %parallel_loop3A_1335 = arith.constant 0 : i32
        %parallel_loop3A_1336 = tpu.memref_slice %arg10[%parallel_loop3A_387, %parallel_loop3A_1334, %parallel_loop3A_1335] : memref<2x128x64xf32, #tpu.memory_space<vmem>> -> memref<1x128x64xf32, #tpu.memory_space<vmem>>
        %parallel_loop3A_1337 = tpu.memref_squeeze %parallel_loop3A_1336 : memref<1x128x64xf32, #tpu.memory_space<vmem>> -> memref<128x64xf32, #tpu.memory_space<vmem>>
        %parallel_loop3A_1338 = arith.index_cast %parallel_loop3A_1287 : i32 to index
        %parallel_loop3A_1339 = arith.constant 48 : index
        %parallel_loop3A_1340 = tpu.vector_load %parallel_loop3A_1337[%parallel_loop3A_1338, %parallel_loop3A_1339] {strides = array<i32>} : memref<128x64xf32, #tpu.memory_space<vmem>>, vector<16xf32>,
        %parallel_loop3A_1341 = arith.addf %parallel_loop3A_1340, %parallel_loop3A_1333 : vector<16xf32>
        %parallel_loop3A_1342 = arith.addf %parallel_loop3A_1341, %get3A_383 : vector<16xf32>
        %parallel_loop3A_1343 = arith.constant 0 : i32
        %parallel_loop3A_1344 = arith.constant 0 : i32
        %parallel_loop3A_1345 = tpu.memref_slice %arg13[%parallel_loop3A_388, %parallel_loop3A_1343, %parallel_loop3A_1344] : memref<2x64x129xf32, #tpu.memory_space<vmem>> -> memref<1x64x129xf32, #tpu.memory_space<vmem>>
        %parallel_loop3A_1346 = tpu.memref_squeeze %parallel_loop3A_1345 : memref<1x64x129xf32, #tpu.memory_space<vmem>> -> memref<64x129xf32, #tpu.memory_space<vmem>>
        tpu.vector_store_idx %parallel_loop3A_1346[%add3A_178, %parallel_loop3A_1290], %parallel_loop3A_1342 : memref<64x129xf32, #tpu.memory_space<vmem>>[vector<16xi32>, vector<16xi32>], vector<16xf32>,
        %parallel_loop3A_1347 = arith.constant 16 : i32
        %parallel_loop3A_1348 = arith.muli %parallel_loop3A_646, %parallel_loop3A_1347 : i32
        %parallel_loop3A_1349 = arith.constant 11 : i32
        %parallel_loop3A_1350 = arith.addi %parallel_loop3A_1348, %parallel_loop3A_1349 : i32
        %parallel_loop3A_1351 = vector.shape_cast %broadcast_in_dim3A_201 : vector<16x1xi32> to vector<16xi32>
        %parallel_loop3A_1352 = tpu.dynamic_gather %parallel_loop3A_653[%parallel_loop3A_1351] in [0] : vector<16xi32>, vector<16xi32> -> vector<16xi32>
        %parallel_loop3A_1353 = vector.broadcast %parallel_loop3A_1350 : i32 to vector<16xi32>
        %parallel_loop3A_1354 = tpu.vector_load_idx %arg11[%parallel_loop3A_1352, %add3A_169] : memref<1000x64xf32, #tpu.memory_space<vmem>>[vector<16xi32>, vector<16xi32>], vector<16xf32>,
        %parallel_loop3A_1355 = arith.constant 0 : i32
        %parallel_loop3A_1356 = arith.constant 0 : i32
        %parallel_loop3A_1357 = tpu.memref_slice %arg10[%parallel_loop3A_387, %parallel_loop3A_1355, %parallel_loop3A_1356] : memref<2x128x64xf32, #tpu.memory_space<vmem>> -> memref<1x128x64xf32, #tpu.memory_space<vmem>>
        %parallel_loop3A_1358 = tpu.memref_squeeze %parallel_loop3A_1357 : memref<1x128x64xf32, #tpu.memory_space<vmem>> -> memref<128x64xf32, #tpu.memory_space<vmem>>
        %parallel_loop3A_1359 = arith.index_cast %parallel_loop3A_1350 : i32 to index
        %parallel_loop3A_1360 = arith.constant 0 : index
        %parallel_loop3A_1361 = tpu.vector_load %parallel_loop3A_1358[%parallel_loop3A_1359, %parallel_loop3A_1360] {strides = array<i32>} : memref<128x64xf32, #tpu.memory_space<vmem>>, vector<16xf32>,
        %parallel_loop3A_1362 = arith.addf %parallel_loop3A_1361, %parallel_loop3A_1354 : vector<16xf32>
        %parallel_loop3A_1363 = arith.addf %parallel_loop3A_1362, %get3A_368 : vector<16xf32>
        %parallel_loop3A_1364 = arith.constant 0 : i32
        %parallel_loop3A_1365 = arith.constant 0 : i32
        %parallel_loop3A_1366 = tpu.memref_slice %arg13[%parallel_loop3A_388, %parallel_loop3A_1364, %parallel_loop3A_1365] : memref<2x64x129xf32, #tpu.memory_space<vmem>> -> memref<1x64x129xf32, #tpu.memory_space<vmem>>
        %parallel_loop3A_1367 = tpu.memref_squeeze %parallel_loop3A_1366 : memref<1x64x129xf32, #tpu.memory_space<vmem>> -> memref<64x129xf32, #tpu.memory_space<vmem>>
        tpu.vector_store_idx %parallel_loop3A_1367[%add3A_169, %parallel_loop3A_1353], %parallel_loop3A_1363 : memref<64x129xf32, #tpu.memory_space<vmem>>[vector<16xi32>, vector<16xi32>], vector<16xf32>,
        %parallel_loop3A_1368 = tpu.vector_load_idx %arg11[%parallel_loop3A_1352, %add3A_172] : memref<1000x64xf32, #tpu.memory_space<vmem>>[vector<16xi32>, vector<16xi32>], vector<16xf32>,
        %parallel_loop3A_1369 = arith.constant 0 : i32
        %parallel_loop3A_1370 = arith.constant 0 : i32
        %parallel_loop3A_1371 = tpu.memref_slice %arg10[%parallel_loop3A_387, %parallel_loop3A_1369, %parallel_loop3A_1370] : memref<2x128x64xf32, #tpu.memory_space<vmem>> -> memref<1x128x64xf32, #tpu.memory_space<vmem>>
        %parallel_loop3A_1372 = tpu.memref_squeeze %parallel_loop3A_1371 : memref<1x128x64xf32, #tpu.memory_space<vmem>> -> memref<128x64xf32, #tpu.memory_space<vmem>>
        %parallel_loop3A_1373 = arith.index_cast %parallel_loop3A_1350 : i32 to index
        %parallel_loop3A_1374 = arith.constant 16 : index
        %parallel_loop3A_1375 = tpu.vector_load %parallel_loop3A_1372[%parallel_loop3A_1373, %parallel_loop3A_1374] {strides = array<i32>} : memref<128x64xf32, #tpu.memory_space<vmem>>, vector<16xf32>,
        %parallel_loop3A_1376 = arith.addf %parallel_loop3A_1375, %parallel_loop3A_1368 : vector<16xf32>
        %parallel_loop3A_1377 = arith.addf %parallel_loop3A_1376, %get3A_373 : vector<16xf32>
        %parallel_loop3A_1378 = arith.constant 0 : i32
        %parallel_loop3A_1379 = arith.constant 0 : i32
        %parallel_loop3A_1380 = tpu.memref_slice %arg13[%parallel_loop3A_388, %parallel_loop3A_1378, %parallel_loop3A_1379] : memref<2x64x129xf32, #tpu.memory_space<vmem>> -> memref<1x64x129xf32, #tpu.memory_space<vmem>>
        %parallel_loop3A_1381 = tpu.memref_squeeze %parallel_loop3A_1380 : memref<1x64x129xf32, #tpu.memory_space<vmem>> -> memref<64x129xf32, #tpu.memory_space<vmem>>
        tpu.vector_store_idx %parallel_loop3A_1381[%add3A_172, %parallel_loop3A_1353], %parallel_loop3A_1377 : memref<64x129xf32, #tpu.memory_space<vmem>>[vector<16xi32>, vector<16xi32>], vector<16xf32>,
        %parallel_loop3A_1382 = tpu.vector_load_idx %arg11[%parallel_loop3A_1352, %add3A_175] : memref<1000x64xf32, #tpu.memory_space<vmem>>[vector<16xi32>, vector<16xi32>], vector<16xf32>,
        %parallel_loop3A_1383 = arith.constant 0 : i32
        %parallel_loop3A_1384 = arith.constant 0 : i32
        %parallel_loop3A_1385 = tpu.memref_slice %arg10[%parallel_loop3A_387, %parallel_loop3A_1383, %parallel_loop3A_1384] : memref<2x128x64xf32, #tpu.memory_space<vmem>> -> memref<1x128x64xf32, #tpu.memory_space<vmem>>
        %parallel_loop3A_1386 = tpu.memref_squeeze %parallel_loop3A_1385 : memref<1x128x64xf32, #tpu.memory_space<vmem>> -> memref<128x64xf32, #tpu.memory_space<vmem>>
        %parallel_loop3A_1387 = arith.index_cast %parallel_loop3A_1350 : i32 to index
        %parallel_loop3A_1388 = arith.constant 32 : index
        %parallel_loop3A_1389 = tpu.vector_load %parallel_loop3A_1386[%parallel_loop3A_1387, %parallel_loop3A_1388] {strides = array<i32>} : memref<128x64xf32, #tpu.memory_space<vmem>>, vector<16xf32>,
        %parallel_loop3A_1390 = arith.addf %parallel_loop3A_1389, %parallel_loop3A_1382 : vector<16xf32>
        %parallel_loop3A_1391 = arith.addf %parallel_loop3A_1390, %get3A_378 : vector<16xf32>
        %parallel_loop3A_1392 = arith.constant 0 : i32
        %parallel_loop3A_1393 = arith.constant 0 : i32
        %parallel_loop3A_1394 = tpu.memref_slice %arg13[%parallel_loop3A_388, %parallel_loop3A_1392, %parallel_loop3A_1393] : memref<2x64x129xf32, #tpu.memory_space<vmem>> -> memref<1x64x129xf32, #tpu.memory_space<vmem>>
        %parallel_loop3A_1395 = tpu.memref_squeeze %parallel_loop3A_1394 : memref<1x64x129xf32, #tpu.memory_space<vmem>> -> memref<64x129xf32, #tpu.memory_space<vmem>>
        tpu.vector_store_idx %parallel_loop3A_1395[%add3A_175, %parallel_loop3A_1353], %parallel_loop3A_1391 : memref<64x129xf32, #tpu.memory_space<vmem>>[vector<16xi32>, vector<16xi32>], vector<16xf32>,
        %parallel_loop3A_1396 = tpu.vector_load_idx %arg11[%parallel_loop3A_1352, %add3A_178] : memref<1000x64xf32, #tpu.memory_space<vmem>>[vector<16xi32>, vector<16xi32>], vector<16xf32>,
        %parallel_loop3A_1397 = arith.constant 0 : i32
        %parallel_loop3A_1398 = arith.constant 0 : i32
        %parallel_loop3A_1399 = tpu.memref_slice %arg10[%parallel_loop3A_387, %parallel_loop3A_1397, %parallel_loop3A_1398] : memref<2x128x64xf32, #tpu.memory_space<vmem>> -> memref<1x128x64xf32, #tpu.memory_space<vmem>>
        %parallel_loop3A_1400 = tpu.memref_squeeze %parallel_loop3A_1399 : memref<1x128x64xf32, #tpu.memory_space<vmem>> -> memref<128x64xf32, #tpu.memory_space<vmem>>
        %parallel_loop3A_1401 = arith.index_cast %parallel_loop3A_1350 : i32 to index
        %parallel_loop3A_1402 = arith.constant 48 : index
        %parallel_loop3A_1403 = tpu.vector_load %parallel_loop3A_1400[%parallel_loop3A_1401, %parallel_loop3A_1402] {strides = array<i32>} : memref<128x64xf32, #tpu.memory_space<vmem>>, vector<16xf32>,
        %parallel_loop3A_1404 = arith.addf %parallel_loop3A_1403, %parallel_loop3A_1396 : vector<16xf32>
        %parallel_loop3A_1405 = arith.addf %parallel_loop3A_1404, %get3A_383 : vector<16xf32>
        %parallel_loop3A_1406 = arith.constant 0 : i32
        %parallel_loop3A_1407 = arith.constant 0 : i32
        %parallel_loop3A_1408 = tpu.memref_slice %arg13[%parallel_loop3A_388, %parallel_loop3A_1406, %parallel_loop3A_1407] : memref<2x64x129xf32, #tpu.memory_space<vmem>> -> memref<1x64x129xf32, #tpu.memory_space<vmem>>
        %parallel_loop3A_1409 = tpu.memref_squeeze %parallel_loop3A_1408 : memref<1x64x129xf32, #tpu.memory_space<vmem>> -> memref<64x129xf32, #tpu.memory_space<vmem>>
        tpu.vector_store_idx %parallel_loop3A_1409[%add3A_178, %parallel_loop3A_1353], %parallel_loop3A_1405 : memref<64x129xf32, #tpu.memory_space<vmem>>[vector<16xi32>, vector<16xi32>], vector<16xf32>,
        %parallel_loop3A_1410 = arith.constant 16 : i32
        %parallel_loop3A_1411 = arith.muli %parallel_loop3A_646, %parallel_loop3A_1410 : i32
        %parallel_loop3A_1412 = arith.constant 12 : i32
        %parallel_loop3A_1413 = arith.addi %parallel_loop3A_1411, %parallel_loop3A_1412 : i32
        %parallel_loop3A_1414 = vector.shape_cast %broadcast_in_dim3A_203 : vector<16x1xi32> to vector<16xi32>
        %parallel_loop3A_1415 = tpu.dynamic_gather %parallel_loop3A_653[%parallel_loop3A_1414] in [0] : vector<16xi32>, vector<16xi32> -> vector<16xi32>
        %parallel_loop3A_1416 = vector.broadcast %parallel_loop3A_1413 : i32 to vector<16xi32>
        %parallel_loop3A_1417 = tpu.vector_load_idx %arg11[%parallel_loop3A_1415, %add3A_169] : memref<1000x64xf32, #tpu.memory_space<vmem>>[vector<16xi32>, vector<16xi32>], vector<16xf32>,
        %parallel_loop3A_1418 = arith.constant 0 : i32
        %parallel_loop3A_1419 = arith.constant 0 : i32
        %parallel_loop3A_1420 = tpu.memref_slice %arg10[%parallel_loop3A_387, %parallel_loop3A_1418, %parallel_loop3A_1419] : memref<2x128x64xf32, #tpu.memory_space<vmem>> -> memref<1x128x64xf32, #tpu.memory_space<vmem>>
        %parallel_loop3A_1421 = tpu.memref_squeeze %parallel_loop3A_1420 : memref<1x128x64xf32, #tpu.memory_space<vmem>> -> memref<128x64xf32, #tpu.memory_space<vmem>>
        %parallel_loop3A_1422 = arith.index_cast %parallel_loop3A_1413 : i32 to index
        %parallel_loop3A_1423 = arith.constant 0 : index
        %parallel_loop3A_1424 = tpu.vector_load %parallel_loop3A_1421[%parallel_loop3A_1422, %parallel_loop3A_1423] {strides = array<i32>} : memref<128x64xf32, #tpu.memory_space<vmem>>, vector<16xf32>,
        %parallel_loop3A_1425 = arith.addf %parallel_loop3A_1424, %parallel_loop3A_1417 : vector<16xf32>
        %parallel_loop3A_1426 = arith.addf %parallel_loop3A_1425, %get3A_368 : vector<16xf32>
        %parallel_loop3A_1427 = arith.constant 0 : i32
        %parallel_loop3A_1428 = arith.constant 0 : i32
        %parallel_loop3A_1429 = tpu.memref_slice %arg13[%parallel_loop3A_388, %parallel_loop3A_1427, %parallel_loop3A_1428] : memref<2x64x129xf32, #tpu.memory_space<vmem>> -> memref<1x64x129xf32, #tpu.memory_space<vmem>>
        %parallel_loop3A_1430 = tpu.memref_squeeze %parallel_loop3A_1429 : memref<1x64x129xf32, #tpu.memory_space<vmem>> -> memref<64x129xf32, #tpu.memory_space<vmem>>
        tpu.vector_store_idx %parallel_loop3A_1430[%add3A_169, %parallel_loop3A_1416], %parallel_loop3A_1426 : memref<64x129xf32, #tpu.memory_space<vmem>>[vector<16xi32>, vector<16xi32>], vector<16xf32>,
        %parallel_loop3A_1431 = tpu.vector_load_idx %arg11[%parallel_loop3A_1415, %add3A_172] : memref<1000x64xf32, #tpu.memory_space<vmem>>[vector<16xi32>, vector<16xi32>], vector<16xf32>,
        %parallel_loop3A_1432 = arith.constant 0 : i32
        %parallel_loop3A_1433 = arith.constant 0 : i32
        %parallel_loop3A_1434 = tpu.memref_slice %arg10[%parallel_loop3A_387, %parallel_loop3A_1432, %parallel_loop3A_1433] : memref<2x128x64xf32, #tpu.memory_space<vmem>> -> memref<1x128x64xf32, #tpu.memory_space<vmem>>
        %parallel_loop3A_1435 = tpu.memref_squeeze %parallel_loop3A_1434 : memref<1x128x64xf32, #tpu.memory_space<vmem>> -> memref<128x64xf32, #tpu.memory_space<vmem>>
        %parallel_loop3A_1436 = arith.index_cast %parallel_loop3A_1413 : i32 to index
        %parallel_loop3A_1437 = arith.constant 16 : index
        %parallel_loop3A_1438 = tpu.vector_load %parallel_loop3A_1435[%parallel_loop3A_1436, %parallel_loop3A_1437] {strides = array<i32>} : memref<128x64xf32, #tpu.memory_space<vmem>>, vector<16xf32>,
        %parallel_loop3A_1439 = arith.addf %parallel_loop3A_1438, %parallel_loop3A_1431 : vector<16xf32>
        %parallel_loop3A_1440 = arith.addf %parallel_loop3A_1439, %get3A_373 : vector<16xf32>
        %parallel_loop3A_1441 = arith.constant 0 : i32
        %parallel_loop3A_1442 = arith.constant 0 : i32
        %parallel_loop3A_1443 = tpu.memref_slice %arg13[%parallel_loop3A_388, %parallel_loop3A_1441, %parallel_loop3A_1442] : memref<2x64x129xf32, #tpu.memory_space<vmem>> -> memref<1x64x129xf32, #tpu.memory_space<vmem>>
        %parallel_loop3A_1444 = tpu.memref_squeeze %parallel_loop3A_1443 : memref<1x64x129xf32, #tpu.memory_space<vmem>> -> memref<64x129xf32, #tpu.memory_space<vmem>>
        tpu.vector_store_idx %parallel_loop3A_1444[%add3A_172, %parallel_loop3A_1416], %parallel_loop3A_1440 : memref<64x129xf32, #tpu.memory_space<vmem>>[vector<16xi32>, vector<16xi32>], vector<16xf32>,
        %parallel_loop3A_1445 = tpu.vector_load_idx %arg11[%parallel_loop3A_1415, %add3A_175] : memref<1000x64xf32, #tpu.memory_space<vmem>>[vector<16xi32>, vector<16xi32>], vector<16xf32>,
        %parallel_loop3A_1446 = arith.constant 0 : i32
        %parallel_loop3A_1447 = arith.constant 0 : i32
        %parallel_loop3A_1448 = tpu.memref_slice %arg10[%parallel_loop3A_387, %parallel_loop3A_1446, %parallel_loop3A_1447] : memref<2x128x64xf32, #tpu.memory_space<vmem>> -> memref<1x128x64xf32, #tpu.memory_space<vmem>>
        %parallel_loop3A_1449 = tpu.memref_squeeze %parallel_loop3A_1448 : memref<1x128x64xf32, #tpu.memory_space<vmem>> -> memref<128x64xf32, #tpu.memory_space<vmem>>
        %parallel_loop3A_1450 = arith.index_cast %parallel_loop3A_1413 : i32 to index
        %parallel_loop3A_1451 = arith.constant 32 : index
        %parallel_loop3A_1452 = tpu.vector_load %parallel_loop3A_1449[%parallel_loop3A_1450, %parallel_loop3A_1451] {strides = array<i32>} : memref<128x64xf32, #tpu.memory_space<vmem>>, vector<16xf32>,
        %parallel_loop3A_1453 = arith.addf %parallel_loop3A_1452, %parallel_loop3A_1445 : vector<16xf32>
        %parallel_loop3A_1454 = arith.addf %parallel_loop3A_1453, %get3A_378 : vector<16xf32>
        %parallel_loop3A_1455 = arith.constant 0 : i32
        %parallel_loop3A_1456 = arith.constant 0 : i32
        %parallel_loop3A_1457 = tpu.memref_slice %arg13[%parallel_loop3A_388, %parallel_loop3A_1455, %parallel_loop3A_1456] : memref<2x64x129xf32, #tpu.memory_space<vmem>> -> memref<1x64x129xf32, #tpu.memory_space<vmem>>
        %parallel_loop3A_1458 = tpu.memref_squeeze %parallel_loop3A_1457 : memref<1x64x129xf32, #tpu.memory_space<vmem>> -> memref<64x129xf32, #tpu.memory_space<vmem>>
        tpu.vector_store_idx %parallel_loop3A_1458[%add3A_175, %parallel_loop3A_1416], %parallel_loop3A_1454 : memref<64x129xf32, #tpu.memory_space<vmem>>[vector<16xi32>, vector<16xi32>], vector<16xf32>,
        %parallel_loop3A_1459 = tpu.vector_load_idx %arg11[%parallel_loop3A_1415, %add3A_178] : memref<1000x64xf32, #tpu.memory_space<vmem>>[vector<16xi32>, vector<16xi32>], vector<16xf32>,
        %parallel_loop3A_1460 = arith.constant 0 : i32
        %parallel_loop3A_1461 = arith.constant 0 : i32
        %parallel_loop3A_1462 = tpu.memref_slice %arg10[%parallel_loop3A_387, %parallel_loop3A_1460, %parallel_loop3A_1461] : memref<2x128x64xf32, #tpu.memory_space<vmem>> -> memref<1x128x64xf32, #tpu.memory_space<vmem>>
        %parallel_loop3A_1463 = tpu.memref_squeeze %parallel_loop3A_1462 : memref<1x128x64xf32, #tpu.memory_space<vmem>> -> memref<128x64xf32, #tpu.memory_space<vmem>>
        %parallel_loop3A_1464 = arith.index_cast %parallel_loop3A_1413 : i32 to index
        %parallel_loop3A_1465 = arith.constant 48 : index
        %parallel_loop3A_1466 = tpu.vector_load %parallel_loop3A_1463[%parallel_loop3A_1464, %parallel_loop3A_1465] {strides = array<i32>} : memref<128x64xf32, #tpu.memory_space<vmem>>, vector<16xf32>,
        %parallel_loop3A_1467 = arith.addf %parallel_loop3A_1466, %parallel_loop3A_1459 : vector<16xf32>
        %parallel_loop3A_1468 = arith.addf %parallel_loop3A_1467, %get3A_383 : vector<16xf32>
        %parallel_loop3A_1469 = arith.constant 0 : i32
        %parallel_loop3A_1470 = arith.constant 0 : i32
        %parallel_loop3A_1471 = tpu.memref_slice %arg13[%parallel_loop3A_388, %parallel_loop3A_1469, %parallel_loop3A_1470] : memref<2x64x129xf32, #tpu.memory_space<vmem>> -> memref<1x64x129xf32, #tpu.memory_space<vmem>>
        %parallel_loop3A_1472 = tpu.memref_squeeze %parallel_loop3A_1471 : memref<1x64x129xf32, #tpu.memory_space<vmem>> -> memref<64x129xf32, #tpu.memory_space<vmem>>
        tpu.vector_store_idx %parallel_loop3A_1472[%add3A_178, %parallel_loop3A_1416], %parallel_loop3A_1468 : memref<64x129xf32, #tpu.memory_space<vmem>>[vector<16xi32>, vector<16xi32>], vector<16xf32>,
        %parallel_loop3A_1473 = arith.constant 16 : i32
        %parallel_loop3A_1474 = arith.muli %parallel_loop3A_646, %parallel_loop3A_1473 : i32
        %parallel_loop3A_1475 = arith.constant 13 : i32
        %parallel_loop3A_1476 = arith.addi %parallel_loop3A_1474, %parallel_loop3A_1475 : i32
        %parallel_loop3A_1477 = vector.shape_cast %broadcast_in_dim3A_205 : vector<16x1xi32> to vector<16xi32>
        %parallel_loop3A_1478 = tpu.dynamic_gather %parallel_loop3A_653[%parallel_loop3A_1477] in [0] : vector<16xi32>, vector<16xi32> -> vector<16xi32>
        %parallel_loop3A_1479 = vector.broadcast %parallel_loop3A_1476 : i32 to vector<16xi32>
        %parallel_loop3A_1480 = tpu.vector_load_idx %arg11[%parallel_loop3A_1478, %add3A_169] : memref<1000x64xf32, #tpu.memory_space<vmem>>[vector<16xi32>, vector<16xi32>], vector<16xf32>,
        %parallel_loop3A_1481 = arith.constant 0 : i32
        %parallel_loop3A_1482 = arith.constant 0 : i32
        %parallel_loop3A_1483 = tpu.memref_slice %arg10[%parallel_loop3A_387, %parallel_loop3A_1481, %parallel_loop3A_1482] : memref<2x128x64xf32, #tpu.memory_space<vmem>> -> memref<1x128x64xf32, #tpu.memory_space<vmem>>
        %parallel_loop3A_1484 = tpu.memref_squeeze %parallel_loop3A_1483 : memref<1x128x64xf32, #tpu.memory_space<vmem>> -> memref<128x64xf32, #tpu.memory_space<vmem>>
        %parallel_loop3A_1485 = arith.index_cast %parallel_loop3A_1476 : i32 to index
        %parallel_loop3A_1486 = arith.constant 0 : index
        %parallel_loop3A_1487 = tpu.vector_load %parallel_loop3A_1484[%parallel_loop3A_1485, %parallel_loop3A_1486] {strides = array<i32>} : memref<128x64xf32, #tpu.memory_space<vmem>>, vector<16xf32>,
        %parallel_loop3A_1488 = arith.addf %parallel_loop3A_1487, %parallel_loop3A_1480 : vector<16xf32>
        %parallel_loop3A_1489 = arith.addf %parallel_loop3A_1488, %get3A_368 : vector<16xf32>
        %parallel_loop3A_1490 = arith.constant 0 : i32
        %parallel_loop3A_1491 = arith.constant 0 : i32
        %parallel_loop3A_1492 = tpu.memref_slice %arg13[%parallel_loop3A_388, %parallel_loop3A_1490, %parallel_loop3A_1491] : memref<2x64x129xf32, #tpu.memory_space<vmem>> -> memref<1x64x129xf32, #tpu.memory_space<vmem>>
        %parallel_loop3A_1493 = tpu.memref_squeeze %parallel_loop3A_1492 : memref<1x64x129xf32, #tpu.memory_space<vmem>> -> memref<64x129xf32, #tpu.memory_space<vmem>>
        tpu.vector_store_idx %parallel_loop3A_1493[%add3A_169, %parallel_loop3A_1479], %parallel_loop3A_1489 : memref<64x129xf32, #tpu.memory_space<vmem>>[vector<16xi32>, vector<16xi32>], vector<16xf32>,
        %parallel_loop3A_1494 = tpu.vector_load_idx %arg11[%parallel_loop3A_1478, %add3A_172] : memref<1000x64xf32, #tpu.memory_space<vmem>>[vector<16xi32>, vector<16xi32>], vector<16xf32>,
        %parallel_loop3A_1495 = arith.constant 0 : i32
        %parallel_loop3A_1496 = arith.constant 0 : i32
        %parallel_loop3A_1497 = tpu.memref_slice %arg10[%parallel_loop3A_387, %parallel_loop3A_1495, %parallel_loop3A_1496] : memref<2x128x64xf32, #tpu.memory_space<vmem>> -> memref<1x128x64xf32, #tpu.memory_space<vmem>>
        %parallel_loop3A_1498 = tpu.memref_squeeze %parallel_loop3A_1497 : memref<1x128x64xf32, #tpu.memory_space<vmem>> -> memref<128x64xf32, #tpu.memory_space<vmem>>
        %parallel_loop3A_1499 = arith.index_cast %parallel_loop3A_1476 : i32 to index
        %parallel_loop3A_1500 = arith.constant 16 : index
        %parallel_loop3A_1501 = tpu.vector_load %parallel_loop3A_1498[%parallel_loop3A_1499, %parallel_loop3A_1500] {strides = array<i32>} : memref<128x64xf32, #tpu.memory_space<vmem>>, vector<16xf32>,
        %parallel_loop3A_1502 = arith.addf %parallel_loop3A_1501, %parallel_loop3A_1494 : vector<16xf32>
        %parallel_loop3A_1503 = arith.addf %parallel_loop3A_1502, %get3A_373 : vector<16xf32>
        %parallel_loop3A_1504 = arith.constant 0 : i32
        %parallel_loop3A_1505 = arith.constant 0 : i32
        %parallel_loop3A_1506 = tpu.memref_slice %arg13[%parallel_loop3A_388, %parallel_loop3A_1504, %parallel_loop3A_1505] : memref<2x64x129xf32, #tpu.memory_space<vmem>> -> memref<1x64x129xf32, #tpu.memory_space<vmem>>
        %parallel_loop3A_1507 = tpu.memref_squeeze %parallel_loop3A_1506 : memref<1x64x129xf32, #tpu.memory_space<vmem>> -> memref<64x129xf32, #tpu.memory_space<vmem>>
        tpu.vector_store_idx %parallel_loop3A_1507[%add3A_172, %parallel_loop3A_1479], %parallel_loop3A_1503 : memref<64x129xf32, #tpu.memory_space<vmem>>[vector<16xi32>, vector<16xi32>], vector<16xf32>,
        %parallel_loop3A_1508 = tpu.vector_load_idx %arg11[%parallel_loop3A_1478, %add3A_175] : memref<1000x64xf32, #tpu.memory_space<vmem>>[vector<16xi32>, vector<16xi32>], vector<16xf32>,
        %parallel_loop3A_1509 = arith.constant 0 : i32
        %parallel_loop3A_1510 = arith.constant 0 : i32
        %parallel_loop3A_1511 = tpu.memref_slice %arg10[%parallel_loop3A_387, %parallel_loop3A_1509, %parallel_loop3A_1510] : memref<2x128x64xf32, #tpu.memory_space<vmem>> -> memref<1x128x64xf32, #tpu.memory_space<vmem>>
        %parallel_loop3A_1512 = tpu.memref_squeeze %parallel_loop3A_1511 : memref<1x128x64xf32, #tpu.memory_space<vmem>> -> memref<128x64xf32, #tpu.memory_space<vmem>>
        %parallel_loop3A_1513 = arith.index_cast %parallel_loop3A_1476 : i32 to index
        %parallel_loop3A_1514 = arith.constant 32 : index
        %parallel_loop3A_1515 = tpu.vector_load %parallel_loop3A_1512[%parallel_loop3A_1513, %parallel_loop3A_1514] {strides = array<i32>} : memref<128x64xf32, #tpu.memory_space<vmem>>, vector<16xf32>,
        %parallel_loop3A_1516 = arith.addf %parallel_loop3A_1515, %parallel_loop3A_1508 : vector<16xf32>
        %parallel_loop3A_1517 = arith.addf %parallel_loop3A_1516, %get3A_378 : vector<16xf32>
        %parallel_loop3A_1518 = arith.constant 0 : i32
        %parallel_loop3A_1519 = arith.constant 0 : i32
        %parallel_loop3A_1520 = tpu.memref_slice %arg13[%parallel_loop3A_388, %parallel_loop3A_1518, %parallel_loop3A_1519] : memref<2x64x129xf32, #tpu.memory_space<vmem>> -> memref<1x64x129xf32, #tpu.memory_space<vmem>>
        %parallel_loop3A_1521 = tpu.memref_squeeze %parallel_loop3A_1520 : memref<1x64x129xf32, #tpu.memory_space<vmem>> -> memref<64x129xf32, #tpu.memory_space<vmem>>
        tpu.vector_store_idx %parallel_loop3A_1521[%add3A_175, %parallel_loop3A_1479], %parallel_loop3A_1517 : memref<64x129xf32, #tpu.memory_space<vmem>>[vector<16xi32>, vector<16xi32>], vector<16xf32>,
        %parallel_loop3A_1522 = tpu.vector_load_idx %arg11[%parallel_loop3A_1478, %add3A_178] : memref<1000x64xf32, #tpu.memory_space<vmem>>[vector<16xi32>, vector<16xi32>], vector<16xf32>,
        %parallel_loop3A_1523 = arith.constant 0 : i32
        %parallel_loop3A_1524 = arith.constant 0 : i32
        %parallel_loop3A_1525 = tpu.memref_slice %arg10[%parallel_loop3A_387, %parallel_loop3A_1523, %parallel_loop3A_1524] : memref<2x128x64xf32, #tpu.memory_space<vmem>> -> memref<1x128x64xf32, #tpu.memory_space<vmem>>
        %parallel_loop3A_1526 = tpu.memref_squeeze %parallel_loop3A_1525 : memref<1x128x64xf32, #tpu.memory_space<vmem>> -> memref<128x64xf32, #tpu.memory_space<vmem>>
        %parallel_loop3A_1527 = arith.index_cast %parallel_loop3A_1476 : i32 to index
        %parallel_loop3A_1528 = arith.constant 48 : index
        %parallel_loop3A_1529 = tpu.vector_load %parallel_loop3A_1526[%parallel_loop3A_1527, %parallel_loop3A_1528] {strides = array<i32>} : memref<128x64xf32, #tpu.memory_space<vmem>>, vector<16xf32>,
        %parallel_loop3A_1530 = arith.addf %parallel_loop3A_1529, %parallel_loop3A_1522 : vector<16xf32>
        %parallel_loop3A_1531 = arith.addf %parallel_loop3A_1530, %get3A_383 : vector<16xf32>
        %parallel_loop3A_1532 = arith.constant 0 : i32
        %parallel_loop3A_1533 = arith.constant 0 : i32
        %parallel_loop3A_1534 = tpu.memref_slice %arg13[%parallel_loop3A_388, %parallel_loop3A_1532, %parallel_loop3A_1533] : memref<2x64x129xf32, #tpu.memory_space<vmem>> -> memref<1x64x129xf32, #tpu.memory_space<vmem>>
        %parallel_loop3A_1535 = tpu.memref_squeeze %parallel_loop3A_1534 : memref<1x64x129xf32, #tpu.memory_space<vmem>> -> memref<64x129xf32, #tpu.memory_space<vmem>>
        tpu.vector_store_idx %parallel_loop3A_1535[%add3A_178, %parallel_loop3A_1479], %parallel_loop3A_1531 : memref<64x129xf32, #tpu.memory_space<vmem>>[vector<16xi32>, vector<16xi32>], vector<16xf32>,
        %parallel_loop3A_1536 = arith.constant 16 : i32
        %parallel_loop3A_1537 = arith.muli %parallel_loop3A_646, %parallel_loop3A_1536 : i32
        %parallel_loop3A_1538 = arith.constant 14 : i32
        %parallel_loop3A_1539 = arith.addi %parallel_loop3A_1537, %parallel_loop3A_1538 : i32
        %parallel_loop3A_1540 = vector.shape_cast %broadcast_in_dim3A_207 : vector<16x1xi32> to vector<16xi32>
        %parallel_loop3A_1541 = tpu.dynamic_gather %parallel_loop3A_653[%parallel_loop3A_1540] in [0] : vector<16xi32>, vector<16xi32> -> vector<16xi32>
        %parallel_loop3A_1542 = vector.broadcast %parallel_loop3A_1539 : i32 to vector<16xi32>
        %parallel_loop3A_1543 = tpu.vector_load_idx %arg11[%parallel_loop3A_1541, %add3A_169] : memref<1000x64xf32, #tpu.memory_space<vmem>>[vector<16xi32>, vector<16xi32>], vector<16xf32>,
        %parallel_loop3A_1544 = arith.constant 0 : i32
        %parallel_loop3A_1545 = arith.constant 0 : i32
        %parallel_loop3A_1546 = tpu.memref_slice %arg10[%parallel_loop3A_387, %parallel_loop3A_1544, %parallel_loop3A_1545] : memref<2x128x64xf32, #tpu.memory_space<vmem>> -> memref<1x128x64xf32, #tpu.memory_space<vmem>>
        %parallel_loop3A_1547 = tpu.memref_squeeze %parallel_loop3A_1546 : memref<1x128x64xf32, #tpu.memory_space<vmem>> -> memref<128x64xf32, #tpu.memory_space<vmem>>
        %parallel_loop3A_1548 = arith.index_cast %parallel_loop3A_1539 : i32 to index
        %parallel_loop3A_1549 = arith.constant 0 : index
        %parallel_loop3A_1550 = tpu.vector_load %parallel_loop3A_1547[%parallel_loop3A_1548, %parallel_loop3A_1549] {strides = array<i32>} : memref<128x64xf32, #tpu.memory_space<vmem>>, vector<16xf32>,
        %parallel_loop3A_1551 = arith.addf %parallel_loop3A_1550, %parallel_loop3A_1543 : vector<16xf32>
        %parallel_loop3A_1552 = arith.addf %parallel_loop3A_1551, %get3A_368 : vector<16xf32>
        %parallel_loop3A_1553 = arith.constant 0 : i32
        %parallel_loop3A_1554 = arith.constant 0 : i32
        %parallel_loop3A_1555 = tpu.memref_slice %arg13[%parallel_loop3A_388, %parallel_loop3A_1553, %parallel_loop3A_1554] : memref<2x64x129xf32, #tpu.memory_space<vmem>> -> memref<1x64x129xf32, #tpu.memory_space<vmem>>
        %parallel_loop3A_1556 = tpu.memref_squeeze %parallel_loop3A_1555 : memref<1x64x129xf32, #tpu.memory_space<vmem>> -> memref<64x129xf32, #tpu.memory_space<vmem>>
        tpu.vector_store_idx %parallel_loop3A_1556[%add3A_169, %parallel_loop3A_1542], %parallel_loop3A_1552 : memref<64x129xf32, #tpu.memory_space<vmem>>[vector<16xi32>, vector<16xi32>], vector<16xf32>,
        %parallel_loop3A_1557 = tpu.vector_load_idx %arg11[%parallel_loop3A_1541, %add3A_172] : memref<1000x64xf32, #tpu.memory_space<vmem>>[vector<16xi32>, vector<16xi32>], vector<16xf32>,
        %parallel_loop3A_1558 = arith.constant 0 : i32
        %parallel_loop3A_1559 = arith.constant 0 : i32
        %parallel_loop3A_1560 = tpu.memref_slice %arg10[%parallel_loop3A_387, %parallel_loop3A_1558, %parallel_loop3A_1559] : memref<2x128x64xf32, #tpu.memory_space<vmem>> -> memref<1x128x64xf32, #tpu.memory_space<vmem>>
        %parallel_loop3A_1561 = tpu.memref_squeeze %parallel_loop3A_1560 : memref<1x128x64xf32, #tpu.memory_space<vmem>> -> memref<128x64xf32, #tpu.memory_space<vmem>>
        %parallel_loop3A_1562 = arith.index_cast %parallel_loop3A_1539 : i32 to index
        %parallel_loop3A_1563 = arith.constant 16 : index
        %parallel_loop3A_1564 = tpu.vector_load %parallel_loop3A_1561[%parallel_loop3A_1562, %parallel_loop3A_1563] {strides = array<i32>} : memref<128x64xf32, #tpu.memory_space<vmem>>, vector<16xf32>,
        %parallel_loop3A_1565 = arith.addf %parallel_loop3A_1564, %parallel_loop3A_1557 : vector<16xf32>
        %parallel_loop3A_1566 = arith.addf %parallel_loop3A_1565, %get3A_373 : vector<16xf32>
        %parallel_loop3A_1567 = arith.constant 0 : i32
        %parallel_loop3A_1568 = arith.constant 0 : i32
        %parallel_loop3A_1569 = tpu.memref_slice %arg13[%parallel_loop3A_388, %parallel_loop3A_1567, %parallel_loop3A_1568] : memref<2x64x129xf32, #tpu.memory_space<vmem>> -> memref<1x64x129xf32, #tpu.memory_space<vmem>>
        %parallel_loop3A_1570 = tpu.memref_squeeze %parallel_loop3A_1569 : memref<1x64x129xf32, #tpu.memory_space<vmem>> -> memref<64x129xf32, #tpu.memory_space<vmem>>
        tpu.vector_store_idx %parallel_loop3A_1570[%add3A_172, %parallel_loop3A_1542], %parallel_loop3A_1566 : memref<64x129xf32, #tpu.memory_space<vmem>>[vector<16xi32>, vector<16xi32>], vector<16xf32>,
        %parallel_loop3A_1571 = tpu.vector_load_idx %arg11[%parallel_loop3A_1541, %add3A_175] : memref<1000x64xf32, #tpu.memory_space<vmem>>[vector<16xi32>, vector<16xi32>], vector<16xf32>,
        %parallel_loop3A_1572 = arith.constant 0 : i32
        %parallel_loop3A_1573 = arith.constant 0 : i32
        %parallel_loop3A_1574 = tpu.memref_slice %arg10[%parallel_loop3A_387, %parallel_loop3A_1572, %parallel_loop3A_1573] : memref<2x128x64xf32, #tpu.memory_space<vmem>> -> memref<1x128x64xf32, #tpu.memory_space<vmem>>
        %parallel_loop3A_1575 = tpu.memref_squeeze %parallel_loop3A_1574 : memref<1x128x64xf32, #tpu.memory_space<vmem>> -> memref<128x64xf32, #tpu.memory_space<vmem>>
        %parallel_loop3A_1576 = arith.index_cast %parallel_loop3A_1539 : i32 to index
        %parallel_loop3A_1577 = arith.constant 32 : index
        %parallel_loop3A_1578 = tpu.vector_load %parallel_loop3A_1575[%parallel_loop3A_1576, %parallel_loop3A_1577] {strides = array<i32>} : memref<128x64xf32, #tpu.memory_space<vmem>>, vector<16xf32>,
        %parallel_loop3A_1579 = arith.addf %parallel_loop3A_1578, %parallel_loop3A_1571 : vector<16xf32>
        %parallel_loop3A_1580 = arith.addf %parallel_loop3A_1579, %get3A_378 : vector<16xf32>
        %parallel_loop3A_1581 = arith.constant 0 : i32
        %parallel_loop3A_1582 = arith.constant 0 : i32
        %parallel_loop3A_1583 = tpu.memref_slice %arg13[%parallel_loop3A_388, %parallel_loop3A_1581, %parallel_loop3A_1582] : memref<2x64x129xf32, #tpu.memory_space<vmem>> -> memref<1x64x129xf32, #tpu.memory_space<vmem>>
        %parallel_loop3A_1584 = tpu.memref_squeeze %parallel_loop3A_1583 : memref<1x64x129xf32, #tpu.memory_space<vmem>> -> memref<64x129xf32, #tpu.memory_space<vmem>>
        tpu.vector_store_idx %parallel_loop3A_1584[%add3A_175, %parallel_loop3A_1542], %parallel_loop3A_1580 : memref<64x129xf32, #tpu.memory_space<vmem>>[vector<16xi32>, vector<16xi32>], vector<16xf32>,
        %parallel_loop3A_1585 = tpu.vector_load_idx %arg11[%parallel_loop3A_1541, %add3A_178] : memref<1000x64xf32, #tpu.memory_space<vmem>>[vector<16xi32>, vector<16xi32>], vector<16xf32>,
        %parallel_loop3A_1586 = arith.constant 0 : i32
        %parallel_loop3A_1587 = arith.constant 0 : i32
        %parallel_loop3A_1588 = tpu.memref_slice %arg10[%parallel_loop3A_387, %parallel_loop3A_1586, %parallel_loop3A_1587] : memref<2x128x64xf32, #tpu.memory_space<vmem>> -> memref<1x128x64xf32, #tpu.memory_space<vmem>>
        %parallel_loop3A_1589 = tpu.memref_squeeze %parallel_loop3A_1588 : memref<1x128x64xf32, #tpu.memory_space<vmem>> -> memref<128x64xf32, #tpu.memory_space<vmem>>
        %parallel_loop3A_1590 = arith.index_cast %parallel_loop3A_1539 : i32 to index
        %parallel_loop3A_1591 = arith.constant 48 : index
        %parallel_loop3A_1592 = tpu.vector_load %parallel_loop3A_1589[%parallel_loop3A_1590, %parallel_loop3A_1591] {strides = array<i32>} : memref<128x64xf32, #tpu.memory_space<vmem>>, vector<16xf32>,
        %parallel_loop3A_1593 = arith.addf %parallel_loop3A_1592, %parallel_loop3A_1585 : vector<16xf32>
        %parallel_loop3A_1594 = arith.addf %parallel_loop3A_1593, %get3A_383 : vector<16xf32>
        %parallel_loop3A_1595 = arith.constant 0 : i32
        %parallel_loop3A_1596 = arith.constant 0 : i32
        %parallel_loop3A_1597 = tpu.memref_slice %arg13[%parallel_loop3A_388, %parallel_loop3A_1595, %parallel_loop3A_1596] : memref<2x64x129xf32, #tpu.memory_space<vmem>> -> memref<1x64x129xf32, #tpu.memory_space<vmem>>
        %parallel_loop3A_1598 = tpu.memref_squeeze %parallel_loop3A_1597 : memref<1x64x129xf32, #tpu.memory_space<vmem>> -> memref<64x129xf32, #tpu.memory_space<vmem>>
        tpu.vector_store_idx %parallel_loop3A_1598[%add3A_178, %parallel_loop3A_1542], %parallel_loop3A_1594 : memref<64x129xf32, #tpu.memory_space<vmem>>[vector<16xi32>, vector<16xi32>], vector<16xf32>,
        %parallel_loop3A_1599 = arith.constant 16 : i32
        %parallel_loop3A_1600 = arith.muli %parallel_loop3A_646, %parallel_loop3A_1599 : i32
        %parallel_loop3A_1601 = arith.constant 15 : i32
        %parallel_loop3A_1602 = arith.addi %parallel_loop3A_1600, %parallel_loop3A_1601 : i32
        %parallel_loop3A_1603 = vector.shape_cast %broadcast_in_dim3A_209 : vector<16x1xi32> to vector<16xi32>
        %parallel_loop3A_1604 = tpu.dynamic_gather %parallel_loop3A_653[%parallel_loop3A_1603] in [0] : vector<16xi32>, vector<16xi32> -> vector<16xi32>
        %parallel_loop3A_1605 = vector.broadcast %parallel_loop3A_1602 : i32 to vector<16xi32>
        %parallel_loop3A_1606 = tpu.vector_load_idx %arg11[%parallel_loop3A_1604, %add3A_169] : memref<1000x64xf32, #tpu.memory_space<vmem>>[vector<16xi32>, vector<16xi32>], vector<16xf32>,
        %parallel_loop3A_1607 = arith.constant 0 : i32
        %parallel_loop3A_1608 = arith.constant 0 : i32
        %parallel_loop3A_1609 = tpu.memref_slice %arg10[%parallel_loop3A_387, %parallel_loop3A_1607, %parallel_loop3A_1608] : memref<2x128x64xf32, #tpu.memory_space<vmem>> -> memref<1x128x64xf32, #tpu.memory_space<vmem>>
        %parallel_loop3A_1610 = tpu.memref_squeeze %parallel_loop3A_1609 : memref<1x128x64xf32, #tpu.memory_space<vmem>> -> memref<128x64xf32, #tpu.memory_space<vmem>>
        %parallel_loop3A_1611 = arith.index_cast %parallel_loop3A_1602 : i32 to index
        %parallel_loop3A_1612 = arith.constant 0 : index
        %parallel_loop3A_1613 = tpu.vector_load %parallel_loop3A_1610[%parallel_loop3A_1611, %parallel_loop3A_1612] {strides = array<i32>} : memref<128x64xf32, #tpu.memory_space<vmem>>, vector<16xf32>,
        %parallel_loop3A_1614 = arith.addf %parallel_loop3A_1613, %parallel_loop3A_1606 : vector<16xf32>
        %parallel_loop3A_1615 = arith.addf %parallel_loop3A_1614, %get3A_368 : vector<16xf32>
        %parallel_loop3A_1616 = arith.constant 0 : i32
        %parallel_loop3A_1617 = arith.constant 0 : i32
        %parallel_loop3A_1618 = tpu.memref_slice %arg13[%parallel_loop3A_388, %parallel_loop3A_1616, %parallel_loop3A_1617] : memref<2x64x129xf32, #tpu.memory_space<vmem>> -> memref<1x64x129xf32, #tpu.memory_space<vmem>>
        %parallel_loop3A_1619 = tpu.memref_squeeze %parallel_loop3A_1618 : memref<1x64x129xf32, #tpu.memory_space<vmem>> -> memref<64x129xf32, #tpu.memory_space<vmem>>
        tpu.vector_store_idx %parallel_loop3A_1619[%add3A_169, %parallel_loop3A_1605], %parallel_loop3A_1615 : memref<64x129xf32, #tpu.memory_space<vmem>>[vector<16xi32>, vector<16xi32>], vector<16xf32>,
        %parallel_loop3A_1620 = tpu.vector_load_idx %arg11[%parallel_loop3A_1604, %add3A_172] : memref<1000x64xf32, #tpu.memory_space<vmem>>[vector<16xi32>, vector<16xi32>], vector<16xf32>,
        %parallel_loop3A_1621 = arith.constant 0 : i32
        %parallel_loop3A_1622 = arith.constant 0 : i32
        %parallel_loop3A_1623 = tpu.memref_slice %arg10[%parallel_loop3A_387, %parallel_loop3A_1621, %parallel_loop3A_1622] : memref<2x128x64xf32, #tpu.memory_space<vmem>> -> memref<1x128x64xf32, #tpu.memory_space<vmem>>
        %parallel_loop3A_1624 = tpu.memref_squeeze %parallel_loop3A_1623 : memref<1x128x64xf32, #tpu.memory_space<vmem>> -> memref<128x64xf32, #tpu.memory_space<vmem>>
        %parallel_loop3A_1625 = arith.index_cast %parallel_loop3A_1602 : i32 to index
        %parallel_loop3A_1626 = arith.constant 16 : index
        %parallel_loop3A_1627 = tpu.vector_load %parallel_loop3A_1624[%parallel_loop3A_1625, %parallel_loop3A_1626] {strides = array<i32>} : memref<128x64xf32, #tpu.memory_space<vmem>>, vector<16xf32>,
        %parallel_loop3A_1628 = arith.addf %parallel_loop3A_1627, %parallel_loop3A_1620 : vector<16xf32>
        %parallel_loop3A_1629 = arith.addf %parallel_loop3A_1628, %get3A_373 : vector<16xf32>
        %parallel_loop3A_1630 = arith.constant 0 : i32
        %parallel_loop3A_1631 = arith.constant 0 : i32
        %parallel_loop3A_1632 = tpu.memref_slice %arg13[%parallel_loop3A_388, %parallel_loop3A_1630, %parallel_loop3A_1631] : memref<2x64x129xf32, #tpu.memory_space<vmem>> -> memref<1x64x129xf32, #tpu.memory_space<vmem>>
        %parallel_loop3A_1633 = tpu.memref_squeeze %parallel_loop3A_1632 : memref<1x64x129xf32, #tpu.memory_space<vmem>> -> memref<64x129xf32, #tpu.memory_space<vmem>>
        tpu.vector_store_idx %parallel_loop3A_1633[%add3A_172, %parallel_loop3A_1605], %parallel_loop3A_1629 : memref<64x129xf32, #tpu.memory_space<vmem>>[vector<16xi32>, vector<16xi32>], vector<16xf32>,
        %parallel_loop3A_1634 = tpu.vector_load_idx %arg11[%parallel_loop3A_1604, %add3A_175] : memref<1000x64xf32, #tpu.memory_space<vmem>>[vector<16xi32>, vector<16xi32>], vector<16xf32>,
        %parallel_loop3A_1635 = arith.constant 0 : i32
        %parallel_loop3A_1636 = arith.constant 0 : i32
        %parallel_loop3A_1637 = tpu.memref_slice %arg10[%parallel_loop3A_387, %parallel_loop3A_1635, %parallel_loop3A_1636] : memref<2x128x64xf32, #tpu.memory_space<vmem>> -> memref<1x128x64xf32, #tpu.memory_space<vmem>>
        %parallel_loop3A_1638 = tpu.memref_squeeze %parallel_loop3A_1637 : memref<1x128x64xf32, #tpu.memory_space<vmem>> -> memref<128x64xf32, #tpu.memory_space<vmem>>
        %parallel_loop3A_1639 = arith.index_cast %parallel_loop3A_1602 : i32 to index
        %parallel_loop3A_1640 = arith.constant 32 : index
        %parallel_loop3A_1641 = tpu.vector_load %parallel_loop3A_1638[%parallel_loop3A_1639, %parallel_loop3A_1640] {strides = array<i32>} : memref<128x64xf32, #tpu.memory_space<vmem>>, vector<16xf32>,
        %parallel_loop3A_1642 = arith.addf %parallel_loop3A_1641, %parallel_loop3A_1634 : vector<16xf32>
        %parallel_loop3A_1643 = arith.addf %parallel_loop3A_1642, %get3A_378 : vector<16xf32>
        %parallel_loop3A_1644 = arith.constant 0 : i32
        %parallel_loop3A_1645 = arith.constant 0 : i32
        %parallel_loop3A_1646 = tpu.memref_slice %arg13[%parallel_loop3A_388, %parallel_loop3A_1644, %parallel_loop3A_1645] : memref<2x64x129xf32, #tpu.memory_space<vmem>> -> memref<1x64x129xf32, #tpu.memory_space<vmem>>
        %parallel_loop3A_1647 = tpu.memref_squeeze %parallel_loop3A_1646 : memref<1x64x129xf32, #tpu.memory_space<vmem>> -> memref<64x129xf32, #tpu.memory_space<vmem>>
        tpu.vector_store_idx %parallel_loop3A_1647[%add3A_175, %parallel_loop3A_1605], %parallel_loop3A_1643 : memref<64x129xf32, #tpu.memory_space<vmem>>[vector<16xi32>, vector<16xi32>], vector<16xf32>,
        %parallel_loop3A_1648 = tpu.vector_load_idx %arg11[%parallel_loop3A_1604, %add3A_178] : memref<1000x64xf32, #tpu.memory_space<vmem>>[vector<16xi32>, vector<16xi32>], vector<16xf32>,
        %parallel_loop3A_1649 = arith.constant 0 : i32
        %parallel_loop3A_1650 = arith.constant 0 : i32
        %parallel_loop3A_1651 = tpu.memref_slice %arg10[%parallel_loop3A_387, %parallel_loop3A_1649, %parallel_loop3A_1650] : memref<2x128x64xf32, #tpu.memory_space<vmem>> -> memref<1x128x64xf32, #tpu.memory_space<vmem>>
        %parallel_loop3A_1652 = tpu.memref_squeeze %parallel_loop3A_1651 : memref<1x128x64xf32, #tpu.memory_space<vmem>> -> memref<128x64xf32, #tpu.memory_space<vmem>>
        %parallel_loop3A_1653 = arith.index_cast %parallel_loop3A_1602 : i32 to index
        %parallel_loop3A_1654 = arith.constant 48 : index
        %parallel_loop3A_1655 = tpu.vector_load %parallel_loop3A_1652[%parallel_loop3A_1653, %parallel_loop3A_1654] {strides = array<i32>} : memref<128x64xf32, #tpu.memory_space<vmem>>, vector<16xf32>,
        %parallel_loop3A_1656 = arith.addf %parallel_loop3A_1655, %parallel_loop3A_1648 : vector<16xf32>
        %parallel_loop3A_1657 = arith.addf %parallel_loop3A_1656, %get3A_383 : vector<16xf32>
        %parallel_loop3A_1658 = arith.constant 0 : i32
        %parallel_loop3A_1659 = arith.constant 0 : i32
        %parallel_loop3A_1660 = tpu.memref_slice %arg13[%parallel_loop3A_388, %parallel_loop3A_1658, %parallel_loop3A_1659] : memref<2x64x129xf32, #tpu.memory_space<vmem>> -> memref<1x64x129xf32, #tpu.memory_space<vmem>>
        %parallel_loop3A_1661 = tpu.memref_squeeze %parallel_loop3A_1660 : memref<1x64x129xf32, #tpu.memory_space<vmem>> -> memref<64x129xf32, #tpu.memory_space<vmem>>
        tpu.vector_store_idx %parallel_loop3A_1661[%add3A_178, %parallel_loop3A_1605], %parallel_loop3A_1657 : memref<64x129xf32, #tpu.memory_space<vmem>>[vector<16xi32>, vector<16xi32>], vector<16xf32>,
      } {sc.loop_unroll_factor = 2 : i64, sc.parallel_access}
      %add3A_389 = arith.addi %mul3A_2, %add3A_257 : i32
      %jit3A_390 = arith.constant 32 : i32
      %div3A_391 = arith.divsi %add3A_389, %jit3A_390 : i32
      %sign3A_392 = arith.constant 0 : i32
      %sign3A_393 = arith.cmpi sgt, %add3A_389, %sign3A_392 : i32
      %sign3A_394 = arith.extui %sign3A_393 : i1 to i32
      %sign3A_395 = arith.constant 0 : i32
      %sign3A_396 = arith.cmpi slt, %add3A_389, %sign3A_395 : i32
      %sign3A_397 = arith.extui %sign3A_396 : i1 to i32
      %sign3A_398 = arith.subi %sign3A_394, %sign3A_397 : i32
      %sign3A_399 = arith.constant 0 : i32
      %sign3A_400 = arith.cmpi sgt, %jit3A_390, %sign3A_399 : i32
      %sign3A_401 = arith.extui %sign3A_400 : i1 to i32
      %sign3A_402 = arith.constant 0 : i32
      %sign3A_403 = arith.cmpi slt, %jit3A_390, %sign3A_402 : i32
      %sign3A_404 = arith.extui %sign3A_403 : i1 to i32
      %sign3A_405 = arith.subi %sign3A_401, %sign3A_404 : i32
      %ne3A_406 = arith.cmpi ne, %sign3A_398, %sign3A_405 : i32
      %rem3A_407 = arith.remsi %add3A_389, %jit3A_390 : i32
      %ne3A_408 = arith.constant 0 : i32
      %ne3A_409 = arith.cmpi ne, %rem3A_407, %ne3A_408 : i32
      %and3A_410 = arith.andi %ne3A_406, %ne3A_409 : i1
      %sub3A_411 = arith.constant 1 : i32
      %sub3A_412 = arith.subi %div3A_391, %sub3A_411 : i32
      %select_n3A_413 = arith.select %and3A_410, %sub3A_412, %div3A_391 : i32
      %jit3A_414 = arith.constant 32 : i32
      %eq3A_415 = arith.constant 0 : i32
      %eq3A_416 = arith.cmpi eq, %jit3A_414, %eq3A_415 : i32
      %jit3A_417 = arith.constant 1 : i32
      %select_n3A_418 = arith.select %eq3A_416, %jit3A_417, %jit3A_414 : i32
      %rem3A_419 = arith.remsi %add3A_389, %select_n3A_418 : i32
      %ne3A_420 = arith.constant 0 : i32
      %ne3A_421 = arith.cmpi ne, %rem3A_419, %ne3A_420 : i32
      %lt3A_422 = arith.constant 0 : i32
      %lt3A_423 = arith.cmpi slt, %rem3A_419, %lt3A_422 : i32
      %lt3A_424 = arith.constant 0 : i32
      %lt3A_425 = arith.cmpi slt, %select_n3A_418, %lt3A_424 : i32
      %ne3A_426 = arith.xori %lt3A_423, %lt3A_425 : i1
      %and3A_427 = arith.andi %ne3A_426, %ne3A_421 : i1
      %add3A_428 = arith.addi %rem3A_419, %select_n3A_418 : i32
      %select_n3A_429 = arith.select %and3A_427, %add3A_428, %rem3A_419 : i32
      %mul3A_430 = arith.constant 128 : i32
      %mul3A_431 = arith.muli %select_n3A_429, %mul3A_430 : i32
      %dma_start3A_432 = arith.constant 0 : i32
      %dma_start3A_433 = arith.constant 0 : i32
      %dma_start3A_434 = arith.constant 0 : i32
      %dma_start3A_435 = tpu.memref_slice %arg13[%dma_start3A_432, %dma_start3A_433, %dma_start3A_434] : memref<2x64x129xf32, #tpu.memory_space<vmem>> -> memref<1x64x128xf32, #tpu.memory_space<vmem>>
      %dma_start3A_436 = tpu.memref_squeeze %dma_start3A_435 : memref<1x64x128xf32, #tpu.memory_space<vmem>> -> memref<64x128xf32, #tpu.memory_space<vmem>>
      %dma_start3A_437 = arith.constant 0 : i32
      %dma_start3A_438 = tpu.memref_slice %arg7[%select_n3A_413, %dma_start3A_437, %mul3A_431] : memref<200x64x4096xf32, #tpu.memory_space<hbm>> -> memref<1x64x128xf32, #tpu.memory_space<hbm>>
      %dma_start3A_439 = tpu.memref_squeeze %dma_start3A_438 : memref<1x64x128xf32, #tpu.memory_space<hbm>> -> memref<64x128xf32, #tpu.memory_space<hbm>>
      %dma_start3A_440 = arith.constant 0 : i32
      %dma_start3A_441 = tpu.memref_slice %arg7[%select_n3A_413, %dma_start3A_440, %mul3A_431] : memref<200x64x4096xf32, #tpu.memory_space<hbm>> -> memref<1x64x128xf32, #tpu.memory_space<hbm>>
      %dma_start3A_442 = tpu.memref_squeeze %dma_start3A_441 : memref<1x64x128xf32, #tpu.memory_space<hbm>> -> memref<64x128xf32, #tpu.memory_space<hbm>>
      %dma_start3A_443 = arith.constant 0 : i32
      %dma_start3A_444 = arith.constant 0 : i32
      %dma_start3A_445 = tpu.memref_slice %arg13[%dma_start3A_432, %dma_start3A_443, %dma_start3A_444] : memref<2x64x129xf32, #tpu.memory_space<vmem>> -> memref<1x64x128xf32, #tpu.memory_space<vmem>>
      %dma_start3A_446 = tpu.memref_squeeze %dma_start3A_445 : memref<1x64x128xf32, #tpu.memory_space<vmem>> -> memref<64x128xf32, #tpu.memory_space<vmem>>
      tpu.enqueue_dma source(%dma_start3A_446 : memref<64x128xf32, #tpu.memory_space<vmem>>) target(%dma_start3A_442 : memref<64x128xf32, #tpu.memory_space<hbm>>) target_semaphore(%arg22 : memref<!tpu.dma_semaphore, #tpu.memory_space<semaphore_mem>>)
      %mul3A_447 = arith.constant 2 : i32
      %mul3A_448 = arith.muli %scan3A_252, %mul3A_447 : i32
      %add3A_449 = arith.constant 1 : i32
      %add3A_450 = arith.addi %mul3A_448, %add3A_449 : i32
      %lt3A_451 = arith.constant 199 : i32
      %lt3A_452 = arith.cmpi slt, %add3A_450, %lt3A_451 : i32
      %convert_element_type3A_453 = arith.extui %lt3A_452 : i1 to i32
      %cond3A_454 = arith.constant 0 : i32
      %cond3A_455 = arith.cmpi ne, %convert_element_type3A_453, %cond3A_454 : i32
      scf.if %cond3A_455 {
        %dma_wait3A_646 = arith.constant 0 : i32
        %dma_wait3A_647 = arith.constant 0 : i32
        %dma_wait3A_648 = arith.constant 0 : i32
        %dma_wait3A_649 = tpu.memref_slice %arg8[%dma_wait3A_647, %dma_wait3A_648] : memref<2x128xi32, #tpu.memory_space<vmem>> -> memref<1x128xi32, #tpu.memory_space<vmem>>
        %dma_wait3A_650 = tpu.memref_squeeze %dma_wait3A_649 : memref<1x128xi32, #tpu.memory_space<vmem>> -> memref<128xi32, #tpu.memory_space<vmem>>
        %dma_wait3A_651 = arith.constant 0 : i32
        %dma_wait3A_652 = tpu.memref_slice %arg2[%dma_wait3A_646, %dma_wait3A_651] : memref<200x4096xi32, #tpu.memory_space<hbm>> -> memref<1x128xi32, #tpu.memory_space<hbm>>
        %dma_wait3A_653 = tpu.memref_squeeze %dma_wait3A_652 : memref<1x128xi32, #tpu.memory_space<hbm>> -> memref<128xi32, #tpu.memory_space<hbm>>
        %dma_wait3A_654 = arith.constant 0 : i32
        %dma_wait3A_655 = tpu.memref_slice %arg8[%dma_wait3A_647, %dma_wait3A_654] : memref<2x128xi32, #tpu.memory_space<vmem>> -> memref<1x128xi32, #tpu.memory_space<vmem>>
        %dma_wait3A_656 = tpu.memref_squeeze %dma_wait3A_655 : memref<1x128xi32, #tpu.memory_space<vmem>> -> memref<128xi32, #tpu.memory_space<vmem>>
        %dma_wait3A_657 = arith.constant 0 : i32
        %dma_wait3A_658 = tpu.memref_slice %arg2[%dma_wait3A_646, %dma_wait3A_657] : memref<200x4096xi32, #tpu.memory_space<hbm>> -> memref<1x128xi32, #tpu.memory_space<hbm>>
        %dma_wait3A_659 = tpu.memref_squeeze %dma_wait3A_658 : memref<1x128xi32, #tpu.memory_space<hbm>> -> memref<128xi32, #tpu.memory_space<hbm>>
        tpu.wait_dma2 semaphore(%arg14 : memref<!tpu.dma_semaphore, #tpu.memory_space<semaphore_mem>>) src(%dma_wait3A_659 : memref<128xi32, #tpu.memory_space<hbm>>) dst(%dma_wait3A_656 : memref<128xi32, #tpu.memory_space<vmem>>)
        %dma_wait3A_660 = arith.constant 0 : i32
        %dma_wait3A_661 = arith.constant 0 : i32
        %dma_wait3A_662 = arith.constant 0 : i32
        %dma_wait3A_663 = tpu.memref_slice %arg9[%dma_wait3A_661, %dma_wait3A_662] : memref<2x128xi32, #tpu.memory_space<vmem>> -> memref<1x128xi32, #tpu.memory_space<vmem>>
        %dma_wait3A_664 = tpu.memref_squeeze %dma_wait3A_663 : memref<1x128xi32, #tpu.memory_space<vmem>> -> memref<128xi32, #tpu.memory_space<vmem>>
        %dma_wait3A_665 = arith.constant 0 : i32
        %dma_wait3A_666 = tpu.memref_slice %arg3[%dma_wait3A_660, %dma_wait3A_665] : memref<200x4096xi32, #tpu.memory_space<hbm>> -> memref<1x128xi32, #tpu.memory_space<hbm>>
        %dma_wait3A_667 = tpu.memref_squeeze %dma_wait3A_666 : memref<1x128xi32, #tpu.memory_space<hbm>> -> memref<128xi32, #tpu.memory_space<hbm>>
        %dma_wait3A_668 = arith.constant 0 : i32
        %dma_wait3A_669 = tpu.memref_slice %arg9[%dma_wait3A_661, %dma_wait3A_668] : memref<2x128xi32, #tpu.memory_space<vmem>> -> memref<1x128xi32, #tpu.memory_space<vmem>>
        %dma_wait3A_670 = tpu.memref_squeeze %dma_wait3A_669 : memref<1x128xi32, #tpu.memory_space<vmem>> -> memref<128xi32, #tpu.memory_space<vmem>>
        %dma_wait3A_671 = arith.constant 0 : i32
        %dma_wait3A_672 = tpu.memref_slice %arg3[%dma_wait3A_660, %dma_wait3A_671] : memref<200x4096xi32, #tpu.memory_space<hbm>> -> memref<1x128xi32, #tpu.memory_space<hbm>>
        %dma_wait3A_673 = tpu.memref_squeeze %dma_wait3A_672 : memref<1x128xi32, #tpu.memory_space<hbm>> -> memref<128xi32, #tpu.memory_space<hbm>>
        tpu.wait_dma2 semaphore(%arg16 : memref<!tpu.dma_semaphore, #tpu.memory_space<semaphore_mem>>) src(%dma_wait3A_673 : memref<128xi32, #tpu.memory_space<hbm>>) dst(%dma_wait3A_670 : memref<128xi32, #tpu.memory_space<vmem>>)
        %dma_start3A_674 = arith.constant 0 : i32
        %dma_start3A_675 = arith.constant 0 : i32
        %dma_start3A_676 = arith.constant 0 : i32
        %dma_start3A_677 = arith.constant 0 : i32
        %dma_start3A_678 = tpu.memref_slice %arg10[%dma_start3A_675, %dma_start3A_676, %dma_start3A_677] : memref<2x128x64xf32, #tpu.memory_space<vmem>> -> memref<1x128x64xf32, #tpu.memory_space<vmem>>
        %dma_start3A_679 = tpu.memref_squeeze %dma_start3A_678 : memref<1x128x64xf32, #tpu.memory_space<vmem>> -> memref<128x64xf32, #tpu.memory_space<vmem>>
        %dma_start3A_680 = arith.constant 0 : i32
        %dma_start3A_681 = tpu.memref_slice %arg8[%dma_start3A_674, %dma_start3A_680] : memref<2x128xi32, #tpu.memory_space<vmem>> -> memref<1x128xi32, #tpu.memory_space<vmem>>
        %dma_start3A_682 = tpu.memref_squeeze %dma_start3A_681 : memref<1x128xi32, #tpu.memory_space<vmem>> -> memref<128xi32, #tpu.memory_space<vmem>>
        %dma_start3A_683 = arith.constant 0 : i32
        %dma_start3A_684 = arith.constant 0 : i32
        %dma_start3A_685 = tpu.memref_slice %arg4[%dma_start3A_683, %dma_start3A_684] : memref<100000x64xf32, #tpu.memory_space<hbm>> -> memref<100000x64xf32, #tpu.memory_space<hbm>>
        tpu.enqueue_indirect_dma source(%dma_start3A_685 : memref<100000x64xf32, #tpu.memory_space<hbm>>) target(%dma_start3A_679 : memref<128x64xf32, #tpu.memory_space<vmem>>) offsets(%dma_start3A_682 : memref<128xi32, #tpu.memory_space<vmem>>) semaphore(%arg18 : memref<!tpu.dma_semaphore, #tpu.memory_space<semaphore_mem>>)
      } else {
      }
      %dma_wait3A_456 = arith.constant 0 : i32
      %dma_wait3A_457 = arith.constant 1 : i32
      %dma_wait3A_458 = arith.constant 0 : i32
      %dma_wait3A_459 = arith.constant 0 : i32
      %dma_wait3A_460 = tpu.memref_slice %arg10[%dma_wait3A_457, %dma_wait3A_458, %dma_wait3A_459] : memref<2x128x64xf32, #tpu.memory_space<vmem>> -> memref<1x128x64xf32, #tpu.memory_space<vmem>>
      %dma_wait3A_461 = tpu.memref_squeeze %dma_wait3A_460 : memref<1x128x64xf32, #tpu.memory_space<vmem>> -> memref<128x64xf32, #tpu.memory_space<vmem>>
      %dma_wait3A_462 = arith.constant 0 : i32
      %dma_wait3A_463 = tpu.memref_slice %arg8[%dma_wait3A_456, %dma_wait3A_462] : memref<2x128xi32, #tpu.memory_space<vmem>> -> memref<1x128xi32, #tpu.memory_space<vmem>>
      %dma_wait3A_464 = tpu.memref_squeeze %dma_wait3A_463 : memref<1x128xi32, #tpu.memory_space<vmem>> -> memref<128xi32, #tpu.memory_space<vmem>>
      %dma_wait3A_465 = arith.constant 0 : i32
      %dma_wait3A_466 = arith.constant 0 : i32
      %dma_wait3A_467 = tpu.memref_slice %arg4[%dma_wait3A_465, %dma_wait3A_466] : memref<100000x64xf32, #tpu.memory_space<hbm>> -> memref<100000x64xf32, #tpu.memory_space<hbm>>
      tpu.wait_indirect_dma semaphore(%arg19 : memref<!tpu.dma_semaphore, #tpu.memory_space<semaphore_mem>>) src(%dma_wait3A_467 : memref<100000x64xf32, #tpu.memory_space<hbm>>) dst(%dma_wait3A_461 : memref<128x64xf32, #tpu.memory_space<vmem>>)
      %lt3A_468 = arith.constant 198 : i32
      %lt3A_469 = arith.cmpi slt, %add3A_450, %lt3A_468 : i32
      %convert_element_type3A_470 = arith.extui %lt3A_469 : i1 to i32
      %cond3A_471 = arith.constant 0 : i32
      %cond3A_472 = arith.cmpi ne, %convert_element_type3A_470, %cond3A_471 : i32
      scf.if %cond3A_472 {
        %add3A_646 = arith.constant 2 : i32
        %add3A_647 = arith.addi %add3A_450, %add3A_646 : i32
        %add3A_648 = arith.addi %mul3A_2, %add3A_647 : i32
        %jit3A_649 = arith.constant 32 : i32
        %div3A_650 = arith.divsi %add3A_648, %jit3A_649 : i32
        %sign3A_651 = arith.constant 0 : i32
        %sign3A_652 = arith.cmpi sgt, %add3A_648, %sign3A_651 : i32
        %sign3A_653 = arith.extui %sign3A_652 : i1 to i32
        %sign3A_654 = arith.constant 0 : i32
        %sign3A_655 = arith.cmpi slt, %add3A_648, %sign3A_654 : i32
        %sign3A_656 = arith.extui %sign3A_655 : i1 to i32
        %sign3A_657 = arith.subi %sign3A_653, %sign3A_656 : i32
        %sign3A_658 = arith.constant 0 : i32
        %sign3A_659 = arith.cmpi sgt, %jit3A_649, %sign3A_658 : i32
        %sign3A_660 = arith.extui %sign3A_659 : i1 to i32
        %sign3A_661 = arith.constant 0 : i32
        %sign3A_662 = arith.cmpi slt, %jit3A_649, %sign3A_661 : i32
        %sign3A_663 = arith.extui %sign3A_662 : i1 to i32
        %sign3A_664 = arith.subi %sign3A_660, %sign3A_663 : i32
        %ne3A_665 = arith.cmpi ne, %sign3A_657, %sign3A_664 : i32
        %rem3A_666 = arith.remsi %add3A_648, %jit3A_649 : i32
        %ne3A_667 = arith.constant 0 : i32
        %ne3A_668 = arith.cmpi ne, %rem3A_666, %ne3A_667 : i32
        %and3A_669 = arith.andi %ne3A_665, %ne3A_668 : i1
        %sub3A_670 = arith.constant 1 : i32
        %sub3A_671 = arith.subi %div3A_650, %sub3A_670 : i32
        %select_n3A_672 = arith.select %and3A_669, %sub3A_671, %div3A_650 : i32
        %jit3A_673 = arith.constant 32 : i32
        %eq3A_674 = arith.constant 0 : i32
        %eq3A_675 = arith.cmpi eq, %jit3A_673, %eq3A_674 : i32
        %jit3A_676 = arith.constant 1 : i32
        %select_n3A_677 = arith.select %eq3A_675, %jit3A_676, %jit3A_673 : i32
        %rem3A_678 = arith.remsi %add3A_648, %select_n3A_677 : i32
        %ne3A_679 = arith.constant 0 : i32
        %ne3A_680 = arith.cmpi ne, %rem3A_678, %ne3A_679 : i32
        %lt3A_681 = arith.constant 0 : i32
        %lt3A_682 = arith.cmpi slt, %rem3A_678, %lt3A_681 : i32
        %lt3A_683 = arith.constant 0 : i32
        %lt3A_684 = arith.cmpi slt, %select_n3A_677, %lt3A_683 : i32
        %ne3A_685 = arith.xori %lt3A_682, %lt3A_684 : i1
        %and3A_686 = arith.andi %ne3A_685, %ne3A_680 : i1
        %add3A_687 = arith.addi %rem3A_678, %select_n3A_677 : i32
        %select_n3A_688 = arith.select %and3A_686, %add3A_687, %rem3A_678 : i32
        %mul3A_689 = arith.constant 128 : i32
        %mul3A_690 = arith.muli %select_n3A_688, %mul3A_689 : i32
        %dma_start3A_691 = arith.constant 1 : i32
        %dma_start3A_692 = arith.constant 0 : i32
        %dma_start3A_693 = tpu.memref_slice %arg8[%dma_start3A_691, %dma_start3A_692] : memref<2x128xi32, #tpu.memory_space<vmem>> -> memref<1x128xi32, #tpu.memory_space<vmem>>
        %dma_start3A_694 = tpu.memref_squeeze %dma_start3A_693 : memref<1x128xi32, #tpu.memory_space<vmem>> -> memref<128xi32, #tpu.memory_space<vmem>>
        %dma_start3A_695 = tpu.memref_slice %arg2[%select_n3A_672, %mul3A_690] : memref<200x4096xi32, #tpu.memory_space<hbm>> -> memref<1x128xi32, #tpu.memory_space<hbm>>
        %dma_start3A_696 = tpu.memref_squeeze %dma_start3A_695 : memref<1x128xi32, #tpu.memory_space<hbm>> -> memref<128xi32, #tpu.memory_space<hbm>>
        %dma_start3A_697 = arith.constant 0 : i32
        %dma_start3A_698 = tpu.memref_slice %arg8[%dma_start3A_691, %dma_start3A_697] : memref<2x128xi32, #tpu.memory_space<vmem>> -> memref<1x128xi32, #tpu.memory_space<vmem>>
        %dma_start3A_699 = tpu.memref_squeeze %dma_start3A_698 : memref<1x128xi32, #tpu.memory_space<vmem>> -> memref<128xi32, #tpu.memory_space<vmem>>
        %dma_start3A_700 = tpu.memref_slice %arg2[%select_n3A_672, %mul3A_690] : memref<200x4096xi32, #tpu.memory_space<hbm>> -> memref<1x128xi32, #tpu.memory_space<hbm>>
        %dma_start3A_701 = tpu.memref_squeeze %dma_start3A_700 : memref<1x128xi32, #tpu.memory_space<hbm>> -> memref<128xi32, #tpu.memory_space<hbm>>
        tpu.enqueue_dma source(%dma_start3A_701 : memref<128xi32, #tpu.memory_space<hbm>>) target(%dma_start3A_699 : memref<128xi32, #tpu.memory_space<vmem>>) target_semaphore(%arg15 : memref<!tpu.dma_semaphore, #tpu.memory_space<semaphore_mem>>)
        %mul3A_702 = arith.constant 128 : i32
        %mul3A_703 = arith.muli %select_n3A_688, %mul3A_702 : i32
        %dma_start3A_704 = arith.constant 1 : i32
        %dma_start3A_705 = arith.constant 0 : i32
        %dma_start3A_706 = tpu.memref_slice %arg9[%dma_start3A_704, %dma_start3A_705] : memref<2x128xi32, #tpu.memory_space<vmem>> -> memref<1x128xi32, #tpu.memory_space<vmem>>
        %dma_start3A_707 = tpu.memref_squeeze %dma_start3A_706 : memref<1x128xi32, #tpu.memory_space<vmem>> -> memref<128xi32, #tpu.memory_space<vmem>>
        %dma_start3A_708 = tpu.memref_slice %arg3[%select_n3A_672, %mul3A_703] : memref<200x4096xi32, #tpu.memory_space<hbm>> -> memref<1x128xi32, #tpu.memory_space<hbm>>
        %dma_start3A_709 = tpu.memref_squeeze %dma_start3A_708 : memref<1x128xi32, #tpu.memory_space<hbm>> -> memref<128xi32, #tpu.memory_space<hbm>>
        %dma_start3A_710 = arith.constant 0 : i32
        %dma_start3A_711 = tpu.memref_slice %arg9[%dma_start3A_704, %dma_start3A_710] : memref<2x128xi32, #tpu.memory_space<vmem>> -> memref<1x128xi32, #tpu.memory_space<vmem>>
        %dma_start3A_712 = tpu.memref_squeeze %dma_start3A_711 : memref<1x128xi32, #tpu.memory_space<vmem>> -> memref<128xi32, #tpu.memory_space<vmem>>
        %dma_start3A_713 = tpu.memref_slice %arg3[%select_n3A_672, %mul3A_703] : memref<200x4096xi32, #tpu.memory_space<hbm>> -> memref<1x128xi32, #tpu.memory_space<hbm>>
        %dma_start3A_714 = tpu.memref_squeeze %dma_start3A_713 : memref<1x128xi32, #tpu.memory_space<hbm>> -> memref<128xi32, #tpu.memory_space<hbm>>
        tpu.enqueue_dma source(%dma_start3A_714 : memref<128xi32, #tpu.memory_space<hbm>>) target(%dma_start3A_712 : memref<128xi32, #tpu.memory_space<vmem>>) target_semaphore(%arg17 : memref<!tpu.dma_semaphore, #tpu.memory_space<semaphore_mem>>)
      } else {
      }
      %ge3A_473 = arith.constant 2 : i32
      %ge3A_474 = arith.cmpi sge, %add3A_450, %ge3A_473 : i32
      %convert_element_type3A_475 = arith.extui %ge3A_474 : i1 to i32
      %cond3A_476 = arith.constant 0 : i32
      %cond3A_477 = arith.cmpi ne, %convert_element_type3A_475, %cond3A_476 : i32
      scf.if %cond3A_477 {
        %dma_wait3A_646 = arith.constant 1 : i32
        %dma_wait3A_647 = arith.constant 0 : i32
        %dma_wait3A_648 = arith.constant 0 : i32
        %dma_wait3A_649 = arith.constant 0 : i32
        %dma_wait3A_650 = tpu.memref_slice %arg13[%dma_wait3A_646, %dma_wait3A_648, %dma_wait3A_649] : memref<2x64x129xf32, #tpu.memory_space<vmem>> -> memref<1x64x128xf32, #tpu.memory_space<vmem>>
        %dma_wait3A_651 = tpu.memref_squeeze %dma_wait3A_650 : memref<1x64x128xf32, #tpu.memory_space<vmem>> -> memref<64x128xf32, #tpu.memory_space<vmem>>
        %dma_wait3A_652 = arith.constant 0 : i32
        %dma_wait3A_653 = arith.constant 0 : i32
        %dma_wait3A_654 = tpu.memref_slice %arg7[%dma_wait3A_647, %dma_wait3A_652, %dma_wait3A_653] : memref<200x64x4096xf32, #tpu.memory_space<hbm>> -> memref<1x64x128xf32, #tpu.memory_space<hbm>>
        %dma_wait3A_655 = tpu.memref_squeeze %dma_wait3A_654 : memref<1x64x128xf32, #tpu.memory_space<hbm>> -> memref<64x128xf32, #tpu.memory_space<hbm>>
        %dma_wait3A_656 = arith.constant 0 : i32
        %dma_wait3A_657 = arith.constant 0 : i32
        %dma_wait3A_658 = tpu.memref_slice %arg7[%dma_wait3A_647, %dma_wait3A_656, %dma_wait3A_657] : memref<200x64x4096xf32, #tpu.memory_space<hbm>> -> memref<1x64x128xf32, #tpu.memory_space<hbm>>
        %dma_wait3A_659 = tpu.memref_squeeze %dma_wait3A_658 : memref<1x64x128xf32, #tpu.memory_space<hbm>> -> memref<64x128xf32, #tpu.memory_space<hbm>>
        %dma_wait3A_660 = arith.constant 0 : i32
        %dma_wait3A_661 = arith.constant 0 : i32
        %dma_wait3A_662 = tpu.memref_slice %arg13[%dma_wait3A_646, %dma_wait3A_660, %dma_wait3A_661] : memref<2x64x129xf32, #tpu.memory_space<vmem>> -> memref<1x64x128xf32, #tpu.memory_space<vmem>>
        %dma_wait3A_663 = tpu.memref_squeeze %dma_wait3A_662 : memref<1x64x128xf32, #tpu.memory_space<vmem>> -> memref<64x128xf32, #tpu.memory_space<vmem>>
        tpu.wait_dma2 semaphore(%arg23 : memref<!tpu.dma_semaphore, #tpu.memory_space<semaphore_mem>>) src(%dma_wait3A_663 : memref<64x128xf32, #tpu.memory_space<vmem>>) dst(%dma_wait3A_659 : memref<64x128xf32, #tpu.memory_space<hbm>>)
      } else {
      }
      %add3A_478 = arith.addi %mul3A_2, %add3A_450 : i32
      %jit3A_479 = arith.constant 32 : i32
      %div3A_480 = arith.divsi %add3A_478, %jit3A_479 : i32
      %sign3A_481 = arith.constant 0 : i32
      %sign3A_482 = arith.cmpi sgt, %add3A_478, %sign3A_481 : i32
      %sign3A_483 = arith.extui %sign3A_482 : i1 to i32
      %sign3A_484 = arith.constant 0 : i32
      %sign3A_485 = arith.cmpi slt, %add3A_478, %sign3A_484 : i32
      %sign3A_486 = arith.extui %sign3A_485 : i1 to i32
      %sign3A_487 = arith.subi %sign3A_483, %sign3A_486 : i32
      %sign3A_488 = arith.constant 0 : i32
      %sign3A_489 = arith.cmpi sgt, %jit3A_479, %sign3A_488 : i32
      %sign3A_490 = arith.extui %sign3A_489 : i1 to i32
      %sign3A_491 = arith.constant 0 : i32
      %sign3A_492 = arith.cmpi slt, %jit3A_479, %sign3A_491 : i32
      %sign3A_493 = arith.extui %sign3A_492 : i1 to i32
      %sign3A_494 = arith.subi %sign3A_490, %sign3A_493 : i32
      %ne3A_495 = arith.cmpi ne, %sign3A_487, %sign3A_494 : i32
      %rem3A_496 = arith.remsi %add3A_478, %jit3A_479 : i32
      %ne3A_497 = arith.constant 0 : i32
      %ne3A_498 = arith.cmpi ne, %rem3A_496, %ne3A_497 : i32
      %and3A_499 = arith.andi %ne3A_495, %ne3A_498 : i1
      %sub3A_500 = arith.constant 1 : i32
      %sub3A_501 = arith.subi %div3A_480, %sub3A_500 : i32
      %select_n3A_502 = arith.select %and3A_499, %sub3A_501, %div3A_480 : i32
      %jit3A_503 = arith.constant 32 : i32
      %eq3A_504 = arith.constant 0 : i32
      %eq3A_505 = arith.cmpi eq, %jit3A_503, %eq3A_504 : i32
      %jit3A_506 = arith.constant 1 : i32
      %select_n3A_507 = arith.select %eq3A_505, %jit3A_506, %jit3A_503 : i32
      %rem3A_508 = arith.remsi %add3A_478, %select_n3A_507 : i32
      %ne3A_509 = arith.constant 0 : i32
      %ne3A_510 = arith.cmpi ne, %rem3A_508, %ne3A_509 : i32
      %lt3A_511 = arith.constant 0 : i32
      %lt3A_512 = arith.cmpi slt, %rem3A_508, %lt3A_511 : i32
      %lt3A_513 = arith.constant 0 : i32
      %lt3A_514 = arith.cmpi slt, %select_n3A_507, %lt3A_513 : i32
      %ne3A_515 = arith.xori %lt3A_512, %lt3A_514 : i1
      %and3A_516 = arith.andi %ne3A_515, %ne3A_510 : i1
      %add3A_517 = arith.addi %rem3A_508, %select_n3A_507 : i32
      %select_n3A_518 = arith.select %and3A_516, %add3A_517, %rem3A_508 : i32
      %jit3A_519 = arith.constant 2 : i32
      %div3A_520 = arith.divsi %select_n3A_502, %jit3A_519 : i32
      %sign3A_521 = arith.constant 0 : i32
      %sign3A_522 = arith.cmpi sgt, %select_n3A_502, %sign3A_521 : i32
      %sign3A_523 = arith.extui %sign3A_522 : i1 to i32
      %sign3A_524 = arith.constant 0 : i32
      %sign3A_525 = arith.cmpi slt, %select_n3A_502, %sign3A_524 : i32
      %sign3A_526 = arith.extui %sign3A_525 : i1 to i32
      %sign3A_527 = arith.subi %sign3A_523, %sign3A_526 : i32
      %sign3A_528 = arith.constant 0 : i32
      %sign3A_529 = arith.cmpi sgt, %jit3A_519, %sign3A_528 : i32
      %sign3A_530 = arith.extui %sign3A_529 : i1 to i32
      %sign3A_531 = arith.constant 0 : i32
      %sign3A_532 = arith.cmpi slt, %jit3A_519, %sign3A_531 : i32
      %sign3A_533 = arith.extui %sign3A_532 : i1 to i32
      %sign3A_534 = arith.subi %sign3A_530, %sign3A_533 : i32
      %ne3A_535 = arith.cmpi ne, %sign3A_527, %sign3A_534 : i32
      %rem3A_536 = arith.remsi %select_n3A_502, %jit3A_519 : i32
      %ne3A_537 = arith.constant 0 : i32
      %ne3A_538 = arith.cmpi ne, %rem3A_536, %ne3A_537 : i32
      %and3A_539 = arith.andi %ne3A_535, %ne3A_538 : i1
      %sub3A_540 = arith.constant 1 : i32
      %sub3A_541 = arith.subi %div3A_520, %sub3A_540 : i32
      %select_n3A_542 = arith.select %and3A_539, %sub3A_541, %div3A_520 : i32
      %jit3A_543 = arith.constant 2 : i32
      %eq3A_544 = arith.constant 0 : i32
      %eq3A_545 = arith.cmpi eq, %jit3A_543, %eq3A_544 : i32
      %jit3A_546 = arith.constant 1 : i32
      %select_n3A_547 = arith.select %eq3A_545, %jit3A_546, %jit3A_543 : i32
      %rem3A_548 = arith.remsi %select_n3A_502, %select_n3A_547 : i32
      %ne3A_549 = arith.constant 0 : i32
      %ne3A_550 = arith.cmpi ne, %rem3A_548, %ne3A_549 : i32
      %lt3A_551 = arith.constant 0 : i32
      %lt3A_552 = arith.cmpi slt, %rem3A_548, %lt3A_551 : i32
      %lt3A_553 = arith.constant 0 : i32
      %lt3A_554 = arith.cmpi slt, %select_n3A_547, %lt3A_553 : i32
      %ne3A_555 = arith.xori %lt3A_552, %lt3A_554 : i1
      %and3A_556 = arith.andi %ne3A_555, %ne3A_550 : i1
      %add3A_557 = arith.addi %rem3A_548, %select_n3A_547 : i32
      %select_n3A_558 = arith.select %and3A_556, %add3A_557, %rem3A_548 : i32
      %mul3A_559 = arith.constant 64 : i32
      %mul3A_560 = arith.muli %select_n3A_558, %mul3A_559 : i32
      %add3A_561 = arith.constant 0 : i32
      %add3A_562 = arith.addi %mul3A_560, %add3A_561 : i32
      %get3A_563 = arith.index_cast %select_n3A_542 : i32 to index
      %get3A_564 = arith.index_cast %add3A_562 : i32 to index
      %get3A_565 = tpu.vector_load %arg12[%get3A_563, %get3A_564] {strides = array<i32>} : memref<100x128xf32, #tpu.memory_space<vmem>>, vector<16xf32>,
      %add3A_566 = arith.constant 16 : i32
      %add3A_567 = arith.addi %mul3A_560, %add3A_566 : i32
      %get3A_568 = arith.index_cast %select_n3A_542 : i32 to index
      %get3A_569 = arith.index_cast %add3A_567 : i32 to index
      %get3A_570 = tpu.vector_load %arg12[%get3A_568, %get3A_569] {strides = array<i32>} : memref<100x128xf32, #tpu.memory_space<vmem>>, vector<16xf32>,
      %add3A_571 = arith.constant 32 : i32
      %add3A_572 = arith.addi %mul3A_560, %add3A_571 : i32
      %get3A_573 = arith.index_cast %select_n3A_542 : i32 to index
      %get3A_574 = arith.index_cast %add3A_572 : i32 to index
      %get3A_575 = tpu.vector_load %arg12[%get3A_573, %get3A_574] {strides = array<i32>} : memref<100x128xf32, #tpu.memory_space<vmem>>, vector<16xf32>,
      %add3A_576 = arith.constant 48 : i32
      %add3A_577 = arith.addi %mul3A_560, %add3A_576 : i32
      %get3A_578 = arith.index_cast %select_n3A_542 : i32 to index
      %get3A_579 = arith.index_cast %add3A_577 : i32 to index
      %get3A_580 = tpu.vector_load %arg12[%get3A_578, %get3A_579] {strides = array<i32>} : memref<100x128xf32, #tpu.memory_space<vmem>>, vector<16xf32>,
      %parallel_loop3A_581 = arith.constant 0 : i32
      %parallel_loop3A_582 = arith.constant 8 : i32
      %parallel_loop3A_583 = arith.constant 1 : i32
      %parallel_loop3A_584 = arith.constant 1 : i32
      %parallel_loop3A_585 = arith.constant 1 : i32
      %parallel_loop3A_586 = arith.constant 1 : i32
      scf.for %parallel_loop3A_646 = %parallel_loop3A_581 to %parallel_loop3A_582 step %parallel_loop3A_583  : i32 {
        %parallel_loop3A_647 = arith.constant 16 : i32
        %parallel_loop3A_648 = arith.muli %parallel_loop3A_646, %parallel_loop3A_647 : i32
        %parallel_loop3A_649 = arith.constant 0 : i32
        %parallel_loop3A_650 = tpu.memref_slice %arg9[%parallel_loop3A_584, %parallel_loop3A_649] : memref<2x128xi32, #tpu.memory_space<vmem>> -> memref<1x128xi32, #tpu.memory_space<vmem>>
        %parallel_loop3A_651 = tpu.memref_squeeze %parallel_loop3A_650 : memref<1x128xi32, #tpu.memory_space<vmem>> -> memref<128xi32, #tpu.memory_space<vmem>>
        %parallel_loop3A_652 = arith.index_cast %parallel_loop3A_648 : i32 to index
        %parallel_loop3A_653 = tpu.vector_load %parallel_loop3A_651[%parallel_loop3A_652] {strides = array<i32>} : memref<128xi32, #tpu.memory_space<vmem>>, vector<16xi32>,
        %parallel_loop3A_654 = arith.constant 16 : i32
        %parallel_loop3A_655 = arith.muli %parallel_loop3A_646, %parallel_loop3A_654 : i32
        %parallel_loop3A_656 = arith.constant 0 : i32
        %parallel_loop3A_657 = arith.addi %parallel_loop3A_655, %parallel_loop3A_656 : i32
        %parallel_loop3A_658 = vector.shape_cast %broadcast_in_dim3A_179 : vector<16x1xi32> to vector<16xi32>
        %parallel_loop3A_659 = tpu.dynamic_gather %parallel_loop3A_653[%parallel_loop3A_658] in [0] : vector<16xi32>, vector<16xi32> -> vector<16xi32>
        %parallel_loop3A_660 = vector.broadcast %parallel_loop3A_657 : i32 to vector<16xi32>
        %parallel_loop3A_661 = tpu.vector_load_idx %arg11[%parallel_loop3A_659, %add3A_169] : memref<1000x64xf32, #tpu.memory_space<vmem>>[vector<16xi32>, vector<16xi32>], vector<16xf32>,
        %parallel_loop3A_662 = arith.constant 0 : i32
        %parallel_loop3A_663 = arith.constant 0 : i32
        %parallel_loop3A_664 = tpu.memref_slice %arg10[%parallel_loop3A_585, %parallel_loop3A_662, %parallel_loop3A_663] : memref<2x128x64xf32, #tpu.memory_space<vmem>> -> memref<1x128x64xf32, #tpu.memory_space<vmem>>
        %parallel_loop3A_665 = tpu.memref_squeeze %parallel_loop3A_664 : memref<1x128x64xf32, #tpu.memory_space<vmem>> -> memref<128x64xf32, #tpu.memory_space<vmem>>
        %parallel_loop3A_666 = arith.index_cast %parallel_loop3A_657 : i32 to index
        %parallel_loop3A_667 = arith.constant 0 : index
        %parallel_loop3A_668 = tpu.vector_load %parallel_loop3A_665[%parallel_loop3A_666, %parallel_loop3A_667] {strides = array<i32>} : memref<128x64xf32, #tpu.memory_space<vmem>>, vector<16xf32>,
        %parallel_loop3A_669 = arith.addf %parallel_loop3A_668, %parallel_loop3A_661 : vector<16xf32>
        %parallel_loop3A_670 = arith.addf %parallel_loop3A_669, %get3A_565 : vector<16xf32>
        %parallel_loop3A_671 = arith.constant 0 : i32
        %parallel_loop3A_672 = arith.constant 0 : i32
        %parallel_loop3A_673 = tpu.memref_slice %arg13[%parallel_loop3A_586, %parallel_loop3A_671, %parallel_loop3A_672] : memref<2x64x129xf32, #tpu.memory_space<vmem>> -> memref<1x64x129xf32, #tpu.memory_space<vmem>>
        %parallel_loop3A_674 = tpu.memref_squeeze %parallel_loop3A_673 : memref<1x64x129xf32, #tpu.memory_space<vmem>> -> memref<64x129xf32, #tpu.memory_space<vmem>>
        tpu.vector_store_idx %parallel_loop3A_674[%add3A_169, %parallel_loop3A_660], %parallel_loop3A_670 : memref<64x129xf32, #tpu.memory_space<vmem>>[vector<16xi32>, vector<16xi32>], vector<16xf32>,
        %parallel_loop3A_675 = tpu.vector_load_idx %arg11[%parallel_loop3A_659, %add3A_172] : memref<1000x64xf32, #tpu.memory_space<vmem>>[vector<16xi32>, vector<16xi32>], vector<16xf32>,
        %parallel_loop3A_676 = arith.constant 0 : i32
        %parallel_loop3A_677 = arith.constant 0 : i32
        %parallel_loop3A_678 = tpu.memref_slice %arg10[%parallel_loop3A_585, %parallel_loop3A_676, %parallel_loop3A_677] : memref<2x128x64xf32, #tpu.memory_space<vmem>> -> memref<1x128x64xf32, #tpu.memory_space<vmem>>
        %parallel_loop3A_679 = tpu.memref_squeeze %parallel_loop3A_678 : memref<1x128x64xf32, #tpu.memory_space<vmem>> -> memref<128x64xf32, #tpu.memory_space<vmem>>
        %parallel_loop3A_680 = arith.index_cast %parallel_loop3A_657 : i32 to index
        %parallel_loop3A_681 = arith.constant 16 : index
        %parallel_loop3A_682 = tpu.vector_load %parallel_loop3A_679[%parallel_loop3A_680, %parallel_loop3A_681] {strides = array<i32>} : memref<128x64xf32, #tpu.memory_space<vmem>>, vector<16xf32>,
        %parallel_loop3A_683 = arith.addf %parallel_loop3A_682, %parallel_loop3A_675 : vector<16xf32>
        %parallel_loop3A_684 = arith.addf %parallel_loop3A_683, %get3A_570 : vector<16xf32>
        %parallel_loop3A_685 = arith.constant 0 : i32
        %parallel_loop3A_686 = arith.constant 0 : i32
        %parallel_loop3A_687 = tpu.memref_slice %arg13[%parallel_loop3A_586, %parallel_loop3A_685, %parallel_loop3A_686] : memref<2x64x129xf32, #tpu.memory_space<vmem>> -> memref<1x64x129xf32, #tpu.memory_space<vmem>>
        %parallel_loop3A_688 = tpu.memref_squeeze %parallel_loop3A_687 : memref<1x64x129xf32, #tpu.memory_space<vmem>> -> memref<64x129xf32, #tpu.memory_space<vmem>>
        tpu.vector_store_idx %parallel_loop3A_688[%add3A_172, %parallel_loop3A_660], %parallel_loop3A_684 : memref<64x129xf32, #tpu.memory_space<vmem>>[vector<16xi32>, vector<16xi32>], vector<16xf32>,
        %parallel_loop3A_689 = tpu.vector_load_idx %arg11[%parallel_loop3A_659, %add3A_175] : memref<1000x64xf32, #tpu.memory_space<vmem>>[vector<16xi32>, vector<16xi32>], vector<16xf32>,
        %parallel_loop3A_690 = arith.constant 0 : i32
        %parallel_loop3A_691 = arith.constant 0 : i32
        %parallel_loop3A_692 = tpu.memref_slice %arg10[%parallel_loop3A_585, %parallel_loop3A_690, %parallel_loop3A_691] : memref<2x128x64xf32, #tpu.memory_space<vmem>> -> memref<1x128x64xf32, #tpu.memory_space<vmem>>
        %parallel_loop3A_693 = tpu.memref_squeeze %parallel_loop3A_692 : memref<1x128x64xf32, #tpu.memory_space<vmem>> -> memref<128x64xf32, #tpu.memory_space<vmem>>
        %parallel_loop3A_694 = arith.index_cast %parallel_loop3A_657 : i32 to index
        %parallel_loop3A_695 = arith.constant 32 : index
        %parallel_loop3A_696 = tpu.vector_load %parallel_loop3A_693[%parallel_loop3A_694, %parallel_loop3A_695] {strides = array<i32>} : memref<128x64xf32, #tpu.memory_space<vmem>>, vector<16xf32>,
        %parallel_loop3A_697 = arith.addf %parallel_loop3A_696, %parallel_loop3A_689 : vector<16xf32>
        %parallel_loop3A_698 = arith.addf %parallel_loop3A_697, %get3A_575 : vector<16xf32>
        %parallel_loop3A_699 = arith.constant 0 : i32
        %parallel_loop3A_700 = arith.constant 0 : i32
        %parallel_loop3A_701 = tpu.memref_slice %arg13[%parallel_loop3A_586, %parallel_loop3A_699, %parallel_loop3A_700] : memref<2x64x129xf32, #tpu.memory_space<vmem>> -> memref<1x64x129xf32, #tpu.memory_space<vmem>>
        %parallel_loop3A_702 = tpu.memref_squeeze %parallel_loop3A_701 : memref<1x64x129xf32, #tpu.memory_space<vmem>> -> memref<64x129xf32, #tpu.memory_space<vmem>>
        tpu.vector_store_idx %parallel_loop3A_702[%add3A_175, %parallel_loop3A_660], %parallel_loop3A_698 : memref<64x129xf32, #tpu.memory_space<vmem>>[vector<16xi32>, vector<16xi32>], vector<16xf32>,
        %parallel_loop3A_703 = tpu.vector_load_idx %arg11[%parallel_loop3A_659, %add3A_178] : memref<1000x64xf32, #tpu.memory_space<vmem>>[vector<16xi32>, vector<16xi32>], vector<16xf32>,
        %parallel_loop3A_704 = arith.constant 0 : i32
        %parallel_loop3A_705 = arith.constant 0 : i32
        %parallel_loop3A_706 = tpu.memref_slice %arg10[%parallel_loop3A_585, %parallel_loop3A_704, %parallel_loop3A_705] : memref<2x128x64xf32, #tpu.memory_space<vmem>> -> memref<1x128x64xf32, #tpu.memory_space<vmem>>
        %parallel_loop3A_707 = tpu.memref_squeeze %parallel_loop3A_706 : memref<1x128x64xf32, #tpu.memory_space<vmem>> -> memref<128x64xf32, #tpu.memory_space<vmem>>
        %parallel_loop3A_708 = arith.index_cast %parallel_loop3A_657 : i32 to index
        %parallel_loop3A_709 = arith.constant 48 : index
        %parallel_loop3A_710 = tpu.vector_load %parallel_loop3A_707[%parallel_loop3A_708, %parallel_loop3A_709] {strides = array<i32>} : memref<128x64xf32, #tpu.memory_space<vmem>>, vector<16xf32>,
        %parallel_loop3A_711 = arith.addf %parallel_loop3A_710, %parallel_loop3A_703 : vector<16xf32>
        %parallel_loop3A_712 = arith.addf %parallel_loop3A_711, %get3A_580 : vector<16xf32>
        %parallel_loop3A_713 = arith.constant 0 : i32
        %parallel_loop3A_714 = arith.constant 0 : i32
        %parallel_loop3A_715 = tpu.memref_slice %arg13[%parallel_loop3A_586, %parallel_loop3A_713, %parallel_loop3A_714] : memref<2x64x129xf32, #tpu.memory_space<vmem>> -> memref<1x64x129xf32, #tpu.memory_space<vmem>>
        %parallel_loop3A_716 = tpu.memref_squeeze %parallel_loop3A_715 : memref<1x64x129xf32, #tpu.memory_space<vmem>> -> memref<64x129xf32, #tpu.memory_space<vmem>>
        tpu.vector_store_idx %parallel_loop3A_716[%add3A_178, %parallel_loop3A_660], %parallel_loop3A_712 : memref<64x129xf32, #tpu.memory_space<vmem>>[vector<16xi32>, vector<16xi32>], vector<16xf32>,
        %parallel_loop3A_717 = arith.constant 16 : i32
        %parallel_loop3A_718 = arith.muli %parallel_loop3A_646, %parallel_loop3A_717 : i32
        %parallel_loop3A_719 = arith.constant 1 : i32
        %parallel_loop3A_720 = arith.addi %parallel_loop3A_718, %parallel_loop3A_719 : i32
        %parallel_loop3A_721 = vector.shape_cast %broadcast_in_dim3A_181 : vector<16x1xi32> to vector<16xi32>
        %parallel_loop3A_722 = tpu.dynamic_gather %parallel_loop3A_653[%parallel_loop3A_721] in [0] : vector<16xi32>, vector<16xi32> -> vector<16xi32>
        %parallel_loop3A_723 = vector.broadcast %parallel_loop3A_720 : i32 to vector<16xi32>
        %parallel_loop3A_724 = tpu.vector_load_idx %arg11[%parallel_loop3A_722, %add3A_169] : memref<1000x64xf32, #tpu.memory_space<vmem>>[vector<16xi32>, vector<16xi32>], vector<16xf32>,
        %parallel_loop3A_725 = arith.constant 0 : i32
        %parallel_loop3A_726 = arith.constant 0 : i32
        %parallel_loop3A_727 = tpu.memref_slice %arg10[%parallel_loop3A_585, %parallel_loop3A_725, %parallel_loop3A_726] : memref<2x128x64xf32, #tpu.memory_space<vmem>> -> memref<1x128x64xf32, #tpu.memory_space<vmem>>
        %parallel_loop3A_728 = tpu.memref_squeeze %parallel_loop3A_727 : memref<1x128x64xf32, #tpu.memory_space<vmem>> -> memref<128x64xf32, #tpu.memory_space<vmem>>
        %parallel_loop3A_729 = arith.index_cast %parallel_loop3A_720 : i32 to index
        %parallel_loop3A_730 = arith.constant 0 : index
        %parallel_loop3A_731 = tpu.vector_load %parallel_loop3A_728[%parallel_loop3A_729, %parallel_loop3A_730] {strides = array<i32>} : memref<128x64xf32, #tpu.memory_space<vmem>>, vector<16xf32>,
        %parallel_loop3A_732 = arith.addf %parallel_loop3A_731, %parallel_loop3A_724 : vector<16xf32>
        %parallel_loop3A_733 = arith.addf %parallel_loop3A_732, %get3A_565 : vector<16xf32>
        %parallel_loop3A_734 = arith.constant 0 : i32
        %parallel_loop3A_735 = arith.constant 0 : i32
        %parallel_loop3A_736 = tpu.memref_slice %arg13[%parallel_loop3A_586, %parallel_loop3A_734, %parallel_loop3A_735] : memref<2x64x129xf32, #tpu.memory_space<vmem>> -> memref<1x64x129xf32, #tpu.memory_space<vmem>>
        %parallel_loop3A_737 = tpu.memref_squeeze %parallel_loop3A_736 : memref<1x64x129xf32, #tpu.memory_space<vmem>> -> memref<64x129xf32, #tpu.memory_space<vmem>>
        tpu.vector_store_idx %parallel_loop3A_737[%add3A_169, %parallel_loop3A_723], %parallel_loop3A_733 : memref<64x129xf32, #tpu.memory_space<vmem>>[vector<16xi32>, vector<16xi32>], vector<16xf32>,
        %parallel_loop3A_738 = tpu.vector_load_idx %arg11[%parallel_loop3A_722, %add3A_172] : memref<1000x64xf32, #tpu.memory_space<vmem>>[vector<16xi32>, vector<16xi32>], vector<16xf32>,
        %parallel_loop3A_739 = arith.constant 0 : i32
        %parallel_loop3A_740 = arith.constant 0 : i32
        %parallel_loop3A_741 = tpu.memref_slice %arg10[%parallel_loop3A_585, %parallel_loop3A_739, %parallel_loop3A_740] : memref<2x128x64xf32, #tpu.memory_space<vmem>> -> memref<1x128x64xf32, #tpu.memory_space<vmem>>
        %parallel_loop3A_742 = tpu.memref_squeeze %parallel_loop3A_741 : memref<1x128x64xf32, #tpu.memory_space<vmem>> -> memref<128x64xf32, #tpu.memory_space<vmem>>
        %parallel_loop3A_743 = arith.index_cast %parallel_loop3A_720 : i32 to index
        %parallel_loop3A_744 = arith.constant 16 : index
        %parallel_loop3A_745 = tpu.vector_load %parallel_loop3A_742[%parallel_loop3A_743, %parallel_loop3A_744] {strides = array<i32>} : memref<128x64xf32, #tpu.memory_space<vmem>>, vector<16xf32>,
        %parallel_loop3A_746 = arith.addf %parallel_loop3A_745, %parallel_loop3A_738 : vector<16xf32>
        %parallel_loop3A_747 = arith.addf %parallel_loop3A_746, %get3A_570 : vector<16xf32>
        %parallel_loop3A_748 = arith.constant 0 : i32
        %parallel_loop3A_749 = arith.constant 0 : i32
        %parallel_loop3A_750 = tpu.memref_slice %arg13[%parallel_loop3A_586, %parallel_loop3A_748, %parallel_loop3A_749] : memref<2x64x129xf32, #tpu.memory_space<vmem>> -> memref<1x64x129xf32, #tpu.memory_space<vmem>>
        %parallel_loop3A_751 = tpu.memref_squeeze %parallel_loop3A_750 : memref<1x64x129xf32, #tpu.memory_space<vmem>> -> memref<64x129xf32, #tpu.memory_space<vmem>>
        tpu.vector_store_idx %parallel_loop3A_751[%add3A_172, %parallel_loop3A_723], %parallel_loop3A_747 : memref<64x129xf32, #tpu.memory_space<vmem>>[vector<16xi32>, vector<16xi32>], vector<16xf32>,
        %parallel_loop3A_752 = tpu.vector_load_idx %arg11[%parallel_loop3A_722, %add3A_175] : memref<1000x64xf32, #tpu.memory_space<vmem>>[vector<16xi32>, vector<16xi32>], vector<16xf32>,
        %parallel_loop3A_753 = arith.constant 0 : i32
        %parallel_loop3A_754 = arith.constant 0 : i32
        %parallel_loop3A_755 = tpu.memref_slice %arg10[%parallel_loop3A_585, %parallel_loop3A_753, %parallel_loop3A_754] : memref<2x128x64xf32, #tpu.memory_space<vmem>> -> memref<1x128x64xf32, #tpu.memory_space<vmem>>
        %parallel_loop3A_756 = tpu.memref_squeeze %parallel_loop3A_755 : memref<1x128x64xf32, #tpu.memory_space<vmem>> -> memref<128x64xf32, #tpu.memory_space<vmem>>
        %parallel_loop3A_757 = arith.index_cast %parallel_loop3A_720 : i32 to index
        %parallel_loop3A_758 = arith.constant 32 : index
        %parallel_loop3A_759 = tpu.vector_load %parallel_loop3A_756[%parallel_loop3A_757, %parallel_loop3A_758] {strides = array<i32>} : memref<128x64xf32, #tpu.memory_space<vmem>>, vector<16xf32>,
        %parallel_loop3A_760 = arith.addf %parallel_loop3A_759, %parallel_loop3A_752 : vector<16xf32>
        %parallel_loop3A_761 = arith.addf %parallel_loop3A_760, %get3A_575 : vector<16xf32>
        %parallel_loop3A_762 = arith.constant 0 : i32
        %parallel_loop3A_763 = arith.constant 0 : i32
        %parallel_loop3A_764 = tpu.memref_slice %arg13[%parallel_loop3A_586, %parallel_loop3A_762, %parallel_loop3A_763] : memref<2x64x129xf32, #tpu.memory_space<vmem>> -> memref<1x64x129xf32, #tpu.memory_space<vmem>>
        %parallel_loop3A_765 = tpu.memref_squeeze %parallel_loop3A_764 : memref<1x64x129xf32, #tpu.memory_space<vmem>> -> memref<64x129xf32, #tpu.memory_space<vmem>>
        tpu.vector_store_idx %parallel_loop3A_765[%add3A_175, %parallel_loop3A_723], %parallel_loop3A_761 : memref<64x129xf32, #tpu.memory_space<vmem>>[vector<16xi32>, vector<16xi32>], vector<16xf32>,
        %parallel_loop3A_766 = tpu.vector_load_idx %arg11[%parallel_loop3A_722, %add3A_178] : memref<1000x64xf32, #tpu.memory_space<vmem>>[vector<16xi32>, vector<16xi32>], vector<16xf32>,
        %parallel_loop3A_767 = arith.constant 0 : i32
        %parallel_loop3A_768 = arith.constant 0 : i32
        %parallel_loop3A_769 = tpu.memref_slice %arg10[%parallel_loop3A_585, %parallel_loop3A_767, %parallel_loop3A_768] : memref<2x128x64xf32, #tpu.memory_space<vmem>> -> memref<1x128x64xf32, #tpu.memory_space<vmem>>
        %parallel_loop3A_770 = tpu.memref_squeeze %parallel_loop3A_769 : memref<1x128x64xf32, #tpu.memory_space<vmem>> -> memref<128x64xf32, #tpu.memory_space<vmem>>
        %parallel_loop3A_771 = arith.index_cast %parallel_loop3A_720 : i32 to index
        %parallel_loop3A_772 = arith.constant 48 : index
        %parallel_loop3A_773 = tpu.vector_load %parallel_loop3A_770[%parallel_loop3A_771, %parallel_loop3A_772] {strides = array<i32>} : memref<128x64xf32, #tpu.memory_space<vmem>>, vector<16xf32>,
        %parallel_loop3A_774 = arith.addf %parallel_loop3A_773, %parallel_loop3A_766 : vector<16xf32>
        %parallel_loop3A_775 = arith.addf %parallel_loop3A_774, %get3A_580 : vector<16xf32>
        %parallel_loop3A_776 = arith.constant 0 : i32
        %parallel_loop3A_777 = arith.constant 0 : i32
        %parallel_loop3A_778 = tpu.memref_slice %arg13[%parallel_loop3A_586, %parallel_loop3A_776, %parallel_loop3A_777] : memref<2x64x129xf32, #tpu.memory_space<vmem>> -> memref<1x64x129xf32, #tpu.memory_space<vmem>>
        %parallel_loop3A_779 = tpu.memref_squeeze %parallel_loop3A_778 : memref<1x64x129xf32, #tpu.memory_space<vmem>> -> memref<64x129xf32, #tpu.memory_space<vmem>>
        tpu.vector_store_idx %parallel_loop3A_779[%add3A_178, %parallel_loop3A_723], %parallel_loop3A_775 : memref<64x129xf32, #tpu.memory_space<vmem>>[vector<16xi32>, vector<16xi32>], vector<16xf32>,
        %parallel_loop3A_780 = arith.constant 16 : i32
        %parallel_loop3A_781 = arith.muli %parallel_loop3A_646, %parallel_loop3A_780 : i32
        %parallel_loop3A_782 = arith.constant 2 : i32
        %parallel_loop3A_783 = arith.addi %parallel_loop3A_781, %parallel_loop3A_782 : i32
        %parallel_loop3A_784 = vector.shape_cast %broadcast_in_dim3A_183 : vector<16x1xi32> to vector<16xi32>
        %parallel_loop3A_785 = tpu.dynamic_gather %parallel_loop3A_653[%parallel_loop3A_784] in [0] : vector<16xi32>, vector<16xi32> -> vector<16xi32>
        %parallel_loop3A_786 = vector.broadcast %parallel_loop3A_783 : i32 to vector<16xi32>
        %parallel_loop3A_787 = tpu.vector_load_idx %arg11[%parallel_loop3A_785, %add3A_169] : memref<1000x64xf32, #tpu.memory_space<vmem>>[vector<16xi32>, vector<16xi32>], vector<16xf32>,
        %parallel_loop3A_788 = arith.constant 0 : i32
        %parallel_loop3A_789 = arith.constant 0 : i32
        %parallel_loop3A_790 = tpu.memref_slice %arg10[%parallel_loop3A_585, %parallel_loop3A_788, %parallel_loop3A_789] : memref<2x128x64xf32, #tpu.memory_space<vmem>> -> memref<1x128x64xf32, #tpu.memory_space<vmem>>
        %parallel_loop3A_791 = tpu.memref_squeeze %parallel_loop3A_790 : memref<1x128x64xf32, #tpu.memory_space<vmem>> -> memref<128x64xf32, #tpu.memory_space<vmem>>
        %parallel_loop3A_792 = arith.index_cast %parallel_loop3A_783 : i32 to index
        %parallel_loop3A_793 = arith.constant 0 : index
        %parallel_loop3A_794 = tpu.vector_load %parallel_loop3A_791[%parallel_loop3A_792, %parallel_loop3A_793] {strides = array<i32>} : memref<128x64xf32, #tpu.memory_space<vmem>>, vector<16xf32>,
        %parallel_loop3A_795 = arith.addf %parallel_loop3A_794, %parallel_loop3A_787 : vector<16xf32>
        %parallel_loop3A_796 = arith.addf %parallel_loop3A_795, %get3A_565 : vector<16xf32>
        %parallel_loop3A_797 = arith.constant 0 : i32
        %parallel_loop3A_798 = arith.constant 0 : i32
        %parallel_loop3A_799 = tpu.memref_slice %arg13[%parallel_loop3A_586, %parallel_loop3A_797, %parallel_loop3A_798] : memref<2x64x129xf32, #tpu.memory_space<vmem>> -> memref<1x64x129xf32, #tpu.memory_space<vmem>>
        %parallel_loop3A_800 = tpu.memref_squeeze %parallel_loop3A_799 : memref<1x64x129xf32, #tpu.memory_space<vmem>> -> memref<64x129xf32, #tpu.memory_space<vmem>>
        tpu.vector_store_idx %parallel_loop3A_800[%add3A_169, %parallel_loop3A_786], %parallel_loop3A_796 : memref<64x129xf32, #tpu.memory_space<vmem>>[vector<16xi32>, vector<16xi32>], vector<16xf32>,
        %parallel_loop3A_801 = tpu.vector_load_idx %arg11[%parallel_loop3A_785, %add3A_172] : memref<1000x64xf32, #tpu.memory_space<vmem>>[vector<16xi32>, vector<16xi32>], vector<16xf32>,
        %parallel_loop3A_802 = arith.constant 0 : i32
        %parallel_loop3A_803 = arith.constant 0 : i32
        %parallel_loop3A_804 = tpu.memref_slice %arg10[%parallel_loop3A_585, %parallel_loop3A_802, %parallel_loop3A_803] : memref<2x128x64xf32, #tpu.memory_space<vmem>> -> memref<1x128x64xf32, #tpu.memory_space<vmem>>
        %parallel_loop3A_805 = tpu.memref_squeeze %parallel_loop3A_804 : memref<1x128x64xf32, #tpu.memory_space<vmem>> -> memref<128x64xf32, #tpu.memory_space<vmem>>
        %parallel_loop3A_806 = arith.index_cast %parallel_loop3A_783 : i32 to index
        %parallel_loop3A_807 = arith.constant 16 : index
        %parallel_loop3A_808 = tpu.vector_load %parallel_loop3A_805[%parallel_loop3A_806, %parallel_loop3A_807] {strides = array<i32>} : memref<128x64xf32, #tpu.memory_space<vmem>>, vector<16xf32>,
        %parallel_loop3A_809 = arith.addf %parallel_loop3A_808, %parallel_loop3A_801 : vector<16xf32>
        %parallel_loop3A_810 = arith.addf %parallel_loop3A_809, %get3A_570 : vector<16xf32>
        %parallel_loop3A_811 = arith.constant 0 : i32
        %parallel_loop3A_812 = arith.constant 0 : i32
        %parallel_loop3A_813 = tpu.memref_slice %arg13[%parallel_loop3A_586, %parallel_loop3A_811, %parallel_loop3A_812] : memref<2x64x129xf32, #tpu.memory_space<vmem>> -> memref<1x64x129xf32, #tpu.memory_space<vmem>>
        %parallel_loop3A_814 = tpu.memref_squeeze %parallel_loop3A_813 : memref<1x64x129xf32, #tpu.memory_space<vmem>> -> memref<64x129xf32, #tpu.memory_space<vmem>>
        tpu.vector_store_idx %parallel_loop3A_814[%add3A_172, %parallel_loop3A_786], %parallel_loop3A_810 : memref<64x129xf32, #tpu.memory_space<vmem>>[vector<16xi32>, vector<16xi32>], vector<16xf32>,
        %parallel_loop3A_815 = tpu.vector_load_idx %arg11[%parallel_loop3A_785, %add3A_175] : memref<1000x64xf32, #tpu.memory_space<vmem>>[vector<16xi32>, vector<16xi32>], vector<16xf32>,
        %parallel_loop3A_816 = arith.constant 0 : i32
        %parallel_loop3A_817 = arith.constant 0 : i32
        %parallel_loop3A_818 = tpu.memref_slice %arg10[%parallel_loop3A_585, %parallel_loop3A_816, %parallel_loop3A_817] : memref<2x128x64xf32, #tpu.memory_space<vmem>> -> memref<1x128x64xf32, #tpu.memory_space<vmem>>
        %parallel_loop3A_819 = tpu.memref_squeeze %parallel_loop3A_818 : memref<1x128x64xf32, #tpu.memory_space<vmem>> -> memref<128x64xf32, #tpu.memory_space<vmem>>
        %parallel_loop3A_820 = arith.index_cast %parallel_loop3A_783 : i32 to index
        %parallel_loop3A_821 = arith.constant 32 : index
        %parallel_loop3A_822 = tpu.vector_load %parallel_loop3A_819[%parallel_loop3A_820, %parallel_loop3A_821] {strides = array<i32>} : memref<128x64xf32, #tpu.memory_space<vmem>>, vector<16xf32>,
        %parallel_loop3A_823 = arith.addf %parallel_loop3A_822, %parallel_loop3A_815 : vector<16xf32>
        %parallel_loop3A_824 = arith.addf %parallel_loop3A_823, %get3A_575 : vector<16xf32>
        %parallel_loop3A_825 = arith.constant 0 : i32
        %parallel_loop3A_826 = arith.constant 0 : i32
        %parallel_loop3A_827 = tpu.memref_slice %arg13[%parallel_loop3A_586, %parallel_loop3A_825, %parallel_loop3A_826] : memref<2x64x129xf32, #tpu.memory_space<vmem>> -> memref<1x64x129xf32, #tpu.memory_space<vmem>>
        %parallel_loop3A_828 = tpu.memref_squeeze %parallel_loop3A_827 : memref<1x64x129xf32, #tpu.memory_space<vmem>> -> memref<64x129xf32, #tpu.memory_space<vmem>>
        tpu.vector_store_idx %parallel_loop3A_828[%add3A_175, %parallel_loop3A_786], %parallel_loop3A_824 : memref<64x129xf32, #tpu.memory_space<vmem>>[vector<16xi32>, vector<16xi32>], vector<16xf32>,
        %parallel_loop3A_829 = tpu.vector_load_idx %arg11[%parallel_loop3A_785, %add3A_178] : memref<1000x64xf32, #tpu.memory_space<vmem>>[vector<16xi32>, vector<16xi32>], vector<16xf32>,
        %parallel_loop3A_830 = arith.constant 0 : i32
        %parallel_loop3A_831 = arith.constant 0 : i32
        %parallel_loop3A_832 = tpu.memref_slice %arg10[%parallel_loop3A_585, %parallel_loop3A_830, %parallel_loop3A_831] : memref<2x128x64xf32, #tpu.memory_space<vmem>> -> memref<1x128x64xf32, #tpu.memory_space<vmem>>
        %parallel_loop3A_833 = tpu.memref_squeeze %parallel_loop3A_832 : memref<1x128x64xf32, #tpu.memory_space<vmem>> -> memref<128x64xf32, #tpu.memory_space<vmem>>
        %parallel_loop3A_834 = arith.index_cast %parallel_loop3A_783 : i32 to index
        %parallel_loop3A_835 = arith.constant 48 : index
        %parallel_loop3A_836 = tpu.vector_load %parallel_loop3A_833[%parallel_loop3A_834, %parallel_loop3A_835] {strides = array<i32>} : memref<128x64xf32, #tpu.memory_space<vmem>>, vector<16xf32>,
        %parallel_loop3A_837 = arith.addf %parallel_loop3A_836, %parallel_loop3A_829 : vector<16xf32>
        %parallel_loop3A_838 = arith.addf %parallel_loop3A_837, %get3A_580 : vector<16xf32>
        %parallel_loop3A_839 = arith.constant 0 : i32
        %parallel_loop3A_840 = arith.constant 0 : i32
        %parallel_loop3A_841 = tpu.memref_slice %arg13[%parallel_loop3A_586, %parallel_loop3A_839, %parallel_loop3A_840] : memref<2x64x129xf32, #tpu.memory_space<vmem>> -> memref<1x64x129xf32, #tpu.memory_space<vmem>>
        %parallel_loop3A_842 = tpu.memref_squeeze %parallel_loop3A_841 : memref<1x64x129xf32, #tpu.memory_space<vmem>> -> memref<64x129xf32, #tpu.memory_space<vmem>>
        tpu.vector_store_idx %parallel_loop3A_842[%add3A_178, %parallel_loop3A_786], %parallel_loop3A_838 : memref<64x129xf32, #tpu.memory_space<vmem>>[vector<16xi32>, vector<16xi32>], vector<16xf32>,
        %parallel_loop3A_843 = arith.constant 16 : i32
        %parallel_loop3A_844 = arith.muli %parallel_loop3A_646, %parallel_loop3A_843 : i32
        %parallel_loop3A_845 = arith.constant 3 : i32
        %parallel_loop3A_846 = arith.addi %parallel_loop3A_844, %parallel_loop3A_845 : i32
        %parallel_loop3A_847 = vector.shape_cast %broadcast_in_dim3A_185 : vector<16x1xi32> to vector<16xi32>
        %parallel_loop3A_848 = tpu.dynamic_gather %parallel_loop3A_653[%parallel_loop3A_847] in [0] : vector<16xi32>, vector<16xi32> -> vector<16xi32>
        %parallel_loop3A_849 = vector.broadcast %parallel_loop3A_846 : i32 to vector<16xi32>
        %parallel_loop3A_850 = tpu.vector_load_idx %arg11[%parallel_loop3A_848, %add3A_169] : memref<1000x64xf32, #tpu.memory_space<vmem>>[vector<16xi32>, vector<16xi32>], vector<16xf32>,
        %parallel_loop3A_851 = arith.constant 0 : i32
        %parallel_loop3A_852 = arith.constant 0 : i32
        %parallel_loop3A_853 = tpu.memref_slice %arg10[%parallel_loop3A_585, %parallel_loop3A_851, %parallel_loop3A_852] : memref<2x128x64xf32, #tpu.memory_space<vmem>> -> memref<1x128x64xf32, #tpu.memory_space<vmem>>
        %parallel_loop3A_854 = tpu.memref_squeeze %parallel_loop3A_853 : memref<1x128x64xf32, #tpu.memory_space<vmem>> -> memref<128x64xf32, #tpu.memory_space<vmem>>
        %parallel_loop3A_855 = arith.index_cast %parallel_loop3A_846 : i32 to index
        %parallel_loop3A_856 = arith.constant 0 : index
        %parallel_loop3A_857 = tpu.vector_load %parallel_loop3A_854[%parallel_loop3A_855, %parallel_loop3A_856] {strides = array<i32>} : memref<128x64xf32, #tpu.memory_space<vmem>>, vector<16xf32>,
        %parallel_loop3A_858 = arith.addf %parallel_loop3A_857, %parallel_loop3A_850 : vector<16xf32>
        %parallel_loop3A_859 = arith.addf %parallel_loop3A_858, %get3A_565 : vector<16xf32>
        %parallel_loop3A_860 = arith.constant 0 : i32
        %parallel_loop3A_861 = arith.constant 0 : i32
        %parallel_loop3A_862 = tpu.memref_slice %arg13[%parallel_loop3A_586, %parallel_loop3A_860, %parallel_loop3A_861] : memref<2x64x129xf32, #tpu.memory_space<vmem>> -> memref<1x64x129xf32, #tpu.memory_space<vmem>>
        %parallel_loop3A_863 = tpu.memref_squeeze %parallel_loop3A_862 : memref<1x64x129xf32, #tpu.memory_space<vmem>> -> memref<64x129xf32, #tpu.memory_space<vmem>>
        tpu.vector_store_idx %parallel_loop3A_863[%add3A_169, %parallel_loop3A_849], %parallel_loop3A_859 : memref<64x129xf32, #tpu.memory_space<vmem>>[vector<16xi32>, vector<16xi32>], vector<16xf32>,
        %parallel_loop3A_864 = tpu.vector_load_idx %arg11[%parallel_loop3A_848, %add3A_172] : memref<1000x64xf32, #tpu.memory_space<vmem>>[vector<16xi32>, vector<16xi32>], vector<16xf32>,
        %parallel_loop3A_865 = arith.constant 0 : i32
        %parallel_loop3A_866 = arith.constant 0 : i32
        %parallel_loop3A_867 = tpu.memref_slice %arg10[%parallel_loop3A_585, %parallel_loop3A_865, %parallel_loop3A_866] : memref<2x128x64xf32, #tpu.memory_space<vmem>> -> memref<1x128x64xf32, #tpu.memory_space<vmem>>
        %parallel_loop3A_868 = tpu.memref_squeeze %parallel_loop3A_867 : memref<1x128x64xf32, #tpu.memory_space<vmem>> -> memref<128x64xf32, #tpu.memory_space<vmem>>
        %parallel_loop3A_869 = arith.index_cast %parallel_loop3A_846 : i32 to index
        %parallel_loop3A_870 = arith.constant 16 : index
        %parallel_loop3A_871 = tpu.vector_load %parallel_loop3A_868[%parallel_loop3A_869, %parallel_loop3A_870] {strides = array<i32>} : memref<128x64xf32, #tpu.memory_space<vmem>>, vector<16xf32>,
        %parallel_loop3A_872 = arith.addf %parallel_loop3A_871, %parallel_loop3A_864 : vector<16xf32>
        %parallel_loop3A_873 = arith.addf %parallel_loop3A_872, %get3A_570 : vector<16xf32>
        %parallel_loop3A_874 = arith.constant 0 : i32
        %parallel_loop3A_875 = arith.constant 0 : i32
        %parallel_loop3A_876 = tpu.memref_slice %arg13[%parallel_loop3A_586, %parallel_loop3A_874, %parallel_loop3A_875] : memref<2x64x129xf32, #tpu.memory_space<vmem>> -> memref<1x64x129xf32, #tpu.memory_space<vmem>>
        %parallel_loop3A_877 = tpu.memref_squeeze %parallel_loop3A_876 : memref<1x64x129xf32, #tpu.memory_space<vmem>> -> memref<64x129xf32, #tpu.memory_space<vmem>>
        tpu.vector_store_idx %parallel_loop3A_877[%add3A_172, %parallel_loop3A_849], %parallel_loop3A_873 : memref<64x129xf32, #tpu.memory_space<vmem>>[vector<16xi32>, vector<16xi32>], vector<16xf32>,
        %parallel_loop3A_878 = tpu.vector_load_idx %arg11[%parallel_loop3A_848, %add3A_175] : memref<1000x64xf32, #tpu.memory_space<vmem>>[vector<16xi32>, vector<16xi32>], vector<16xf32>,
        %parallel_loop3A_879 = arith.constant 0 : i32
        %parallel_loop3A_880 = arith.constant 0 : i32
        %parallel_loop3A_881 = tpu.memref_slice %arg10[%parallel_loop3A_585, %parallel_loop3A_879, %parallel_loop3A_880] : memref<2x128x64xf32, #tpu.memory_space<vmem>> -> memref<1x128x64xf32, #tpu.memory_space<vmem>>
        %parallel_loop3A_882 = tpu.memref_squeeze %parallel_loop3A_881 : memref<1x128x64xf32, #tpu.memory_space<vmem>> -> memref<128x64xf32, #tpu.memory_space<vmem>>
        %parallel_loop3A_883 = arith.index_cast %parallel_loop3A_846 : i32 to index
        %parallel_loop3A_884 = arith.constant 32 : index
        %parallel_loop3A_885 = tpu.vector_load %parallel_loop3A_882[%parallel_loop3A_883, %parallel_loop3A_884] {strides = array<i32>} : memref<128x64xf32, #tpu.memory_space<vmem>>, vector<16xf32>,
        %parallel_loop3A_886 = arith.addf %parallel_loop3A_885, %parallel_loop3A_878 : vector<16xf32>
        %parallel_loop3A_887 = arith.addf %parallel_loop3A_886, %get3A_575 : vector<16xf32>
        %parallel_loop3A_888 = arith.constant 0 : i32
        %parallel_loop3A_889 = arith.constant 0 : i32
        %parallel_loop3A_890 = tpu.memref_slice %arg13[%parallel_loop3A_586, %parallel_loop3A_888, %parallel_loop3A_889] : memref<2x64x129xf32, #tpu.memory_space<vmem>> -> memref<1x64x129xf32, #tpu.memory_space<vmem>>
        %parallel_loop3A_891 = tpu.memref_squeeze %parallel_loop3A_890 : memref<1x64x129xf32, #tpu.memory_space<vmem>> -> memref<64x129xf32, #tpu.memory_space<vmem>>
        tpu.vector_store_idx %parallel_loop3A_891[%add3A_175, %parallel_loop3A_849], %parallel_loop3A_887 : memref<64x129xf32, #tpu.memory_space<vmem>>[vector<16xi32>, vector<16xi32>], vector<16xf32>,
        %parallel_loop3A_892 = tpu.vector_load_idx %arg11[%parallel_loop3A_848, %add3A_178] : memref<1000x64xf32, #tpu.memory_space<vmem>>[vector<16xi32>, vector<16xi32>], vector<16xf32>,
        %parallel_loop3A_893 = arith.constant 0 : i32
        %parallel_loop3A_894 = arith.constant 0 : i32
        %parallel_loop3A_895 = tpu.memref_slice %arg10[%parallel_loop3A_585, %parallel_loop3A_893, %parallel_loop3A_894] : memref<2x128x64xf32, #tpu.memory_space<vmem>> -> memref<1x128x64xf32, #tpu.memory_space<vmem>>
        %parallel_loop3A_896 = tpu.memref_squeeze %parallel_loop3A_895 : memref<1x128x64xf32, #tpu.memory_space<vmem>> -> memref<128x64xf32, #tpu.memory_space<vmem>>
        %parallel_loop3A_897 = arith.index_cast %parallel_loop3A_846 : i32 to index
        %parallel_loop3A_898 = arith.constant 48 : index
        %parallel_loop3A_899 = tpu.vector_load %parallel_loop3A_896[%parallel_loop3A_897, %parallel_loop3A_898] {strides = array<i32>} : memref<128x64xf32, #tpu.memory_space<vmem>>, vector<16xf32>,
        %parallel_loop3A_900 = arith.addf %parallel_loop3A_899, %parallel_loop3A_892 : vector<16xf32>
        %parallel_loop3A_901 = arith.addf %parallel_loop3A_900, %get3A_580 : vector<16xf32>
        %parallel_loop3A_902 = arith.constant 0 : i32
        %parallel_loop3A_903 = arith.constant 0 : i32
        %parallel_loop3A_904 = tpu.memref_slice %arg13[%parallel_loop3A_586, %parallel_loop3A_902, %parallel_loop3A_903] : memref<2x64x129xf32, #tpu.memory_space<vmem>> -> memref<1x64x129xf32, #tpu.memory_space<vmem>>
        %parallel_loop3A_905 = tpu.memref_squeeze %parallel_loop3A_904 : memref<1x64x129xf32, #tpu.memory_space<vmem>> -> memref<64x129xf32, #tpu.memory_space<vmem>>
        tpu.vector_store_idx %parallel_loop3A_905[%add3A_178, %parallel_loop3A_849], %parallel_loop3A_901 : memref<64x129xf32, #tpu.memory_space<vmem>>[vector<16xi32>, vector<16xi32>], vector<16xf32>,
        %parallel_loop3A_906 = arith.constant 16 : i32
        %parallel_loop3A_907 = arith.muli %parallel_loop3A_646, %parallel_loop3A_906 : i32
        %parallel_loop3A_908 = arith.constant 4 : i32
        %parallel_loop3A_909 = arith.addi %parallel_loop3A_907, %parallel_loop3A_908 : i32
        %parallel_loop3A_910 = vector.shape_cast %broadcast_in_dim3A_187 : vector<16x1xi32> to vector<16xi32>
        %parallel_loop3A_911 = tpu.dynamic_gather %parallel_loop3A_653[%parallel_loop3A_910] in [0] : vector<16xi32>, vector<16xi32> -> vector<16xi32>
        %parallel_loop3A_912 = vector.broadcast %parallel_loop3A_909 : i32 to vector<16xi32>
        %parallel_loop3A_913 = tpu.vector_load_idx %arg11[%parallel_loop3A_911, %add3A_169] : memref<1000x64xf32, #tpu.memory_space<vmem>>[vector<16xi32>, vector<16xi32>], vector<16xf32>,
        %parallel_loop3A_914 = arith.constant 0 : i32
        %parallel_loop3A_915 = arith.constant 0 : i32
        %parallel_loop3A_916 = tpu.memref_slice %arg10[%parallel_loop3A_585, %parallel_loop3A_914, %parallel_loop3A_915] : memref<2x128x64xf32, #tpu.memory_space<vmem>> -> memref<1x128x64xf32, #tpu.memory_space<vmem>>
        %parallel_loop3A_917 = tpu.memref_squeeze %parallel_loop3A_916 : memref<1x128x64xf32, #tpu.memory_space<vmem>> -> memref<128x64xf32, #tpu.memory_space<vmem>>
        %parallel_loop3A_918 = arith.index_cast %parallel_loop3A_909 : i32 to index
        %parallel_loop3A_919 = arith.constant 0 : index
        %parallel_loop3A_920 = tpu.vector_load %parallel_loop3A_917[%parallel_loop3A_918, %parallel_loop3A_919] {strides = array<i32>} : memref<128x64xf32, #tpu.memory_space<vmem>>, vector<16xf32>,
        %parallel_loop3A_921 = arith.addf %parallel_loop3A_920, %parallel_loop3A_913 : vector<16xf32>
        %parallel_loop3A_922 = arith.addf %parallel_loop3A_921, %get3A_565 : vector<16xf32>
        %parallel_loop3A_923 = arith.constant 0 : i32
        %parallel_loop3A_924 = arith.constant 0 : i32
        %parallel_loop3A_925 = tpu.memref_slice %arg13[%parallel_loop3A_586, %parallel_loop3A_923, %parallel_loop3A_924] : memref<2x64x129xf32, #tpu.memory_space<vmem>> -> memref<1x64x129xf32, #tpu.memory_space<vmem>>
        %parallel_loop3A_926 = tpu.memref_squeeze %parallel_loop3A_925 : memref<1x64x129xf32, #tpu.memory_space<vmem>> -> memref<64x129xf32, #tpu.memory_space<vmem>>
        tpu.vector_store_idx %parallel_loop3A_926[%add3A_169, %parallel_loop3A_912], %parallel_loop3A_922 : memref<64x129xf32, #tpu.memory_space<vmem>>[vector<16xi32>, vector<16xi32>], vector<16xf32>,
        %parallel_loop3A_927 = tpu.vector_load_idx %arg11[%parallel_loop3A_911, %add3A_172] : memref<1000x64xf32, #tpu.memory_space<vmem>>[vector<16xi32>, vector<16xi32>], vector<16xf32>,
        %parallel_loop3A_928 = arith.constant 0 : i32
        %parallel_loop3A_929 = arith.constant 0 : i32
        %parallel_loop3A_930 = tpu.memref_slice %arg10[%parallel_loop3A_585, %parallel_loop3A_928, %parallel_loop3A_929] : memref<2x128x64xf32, #tpu.memory_space<vmem>> -> memref<1x128x64xf32, #tpu.memory_space<vmem>>
        %parallel_loop3A_931 = tpu.memref_squeeze %parallel_loop3A_930 : memref<1x128x64xf32, #tpu.memory_space<vmem>> -> memref<128x64xf32, #tpu.memory_space<vmem>>
        %parallel_loop3A_932 = arith.index_cast %parallel_loop3A_909 : i32 to index
        %parallel_loop3A_933 = arith.constant 16 : index
        %parallel_loop3A_934 = tpu.vector_load %parallel_loop3A_931[%parallel_loop3A_932, %parallel_loop3A_933] {strides = array<i32>} : memref<128x64xf32, #tpu.memory_space<vmem>>, vector<16xf32>,
        %parallel_loop3A_935 = arith.addf %parallel_loop3A_934, %parallel_loop3A_927 : vector<16xf32>
        %parallel_loop3A_936 = arith.addf %parallel_loop3A_935, %get3A_570 : vector<16xf32>
        %parallel_loop3A_937 = arith.constant 0 : i32
        %parallel_loop3A_938 = arith.constant 0 : i32
        %parallel_loop3A_939 = tpu.memref_slice %arg13[%parallel_loop3A_586, %parallel_loop3A_937, %parallel_loop3A_938] : memref<2x64x129xf32, #tpu.memory_space<vmem>> -> memref<1x64x129xf32, #tpu.memory_space<vmem>>
        %parallel_loop3A_940 = tpu.memref_squeeze %parallel_loop3A_939 : memref<1x64x129xf32, #tpu.memory_space<vmem>> -> memref<64x129xf32, #tpu.memory_space<vmem>>
        tpu.vector_store_idx %parallel_loop3A_940[%add3A_172, %parallel_loop3A_912], %parallel_loop3A_936 : memref<64x129xf32, #tpu.memory_space<vmem>>[vector<16xi32>, vector<16xi32>], vector<16xf32>,
        %parallel_loop3A_941 = tpu.vector_load_idx %arg11[%parallel_loop3A_911, %add3A_175] : memref<1000x64xf32, #tpu.memory_space<vmem>>[vector<16xi32>, vector<16xi32>], vector<16xf32>,
        %parallel_loop3A_942 = arith.constant 0 : i32
        %parallel_loop3A_943 = arith.constant 0 : i32
        %parallel_loop3A_944 = tpu.memref_slice %arg10[%parallel_loop3A_585, %parallel_loop3A_942, %parallel_loop3A_943] : memref<2x128x64xf32, #tpu.memory_space<vmem>> -> memref<1x128x64xf32, #tpu.memory_space<vmem>>
        %parallel_loop3A_945 = tpu.memref_squeeze %parallel_loop3A_944 : memref<1x128x64xf32, #tpu.memory_space<vmem>> -> memref<128x64xf32, #tpu.memory_space<vmem>>
        %parallel_loop3A_946 = arith.index_cast %parallel_loop3A_909 : i32 to index
        %parallel_loop3A_947 = arith.constant 32 : index
        %parallel_loop3A_948 = tpu.vector_load %parallel_loop3A_945[%parallel_loop3A_946, %parallel_loop3A_947] {strides = array<i32>} : memref<128x64xf32, #tpu.memory_space<vmem>>, vector<16xf32>,
        %parallel_loop3A_949 = arith.addf %parallel_loop3A_948, %parallel_loop3A_941 : vector<16xf32>
        %parallel_loop3A_950 = arith.addf %parallel_loop3A_949, %get3A_575 : vector<16xf32>
        %parallel_loop3A_951 = arith.constant 0 : i32
        %parallel_loop3A_952 = arith.constant 0 : i32
        %parallel_loop3A_953 = tpu.memref_slice %arg13[%parallel_loop3A_586, %parallel_loop3A_951, %parallel_loop3A_952] : memref<2x64x129xf32, #tpu.memory_space<vmem>> -> memref<1x64x129xf32, #tpu.memory_space<vmem>>
        %parallel_loop3A_954 = tpu.memref_squeeze %parallel_loop3A_953 : memref<1x64x129xf32, #tpu.memory_space<vmem>> -> memref<64x129xf32, #tpu.memory_space<vmem>>
        tpu.vector_store_idx %parallel_loop3A_954[%add3A_175, %parallel_loop3A_912], %parallel_loop3A_950 : memref<64x129xf32, #tpu.memory_space<vmem>>[vector<16xi32>, vector<16xi32>], vector<16xf32>,
        %parallel_loop3A_955 = tpu.vector_load_idx %arg11[%parallel_loop3A_911, %add3A_178] : memref<1000x64xf32, #tpu.memory_space<vmem>>[vector<16xi32>, vector<16xi32>], vector<16xf32>,
        %parallel_loop3A_956 = arith.constant 0 : i32
        %parallel_loop3A_957 = arith.constant 0 : i32
        %parallel_loop3A_958 = tpu.memref_slice %arg10[%parallel_loop3A_585, %parallel_loop3A_956, %parallel_loop3A_957] : memref<2x128x64xf32, #tpu.memory_space<vmem>> -> memref<1x128x64xf32, #tpu.memory_space<vmem>>
        %parallel_loop3A_959 = tpu.memref_squeeze %parallel_loop3A_958 : memref<1x128x64xf32, #tpu.memory_space<vmem>> -> memref<128x64xf32, #tpu.memory_space<vmem>>
        %parallel_loop3A_960 = arith.index_cast %parallel_loop3A_909 : i32 to index
        %parallel_loop3A_961 = arith.constant 48 : index
        %parallel_loop3A_962 = tpu.vector_load %parallel_loop3A_959[%parallel_loop3A_960, %parallel_loop3A_961] {strides = array<i32>} : memref<128x64xf32, #tpu.memory_space<vmem>>, vector<16xf32>,
        %parallel_loop3A_963 = arith.addf %parallel_loop3A_962, %parallel_loop3A_955 : vector<16xf32>
        %parallel_loop3A_964 = arith.addf %parallel_loop3A_963, %get3A_580 : vector<16xf32>
        %parallel_loop3A_965 = arith.constant 0 : i32
        %parallel_loop3A_966 = arith.constant 0 : i32
        %parallel_loop3A_967 = tpu.memref_slice %arg13[%parallel_loop3A_586, %parallel_loop3A_965, %parallel_loop3A_966] : memref<2x64x129xf32, #tpu.memory_space<vmem>> -> memref<1x64x129xf32, #tpu.memory_space<vmem>>
        %parallel_loop3A_968 = tpu.memref_squeeze %parallel_loop3A_967 : memref<1x64x129xf32, #tpu.memory_space<vmem>> -> memref<64x129xf32, #tpu.memory_space<vmem>>
        tpu.vector_store_idx %parallel_loop3A_968[%add3A_178, %parallel_loop3A_912], %parallel_loop3A_964 : memref<64x129xf32, #tpu.memory_space<vmem>>[vector<16xi32>, vector<16xi32>], vector<16xf32>,
        %parallel_loop3A_969 = arith.constant 16 : i32
        %parallel_loop3A_970 = arith.muli %parallel_loop3A_646, %parallel_loop3A_969 : i32
        %parallel_loop3A_971 = arith.constant 5 : i32
        %parallel_loop3A_972 = arith.addi %parallel_loop3A_970, %parallel_loop3A_971 : i32
        %parallel_loop3A_973 = vector.shape_cast %broadcast_in_dim3A_189 : vector<16x1xi32> to vector<16xi32>
        %parallel_loop3A_974 = tpu.dynamic_gather %parallel_loop3A_653[%parallel_loop3A_973] in [0] : vector<16xi32>, vector<16xi32> -> vector<16xi32>
        %parallel_loop3A_975 = vector.broadcast %parallel_loop3A_972 : i32 to vector<16xi32>
        %parallel_loop3A_976 = tpu.vector_load_idx %arg11[%parallel_loop3A_974, %add3A_169] : memref<1000x64xf32, #tpu.memory_space<vmem>>[vector<16xi32>, vector<16xi32>], vector<16xf32>,
        %parallel_loop3A_977 = arith.constant 0 : i32
        %parallel_loop3A_978 = arith.constant 0 : i32
        %parallel_loop3A_979 = tpu.memref_slice %arg10[%parallel_loop3A_585, %parallel_loop3A_977, %parallel_loop3A_978] : memref<2x128x64xf32, #tpu.memory_space<vmem>> -> memref<1x128x64xf32, #tpu.memory_space<vmem>>
        %parallel_loop3A_980 = tpu.memref_squeeze %parallel_loop3A_979 : memref<1x128x64xf32, #tpu.memory_space<vmem>> -> memref<128x64xf32, #tpu.memory_space<vmem>>
        %parallel_loop3A_981 = arith.index_cast %parallel_loop3A_972 : i32 to index
        %parallel_loop3A_982 = arith.constant 0 : index
        %parallel_loop3A_983 = tpu.vector_load %parallel_loop3A_980[%parallel_loop3A_981, %parallel_loop3A_982] {strides = array<i32>} : memref<128x64xf32, #tpu.memory_space<vmem>>, vector<16xf32>,
        %parallel_loop3A_984 = arith.addf %parallel_loop3A_983, %parallel_loop3A_976 : vector<16xf32>
        %parallel_loop3A_985 = arith.addf %parallel_loop3A_984, %get3A_565 : vector<16xf32>
        %parallel_loop3A_986 = arith.constant 0 : i32
        %parallel_loop3A_987 = arith.constant 0 : i32
        %parallel_loop3A_988 = tpu.memref_slice %arg13[%parallel_loop3A_586, %parallel_loop3A_986, %parallel_loop3A_987] : memref<2x64x129xf32, #tpu.memory_space<vmem>> -> memref<1x64x129xf32, #tpu.memory_space<vmem>>
        %parallel_loop3A_989 = tpu.memref_squeeze %parallel_loop3A_988 : memref<1x64x129xf32, #tpu.memory_space<vmem>> -> memref<64x129xf32, #tpu.memory_space<vmem>>
        tpu.vector_store_idx %parallel_loop3A_989[%add3A_169, %parallel_loop3A_975], %parallel_loop3A_985 : memref<64x129xf32, #tpu.memory_space<vmem>>[vector<16xi32>, vector<16xi32>], vector<16xf32>,
        %parallel_loop3A_990 = tpu.vector_load_idx %arg11[%parallel_loop3A_974, %add3A_172] : memref<1000x64xf32, #tpu.memory_space<vmem>>[vector<16xi32>, vector<16xi32>], vector<16xf32>,
        %parallel_loop3A_991 = arith.constant 0 : i32
        %parallel_loop3A_992 = arith.constant 0 : i32
        %parallel_loop3A_993 = tpu.memref_slice %arg10[%parallel_loop3A_585, %parallel_loop3A_991, %parallel_loop3A_992] : memref<2x128x64xf32, #tpu.memory_space<vmem>> -> memref<1x128x64xf32, #tpu.memory_space<vmem>>
        %parallel_loop3A_994 = tpu.memref_squeeze %parallel_loop3A_993 : memref<1x128x64xf32, #tpu.memory_space<vmem>> -> memref<128x64xf32, #tpu.memory_space<vmem>>
        %parallel_loop3A_995 = arith.index_cast %parallel_loop3A_972 : i32 to index
        %parallel_loop3A_996 = arith.constant 16 : index
        %parallel_loop3A_997 = tpu.vector_load %parallel_loop3A_994[%parallel_loop3A_995, %parallel_loop3A_996] {strides = array<i32>} : memref<128x64xf32, #tpu.memory_space<vmem>>, vector<16xf32>,
        %parallel_loop3A_998 = arith.addf %parallel_loop3A_997, %parallel_loop3A_990 : vector<16xf32>
        %parallel_loop3A_999 = arith.addf %parallel_loop3A_998, %get3A_570 : vector<16xf32>
        %parallel_loop3A_1000 = arith.constant 0 : i32
        %parallel_loop3A_1001 = arith.constant 0 : i32
        %parallel_loop3A_1002 = tpu.memref_slice %arg13[%parallel_loop3A_586, %parallel_loop3A_1000, %parallel_loop3A_1001] : memref<2x64x129xf32, #tpu.memory_space<vmem>> -> memref<1x64x129xf32, #tpu.memory_space<vmem>>
        %parallel_loop3A_1003 = tpu.memref_squeeze %parallel_loop3A_1002 : memref<1x64x129xf32, #tpu.memory_space<vmem>> -> memref<64x129xf32, #tpu.memory_space<vmem>>
        tpu.vector_store_idx %parallel_loop3A_1003[%add3A_172, %parallel_loop3A_975], %parallel_loop3A_999 : memref<64x129xf32, #tpu.memory_space<vmem>>[vector<16xi32>, vector<16xi32>], vector<16xf32>,
        %parallel_loop3A_1004 = tpu.vector_load_idx %arg11[%parallel_loop3A_974, %add3A_175] : memref<1000x64xf32, #tpu.memory_space<vmem>>[vector<16xi32>, vector<16xi32>], vector<16xf32>,
        %parallel_loop3A_1005 = arith.constant 0 : i32
        %parallel_loop3A_1006 = arith.constant 0 : i32
        %parallel_loop3A_1007 = tpu.memref_slice %arg10[%parallel_loop3A_585, %parallel_loop3A_1005, %parallel_loop3A_1006] : memref<2x128x64xf32, #tpu.memory_space<vmem>> -> memref<1x128x64xf32, #tpu.memory_space<vmem>>
        %parallel_loop3A_1008 = tpu.memref_squeeze %parallel_loop3A_1007 : memref<1x128x64xf32, #tpu.memory_space<vmem>> -> memref<128x64xf32, #tpu.memory_space<vmem>>
        %parallel_loop3A_1009 = arith.index_cast %parallel_loop3A_972 : i32 to index
        %parallel_loop3A_1010 = arith.constant 32 : index
        %parallel_loop3A_1011 = tpu.vector_load %parallel_loop3A_1008[%parallel_loop3A_1009, %parallel_loop3A_1010] {strides = array<i32>} : memref<128x64xf32, #tpu.memory_space<vmem>>, vector<16xf32>,
        %parallel_loop3A_1012 = arith.addf %parallel_loop3A_1011, %parallel_loop3A_1004 : vector<16xf32>
        %parallel_loop3A_1013 = arith.addf %parallel_loop3A_1012, %get3A_575 : vector<16xf32>
        %parallel_loop3A_1014 = arith.constant 0 : i32
        %parallel_loop3A_1015 = arith.constant 0 : i32
        %parallel_loop3A_1016 = tpu.memref_slice %arg13[%parallel_loop3A_586, %parallel_loop3A_1014, %parallel_loop3A_1015] : memref<2x64x129xf32, #tpu.memory_space<vmem>> -> memref<1x64x129xf32, #tpu.memory_space<vmem>>
        %parallel_loop3A_1017 = tpu.memref_squeeze %parallel_loop3A_1016 : memref<1x64x129xf32, #tpu.memory_space<vmem>> -> memref<64x129xf32, #tpu.memory_space<vmem>>
        tpu.vector_store_idx %parallel_loop3A_1017[%add3A_175, %parallel_loop3A_975], %parallel_loop3A_1013 : memref<64x129xf32, #tpu.memory_space<vmem>>[vector<16xi32>, vector<16xi32>], vector<16xf32>,
        %parallel_loop3A_1018 = tpu.vector_load_idx %arg11[%parallel_loop3A_974, %add3A_178] : memref<1000x64xf32, #tpu.memory_space<vmem>>[vector<16xi32>, vector<16xi32>], vector<16xf32>,
        %parallel_loop3A_1019 = arith.constant 0 : i32
        %parallel_loop3A_1020 = arith.constant 0 : i32
        %parallel_loop3A_1021 = tpu.memref_slice %arg10[%parallel_loop3A_585, %parallel_loop3A_1019, %parallel_loop3A_1020] : memref<2x128x64xf32, #tpu.memory_space<vmem>> -> memref<1x128x64xf32, #tpu.memory_space<vmem>>
        %parallel_loop3A_1022 = tpu.memref_squeeze %parallel_loop3A_1021 : memref<1x128x64xf32, #tpu.memory_space<vmem>> -> memref<128x64xf32, #tpu.memory_space<vmem>>
        %parallel_loop3A_1023 = arith.index_cast %parallel_loop3A_972 : i32 to index
        %parallel_loop3A_1024 = arith.constant 48 : index
        %parallel_loop3A_1025 = tpu.vector_load %parallel_loop3A_1022[%parallel_loop3A_1023, %parallel_loop3A_1024] {strides = array<i32>} : memref<128x64xf32, #tpu.memory_space<vmem>>, vector<16xf32>,
        %parallel_loop3A_1026 = arith.addf %parallel_loop3A_1025, %parallel_loop3A_1018 : vector<16xf32>
        %parallel_loop3A_1027 = arith.addf %parallel_loop3A_1026, %get3A_580 : vector<16xf32>
        %parallel_loop3A_1028 = arith.constant 0 : i32
        %parallel_loop3A_1029 = arith.constant 0 : i32
        %parallel_loop3A_1030 = tpu.memref_slice %arg13[%parallel_loop3A_586, %parallel_loop3A_1028, %parallel_loop3A_1029] : memref<2x64x129xf32, #tpu.memory_space<vmem>> -> memref<1x64x129xf32, #tpu.memory_space<vmem>>
        %parallel_loop3A_1031 = tpu.memref_squeeze %parallel_loop3A_1030 : memref<1x64x129xf32, #tpu.memory_space<vmem>> -> memref<64x129xf32, #tpu.memory_space<vmem>>
        tpu.vector_store_idx %parallel_loop3A_1031[%add3A_178, %parallel_loop3A_975], %parallel_loop3A_1027 : memref<64x129xf32, #tpu.memory_space<vmem>>[vector<16xi32>, vector<16xi32>], vector<16xf32>,
        %parallel_loop3A_1032 = arith.constant 16 : i32
        %parallel_loop3A_1033 = arith.muli %parallel_loop3A_646, %parallel_loop3A_1032 : i32
        %parallel_loop3A_1034 = arith.constant 6 : i32
        %parallel_loop3A_1035 = arith.addi %parallel_loop3A_1033, %parallel_loop3A_1034 : i32
        %parallel_loop3A_1036 = vector.shape_cast %broadcast_in_dim3A_191 : vector<16x1xi32> to vector<16xi32>
        %parallel_loop3A_1037 = tpu.dynamic_gather %parallel_loop3A_653[%parallel_loop3A_1036] in [0] : vector<16xi32>, vector<16xi32> -> vector<16xi32>
        %parallel_loop3A_1038 = vector.broadcast %parallel_loop3A_1035 : i32 to vector<16xi32>
        %parallel_loop3A_1039 = tpu.vector_load_idx %arg11[%parallel_loop3A_1037, %add3A_169] : memref<1000x64xf32, #tpu.memory_space<vmem>>[vector<16xi32>, vector<16xi32>], vector<16xf32>,
        %parallel_loop3A_1040 = arith.constant 0 : i32
        %parallel_loop3A_1041 = arith.constant 0 : i32
        %parallel_loop3A_1042 = tpu.memref_slice %arg10[%parallel_loop3A_585, %parallel_loop3A_1040, %parallel_loop3A_1041] : memref<2x128x64xf32, #tpu.memory_space<vmem>> -> memref<1x128x64xf32, #tpu.memory_space<vmem>>
        %parallel_loop3A_1043 = tpu.memref_squeeze %parallel_loop3A_1042 : memref<1x128x64xf32, #tpu.memory_space<vmem>> -> memref<128x64xf32, #tpu.memory_space<vmem>>
        %parallel_loop3A_1044 = arith.index_cast %parallel_loop3A_1035 : i32 to index
        %parallel_loop3A_1045 = arith.constant 0 : index
        %parallel_loop3A_1046 = tpu.vector_load %parallel_loop3A_1043[%parallel_loop3A_1044, %parallel_loop3A_1045] {strides = array<i32>} : memref<128x64xf32, #tpu.memory_space<vmem>>, vector<16xf32>,
        %parallel_loop3A_1047 = arith.addf %parallel_loop3A_1046, %parallel_loop3A_1039 : vector<16xf32>
        %parallel_loop3A_1048 = arith.addf %parallel_loop3A_1047, %get3A_565 : vector<16xf32>
        %parallel_loop3A_1049 = arith.constant 0 : i32
        %parallel_loop3A_1050 = arith.constant 0 : i32
        %parallel_loop3A_1051 = tpu.memref_slice %arg13[%parallel_loop3A_586, %parallel_loop3A_1049, %parallel_loop3A_1050] : memref<2x64x129xf32, #tpu.memory_space<vmem>> -> memref<1x64x129xf32, #tpu.memory_space<vmem>>
        %parallel_loop3A_1052 = tpu.memref_squeeze %parallel_loop3A_1051 : memref<1x64x129xf32, #tpu.memory_space<vmem>> -> memref<64x129xf32, #tpu.memory_space<vmem>>
        tpu.vector_store_idx %parallel_loop3A_1052[%add3A_169, %parallel_loop3A_1038], %parallel_loop3A_1048 : memref<64x129xf32, #tpu.memory_space<vmem>>[vector<16xi32>, vector<16xi32>], vector<16xf32>,
        %parallel_loop3A_1053 = tpu.vector_load_idx %arg11[%parallel_loop3A_1037, %add3A_172] : memref<1000x64xf32, #tpu.memory_space<vmem>>[vector<16xi32>, vector<16xi32>], vector<16xf32>,
        %parallel_loop3A_1054 = arith.constant 0 : i32
        %parallel_loop3A_1055 = arith.constant 0 : i32
        %parallel_loop3A_1056 = tpu.memref_slice %arg10[%parallel_loop3A_585, %parallel_loop3A_1054, %parallel_loop3A_1055] : memref<2x128x64xf32, #tpu.memory_space<vmem>> -> memref<1x128x64xf32, #tpu.memory_space<vmem>>
        %parallel_loop3A_1057 = tpu.memref_squeeze %parallel_loop3A_1056 : memref<1x128x64xf32, #tpu.memory_space<vmem>> -> memref<128x64xf32, #tpu.memory_space<vmem>>
        %parallel_loop3A_1058 = arith.index_cast %parallel_loop3A_1035 : i32 to index
        %parallel_loop3A_1059 = arith.constant 16 : index
        %parallel_loop3A_1060 = tpu.vector_load %parallel_loop3A_1057[%parallel_loop3A_1058, %parallel_loop3A_1059] {strides = array<i32>} : memref<128x64xf32, #tpu.memory_space<vmem>>, vector<16xf32>,
        %parallel_loop3A_1061 = arith.addf %parallel_loop3A_1060, %parallel_loop3A_1053 : vector<16xf32>
        %parallel_loop3A_1062 = arith.addf %parallel_loop3A_1061, %get3A_570 : vector<16xf32>
        %parallel_loop3A_1063 = arith.constant 0 : i32
        %parallel_loop3A_1064 = arith.constant 0 : i32
        %parallel_loop3A_1065 = tpu.memref_slice %arg13[%parallel_loop3A_586, %parallel_loop3A_1063, %parallel_loop3A_1064] : memref<2x64x129xf32, #tpu.memory_space<vmem>> -> memref<1x64x129xf32, #tpu.memory_space<vmem>>
        %parallel_loop3A_1066 = tpu.memref_squeeze %parallel_loop3A_1065 : memref<1x64x129xf32, #tpu.memory_space<vmem>> -> memref<64x129xf32, #tpu.memory_space<vmem>>
        tpu.vector_store_idx %parallel_loop3A_1066[%add3A_172, %parallel_loop3A_1038], %parallel_loop3A_1062 : memref<64x129xf32, #tpu.memory_space<vmem>>[vector<16xi32>, vector<16xi32>], vector<16xf32>,
        %parallel_loop3A_1067 = tpu.vector_load_idx %arg11[%parallel_loop3A_1037, %add3A_175] : memref<1000x64xf32, #tpu.memory_space<vmem>>[vector<16xi32>, vector<16xi32>], vector<16xf32>,
        %parallel_loop3A_1068 = arith.constant 0 : i32
        %parallel_loop3A_1069 = arith.constant 0 : i32
        %parallel_loop3A_1070 = tpu.memref_slice %arg10[%parallel_loop3A_585, %parallel_loop3A_1068, %parallel_loop3A_1069] : memref<2x128x64xf32, #tpu.memory_space<vmem>> -> memref<1x128x64xf32, #tpu.memory_space<vmem>>
        %parallel_loop3A_1071 = tpu.memref_squeeze %parallel_loop3A_1070 : memref<1x128x64xf32, #tpu.memory_space<vmem>> -> memref<128x64xf32, #tpu.memory_space<vmem>>
        %parallel_loop3A_1072 = arith.index_cast %parallel_loop3A_1035 : i32 to index
        %parallel_loop3A_1073 = arith.constant 32 : index
        %parallel_loop3A_1074 = tpu.vector_load %parallel_loop3A_1071[%parallel_loop3A_1072, %parallel_loop3A_1073] {strides = array<i32>} : memref<128x64xf32, #tpu.memory_space<vmem>>, vector<16xf32>,
        %parallel_loop3A_1075 = arith.addf %parallel_loop3A_1074, %parallel_loop3A_1067 : vector<16xf32>
        %parallel_loop3A_1076 = arith.addf %parallel_loop3A_1075, %get3A_575 : vector<16xf32>
        %parallel_loop3A_1077 = arith.constant 0 : i32
        %parallel_loop3A_1078 = arith.constant 0 : i32
        %parallel_loop3A_1079 = tpu.memref_slice %arg13[%parallel_loop3A_586, %parallel_loop3A_1077, %parallel_loop3A_1078] : memref<2x64x129xf32, #tpu.memory_space<vmem>> -> memref<1x64x129xf32, #tpu.memory_space<vmem>>
        %parallel_loop3A_1080 = tpu.memref_squeeze %parallel_loop3A_1079 : memref<1x64x129xf32, #tpu.memory_space<vmem>> -> memref<64x129xf32, #tpu.memory_space<vmem>>
        tpu.vector_store_idx %parallel_loop3A_1080[%add3A_175, %parallel_loop3A_1038], %parallel_loop3A_1076 : memref<64x129xf32, #tpu.memory_space<vmem>>[vector<16xi32>, vector<16xi32>], vector<16xf32>,
        %parallel_loop3A_1081 = tpu.vector_load_idx %arg11[%parallel_loop3A_1037, %add3A_178] : memref<1000x64xf32, #tpu.memory_space<vmem>>[vector<16xi32>, vector<16xi32>], vector<16xf32>,
        %parallel_loop3A_1082 = arith.constant 0 : i32
        %parallel_loop3A_1083 = arith.constant 0 : i32
        %parallel_loop3A_1084 = tpu.memref_slice %arg10[%parallel_loop3A_585, %parallel_loop3A_1082, %parallel_loop3A_1083] : memref<2x128x64xf32, #tpu.memory_space<vmem>> -> memref<1x128x64xf32, #tpu.memory_space<vmem>>
        %parallel_loop3A_1085 = tpu.memref_squeeze %parallel_loop3A_1084 : memref<1x128x64xf32, #tpu.memory_space<vmem>> -> memref<128x64xf32, #tpu.memory_space<vmem>>
        %parallel_loop3A_1086 = arith.index_cast %parallel_loop3A_1035 : i32 to index
        %parallel_loop3A_1087 = arith.constant 48 : index
        %parallel_loop3A_1088 = tpu.vector_load %parallel_loop3A_1085[%parallel_loop3A_1086, %parallel_loop3A_1087] {strides = array<i32>} : memref<128x64xf32, #tpu.memory_space<vmem>>, vector<16xf32>,
        %parallel_loop3A_1089 = arith.addf %parallel_loop3A_1088, %parallel_loop3A_1081 : vector<16xf32>
        %parallel_loop3A_1090 = arith.addf %parallel_loop3A_1089, %get3A_580 : vector<16xf32>
        %parallel_loop3A_1091 = arith.constant 0 : i32
        %parallel_loop3A_1092 = arith.constant 0 : i32
        %parallel_loop3A_1093 = tpu.memref_slice %arg13[%parallel_loop3A_586, %parallel_loop3A_1091, %parallel_loop3A_1092] : memref<2x64x129xf32, #tpu.memory_space<vmem>> -> memref<1x64x129xf32, #tpu.memory_space<vmem>>
        %parallel_loop3A_1094 = tpu.memref_squeeze %parallel_loop3A_1093 : memref<1x64x129xf32, #tpu.memory_space<vmem>> -> memref<64x129xf32, #tpu.memory_space<vmem>>
        tpu.vector_store_idx %parallel_loop3A_1094[%add3A_178, %parallel_loop3A_1038], %parallel_loop3A_1090 : memref<64x129xf32, #tpu.memory_space<vmem>>[vector<16xi32>, vector<16xi32>], vector<16xf32>,
        %parallel_loop3A_1095 = arith.constant 16 : i32
        %parallel_loop3A_1096 = arith.muli %parallel_loop3A_646, %parallel_loop3A_1095 : i32
        %parallel_loop3A_1097 = arith.constant 7 : i32
        %parallel_loop3A_1098 = arith.addi %parallel_loop3A_1096, %parallel_loop3A_1097 : i32
        %parallel_loop3A_1099 = vector.shape_cast %broadcast_in_dim3A_193 : vector<16x1xi32> to vector<16xi32>
        %parallel_loop3A_1100 = tpu.dynamic_gather %parallel_loop3A_653[%parallel_loop3A_1099] in [0] : vector<16xi32>, vector<16xi32> -> vector<16xi32>
        %parallel_loop3A_1101 = vector.broadcast %parallel_loop3A_1098 : i32 to vector<16xi32>
        %parallel_loop3A_1102 = tpu.vector_load_idx %arg11[%parallel_loop3A_1100, %add3A_169] : memref<1000x64xf32, #tpu.memory_space<vmem>>[vector<16xi32>, vector<16xi32>], vector<16xf32>,
        %parallel_loop3A_1103 = arith.constant 0 : i32
        %parallel_loop3A_1104 = arith.constant 0 : i32
        %parallel_loop3A_1105 = tpu.memref_slice %arg10[%parallel_loop3A_585, %parallel_loop3A_1103, %parallel_loop3A_1104] : memref<2x128x64xf32, #tpu.memory_space<vmem>> -> memref<1x128x64xf32, #tpu.memory_space<vmem>>
        %parallel_loop3A_1106 = tpu.memref_squeeze %parallel_loop3A_1105 : memref<1x128x64xf32, #tpu.memory_space<vmem>> -> memref<128x64xf32, #tpu.memory_space<vmem>>
        %parallel_loop3A_1107 = arith.index_cast %parallel_loop3A_1098 : i32 to index
        %parallel_loop3A_1108 = arith.constant 0 : index
        %parallel_loop3A_1109 = tpu.vector_load %parallel_loop3A_1106[%parallel_loop3A_1107, %parallel_loop3A_1108] {strides = array<i32>} : memref<128x64xf32, #tpu.memory_space<vmem>>, vector<16xf32>,
        %parallel_loop3A_1110 = arith.addf %parallel_loop3A_1109, %parallel_loop3A_1102 : vector<16xf32>
        %parallel_loop3A_1111 = arith.addf %parallel_loop3A_1110, %get3A_565 : vector<16xf32>
        %parallel_loop3A_1112 = arith.constant 0 : i32
        %parallel_loop3A_1113 = arith.constant 0 : i32
        %parallel_loop3A_1114 = tpu.memref_slice %arg13[%parallel_loop3A_586, %parallel_loop3A_1112, %parallel_loop3A_1113] : memref<2x64x129xf32, #tpu.memory_space<vmem>> -> memref<1x64x129xf32, #tpu.memory_space<vmem>>
        %parallel_loop3A_1115 = tpu.memref_squeeze %parallel_loop3A_1114 : memref<1x64x129xf32, #tpu.memory_space<vmem>> -> memref<64x129xf32, #tpu.memory_space<vmem>>
        tpu.vector_store_idx %parallel_loop3A_1115[%add3A_169, %parallel_loop3A_1101], %parallel_loop3A_1111 : memref<64x129xf32, #tpu.memory_space<vmem>>[vector<16xi32>, vector<16xi32>], vector<16xf32>,
        %parallel_loop3A_1116 = tpu.vector_load_idx %arg11[%parallel_loop3A_1100, %add3A_172] : memref<1000x64xf32, #tpu.memory_space<vmem>>[vector<16xi32>, vector<16xi32>], vector<16xf32>,
        %parallel_loop3A_1117 = arith.constant 0 : i32
        %parallel_loop3A_1118 = arith.constant 0 : i32
        %parallel_loop3A_1119 = tpu.memref_slice %arg10[%parallel_loop3A_585, %parallel_loop3A_1117, %parallel_loop3A_1118] : memref<2x128x64xf32, #tpu.memory_space<vmem>> -> memref<1x128x64xf32, #tpu.memory_space<vmem>>
        %parallel_loop3A_1120 = tpu.memref_squeeze %parallel_loop3A_1119 : memref<1x128x64xf32, #tpu.memory_space<vmem>> -> memref<128x64xf32, #tpu.memory_space<vmem>>
        %parallel_loop3A_1121 = arith.index_cast %parallel_loop3A_1098 : i32 to index
        %parallel_loop3A_1122 = arith.constant 16 : index
        %parallel_loop3A_1123 = tpu.vector_load %parallel_loop3A_1120[%parallel_loop3A_1121, %parallel_loop3A_1122] {strides = array<i32>} : memref<128x64xf32, #tpu.memory_space<vmem>>, vector<16xf32>,
        %parallel_loop3A_1124 = arith.addf %parallel_loop3A_1123, %parallel_loop3A_1116 : vector<16xf32>
        %parallel_loop3A_1125 = arith.addf %parallel_loop3A_1124, %get3A_570 : vector<16xf32>
        %parallel_loop3A_1126 = arith.constant 0 : i32
        %parallel_loop3A_1127 = arith.constant 0 : i32
        %parallel_loop3A_1128 = tpu.memref_slice %arg13[%parallel_loop3A_586, %parallel_loop3A_1126, %parallel_loop3A_1127] : memref<2x64x129xf32, #tpu.memory_space<vmem>> -> memref<1x64x129xf32, #tpu.memory_space<vmem>>
        %parallel_loop3A_1129 = tpu.memref_squeeze %parallel_loop3A_1128 : memref<1x64x129xf32, #tpu.memory_space<vmem>> -> memref<64x129xf32, #tpu.memory_space<vmem>>
        tpu.vector_store_idx %parallel_loop3A_1129[%add3A_172, %parallel_loop3A_1101], %parallel_loop3A_1125 : memref<64x129xf32, #tpu.memory_space<vmem>>[vector<16xi32>, vector<16xi32>], vector<16xf32>,
        %parallel_loop3A_1130 = tpu.vector_load_idx %arg11[%parallel_loop3A_1100, %add3A_175] : memref<1000x64xf32, #tpu.memory_space<vmem>>[vector<16xi32>, vector<16xi32>], vector<16xf32>,
        %parallel_loop3A_1131 = arith.constant 0 : i32
        %parallel_loop3A_1132 = arith.constant 0 : i32
        %parallel_loop3A_1133 = tpu.memref_slice %arg10[%parallel_loop3A_585, %parallel_loop3A_1131, %parallel_loop3A_1132] : memref<2x128x64xf32, #tpu.memory_space<vmem>> -> memref<1x128x64xf32, #tpu.memory_space<vmem>>
        %parallel_loop3A_1134 = tpu.memref_squeeze %parallel_loop3A_1133 : memref<1x128x64xf32, #tpu.memory_space<vmem>> -> memref<128x64xf32, #tpu.memory_space<vmem>>
        %parallel_loop3A_1135 = arith.index_cast %parallel_loop3A_1098 : i32 to index
        %parallel_loop3A_1136 = arith.constant 32 : index
        %parallel_loop3A_1137 = tpu.vector_load %parallel_loop3A_1134[%parallel_loop3A_1135, %parallel_loop3A_1136] {strides = array<i32>} : memref<128x64xf32, #tpu.memory_space<vmem>>, vector<16xf32>,
        %parallel_loop3A_1138 = arith.addf %parallel_loop3A_1137, %parallel_loop3A_1130 : vector<16xf32>
        %parallel_loop3A_1139 = arith.addf %parallel_loop3A_1138, %get3A_575 : vector<16xf32>
        %parallel_loop3A_1140 = arith.constant 0 : i32
        %parallel_loop3A_1141 = arith.constant 0 : i32
        %parallel_loop3A_1142 = tpu.memref_slice %arg13[%parallel_loop3A_586, %parallel_loop3A_1140, %parallel_loop3A_1141] : memref<2x64x129xf32, #tpu.memory_space<vmem>> -> memref<1x64x129xf32, #tpu.memory_space<vmem>>
        %parallel_loop3A_1143 = tpu.memref_squeeze %parallel_loop3A_1142 : memref<1x64x129xf32, #tpu.memory_space<vmem>> -> memref<64x129xf32, #tpu.memory_space<vmem>>
        tpu.vector_store_idx %parallel_loop3A_1143[%add3A_175, %parallel_loop3A_1101], %parallel_loop3A_1139 : memref<64x129xf32, #tpu.memory_space<vmem>>[vector<16xi32>, vector<16xi32>], vector<16xf32>,
        %parallel_loop3A_1144 = tpu.vector_load_idx %arg11[%parallel_loop3A_1100, %add3A_178] : memref<1000x64xf32, #tpu.memory_space<vmem>>[vector<16xi32>, vector<16xi32>], vector<16xf32>,
        %parallel_loop3A_1145 = arith.constant 0 : i32
        %parallel_loop3A_1146 = arith.constant 0 : i32
        %parallel_loop3A_1147 = tpu.memref_slice %arg10[%parallel_loop3A_585, %parallel_loop3A_1145, %parallel_loop3A_1146] : memref<2x128x64xf32, #tpu.memory_space<vmem>> -> memref<1x128x64xf32, #tpu.memory_space<vmem>>
        %parallel_loop3A_1148 = tpu.memref_squeeze %parallel_loop3A_1147 : memref<1x128x64xf32, #tpu.memory_space<vmem>> -> memref<128x64xf32, #tpu.memory_space<vmem>>
        %parallel_loop3A_1149 = arith.index_cast %parallel_loop3A_1098 : i32 to index
        %parallel_loop3A_1150 = arith.constant 48 : index
        %parallel_loop3A_1151 = tpu.vector_load %parallel_loop3A_1148[%parallel_loop3A_1149, %parallel_loop3A_1150] {strides = array<i32>} : memref<128x64xf32, #tpu.memory_space<vmem>>, vector<16xf32>,
        %parallel_loop3A_1152 = arith.addf %parallel_loop3A_1151, %parallel_loop3A_1144 : vector<16xf32>
        %parallel_loop3A_1153 = arith.addf %parallel_loop3A_1152, %get3A_580 : vector<16xf32>
        %parallel_loop3A_1154 = arith.constant 0 : i32
        %parallel_loop3A_1155 = arith.constant 0 : i32
        %parallel_loop3A_1156 = tpu.memref_slice %arg13[%parallel_loop3A_586, %parallel_loop3A_1154, %parallel_loop3A_1155] : memref<2x64x129xf32, #tpu.memory_space<vmem>> -> memref<1x64x129xf32, #tpu.memory_space<vmem>>
        %parallel_loop3A_1157 = tpu.memref_squeeze %parallel_loop3A_1156 : memref<1x64x129xf32, #tpu.memory_space<vmem>> -> memref<64x129xf32, #tpu.memory_space<vmem>>
        tpu.vector_store_idx %parallel_loop3A_1157[%add3A_178, %parallel_loop3A_1101], %parallel_loop3A_1153 : memref<64x129xf32, #tpu.memory_space<vmem>>[vector<16xi32>, vector<16xi32>], vector<16xf32>,
        %parallel_loop3A_1158 = arith.constant 16 : i32
        %parallel_loop3A_1159 = arith.muli %parallel_loop3A_646, %parallel_loop3A_1158 : i32
        %parallel_loop3A_1160 = arith.constant 8 : i32
        %parallel_loop3A_1161 = arith.addi %parallel_loop3A_1159, %parallel_loop3A_1160 : i32
        %parallel_loop3A_1162 = vector.shape_cast %broadcast_in_dim3A_195 : vector<16x1xi32> to vector<16xi32>
        %parallel_loop3A_1163 = tpu.dynamic_gather %parallel_loop3A_653[%parallel_loop3A_1162] in [0] : vector<16xi32>, vector<16xi32> -> vector<16xi32>
        %parallel_loop3A_1164 = vector.broadcast %parallel_loop3A_1161 : i32 to vector<16xi32>
        %parallel_loop3A_1165 = tpu.vector_load_idx %arg11[%parallel_loop3A_1163, %add3A_169] : memref<1000x64xf32, #tpu.memory_space<vmem>>[vector<16xi32>, vector<16xi32>], vector<16xf32>,
        %parallel_loop3A_1166 = arith.constant 0 : i32
        %parallel_loop3A_1167 = arith.constant 0 : i32
        %parallel_loop3A_1168 = tpu.memref_slice %arg10[%parallel_loop3A_585, %parallel_loop3A_1166, %parallel_loop3A_1167] : memref<2x128x64xf32, #tpu.memory_space<vmem>> -> memref<1x128x64xf32, #tpu.memory_space<vmem>>
        %parallel_loop3A_1169 = tpu.memref_squeeze %parallel_loop3A_1168 : memref<1x128x64xf32, #tpu.memory_space<vmem>> -> memref<128x64xf32, #tpu.memory_space<vmem>>
        %parallel_loop3A_1170 = arith.index_cast %parallel_loop3A_1161 : i32 to index
        %parallel_loop3A_1171 = arith.constant 0 : index
        %parallel_loop3A_1172 = tpu.vector_load %parallel_loop3A_1169[%parallel_loop3A_1170, %parallel_loop3A_1171] {strides = array<i32>} : memref<128x64xf32, #tpu.memory_space<vmem>>, vector<16xf32>,
        %parallel_loop3A_1173 = arith.addf %parallel_loop3A_1172, %parallel_loop3A_1165 : vector<16xf32>
        %parallel_loop3A_1174 = arith.addf %parallel_loop3A_1173, %get3A_565 : vector<16xf32>
        %parallel_loop3A_1175 = arith.constant 0 : i32
        %parallel_loop3A_1176 = arith.constant 0 : i32
        %parallel_loop3A_1177 = tpu.memref_slice %arg13[%parallel_loop3A_586, %parallel_loop3A_1175, %parallel_loop3A_1176] : memref<2x64x129xf32, #tpu.memory_space<vmem>> -> memref<1x64x129xf32, #tpu.memory_space<vmem>>
        %parallel_loop3A_1178 = tpu.memref_squeeze %parallel_loop3A_1177 : memref<1x64x129xf32, #tpu.memory_space<vmem>> -> memref<64x129xf32, #tpu.memory_space<vmem>>
        tpu.vector_store_idx %parallel_loop3A_1178[%add3A_169, %parallel_loop3A_1164], %parallel_loop3A_1174 : memref<64x129xf32, #tpu.memory_space<vmem>>[vector<16xi32>, vector<16xi32>], vector<16xf32>,
        %parallel_loop3A_1179 = tpu.vector_load_idx %arg11[%parallel_loop3A_1163, %add3A_172] : memref<1000x64xf32, #tpu.memory_space<vmem>>[vector<16xi32>, vector<16xi32>], vector<16xf32>,
        %parallel_loop3A_1180 = arith.constant 0 : i32
        %parallel_loop3A_1181 = arith.constant 0 : i32
        %parallel_loop3A_1182 = tpu.memref_slice %arg10[%parallel_loop3A_585, %parallel_loop3A_1180, %parallel_loop3A_1181] : memref<2x128x64xf32, #tpu.memory_space<vmem>> -> memref<1x128x64xf32, #tpu.memory_space<vmem>>
        %parallel_loop3A_1183 = tpu.memref_squeeze %parallel_loop3A_1182 : memref<1x128x64xf32, #tpu.memory_space<vmem>> -> memref<128x64xf32, #tpu.memory_space<vmem>>
        %parallel_loop3A_1184 = arith.index_cast %parallel_loop3A_1161 : i32 to index
        %parallel_loop3A_1185 = arith.constant 16 : index
        %parallel_loop3A_1186 = tpu.vector_load %parallel_loop3A_1183[%parallel_loop3A_1184, %parallel_loop3A_1185] {strides = array<i32>} : memref<128x64xf32, #tpu.memory_space<vmem>>, vector<16xf32>,
        %parallel_loop3A_1187 = arith.addf %parallel_loop3A_1186, %parallel_loop3A_1179 : vector<16xf32>
        %parallel_loop3A_1188 = arith.addf %parallel_loop3A_1187, %get3A_570 : vector<16xf32>
        %parallel_loop3A_1189 = arith.constant 0 : i32
        %parallel_loop3A_1190 = arith.constant 0 : i32
        %parallel_loop3A_1191 = tpu.memref_slice %arg13[%parallel_loop3A_586, %parallel_loop3A_1189, %parallel_loop3A_1190] : memref<2x64x129xf32, #tpu.memory_space<vmem>> -> memref<1x64x129xf32, #tpu.memory_space<vmem>>
        %parallel_loop3A_1192 = tpu.memref_squeeze %parallel_loop3A_1191 : memref<1x64x129xf32, #tpu.memory_space<vmem>> -> memref<64x129xf32, #tpu.memory_space<vmem>>
        tpu.vector_store_idx %parallel_loop3A_1192[%add3A_172, %parallel_loop3A_1164], %parallel_loop3A_1188 : memref<64x129xf32, #tpu.memory_space<vmem>>[vector<16xi32>, vector<16xi32>], vector<16xf32>,
        %parallel_loop3A_1193 = tpu.vector_load_idx %arg11[%parallel_loop3A_1163, %add3A_175] : memref<1000x64xf32, #tpu.memory_space<vmem>>[vector<16xi32>, vector<16xi32>], vector<16xf32>,
        %parallel_loop3A_1194 = arith.constant 0 : i32
        %parallel_loop3A_1195 = arith.constant 0 : i32
        %parallel_loop3A_1196 = tpu.memref_slice %arg10[%parallel_loop3A_585, %parallel_loop3A_1194, %parallel_loop3A_1195] : memref<2x128x64xf32, #tpu.memory_space<vmem>> -> memref<1x128x64xf32, #tpu.memory_space<vmem>>
        %parallel_loop3A_1197 = tpu.memref_squeeze %parallel_loop3A_1196 : memref<1x128x64xf32, #tpu.memory_space<vmem>> -> memref<128x64xf32, #tpu.memory_space<vmem>>
        %parallel_loop3A_1198 = arith.index_cast %parallel_loop3A_1161 : i32 to index
        %parallel_loop3A_1199 = arith.constant 32 : index
        %parallel_loop3A_1200 = tpu.vector_load %parallel_loop3A_1197[%parallel_loop3A_1198, %parallel_loop3A_1199] {strides = array<i32>} : memref<128x64xf32, #tpu.memory_space<vmem>>, vector<16xf32>,
        %parallel_loop3A_1201 = arith.addf %parallel_loop3A_1200, %parallel_loop3A_1193 : vector<16xf32>
        %parallel_loop3A_1202 = arith.addf %parallel_loop3A_1201, %get3A_575 : vector<16xf32>
        %parallel_loop3A_1203 = arith.constant 0 : i32
        %parallel_loop3A_1204 = arith.constant 0 : i32
        %parallel_loop3A_1205 = tpu.memref_slice %arg13[%parallel_loop3A_586, %parallel_loop3A_1203, %parallel_loop3A_1204] : memref<2x64x129xf32, #tpu.memory_space<vmem>> -> memref<1x64x129xf32, #tpu.memory_space<vmem>>
        %parallel_loop3A_1206 = tpu.memref_squeeze %parallel_loop3A_1205 : memref<1x64x129xf32, #tpu.memory_space<vmem>> -> memref<64x129xf32, #tpu.memory_space<vmem>>
        tpu.vector_store_idx %parallel_loop3A_1206[%add3A_175, %parallel_loop3A_1164], %parallel_loop3A_1202 : memref<64x129xf32, #tpu.memory_space<vmem>>[vector<16xi32>, vector<16xi32>], vector<16xf32>,
        %parallel_loop3A_1207 = tpu.vector_load_idx %arg11[%parallel_loop3A_1163, %add3A_178] : memref<1000x64xf32, #tpu.memory_space<vmem>>[vector<16xi32>, vector<16xi32>], vector<16xf32>,
        %parallel_loop3A_1208 = arith.constant 0 : i32
        %parallel_loop3A_1209 = arith.constant 0 : i32
        %parallel_loop3A_1210 = tpu.memref_slice %arg10[%parallel_loop3A_585, %parallel_loop3A_1208, %parallel_loop3A_1209] : memref<2x128x64xf32, #tpu.memory_space<vmem>> -> memref<1x128x64xf32, #tpu.memory_space<vmem>>
        %parallel_loop3A_1211 = tpu.memref_squeeze %parallel_loop3A_1210 : memref<1x128x64xf32, #tpu.memory_space<vmem>> -> memref<128x64xf32, #tpu.memory_space<vmem>>
        %parallel_loop3A_1212 = arith.index_cast %parallel_loop3A_1161 : i32 to index
        %parallel_loop3A_1213 = arith.constant 48 : index
        %parallel_loop3A_1214 = tpu.vector_load %parallel_loop3A_1211[%parallel_loop3A_1212, %parallel_loop3A_1213] {strides = array<i32>} : memref<128x64xf32, #tpu.memory_space<vmem>>, vector<16xf32>,
        %parallel_loop3A_1215 = arith.addf %parallel_loop3A_1214, %parallel_loop3A_1207 : vector<16xf32>
        %parallel_loop3A_1216 = arith.addf %parallel_loop3A_1215, %get3A_580 : vector<16xf32>
        %parallel_loop3A_1217 = arith.constant 0 : i32
        %parallel_loop3A_1218 = arith.constant 0 : i32
        %parallel_loop3A_1219 = tpu.memref_slice %arg13[%parallel_loop3A_586, %parallel_loop3A_1217, %parallel_loop3A_1218] : memref<2x64x129xf32, #tpu.memory_space<vmem>> -> memref<1x64x129xf32, #tpu.memory_space<vmem>>
        %parallel_loop3A_1220 = tpu.memref_squeeze %parallel_loop3A_1219 : memref<1x64x129xf32, #tpu.memory_space<vmem>> -> memref<64x129xf32, #tpu.memory_space<vmem>>
        tpu.vector_store_idx %parallel_loop3A_1220[%add3A_178, %parallel_loop3A_1164], %parallel_loop3A_1216 : memref<64x129xf32, #tpu.memory_space<vmem>>[vector<16xi32>, vector<16xi32>], vector<16xf32>,
        %parallel_loop3A_1221 = arith.constant 16 : i32
        %parallel_loop3A_1222 = arith.muli %parallel_loop3A_646, %parallel_loop3A_1221 : i32
        %parallel_loop3A_1223 = arith.constant 9 : i32
        %parallel_loop3A_1224 = arith.addi %parallel_loop3A_1222, %parallel_loop3A_1223 : i32
        %parallel_loop3A_1225 = vector.shape_cast %broadcast_in_dim3A_197 : vector<16x1xi32> to vector<16xi32>
        %parallel_loop3A_1226 = tpu.dynamic_gather %parallel_loop3A_653[%parallel_loop3A_1225] in [0] : vector<16xi32>, vector<16xi32> -> vector<16xi32>
        %parallel_loop3A_1227 = vector.broadcast %parallel_loop3A_1224 : i32 to vector<16xi32>
        %parallel_loop3A_1228 = tpu.vector_load_idx %arg11[%parallel_loop3A_1226, %add3A_169] : memref<1000x64xf32, #tpu.memory_space<vmem>>[vector<16xi32>, vector<16xi32>], vector<16xf32>,
        %parallel_loop3A_1229 = arith.constant 0 : i32
        %parallel_loop3A_1230 = arith.constant 0 : i32
        %parallel_loop3A_1231 = tpu.memref_slice %arg10[%parallel_loop3A_585, %parallel_loop3A_1229, %parallel_loop3A_1230] : memref<2x128x64xf32, #tpu.memory_space<vmem>> -> memref<1x128x64xf32, #tpu.memory_space<vmem>>
        %parallel_loop3A_1232 = tpu.memref_squeeze %parallel_loop3A_1231 : memref<1x128x64xf32, #tpu.memory_space<vmem>> -> memref<128x64xf32, #tpu.memory_space<vmem>>
        %parallel_loop3A_1233 = arith.index_cast %parallel_loop3A_1224 : i32 to index
        %parallel_loop3A_1234 = arith.constant 0 : index
        %parallel_loop3A_1235 = tpu.vector_load %parallel_loop3A_1232[%parallel_loop3A_1233, %parallel_loop3A_1234] {strides = array<i32>} : memref<128x64xf32, #tpu.memory_space<vmem>>, vector<16xf32>,
        %parallel_loop3A_1236 = arith.addf %parallel_loop3A_1235, %parallel_loop3A_1228 : vector<16xf32>
        %parallel_loop3A_1237 = arith.addf %parallel_loop3A_1236, %get3A_565 : vector<16xf32>
        %parallel_loop3A_1238 = arith.constant 0 : i32
        %parallel_loop3A_1239 = arith.constant 0 : i32
        %parallel_loop3A_1240 = tpu.memref_slice %arg13[%parallel_loop3A_586, %parallel_loop3A_1238, %parallel_loop3A_1239] : memref<2x64x129xf32, #tpu.memory_space<vmem>> -> memref<1x64x129xf32, #tpu.memory_space<vmem>>
        %parallel_loop3A_1241 = tpu.memref_squeeze %parallel_loop3A_1240 : memref<1x64x129xf32, #tpu.memory_space<vmem>> -> memref<64x129xf32, #tpu.memory_space<vmem>>
        tpu.vector_store_idx %parallel_loop3A_1241[%add3A_169, %parallel_loop3A_1227], %parallel_loop3A_1237 : memref<64x129xf32, #tpu.memory_space<vmem>>[vector<16xi32>, vector<16xi32>], vector<16xf32>,
        %parallel_loop3A_1242 = tpu.vector_load_idx %arg11[%parallel_loop3A_1226, %add3A_172] : memref<1000x64xf32, #tpu.memory_space<vmem>>[vector<16xi32>, vector<16xi32>], vector<16xf32>,
        %parallel_loop3A_1243 = arith.constant 0 : i32
        %parallel_loop3A_1244 = arith.constant 0 : i32
        %parallel_loop3A_1245 = tpu.memref_slice %arg10[%parallel_loop3A_585, %parallel_loop3A_1243, %parallel_loop3A_1244] : memref<2x128x64xf32, #tpu.memory_space<vmem>> -> memref<1x128x64xf32, #tpu.memory_space<vmem>>
        %parallel_loop3A_1246 = tpu.memref_squeeze %parallel_loop3A_1245 : memref<1x128x64xf32, #tpu.memory_space<vmem>> -> memref<128x64xf32, #tpu.memory_space<vmem>>
        %parallel_loop3A_1247 = arith.index_cast %parallel_loop3A_1224 : i32 to index
        %parallel_loop3A_1248 = arith.constant 16 : index
        %parallel_loop3A_1249 = tpu.vector_load %parallel_loop3A_1246[%parallel_loop3A_1247, %parallel_loop3A_1248] {strides = array<i32>} : memref<128x64xf32, #tpu.memory_space<vmem>>, vector<16xf32>,
        %parallel_loop3A_1250 = arith.addf %parallel_loop3A_1249, %parallel_loop3A_1242 : vector<16xf32>
        %parallel_loop3A_1251 = arith.addf %parallel_loop3A_1250, %get3A_570 : vector<16xf32>
        %parallel_loop3A_1252 = arith.constant 0 : i32
        %parallel_loop3A_1253 = arith.constant 0 : i32
        %parallel_loop3A_1254 = tpu.memref_slice %arg13[%parallel_loop3A_586, %parallel_loop3A_1252, %parallel_loop3A_1253] : memref<2x64x129xf32, #tpu.memory_space<vmem>> -> memref<1x64x129xf32, #tpu.memory_space<vmem>>
        %parallel_loop3A_1255 = tpu.memref_squeeze %parallel_loop3A_1254 : memref<1x64x129xf32, #tpu.memory_space<vmem>> -> memref<64x129xf32, #tpu.memory_space<vmem>>
        tpu.vector_store_idx %parallel_loop3A_1255[%add3A_172, %parallel_loop3A_1227], %parallel_loop3A_1251 : memref<64x129xf32, #tpu.memory_space<vmem>>[vector<16xi32>, vector<16xi32>], vector<16xf32>,
        %parallel_loop3A_1256 = tpu.vector_load_idx %arg11[%parallel_loop3A_1226, %add3A_175] : memref<1000x64xf32, #tpu.memory_space<vmem>>[vector<16xi32>, vector<16xi32>], vector<16xf32>,
        %parallel_loop3A_1257 = arith.constant 0 : i32
        %parallel_loop3A_1258 = arith.constant 0 : i32
        %parallel_loop3A_1259 = tpu.memref_slice %arg10[%parallel_loop3A_585, %parallel_loop3A_1257, %parallel_loop3A_1258] : memref<2x128x64xf32, #tpu.memory_space<vmem>> -> memref<1x128x64xf32, #tpu.memory_space<vmem>>
        %parallel_loop3A_1260 = tpu.memref_squeeze %parallel_loop3A_1259 : memref<1x128x64xf32, #tpu.memory_space<vmem>> -> memref<128x64xf32, #tpu.memory_space<vmem>>
        %parallel_loop3A_1261 = arith.index_cast %parallel_loop3A_1224 : i32 to index
        %parallel_loop3A_1262 = arith.constant 32 : index
        %parallel_loop3A_1263 = tpu.vector_load %parallel_loop3A_1260[%parallel_loop3A_1261, %parallel_loop3A_1262] {strides = array<i32>} : memref<128x64xf32, #tpu.memory_space<vmem>>, vector<16xf32>,
        %parallel_loop3A_1264 = arith.addf %parallel_loop3A_1263, %parallel_loop3A_1256 : vector<16xf32>
        %parallel_loop3A_1265 = arith.addf %parallel_loop3A_1264, %get3A_575 : vector<16xf32>
        %parallel_loop3A_1266 = arith.constant 0 : i32
        %parallel_loop3A_1267 = arith.constant 0 : i32
        %parallel_loop3A_1268 = tpu.memref_slice %arg13[%parallel_loop3A_586, %parallel_loop3A_1266, %parallel_loop3A_1267] : memref<2x64x129xf32, #tpu.memory_space<vmem>> -> memref<1x64x129xf32, #tpu.memory_space<vmem>>
        %parallel_loop3A_1269 = tpu.memref_squeeze %parallel_loop3A_1268 : memref<1x64x129xf32, #tpu.memory_space<vmem>> -> memref<64x129xf32, #tpu.memory_space<vmem>>
        tpu.vector_store_idx %parallel_loop3A_1269[%add3A_175, %parallel_loop3A_1227], %parallel_loop3A_1265 : memref<64x129xf32, #tpu.memory_space<vmem>>[vector<16xi32>, vector<16xi32>], vector<16xf32>,
        %parallel_loop3A_1270 = tpu.vector_load_idx %arg11[%parallel_loop3A_1226, %add3A_178] : memref<1000x64xf32, #tpu.memory_space<vmem>>[vector<16xi32>, vector<16xi32>], vector<16xf32>,
        %parallel_loop3A_1271 = arith.constant 0 : i32
        %parallel_loop3A_1272 = arith.constant 0 : i32
        %parallel_loop3A_1273 = tpu.memref_slice %arg10[%parallel_loop3A_585, %parallel_loop3A_1271, %parallel_loop3A_1272] : memref<2x128x64xf32, #tpu.memory_space<vmem>> -> memref<1x128x64xf32, #tpu.memory_space<vmem>>
        %parallel_loop3A_1274 = tpu.memref_squeeze %parallel_loop3A_1273 : memref<1x128x64xf32, #tpu.memory_space<vmem>> -> memref<128x64xf32, #tpu.memory_space<vmem>>
        %parallel_loop3A_1275 = arith.index_cast %parallel_loop3A_1224 : i32 to index
        %parallel_loop3A_1276 = arith.constant 48 : index
        %parallel_loop3A_1277 = tpu.vector_load %parallel_loop3A_1274[%parallel_loop3A_1275, %parallel_loop3A_1276] {strides = array<i32>} : memref<128x64xf32, #tpu.memory_space<vmem>>, vector<16xf32>,
        %parallel_loop3A_1278 = arith.addf %parallel_loop3A_1277, %parallel_loop3A_1270 : vector<16xf32>
        %parallel_loop3A_1279 = arith.addf %parallel_loop3A_1278, %get3A_580 : vector<16xf32>
        %parallel_loop3A_1280 = arith.constant 0 : i32
        %parallel_loop3A_1281 = arith.constant 0 : i32
        %parallel_loop3A_1282 = tpu.memref_slice %arg13[%parallel_loop3A_586, %parallel_loop3A_1280, %parallel_loop3A_1281] : memref<2x64x129xf32, #tpu.memory_space<vmem>> -> memref<1x64x129xf32, #tpu.memory_space<vmem>>
        %parallel_loop3A_1283 = tpu.memref_squeeze %parallel_loop3A_1282 : memref<1x64x129xf32, #tpu.memory_space<vmem>> -> memref<64x129xf32, #tpu.memory_space<vmem>>
        tpu.vector_store_idx %parallel_loop3A_1283[%add3A_178, %parallel_loop3A_1227], %parallel_loop3A_1279 : memref<64x129xf32, #tpu.memory_space<vmem>>[vector<16xi32>, vector<16xi32>], vector<16xf32>,
        %parallel_loop3A_1284 = arith.constant 16 : i32
        %parallel_loop3A_1285 = arith.muli %parallel_loop3A_646, %parallel_loop3A_1284 : i32
        %parallel_loop3A_1286 = arith.constant 10 : i32
        %parallel_loop3A_1287 = arith.addi %parallel_loop3A_1285, %parallel_loop3A_1286 : i32
        %parallel_loop3A_1288 = vector.shape_cast %broadcast_in_dim3A_199 : vector<16x1xi32> to vector<16xi32>
        %parallel_loop3A_1289 = tpu.dynamic_gather %parallel_loop3A_653[%parallel_loop3A_1288] in [0] : vector<16xi32>, vector<16xi32> -> vector<16xi32>
        %parallel_loop3A_1290 = vector.broadcast %parallel_loop3A_1287 : i32 to vector<16xi32>
        %parallel_loop3A_1291 = tpu.vector_load_idx %arg11[%parallel_loop3A_1289, %add3A_169] : memref<1000x64xf32, #tpu.memory_space<vmem>>[vector<16xi32>, vector<16xi32>], vector<16xf32>,
        %parallel_loop3A_1292 = arith.constant 0 : i32
        %parallel_loop3A_1293 = arith.constant 0 : i32
        %parallel_loop3A_1294 = tpu.memref_slice %arg10[%parallel_loop3A_585, %parallel_loop3A_1292, %parallel_loop3A_1293] : memref<2x128x64xf32, #tpu.memory_space<vmem>> -> memref<1x128x64xf32, #tpu.memory_space<vmem>>
        %parallel_loop3A_1295 = tpu.memref_squeeze %parallel_loop3A_1294 : memref<1x128x64xf32, #tpu.memory_space<vmem>> -> memref<128x64xf32, #tpu.memory_space<vmem>>
        %parallel_loop3A_1296 = arith.index_cast %parallel_loop3A_1287 : i32 to index
        %parallel_loop3A_1297 = arith.constant 0 : index
        %parallel_loop3A_1298 = tpu.vector_load %parallel_loop3A_1295[%parallel_loop3A_1296, %parallel_loop3A_1297] {strides = array<i32>} : memref<128x64xf32, #tpu.memory_space<vmem>>, vector<16xf32>,
        %parallel_loop3A_1299 = arith.addf %parallel_loop3A_1298, %parallel_loop3A_1291 : vector<16xf32>
        %parallel_loop3A_1300 = arith.addf %parallel_loop3A_1299, %get3A_565 : vector<16xf32>
        %parallel_loop3A_1301 = arith.constant 0 : i32
        %parallel_loop3A_1302 = arith.constant 0 : i32
        %parallel_loop3A_1303 = tpu.memref_slice %arg13[%parallel_loop3A_586, %parallel_loop3A_1301, %parallel_loop3A_1302] : memref<2x64x129xf32, #tpu.memory_space<vmem>> -> memref<1x64x129xf32, #tpu.memory_space<vmem>>
        %parallel_loop3A_1304 = tpu.memref_squeeze %parallel_loop3A_1303 : memref<1x64x129xf32, #tpu.memory_space<vmem>> -> memref<64x129xf32, #tpu.memory_space<vmem>>
        tpu.vector_store_idx %parallel_loop3A_1304[%add3A_169, %parallel_loop3A_1290], %parallel_loop3A_1300 : memref<64x129xf32, #tpu.memory_space<vmem>>[vector<16xi32>, vector<16xi32>], vector<16xf32>,
        %parallel_loop3A_1305 = tpu.vector_load_idx %arg11[%parallel_loop3A_1289, %add3A_172] : memref<1000x64xf32, #tpu.memory_space<vmem>>[vector<16xi32>, vector<16xi32>], vector<16xf32>,
        %parallel_loop3A_1306 = arith.constant 0 : i32
        %parallel_loop3A_1307 = arith.constant 0 : i32
        %parallel_loop3A_1308 = tpu.memref_slice %arg10[%parallel_loop3A_585, %parallel_loop3A_1306, %parallel_loop3A_1307] : memref<2x128x64xf32, #tpu.memory_space<vmem>> -> memref<1x128x64xf32, #tpu.memory_space<vmem>>
        %parallel_loop3A_1309 = tpu.memref_squeeze %parallel_loop3A_1308 : memref<1x128x64xf32, #tpu.memory_space<vmem>> -> memref<128x64xf32, #tpu.memory_space<vmem>>
        %parallel_loop3A_1310 = arith.index_cast %parallel_loop3A_1287 : i32 to index
        %parallel_loop3A_1311 = arith.constant 16 : index
        %parallel_loop3A_1312 = tpu.vector_load %parallel_loop3A_1309[%parallel_loop3A_1310, %parallel_loop3A_1311] {strides = array<i32>} : memref<128x64xf32, #tpu.memory_space<vmem>>, vector<16xf32>,
        %parallel_loop3A_1313 = arith.addf %parallel_loop3A_1312, %parallel_loop3A_1305 : vector<16xf32>
        %parallel_loop3A_1314 = arith.addf %parallel_loop3A_1313, %get3A_570 : vector<16xf32>
        %parallel_loop3A_1315 = arith.constant 0 : i32
        %parallel_loop3A_1316 = arith.constant 0 : i32
        %parallel_loop3A_1317 = tpu.memref_slice %arg13[%parallel_loop3A_586, %parallel_loop3A_1315, %parallel_loop3A_1316] : memref<2x64x129xf32, #tpu.memory_space<vmem>> -> memref<1x64x129xf32, #tpu.memory_space<vmem>>
        %parallel_loop3A_1318 = tpu.memref_squeeze %parallel_loop3A_1317 : memref<1x64x129xf32, #tpu.memory_space<vmem>> -> memref<64x129xf32, #tpu.memory_space<vmem>>
        tpu.vector_store_idx %parallel_loop3A_1318[%add3A_172, %parallel_loop3A_1290], %parallel_loop3A_1314 : memref<64x129xf32, #tpu.memory_space<vmem>>[vector<16xi32>, vector<16xi32>], vector<16xf32>,
        %parallel_loop3A_1319 = tpu.vector_load_idx %arg11[%parallel_loop3A_1289, %add3A_175] : memref<1000x64xf32, #tpu.memory_space<vmem>>[vector<16xi32>, vector<16xi32>], vector<16xf32>,
        %parallel_loop3A_1320 = arith.constant 0 : i32
        %parallel_loop3A_1321 = arith.constant 0 : i32
        %parallel_loop3A_1322 = tpu.memref_slice %arg10[%parallel_loop3A_585, %parallel_loop3A_1320, %parallel_loop3A_1321] : memref<2x128x64xf32, #tpu.memory_space<vmem>> -> memref<1x128x64xf32, #tpu.memory_space<vmem>>
        %parallel_loop3A_1323 = tpu.memref_squeeze %parallel_loop3A_1322 : memref<1x128x64xf32, #tpu.memory_space<vmem>> -> memref<128x64xf32, #tpu.memory_space<vmem>>
        %parallel_loop3A_1324 = arith.index_cast %parallel_loop3A_1287 : i32 to index
        %parallel_loop3A_1325 = arith.constant 32 : index
        %parallel_loop3A_1326 = tpu.vector_load %parallel_loop3A_1323[%parallel_loop3A_1324, %parallel_loop3A_1325] {strides = array<i32>} : memref<128x64xf32, #tpu.memory_space<vmem>>, vector<16xf32>,
        %parallel_loop3A_1327 = arith.addf %parallel_loop3A_1326, %parallel_loop3A_1319 : vector<16xf32>
        %parallel_loop3A_1328 = arith.addf %parallel_loop3A_1327, %get3A_575 : vector<16xf32>
        %parallel_loop3A_1329 = arith.constant 0 : i32
        %parallel_loop3A_1330 = arith.constant 0 : i32
        %parallel_loop3A_1331 = tpu.memref_slice %arg13[%parallel_loop3A_586, %parallel_loop3A_1329, %parallel_loop3A_1330] : memref<2x64x129xf32, #tpu.memory_space<vmem>> -> memref<1x64x129xf32, #tpu.memory_space<vmem>>
        %parallel_loop3A_1332 = tpu.memref_squeeze %parallel_loop3A_1331 : memref<1x64x129xf32, #tpu.memory_space<vmem>> -> memref<64x129xf32, #tpu.memory_space<vmem>>
        tpu.vector_store_idx %parallel_loop3A_1332[%add3A_175, %parallel_loop3A_1290], %parallel_loop3A_1328 : memref<64x129xf32, #tpu.memory_space<vmem>>[vector<16xi32>, vector<16xi32>], vector<16xf32>,
        %parallel_loop3A_1333 = tpu.vector_load_idx %arg11[%parallel_loop3A_1289, %add3A_178] : memref<1000x64xf32, #tpu.memory_space<vmem>>[vector<16xi32>, vector<16xi32>], vector<16xf32>,
        %parallel_loop3A_1334 = arith.constant 0 : i32
        %parallel_loop3A_1335 = arith.constant 0 : i32
        %parallel_loop3A_1336 = tpu.memref_slice %arg10[%parallel_loop3A_585, %parallel_loop3A_1334, %parallel_loop3A_1335] : memref<2x128x64xf32, #tpu.memory_space<vmem>> -> memref<1x128x64xf32, #tpu.memory_space<vmem>>
        %parallel_loop3A_1337 = tpu.memref_squeeze %parallel_loop3A_1336 : memref<1x128x64xf32, #tpu.memory_space<vmem>> -> memref<128x64xf32, #tpu.memory_space<vmem>>
        %parallel_loop3A_1338 = arith.index_cast %parallel_loop3A_1287 : i32 to index
        %parallel_loop3A_1339 = arith.constant 48 : index
        %parallel_loop3A_1340 = tpu.vector_load %parallel_loop3A_1337[%parallel_loop3A_1338, %parallel_loop3A_1339] {strides = array<i32>} : memref<128x64xf32, #tpu.memory_space<vmem>>, vector<16xf32>,
        %parallel_loop3A_1341 = arith.addf %parallel_loop3A_1340, %parallel_loop3A_1333 : vector<16xf32>
        %parallel_loop3A_1342 = arith.addf %parallel_loop3A_1341, %get3A_580 : vector<16xf32>
        %parallel_loop3A_1343 = arith.constant 0 : i32
        %parallel_loop3A_1344 = arith.constant 0 : i32
        %parallel_loop3A_1345 = tpu.memref_slice %arg13[%parallel_loop3A_586, %parallel_loop3A_1343, %parallel_loop3A_1344] : memref<2x64x129xf32, #tpu.memory_space<vmem>> -> memref<1x64x129xf32, #tpu.memory_space<vmem>>
        %parallel_loop3A_1346 = tpu.memref_squeeze %parallel_loop3A_1345 : memref<1x64x129xf32, #tpu.memory_space<vmem>> -> memref<64x129xf32, #tpu.memory_space<vmem>>
        tpu.vector_store_idx %parallel_loop3A_1346[%add3A_178, %parallel_loop3A_1290], %parallel_loop3A_1342 : memref<64x129xf32, #tpu.memory_space<vmem>>[vector<16xi32>, vector<16xi32>], vector<16xf32>,
        %parallel_loop3A_1347 = arith.constant 16 : i32
        %parallel_loop3A_1348 = arith.muli %parallel_loop3A_646, %parallel_loop3A_1347 : i32
        %parallel_loop3A_1349 = arith.constant 11 : i32
        %parallel_loop3A_1350 = arith.addi %parallel_loop3A_1348, %parallel_loop3A_1349 : i32
        %parallel_loop3A_1351 = vector.shape_cast %broadcast_in_dim3A_201 : vector<16x1xi32> to vector<16xi32>
        %parallel_loop3A_1352 = tpu.dynamic_gather %parallel_loop3A_653[%parallel_loop3A_1351] in [0] : vector<16xi32>, vector<16xi32> -> vector<16xi32>
        %parallel_loop3A_1353 = vector.broadcast %parallel_loop3A_1350 : i32 to vector<16xi32>
        %parallel_loop3A_1354 = tpu.vector_load_idx %arg11[%parallel_loop3A_1352, %add3A_169] : memref<1000x64xf32, #tpu.memory_space<vmem>>[vector<16xi32>, vector<16xi32>], vector<16xf32>,
        %parallel_loop3A_1355 = arith.constant 0 : i32
        %parallel_loop3A_1356 = arith.constant 0 : i32
        %parallel_loop3A_1357 = tpu.memref_slice %arg10[%parallel_loop3A_585, %parallel_loop3A_1355, %parallel_loop3A_1356] : memref<2x128x64xf32, #tpu.memory_space<vmem>> -> memref<1x128x64xf32, #tpu.memory_space<vmem>>
        %parallel_loop3A_1358 = tpu.memref_squeeze %parallel_loop3A_1357 : memref<1x128x64xf32, #tpu.memory_space<vmem>> -> memref<128x64xf32, #tpu.memory_space<vmem>>
        %parallel_loop3A_1359 = arith.index_cast %parallel_loop3A_1350 : i32 to index
        %parallel_loop3A_1360 = arith.constant 0 : index
        %parallel_loop3A_1361 = tpu.vector_load %parallel_loop3A_1358[%parallel_loop3A_1359, %parallel_loop3A_1360] {strides = array<i32>} : memref<128x64xf32, #tpu.memory_space<vmem>>, vector<16xf32>,
        %parallel_loop3A_1362 = arith.addf %parallel_loop3A_1361, %parallel_loop3A_1354 : vector<16xf32>
        %parallel_loop3A_1363 = arith.addf %parallel_loop3A_1362, %get3A_565 : vector<16xf32>
        %parallel_loop3A_1364 = arith.constant 0 : i32
        %parallel_loop3A_1365 = arith.constant 0 : i32
        %parallel_loop3A_1366 = tpu.memref_slice %arg13[%parallel_loop3A_586, %parallel_loop3A_1364, %parallel_loop3A_1365] : memref<2x64x129xf32, #tpu.memory_space<vmem>> -> memref<1x64x129xf32, #tpu.memory_space<vmem>>
        %parallel_loop3A_1367 = tpu.memref_squeeze %parallel_loop3A_1366 : memref<1x64x129xf32, #tpu.memory_space<vmem>> -> memref<64x129xf32, #tpu.memory_space<vmem>>
        tpu.vector_store_idx %parallel_loop3A_1367[%add3A_169, %parallel_loop3A_1353], %parallel_loop3A_1363 : memref<64x129xf32, #tpu.memory_space<vmem>>[vector<16xi32>, vector<16xi32>], vector<16xf32>,
        %parallel_loop3A_1368 = tpu.vector_load_idx %arg11[%parallel_loop3A_1352, %add3A_172] : memref<1000x64xf32, #tpu.memory_space<vmem>>[vector<16xi32>, vector<16xi32>], vector<16xf32>,
        %parallel_loop3A_1369 = arith.constant 0 : i32
        %parallel_loop3A_1370 = arith.constant 0 : i32
        %parallel_loop3A_1371 = tpu.memref_slice %arg10[%parallel_loop3A_585, %parallel_loop3A_1369, %parallel_loop3A_1370] : memref<2x128x64xf32, #tpu.memory_space<vmem>> -> memref<1x128x64xf32, #tpu.memory_space<vmem>>
        %parallel_loop3A_1372 = tpu.memref_squeeze %parallel_loop3A_1371 : memref<1x128x64xf32, #tpu.memory_space<vmem>> -> memref<128x64xf32, #tpu.memory_space<vmem>>
        %parallel_loop3A_1373 = arith.index_cast %parallel_loop3A_1350 : i32 to index
        %parallel_loop3A_1374 = arith.constant 16 : index
        %parallel_loop3A_1375 = tpu.vector_load %parallel_loop3A_1372[%parallel_loop3A_1373, %parallel_loop3A_1374] {strides = array<i32>} : memref<128x64xf32, #tpu.memory_space<vmem>>, vector<16xf32>,
        %parallel_loop3A_1376 = arith.addf %parallel_loop3A_1375, %parallel_loop3A_1368 : vector<16xf32>
        %parallel_loop3A_1377 = arith.addf %parallel_loop3A_1376, %get3A_570 : vector<16xf32>
        %parallel_loop3A_1378 = arith.constant 0 : i32
        %parallel_loop3A_1379 = arith.constant 0 : i32
        %parallel_loop3A_1380 = tpu.memref_slice %arg13[%parallel_loop3A_586, %parallel_loop3A_1378, %parallel_loop3A_1379] : memref<2x64x129xf32, #tpu.memory_space<vmem>> -> memref<1x64x129xf32, #tpu.memory_space<vmem>>
        %parallel_loop3A_1381 = tpu.memref_squeeze %parallel_loop3A_1380 : memref<1x64x129xf32, #tpu.memory_space<vmem>> -> memref<64x129xf32, #tpu.memory_space<vmem>>
        tpu.vector_store_idx %parallel_loop3A_1381[%add3A_172, %parallel_loop3A_1353], %parallel_loop3A_1377 : memref<64x129xf32, #tpu.memory_space<vmem>>[vector<16xi32>, vector<16xi32>], vector<16xf32>,
        %parallel_loop3A_1382 = tpu.vector_load_idx %arg11[%parallel_loop3A_1352, %add3A_175] : memref<1000x64xf32, #tpu.memory_space<vmem>>[vector<16xi32>, vector<16xi32>], vector<16xf32>,
        %parallel_loop3A_1383 = arith.constant 0 : i32
        %parallel_loop3A_1384 = arith.constant 0 : i32
        %parallel_loop3A_1385 = tpu.memref_slice %arg10[%parallel_loop3A_585, %parallel_loop3A_1383, %parallel_loop3A_1384] : memref<2x128x64xf32, #tpu.memory_space<vmem>> -> memref<1x128x64xf32, #tpu.memory_space<vmem>>
        %parallel_loop3A_1386 = tpu.memref_squeeze %parallel_loop3A_1385 : memref<1x128x64xf32, #tpu.memory_space<vmem>> -> memref<128x64xf32, #tpu.memory_space<vmem>>
        %parallel_loop3A_1387 = arith.index_cast %parallel_loop3A_1350 : i32 to index
        %parallel_loop3A_1388 = arith.constant 32 : index
        %parallel_loop3A_1389 = tpu.vector_load %parallel_loop3A_1386[%parallel_loop3A_1387, %parallel_loop3A_1388] {strides = array<i32>} : memref<128x64xf32, #tpu.memory_space<vmem>>, vector<16xf32>,
        %parallel_loop3A_1390 = arith.addf %parallel_loop3A_1389, %parallel_loop3A_1382 : vector<16xf32>
        %parallel_loop3A_1391 = arith.addf %parallel_loop3A_1390, %get3A_575 : vector<16xf32>
        %parallel_loop3A_1392 = arith.constant 0 : i32
        %parallel_loop3A_1393 = arith.constant 0 : i32
        %parallel_loop3A_1394 = tpu.memref_slice %arg13[%parallel_loop3A_586, %parallel_loop3A_1392, %parallel_loop3A_1393] : memref<2x64x129xf32, #tpu.memory_space<vmem>> -> memref<1x64x129xf32, #tpu.memory_space<vmem>>
        %parallel_loop3A_1395 = tpu.memref_squeeze %parallel_loop3A_1394 : memref<1x64x129xf32, #tpu.memory_space<vmem>> -> memref<64x129xf32, #tpu.memory_space<vmem>>
        tpu.vector_store_idx %parallel_loop3A_1395[%add3A_175, %parallel_loop3A_1353], %parallel_loop3A_1391 : memref<64x129xf32, #tpu.memory_space<vmem>>[vector<16xi32>, vector<16xi32>], vector<16xf32>,
        %parallel_loop3A_1396 = tpu.vector_load_idx %arg11[%parallel_loop3A_1352, %add3A_178] : memref<1000x64xf32, #tpu.memory_space<vmem>>[vector<16xi32>, vector<16xi32>], vector<16xf32>,
        %parallel_loop3A_1397 = arith.constant 0 : i32
        %parallel_loop3A_1398 = arith.constant 0 : i32
        %parallel_loop3A_1399 = tpu.memref_slice %arg10[%parallel_loop3A_585, %parallel_loop3A_1397, %parallel_loop3A_1398] : memref<2x128x64xf32, #tpu.memory_space<vmem>> -> memref<1x128x64xf32, #tpu.memory_space<vmem>>
        %parallel_loop3A_1400 = tpu.memref_squeeze %parallel_loop3A_1399 : memref<1x128x64xf32, #tpu.memory_space<vmem>> -> memref<128x64xf32, #tpu.memory_space<vmem>>
        %parallel_loop3A_1401 = arith.index_cast %parallel_loop3A_1350 : i32 to index
        %parallel_loop3A_1402 = arith.constant 48 : index
        %parallel_loop3A_1403 = tpu.vector_load %parallel_loop3A_1400[%parallel_loop3A_1401, %parallel_loop3A_1402] {strides = array<i32>} : memref<128x64xf32, #tpu.memory_space<vmem>>, vector<16xf32>,
        %parallel_loop3A_1404 = arith.addf %parallel_loop3A_1403, %parallel_loop3A_1396 : vector<16xf32>
        %parallel_loop3A_1405 = arith.addf %parallel_loop3A_1404, %get3A_580 : vector<16xf32>
        %parallel_loop3A_1406 = arith.constant 0 : i32
        %parallel_loop3A_1407 = arith.constant 0 : i32
        %parallel_loop3A_1408 = tpu.memref_slice %arg13[%parallel_loop3A_586, %parallel_loop3A_1406, %parallel_loop3A_1407] : memref<2x64x129xf32, #tpu.memory_space<vmem>> -> memref<1x64x129xf32, #tpu.memory_space<vmem>>
        %parallel_loop3A_1409 = tpu.memref_squeeze %parallel_loop3A_1408 : memref<1x64x129xf32, #tpu.memory_space<vmem>> -> memref<64x129xf32, #tpu.memory_space<vmem>>
        tpu.vector_store_idx %parallel_loop3A_1409[%add3A_178, %parallel_loop3A_1353], %parallel_loop3A_1405 : memref<64x129xf32, #tpu.memory_space<vmem>>[vector<16xi32>, vector<16xi32>], vector<16xf32>,
        %parallel_loop3A_1410 = arith.constant 16 : i32
        %parallel_loop3A_1411 = arith.muli %parallel_loop3A_646, %parallel_loop3A_1410 : i32
        %parallel_loop3A_1412 = arith.constant 12 : i32
        %parallel_loop3A_1413 = arith.addi %parallel_loop3A_1411, %parallel_loop3A_1412 : i32
        %parallel_loop3A_1414 = vector.shape_cast %broadcast_in_dim3A_203 : vector<16x1xi32> to vector<16xi32>
        %parallel_loop3A_1415 = tpu.dynamic_gather %parallel_loop3A_653[%parallel_loop3A_1414] in [0] : vector<16xi32>, vector<16xi32> -> vector<16xi32>
        %parallel_loop3A_1416 = vector.broadcast %parallel_loop3A_1413 : i32 to vector<16xi32>
        %parallel_loop3A_1417 = tpu.vector_load_idx %arg11[%parallel_loop3A_1415, %add3A_169] : memref<1000x64xf32, #tpu.memory_space<vmem>>[vector<16xi32>, vector<16xi32>], vector<16xf32>,
        %parallel_loop3A_1418 = arith.constant 0 : i32
        %parallel_loop3A_1419 = arith.constant 0 : i32
        %parallel_loop3A_1420 = tpu.memref_slice %arg10[%parallel_loop3A_585, %parallel_loop3A_1418, %parallel_loop3A_1419] : memref<2x128x64xf32, #tpu.memory_space<vmem>> -> memref<1x128x64xf32, #tpu.memory_space<vmem>>
        %parallel_loop3A_1421 = tpu.memref_squeeze %parallel_loop3A_1420 : memref<1x128x64xf32, #tpu.memory_space<vmem>> -> memref<128x64xf32, #tpu.memory_space<vmem>>
        %parallel_loop3A_1422 = arith.index_cast %parallel_loop3A_1413 : i32 to index
        %parallel_loop3A_1423 = arith.constant 0 : index
        %parallel_loop3A_1424 = tpu.vector_load %parallel_loop3A_1421[%parallel_loop3A_1422, %parallel_loop3A_1423] {strides = array<i32>} : memref<128x64xf32, #tpu.memory_space<vmem>>, vector<16xf32>,
        %parallel_loop3A_1425 = arith.addf %parallel_loop3A_1424, %parallel_loop3A_1417 : vector<16xf32>
        %parallel_loop3A_1426 = arith.addf %parallel_loop3A_1425, %get3A_565 : vector<16xf32>
        %parallel_loop3A_1427 = arith.constant 0 : i32
        %parallel_loop3A_1428 = arith.constant 0 : i32
        %parallel_loop3A_1429 = tpu.memref_slice %arg13[%parallel_loop3A_586, %parallel_loop3A_1427, %parallel_loop3A_1428] : memref<2x64x129xf32, #tpu.memory_space<vmem>> -> memref<1x64x129xf32, #tpu.memory_space<vmem>>
        %parallel_loop3A_1430 = tpu.memref_squeeze %parallel_loop3A_1429 : memref<1x64x129xf32, #tpu.memory_space<vmem>> -> memref<64x129xf32, #tpu.memory_space<vmem>>
        tpu.vector_store_idx %parallel_loop3A_1430[%add3A_169, %parallel_loop3A_1416], %parallel_loop3A_1426 : memref<64x129xf32, #tpu.memory_space<vmem>>[vector<16xi32>, vector<16xi32>], vector<16xf32>,
        %parallel_loop3A_1431 = tpu.vector_load_idx %arg11[%parallel_loop3A_1415, %add3A_172] : memref<1000x64xf32, #tpu.memory_space<vmem>>[vector<16xi32>, vector<16xi32>], vector<16xf32>,
        %parallel_loop3A_1432 = arith.constant 0 : i32
        %parallel_loop3A_1433 = arith.constant 0 : i32
        %parallel_loop3A_1434 = tpu.memref_slice %arg10[%parallel_loop3A_585, %parallel_loop3A_1432, %parallel_loop3A_1433] : memref<2x128x64xf32, #tpu.memory_space<vmem>> -> memref<1x128x64xf32, #tpu.memory_space<vmem>>
        %parallel_loop3A_1435 = tpu.memref_squeeze %parallel_loop3A_1434 : memref<1x128x64xf32, #tpu.memory_space<vmem>> -> memref<128x64xf32, #tpu.memory_space<vmem>>
        %parallel_loop3A_1436 = arith.index_cast %parallel_loop3A_1413 : i32 to index
        %parallel_loop3A_1437 = arith.constant 16 : index
        %parallel_loop3A_1438 = tpu.vector_load %parallel_loop3A_1435[%parallel_loop3A_1436, %parallel_loop3A_1437] {strides = array<i32>} : memref<128x64xf32, #tpu.memory_space<vmem>>, vector<16xf32>,
        %parallel_loop3A_1439 = arith.addf %parallel_loop3A_1438, %parallel_loop3A_1431 : vector<16xf32>
        %parallel_loop3A_1440 = arith.addf %parallel_loop3A_1439, %get3A_570 : vector<16xf32>
        %parallel_loop3A_1441 = arith.constant 0 : i32
        %parallel_loop3A_1442 = arith.constant 0 : i32
        %parallel_loop3A_1443 = tpu.memref_slice %arg13[%parallel_loop3A_586, %parallel_loop3A_1441, %parallel_loop3A_1442] : memref<2x64x129xf32, #tpu.memory_space<vmem>> -> memref<1x64x129xf32, #tpu.memory_space<vmem>>
        %parallel_loop3A_1444 = tpu.memref_squeeze %parallel_loop3A_1443 : memref<1x64x129xf32, #tpu.memory_space<vmem>> -> memref<64x129xf32, #tpu.memory_space<vmem>>
        tpu.vector_store_idx %parallel_loop3A_1444[%add3A_172, %parallel_loop3A_1416], %parallel_loop3A_1440 : memref<64x129xf32, #tpu.memory_space<vmem>>[vector<16xi32>, vector<16xi32>], vector<16xf32>,
        %parallel_loop3A_1445 = tpu.vector_load_idx %arg11[%parallel_loop3A_1415, %add3A_175] : memref<1000x64xf32, #tpu.memory_space<vmem>>[vector<16xi32>, vector<16xi32>], vector<16xf32>,
        %parallel_loop3A_1446 = arith.constant 0 : i32
        %parallel_loop3A_1447 = arith.constant 0 : i32
        %parallel_loop3A_1448 = tpu.memref_slice %arg10[%parallel_loop3A_585, %parallel_loop3A_1446, %parallel_loop3A_1447] : memref<2x128x64xf32, #tpu.memory_space<vmem>> -> memref<1x128x64xf32, #tpu.memory_space<vmem>>
        %parallel_loop3A_1449 = tpu.memref_squeeze %parallel_loop3A_1448 : memref<1x128x64xf32, #tpu.memory_space<vmem>> -> memref<128x64xf32, #tpu.memory_space<vmem>>
        %parallel_loop3A_1450 = arith.index_cast %parallel_loop3A_1413 : i32 to index
        %parallel_loop3A_1451 = arith.constant 32 : index
        %parallel_loop3A_1452 = tpu.vector_load %parallel_loop3A_1449[%parallel_loop3A_1450, %parallel_loop3A_1451] {strides = array<i32>} : memref<128x64xf32, #tpu.memory_space<vmem>>, vector<16xf32>,
        %parallel_loop3A_1453 = arith.addf %parallel_loop3A_1452, %parallel_loop3A_1445 : vector<16xf32>
        %parallel_loop3A_1454 = arith.addf %parallel_loop3A_1453, %get3A_575 : vector<16xf32>
        %parallel_loop3A_1455 = arith.constant 0 : i32
        %parallel_loop3A_1456 = arith.constant 0 : i32
        %parallel_loop3A_1457 = tpu.memref_slice %arg13[%parallel_loop3A_586, %parallel_loop3A_1455, %parallel_loop3A_1456] : memref<2x64x129xf32, #tpu.memory_space<vmem>> -> memref<1x64x129xf32, #tpu.memory_space<vmem>>
        %parallel_loop3A_1458 = tpu.memref_squeeze %parallel_loop3A_1457 : memref<1x64x129xf32, #tpu.memory_space<vmem>> -> memref<64x129xf32, #tpu.memory_space<vmem>>
        tpu.vector_store_idx %parallel_loop3A_1458[%add3A_175, %parallel_loop3A_1416], %parallel_loop3A_1454 : memref<64x129xf32, #tpu.memory_space<vmem>>[vector<16xi32>, vector<16xi32>], vector<16xf32>,
        %parallel_loop3A_1459 = tpu.vector_load_idx %arg11[%parallel_loop3A_1415, %add3A_178] : memref<1000x64xf32, #tpu.memory_space<vmem>>[vector<16xi32>, vector<16xi32>], vector<16xf32>,
        %parallel_loop3A_1460 = arith.constant 0 : i32
        %parallel_loop3A_1461 = arith.constant 0 : i32
        %parallel_loop3A_1462 = tpu.memref_slice %arg10[%parallel_loop3A_585, %parallel_loop3A_1460, %parallel_loop3A_1461] : memref<2x128x64xf32, #tpu.memory_space<vmem>> -> memref<1x128x64xf32, #tpu.memory_space<vmem>>
        %parallel_loop3A_1463 = tpu.memref_squeeze %parallel_loop3A_1462 : memref<1x128x64xf32, #tpu.memory_space<vmem>> -> memref<128x64xf32, #tpu.memory_space<vmem>>
        %parallel_loop3A_1464 = arith.index_cast %parallel_loop3A_1413 : i32 to index
        %parallel_loop3A_1465 = arith.constant 48 : index
        %parallel_loop3A_1466 = tpu.vector_load %parallel_loop3A_1463[%parallel_loop3A_1464, %parallel_loop3A_1465] {strides = array<i32>} : memref<128x64xf32, #tpu.memory_space<vmem>>, vector<16xf32>,
        %parallel_loop3A_1467 = arith.addf %parallel_loop3A_1466, %parallel_loop3A_1459 : vector<16xf32>
        %parallel_loop3A_1468 = arith.addf %parallel_loop3A_1467, %get3A_580 : vector<16xf32>
        %parallel_loop3A_1469 = arith.constant 0 : i32
        %parallel_loop3A_1470 = arith.constant 0 : i32
        %parallel_loop3A_1471 = tpu.memref_slice %arg13[%parallel_loop3A_586, %parallel_loop3A_1469, %parallel_loop3A_1470] : memref<2x64x129xf32, #tpu.memory_space<vmem>> -> memref<1x64x129xf32, #tpu.memory_space<vmem>>
        %parallel_loop3A_1472 = tpu.memref_squeeze %parallel_loop3A_1471 : memref<1x64x129xf32, #tpu.memory_space<vmem>> -> memref<64x129xf32, #tpu.memory_space<vmem>>
        tpu.vector_store_idx %parallel_loop3A_1472[%add3A_178, %parallel_loop3A_1416], %parallel_loop3A_1468 : memref<64x129xf32, #tpu.memory_space<vmem>>[vector<16xi32>, vector<16xi32>], vector<16xf32>,
        %parallel_loop3A_1473 = arith.constant 16 : i32
        %parallel_loop3A_1474 = arith.muli %parallel_loop3A_646, %parallel_loop3A_1473 : i32
        %parallel_loop3A_1475 = arith.constant 13 : i32
        %parallel_loop3A_1476 = arith.addi %parallel_loop3A_1474, %parallel_loop3A_1475 : i32
        %parallel_loop3A_1477 = vector.shape_cast %broadcast_in_dim3A_205 : vector<16x1xi32> to vector<16xi32>
        %parallel_loop3A_1478 = tpu.dynamic_gather %parallel_loop3A_653[%parallel_loop3A_1477] in [0] : vector<16xi32>, vector<16xi32> -> vector<16xi32>
        %parallel_loop3A_1479 = vector.broadcast %parallel_loop3A_1476 : i32 to vector<16xi32>
        %parallel_loop3A_1480 = tpu.vector_load_idx %arg11[%parallel_loop3A_1478, %add3A_169] : memref<1000x64xf32, #tpu.memory_space<vmem>>[vector<16xi32>, vector<16xi32>], vector<16xf32>,
        %parallel_loop3A_1481 = arith.constant 0 : i32
        %parallel_loop3A_1482 = arith.constant 0 : i32
        %parallel_loop3A_1483 = tpu.memref_slice %arg10[%parallel_loop3A_585, %parallel_loop3A_1481, %parallel_loop3A_1482] : memref<2x128x64xf32, #tpu.memory_space<vmem>> -> memref<1x128x64xf32, #tpu.memory_space<vmem>>
        %parallel_loop3A_1484 = tpu.memref_squeeze %parallel_loop3A_1483 : memref<1x128x64xf32, #tpu.memory_space<vmem>> -> memref<128x64xf32, #tpu.memory_space<vmem>>
        %parallel_loop3A_1485 = arith.index_cast %parallel_loop3A_1476 : i32 to index
        %parallel_loop3A_1486 = arith.constant 0 : index
        %parallel_loop3A_1487 = tpu.vector_load %parallel_loop3A_1484[%parallel_loop3A_1485, %parallel_loop3A_1486] {strides = array<i32>} : memref<128x64xf32, #tpu.memory_space<vmem>>, vector<16xf32>,
        %parallel_loop3A_1488 = arith.addf %parallel_loop3A_1487, %parallel_loop3A_1480 : vector<16xf32>
        %parallel_loop3A_1489 = arith.addf %parallel_loop3A_1488, %get3A_565 : vector<16xf32>
        %parallel_loop3A_1490 = arith.constant 0 : i32
        %parallel_loop3A_1491 = arith.constant 0 : i32
        %parallel_loop3A_1492 = tpu.memref_slice %arg13[%parallel_loop3A_586, %parallel_loop3A_1490, %parallel_loop3A_1491] : memref<2x64x129xf32, #tpu.memory_space<vmem>> -> memref<1x64x129xf32, #tpu.memory_space<vmem>>
        %parallel_loop3A_1493 = tpu.memref_squeeze %parallel_loop3A_1492 : memref<1x64x129xf32, #tpu.memory_space<vmem>> -> memref<64x129xf32, #tpu.memory_space<vmem>>
        tpu.vector_store_idx %parallel_loop3A_1493[%add3A_169, %parallel_loop3A_1479], %parallel_loop3A_1489 : memref<64x129xf32, #tpu.memory_space<vmem>>[vector<16xi32>, vector<16xi32>], vector<16xf32>,
        %parallel_loop3A_1494 = tpu.vector_load_idx %arg11[%parallel_loop3A_1478, %add3A_172] : memref<1000x64xf32, #tpu.memory_space<vmem>>[vector<16xi32>, vector<16xi32>], vector<16xf32>,
        %parallel_loop3A_1495 = arith.constant 0 : i32
        %parallel_loop3A_1496 = arith.constant 0 : i32
        %parallel_loop3A_1497 = tpu.memref_slice %arg10[%parallel_loop3A_585, %parallel_loop3A_1495, %parallel_loop3A_1496] : memref<2x128x64xf32, #tpu.memory_space<vmem>> -> memref<1x128x64xf32, #tpu.memory_space<vmem>>
        %parallel_loop3A_1498 = tpu.memref_squeeze %parallel_loop3A_1497 : memref<1x128x64xf32, #tpu.memory_space<vmem>> -> memref<128x64xf32, #tpu.memory_space<vmem>>
        %parallel_loop3A_1499 = arith.index_cast %parallel_loop3A_1476 : i32 to index
        %parallel_loop3A_1500 = arith.constant 16 : index
        %parallel_loop3A_1501 = tpu.vector_load %parallel_loop3A_1498[%parallel_loop3A_1499, %parallel_loop3A_1500] {strides = array<i32>} : memref<128x64xf32, #tpu.memory_space<vmem>>, vector<16xf32>,
        %parallel_loop3A_1502 = arith.addf %parallel_loop3A_1501, %parallel_loop3A_1494 : vector<16xf32>
        %parallel_loop3A_1503 = arith.addf %parallel_loop3A_1502, %get3A_570 : vector<16xf32>
        %parallel_loop3A_1504 = arith.constant 0 : i32
        %parallel_loop3A_1505 = arith.constant 0 : i32
        %parallel_loop3A_1506 = tpu.memref_slice %arg13[%parallel_loop3A_586, %parallel_loop3A_1504, %parallel_loop3A_1505] : memref<2x64x129xf32, #tpu.memory_space<vmem>> -> memref<1x64x129xf32, #tpu.memory_space<vmem>>
        %parallel_loop3A_1507 = tpu.memref_squeeze %parallel_loop3A_1506 : memref<1x64x129xf32, #tpu.memory_space<vmem>> -> memref<64x129xf32, #tpu.memory_space<vmem>>
        tpu.vector_store_idx %parallel_loop3A_1507[%add3A_172, %parallel_loop3A_1479], %parallel_loop3A_1503 : memref<64x129xf32, #tpu.memory_space<vmem>>[vector<16xi32>, vector<16xi32>], vector<16xf32>,
        %parallel_loop3A_1508 = tpu.vector_load_idx %arg11[%parallel_loop3A_1478, %add3A_175] : memref<1000x64xf32, #tpu.memory_space<vmem>>[vector<16xi32>, vector<16xi32>], vector<16xf32>,
        %parallel_loop3A_1509 = arith.constant 0 : i32
        %parallel_loop3A_1510 = arith.constant 0 : i32
        %parallel_loop3A_1511 = tpu.memref_slice %arg10[%parallel_loop3A_585, %parallel_loop3A_1509, %parallel_loop3A_1510] : memref<2x128x64xf32, #tpu.memory_space<vmem>> -> memref<1x128x64xf32, #tpu.memory_space<vmem>>
        %parallel_loop3A_1512 = tpu.memref_squeeze %parallel_loop3A_1511 : memref<1x128x64xf32, #tpu.memory_space<vmem>> -> memref<128x64xf32, #tpu.memory_space<vmem>>
        %parallel_loop3A_1513 = arith.index_cast %parallel_loop3A_1476 : i32 to index
        %parallel_loop3A_1514 = arith.constant 32 : index
        %parallel_loop3A_1515 = tpu.vector_load %parallel_loop3A_1512[%parallel_loop3A_1513, %parallel_loop3A_1514] {strides = array<i32>} : memref<128x64xf32, #tpu.memory_space<vmem>>, vector<16xf32>,
        %parallel_loop3A_1516 = arith.addf %parallel_loop3A_1515, %parallel_loop3A_1508 : vector<16xf32>
        %parallel_loop3A_1517 = arith.addf %parallel_loop3A_1516, %get3A_575 : vector<16xf32>
        %parallel_loop3A_1518 = arith.constant 0 : i32
        %parallel_loop3A_1519 = arith.constant 0 : i32
        %parallel_loop3A_1520 = tpu.memref_slice %arg13[%parallel_loop3A_586, %parallel_loop3A_1518, %parallel_loop3A_1519] : memref<2x64x129xf32, #tpu.memory_space<vmem>> -> memref<1x64x129xf32, #tpu.memory_space<vmem>>
        %parallel_loop3A_1521 = tpu.memref_squeeze %parallel_loop3A_1520 : memref<1x64x129xf32, #tpu.memory_space<vmem>> -> memref<64x129xf32, #tpu.memory_space<vmem>>
        tpu.vector_store_idx %parallel_loop3A_1521[%add3A_175, %parallel_loop3A_1479], %parallel_loop3A_1517 : memref<64x129xf32, #tpu.memory_space<vmem>>[vector<16xi32>, vector<16xi32>], vector<16xf32>,
        %parallel_loop3A_1522 = tpu.vector_load_idx %arg11[%parallel_loop3A_1478, %add3A_178] : memref<1000x64xf32, #tpu.memory_space<vmem>>[vector<16xi32>, vector<16xi32>], vector<16xf32>,
        %parallel_loop3A_1523 = arith.constant 0 : i32
        %parallel_loop3A_1524 = arith.constant 0 : i32
        %parallel_loop3A_1525 = tpu.memref_slice %arg10[%parallel_loop3A_585, %parallel_loop3A_1523, %parallel_loop3A_1524] : memref<2x128x64xf32, #tpu.memory_space<vmem>> -> memref<1x128x64xf32, #tpu.memory_space<vmem>>
        %parallel_loop3A_1526 = tpu.memref_squeeze %parallel_loop3A_1525 : memref<1x128x64xf32, #tpu.memory_space<vmem>> -> memref<128x64xf32, #tpu.memory_space<vmem>>
        %parallel_loop3A_1527 = arith.index_cast %parallel_loop3A_1476 : i32 to index
        %parallel_loop3A_1528 = arith.constant 48 : index
        %parallel_loop3A_1529 = tpu.vector_load %parallel_loop3A_1526[%parallel_loop3A_1527, %parallel_loop3A_1528] {strides = array<i32>} : memref<128x64xf32, #tpu.memory_space<vmem>>, vector<16xf32>,
        %parallel_loop3A_1530 = arith.addf %parallel_loop3A_1529, %parallel_loop3A_1522 : vector<16xf32>
        %parallel_loop3A_1531 = arith.addf %parallel_loop3A_1530, %get3A_580 : vector<16xf32>
        %parallel_loop3A_1532 = arith.constant 0 : i32
        %parallel_loop3A_1533 = arith.constant 0 : i32
        %parallel_loop3A_1534 = tpu.memref_slice %arg13[%parallel_loop3A_586, %parallel_loop3A_1532, %parallel_loop3A_1533] : memref<2x64x129xf32, #tpu.memory_space<vmem>> -> memref<1x64x129xf32, #tpu.memory_space<vmem>>
        %parallel_loop3A_1535 = tpu.memref_squeeze %parallel_loop3A_1534 : memref<1x64x129xf32, #tpu.memory_space<vmem>> -> memref<64x129xf32, #tpu.memory_space<vmem>>
        tpu.vector_store_idx %parallel_loop3A_1535[%add3A_178, %parallel_loop3A_1479], %parallel_loop3A_1531 : memref<64x129xf32, #tpu.memory_space<vmem>>[vector<16xi32>, vector<16xi32>], vector<16xf32>,
        %parallel_loop3A_1536 = arith.constant 16 : i32
        %parallel_loop3A_1537 = arith.muli %parallel_loop3A_646, %parallel_loop3A_1536 : i32
        %parallel_loop3A_1538 = arith.constant 14 : i32
        %parallel_loop3A_1539 = arith.addi %parallel_loop3A_1537, %parallel_loop3A_1538 : i32
        %parallel_loop3A_1540 = vector.shape_cast %broadcast_in_dim3A_207 : vector<16x1xi32> to vector<16xi32>
        %parallel_loop3A_1541 = tpu.dynamic_gather %parallel_loop3A_653[%parallel_loop3A_1540] in [0] : vector<16xi32>, vector<16xi32> -> vector<16xi32>
        %parallel_loop3A_1542 = vector.broadcast %parallel_loop3A_1539 : i32 to vector<16xi32>
        %parallel_loop3A_1543 = tpu.vector_load_idx %arg11[%parallel_loop3A_1541, %add3A_169] : memref<1000x64xf32, #tpu.memory_space<vmem>>[vector<16xi32>, vector<16xi32>], vector<16xf32>,
        %parallel_loop3A_1544 = arith.constant 0 : i32
        %parallel_loop3A_1545 = arith.constant 0 : i32
        %parallel_loop3A_1546 = tpu.memref_slice %arg10[%parallel_loop3A_585, %parallel_loop3A_1544, %parallel_loop3A_1545] : memref<2x128x64xf32, #tpu.memory_space<vmem>> -> memref<1x128x64xf32, #tpu.memory_space<vmem>>
        %parallel_loop3A_1547 = tpu.memref_squeeze %parallel_loop3A_1546 : memref<1x128x64xf32, #tpu.memory_space<vmem>> -> memref<128x64xf32, #tpu.memory_space<vmem>>
        %parallel_loop3A_1548 = arith.index_cast %parallel_loop3A_1539 : i32 to index
        %parallel_loop3A_1549 = arith.constant 0 : index
        %parallel_loop3A_1550 = tpu.vector_load %parallel_loop3A_1547[%parallel_loop3A_1548, %parallel_loop3A_1549] {strides = array<i32>} : memref<128x64xf32, #tpu.memory_space<vmem>>, vector<16xf32>,
        %parallel_loop3A_1551 = arith.addf %parallel_loop3A_1550, %parallel_loop3A_1543 : vector<16xf32>
        %parallel_loop3A_1552 = arith.addf %parallel_loop3A_1551, %get3A_565 : vector<16xf32>
        %parallel_loop3A_1553 = arith.constant 0 : i32
        %parallel_loop3A_1554 = arith.constant 0 : i32
        %parallel_loop3A_1555 = tpu.memref_slice %arg13[%parallel_loop3A_586, %parallel_loop3A_1553, %parallel_loop3A_1554] : memref<2x64x129xf32, #tpu.memory_space<vmem>> -> memref<1x64x129xf32, #tpu.memory_space<vmem>>
        %parallel_loop3A_1556 = tpu.memref_squeeze %parallel_loop3A_1555 : memref<1x64x129xf32, #tpu.memory_space<vmem>> -> memref<64x129xf32, #tpu.memory_space<vmem>>
        tpu.vector_store_idx %parallel_loop3A_1556[%add3A_169, %parallel_loop3A_1542], %parallel_loop3A_1552 : memref<64x129xf32, #tpu.memory_space<vmem>>[vector<16xi32>, vector<16xi32>], vector<16xf32>,
        %parallel_loop3A_1557 = tpu.vector_load_idx %arg11[%parallel_loop3A_1541, %add3A_172] : memref<1000x64xf32, #tpu.memory_space<vmem>>[vector<16xi32>, vector<16xi32>], vector<16xf32>,
        %parallel_loop3A_1558 = arith.constant 0 : i32
        %parallel_loop3A_1559 = arith.constant 0 : i32
        %parallel_loop3A_1560 = tpu.memref_slice %arg10[%parallel_loop3A_585, %parallel_loop3A_1558, %parallel_loop3A_1559] : memref<2x128x64xf32, #tpu.memory_space<vmem>> -> memref<1x128x64xf32, #tpu.memory_space<vmem>>
        %parallel_loop3A_1561 = tpu.memref_squeeze %parallel_loop3A_1560 : memref<1x128x64xf32, #tpu.memory_space<vmem>> -> memref<128x64xf32, #tpu.memory_space<vmem>>
        %parallel_loop3A_1562 = arith.index_cast %parallel_loop3A_1539 : i32 to index
        %parallel_loop3A_1563 = arith.constant 16 : index
        %parallel_loop3A_1564 = tpu.vector_load %parallel_loop3A_1561[%parallel_loop3A_1562, %parallel_loop3A_1563] {strides = array<i32>} : memref<128x64xf32, #tpu.memory_space<vmem>>, vector<16xf32>,
        %parallel_loop3A_1565 = arith.addf %parallel_loop3A_1564, %parallel_loop3A_1557 : vector<16xf32>
        %parallel_loop3A_1566 = arith.addf %parallel_loop3A_1565, %get3A_570 : vector<16xf32>
        %parallel_loop3A_1567 = arith.constant 0 : i32
        %parallel_loop3A_1568 = arith.constant 0 : i32
        %parallel_loop3A_1569 = tpu.memref_slice %arg13[%parallel_loop3A_586, %parallel_loop3A_1567, %parallel_loop3A_1568] : memref<2x64x129xf32, #tpu.memory_space<vmem>> -> memref<1x64x129xf32, #tpu.memory_space<vmem>>
        %parallel_loop3A_1570 = tpu.memref_squeeze %parallel_loop3A_1569 : memref<1x64x129xf32, #tpu.memory_space<vmem>> -> memref<64x129xf32, #tpu.memory_space<vmem>>
        tpu.vector_store_idx %parallel_loop3A_1570[%add3A_172, %parallel_loop3A_1542], %parallel_loop3A_1566 : memref<64x129xf32, #tpu.memory_space<vmem>>[vector<16xi32>, vector<16xi32>], vector<16xf32>,
        %parallel_loop3A_1571 = tpu.vector_load_idx %arg11[%parallel_loop3A_1541, %add3A_175] : memref<1000x64xf32, #tpu.memory_space<vmem>>[vector<16xi32>, vector<16xi32>], vector<16xf32>,
        %parallel_loop3A_1572 = arith.constant 0 : i32
        %parallel_loop3A_1573 = arith.constant 0 : i32
        %parallel_loop3A_1574 = tpu.memref_slice %arg10[%parallel_loop3A_585, %parallel_loop3A_1572, %parallel_loop3A_1573] : memref<2x128x64xf32, #tpu.memory_space<vmem>> -> memref<1x128x64xf32, #tpu.memory_space<vmem>>
        %parallel_loop3A_1575 = tpu.memref_squeeze %parallel_loop3A_1574 : memref<1x128x64xf32, #tpu.memory_space<vmem>> -> memref<128x64xf32, #tpu.memory_space<vmem>>
        %parallel_loop3A_1576 = arith.index_cast %parallel_loop3A_1539 : i32 to index
        %parallel_loop3A_1577 = arith.constant 32 : index
        %parallel_loop3A_1578 = tpu.vector_load %parallel_loop3A_1575[%parallel_loop3A_1576, %parallel_loop3A_1577] {strides = array<i32>} : memref<128x64xf32, #tpu.memory_space<vmem>>, vector<16xf32>,
        %parallel_loop3A_1579 = arith.addf %parallel_loop3A_1578, %parallel_loop3A_1571 : vector<16xf32>
        %parallel_loop3A_1580 = arith.addf %parallel_loop3A_1579, %get3A_575 : vector<16xf32>
        %parallel_loop3A_1581 = arith.constant 0 : i32
        %parallel_loop3A_1582 = arith.constant 0 : i32
        %parallel_loop3A_1583 = tpu.memref_slice %arg13[%parallel_loop3A_586, %parallel_loop3A_1581, %parallel_loop3A_1582] : memref<2x64x129xf32, #tpu.memory_space<vmem>> -> memref<1x64x129xf32, #tpu.memory_space<vmem>>
        %parallel_loop3A_1584 = tpu.memref_squeeze %parallel_loop3A_1583 : memref<1x64x129xf32, #tpu.memory_space<vmem>> -> memref<64x129xf32, #tpu.memory_space<vmem>>
        tpu.vector_store_idx %parallel_loop3A_1584[%add3A_175, %parallel_loop3A_1542], %parallel_loop3A_1580 : memref<64x129xf32, #tpu.memory_space<vmem>>[vector<16xi32>, vector<16xi32>], vector<16xf32>,
        %parallel_loop3A_1585 = tpu.vector_load_idx %arg11[%parallel_loop3A_1541, %add3A_178] : memref<1000x64xf32, #tpu.memory_space<vmem>>[vector<16xi32>, vector<16xi32>], vector<16xf32>,
        %parallel_loop3A_1586 = arith.constant 0 : i32
        %parallel_loop3A_1587 = arith.constant 0 : i32
        %parallel_loop3A_1588 = tpu.memref_slice %arg10[%parallel_loop3A_585, %parallel_loop3A_1586, %parallel_loop3A_1587] : memref<2x128x64xf32, #tpu.memory_space<vmem>> -> memref<1x128x64xf32, #tpu.memory_space<vmem>>
        %parallel_loop3A_1589 = tpu.memref_squeeze %parallel_loop3A_1588 : memref<1x128x64xf32, #tpu.memory_space<vmem>> -> memref<128x64xf32, #tpu.memory_space<vmem>>
        %parallel_loop3A_1590 = arith.index_cast %parallel_loop3A_1539 : i32 to index
        %parallel_loop3A_1591 = arith.constant 48 : index
        %parallel_loop3A_1592 = tpu.vector_load %parallel_loop3A_1589[%parallel_loop3A_1590, %parallel_loop3A_1591] {strides = array<i32>} : memref<128x64xf32, #tpu.memory_space<vmem>>, vector<16xf32>,
        %parallel_loop3A_1593 = arith.addf %parallel_loop3A_1592, %parallel_loop3A_1585 : vector<16xf32>
        %parallel_loop3A_1594 = arith.addf %parallel_loop3A_1593, %get3A_580 : vector<16xf32>
        %parallel_loop3A_1595 = arith.constant 0 : i32
        %parallel_loop3A_1596 = arith.constant 0 : i32
        %parallel_loop3A_1597 = tpu.memref_slice %arg13[%parallel_loop3A_586, %parallel_loop3A_1595, %parallel_loop3A_1596] : memref<2x64x129xf32, #tpu.memory_space<vmem>> -> memref<1x64x129xf32, #tpu.memory_space<vmem>>
        %parallel_loop3A_1598 = tpu.memref_squeeze %parallel_loop3A_1597 : memref<1x64x129xf32, #tpu.memory_space<vmem>> -> memref<64x129xf32, #tpu.memory_space<vmem>>
        tpu.vector_store_idx %parallel_loop3A_1598[%add3A_178, %parallel_loop3A_1542], %parallel_loop3A_1594 : memref<64x129xf32, #tpu.memory_space<vmem>>[vector<16xi32>, vector<16xi32>], vector<16xf32>,
        %parallel_loop3A_1599 = arith.constant 16 : i32
        %parallel_loop3A_1600 = arith.muli %parallel_loop3A_646, %parallel_loop3A_1599 : i32
        %parallel_loop3A_1601 = arith.constant 15 : i32
        %parallel_loop3A_1602 = arith.addi %parallel_loop3A_1600, %parallel_loop3A_1601 : i32
        %parallel_loop3A_1603 = vector.shape_cast %broadcast_in_dim3A_209 : vector<16x1xi32> to vector<16xi32>
        %parallel_loop3A_1604 = tpu.dynamic_gather %parallel_loop3A_653[%parallel_loop3A_1603] in [0] : vector<16xi32>, vector<16xi32> -> vector<16xi32>
        %parallel_loop3A_1605 = vector.broadcast %parallel_loop3A_1602 : i32 to vector<16xi32>
        %parallel_loop3A_1606 = tpu.vector_load_idx %arg11[%parallel_loop3A_1604, %add3A_169] : memref<1000x64xf32, #tpu.memory_space<vmem>>[vector<16xi32>, vector<16xi32>], vector<16xf32>,
        %parallel_loop3A_1607 = arith.constant 0 : i32
        %parallel_loop3A_1608 = arith.constant 0 : i32
        %parallel_loop3A_1609 = tpu.memref_slice %arg10[%parallel_loop3A_585, %parallel_loop3A_1607, %parallel_loop3A_1608] : memref<2x128x64xf32, #tpu.memory_space<vmem>> -> memref<1x128x64xf32, #tpu.memory_space<vmem>>
        %parallel_loop3A_1610 = tpu.memref_squeeze %parallel_loop3A_1609 : memref<1x128x64xf32, #tpu.memory_space<vmem>> -> memref<128x64xf32, #tpu.memory_space<vmem>>
        %parallel_loop3A_1611 = arith.index_cast %parallel_loop3A_1602 : i32 to index
        %parallel_loop3A_1612 = arith.constant 0 : index
        %parallel_loop3A_1613 = tpu.vector_load %parallel_loop3A_1610[%parallel_loop3A_1611, %parallel_loop3A_1612] {strides = array<i32>} : memref<128x64xf32, #tpu.memory_space<vmem>>, vector<16xf32>,
        %parallel_loop3A_1614 = arith.addf %parallel_loop3A_1613, %parallel_loop3A_1606 : vector<16xf32>
        %parallel_loop3A_1615 = arith.addf %parallel_loop3A_1614, %get3A_565 : vector<16xf32>
        %parallel_loop3A_1616 = arith.constant 0 : i32
        %parallel_loop3A_1617 = arith.constant 0 : i32
        %parallel_loop3A_1618 = tpu.memref_slice %arg13[%parallel_loop3A_586, %parallel_loop3A_1616, %parallel_loop3A_1617] : memref<2x64x129xf32, #tpu.memory_space<vmem>> -> memref<1x64x129xf32, #tpu.memory_space<vmem>>
        %parallel_loop3A_1619 = tpu.memref_squeeze %parallel_loop3A_1618 : memref<1x64x129xf32, #tpu.memory_space<vmem>> -> memref<64x129xf32, #tpu.memory_space<vmem>>
        tpu.vector_store_idx %parallel_loop3A_1619[%add3A_169, %parallel_loop3A_1605], %parallel_loop3A_1615 : memref<64x129xf32, #tpu.memory_space<vmem>>[vector<16xi32>, vector<16xi32>], vector<16xf32>,
        %parallel_loop3A_1620 = tpu.vector_load_idx %arg11[%parallel_loop3A_1604, %add3A_172] : memref<1000x64xf32, #tpu.memory_space<vmem>>[vector<16xi32>, vector<16xi32>], vector<16xf32>,
        %parallel_loop3A_1621 = arith.constant 0 : i32
        %parallel_loop3A_1622 = arith.constant 0 : i32
        %parallel_loop3A_1623 = tpu.memref_slice %arg10[%parallel_loop3A_585, %parallel_loop3A_1621, %parallel_loop3A_1622] : memref<2x128x64xf32, #tpu.memory_space<vmem>> -> memref<1x128x64xf32, #tpu.memory_space<vmem>>
        %parallel_loop3A_1624 = tpu.memref_squeeze %parallel_loop3A_1623 : memref<1x128x64xf32, #tpu.memory_space<vmem>> -> memref<128x64xf32, #tpu.memory_space<vmem>>
        %parallel_loop3A_1625 = arith.index_cast %parallel_loop3A_1602 : i32 to index
        %parallel_loop3A_1626 = arith.constant 16 : index
        %parallel_loop3A_1627 = tpu.vector_load %parallel_loop3A_1624[%parallel_loop3A_1625, %parallel_loop3A_1626] {strides = array<i32>} : memref<128x64xf32, #tpu.memory_space<vmem>>, vector<16xf32>,
        %parallel_loop3A_1628 = arith.addf %parallel_loop3A_1627, %parallel_loop3A_1620 : vector<16xf32>
        %parallel_loop3A_1629 = arith.addf %parallel_loop3A_1628, %get3A_570 : vector<16xf32>
        %parallel_loop3A_1630 = arith.constant 0 : i32
        %parallel_loop3A_1631 = arith.constant 0 : i32
        %parallel_loop3A_1632 = tpu.memref_slice %arg13[%parallel_loop3A_586, %parallel_loop3A_1630, %parallel_loop3A_1631] : memref<2x64x129xf32, #tpu.memory_space<vmem>> -> memref<1x64x129xf32, #tpu.memory_space<vmem>>
        %parallel_loop3A_1633 = tpu.memref_squeeze %parallel_loop3A_1632 : memref<1x64x129xf32, #tpu.memory_space<vmem>> -> memref<64x129xf32, #tpu.memory_space<vmem>>
        tpu.vector_store_idx %parallel_loop3A_1633[%add3A_172, %parallel_loop3A_1605], %parallel_loop3A_1629 : memref<64x129xf32, #tpu.memory_space<vmem>>[vector<16xi32>, vector<16xi32>], vector<16xf32>,
        %parallel_loop3A_1634 = tpu.vector_load_idx %arg11[%parallel_loop3A_1604, %add3A_175] : memref<1000x64xf32, #tpu.memory_space<vmem>>[vector<16xi32>, vector<16xi32>], vector<16xf32>,
        %parallel_loop3A_1635 = arith.constant 0 : i32
        %parallel_loop3A_1636 = arith.constant 0 : i32
        %parallel_loop3A_1637 = tpu.memref_slice %arg10[%parallel_loop3A_585, %parallel_loop3A_1635, %parallel_loop3A_1636] : memref<2x128x64xf32, #tpu.memory_space<vmem>> -> memref<1x128x64xf32, #tpu.memory_space<vmem>>
        %parallel_loop3A_1638 = tpu.memref_squeeze %parallel_loop3A_1637 : memref<1x128x64xf32, #tpu.memory_space<vmem>> -> memref<128x64xf32, #tpu.memory_space<vmem>>
        %parallel_loop3A_1639 = arith.index_cast %parallel_loop3A_1602 : i32 to index
        %parallel_loop3A_1640 = arith.constant 32 : index
        %parallel_loop3A_1641 = tpu.vector_load %parallel_loop3A_1638[%parallel_loop3A_1639, %parallel_loop3A_1640] {strides = array<i32>} : memref<128x64xf32, #tpu.memory_space<vmem>>, vector<16xf32>,
        %parallel_loop3A_1642 = arith.addf %parallel_loop3A_1641, %parallel_loop3A_1634 : vector<16xf32>
        %parallel_loop3A_1643 = arith.addf %parallel_loop3A_1642, %get3A_575 : vector<16xf32>
        %parallel_loop3A_1644 = arith.constant 0 : i32
        %parallel_loop3A_1645 = arith.constant 0 : i32
        %parallel_loop3A_1646 = tpu.memref_slice %arg13[%parallel_loop3A_586, %parallel_loop3A_1644, %parallel_loop3A_1645] : memref<2x64x129xf32, #tpu.memory_space<vmem>> -> memref<1x64x129xf32, #tpu.memory_space<vmem>>
        %parallel_loop3A_1647 = tpu.memref_squeeze %parallel_loop3A_1646 : memref<1x64x129xf32, #tpu.memory_space<vmem>> -> memref<64x129xf32, #tpu.memory_space<vmem>>
        tpu.vector_store_idx %parallel_loop3A_1647[%add3A_175, %parallel_loop3A_1605], %parallel_loop3A_1643 : memref<64x129xf32, #tpu.memory_space<vmem>>[vector<16xi32>, vector<16xi32>], vector<16xf32>,
        %parallel_loop3A_1648 = tpu.vector_load_idx %arg11[%parallel_loop3A_1604, %add3A_178] : memref<1000x64xf32, #tpu.memory_space<vmem>>[vector<16xi32>, vector<16xi32>], vector<16xf32>,
        %parallel_loop3A_1649 = arith.constant 0 : i32
        %parallel_loop3A_1650 = arith.constant 0 : i32
        %parallel_loop3A_1651 = tpu.memref_slice %arg10[%parallel_loop3A_585, %parallel_loop3A_1649, %parallel_loop3A_1650] : memref<2x128x64xf32, #tpu.memory_space<vmem>> -> memref<1x128x64xf32, #tpu.memory_space<vmem>>
        %parallel_loop3A_1652 = tpu.memref_squeeze %parallel_loop3A_1651 : memref<1x128x64xf32, #tpu.memory_space<vmem>> -> memref<128x64xf32, #tpu.memory_space<vmem>>
        %parallel_loop3A_1653 = arith.index_cast %parallel_loop3A_1602 : i32 to index
        %parallel_loop3A_1654 = arith.constant 48 : index
        %parallel_loop3A_1655 = tpu.vector_load %parallel_loop3A_1652[%parallel_loop3A_1653, %parallel_loop3A_1654] {strides = array<i32>} : memref<128x64xf32, #tpu.memory_space<vmem>>, vector<16xf32>,
        %parallel_loop3A_1656 = arith.addf %parallel_loop3A_1655, %parallel_loop3A_1648 : vector<16xf32>
        %parallel_loop3A_1657 = arith.addf %parallel_loop3A_1656, %get3A_580 : vector<16xf32>
        %parallel_loop3A_1658 = arith.constant 0 : i32
        %parallel_loop3A_1659 = arith.constant 0 : i32
        %parallel_loop3A_1660 = tpu.memref_slice %arg13[%parallel_loop3A_586, %parallel_loop3A_1658, %parallel_loop3A_1659] : memref<2x64x129xf32, #tpu.memory_space<vmem>> -> memref<1x64x129xf32, #tpu.memory_space<vmem>>
        %parallel_loop3A_1661 = tpu.memref_squeeze %parallel_loop3A_1660 : memref<1x64x129xf32, #tpu.memory_space<vmem>> -> memref<64x129xf32, #tpu.memory_space<vmem>>
        tpu.vector_store_idx %parallel_loop3A_1661[%add3A_178, %parallel_loop3A_1605], %parallel_loop3A_1657 : memref<64x129xf32, #tpu.memory_space<vmem>>[vector<16xi32>, vector<16xi32>], vector<16xf32>,
      } {sc.loop_unroll_factor = 2 : i64, sc.parallel_access}
      %add3A_587 = arith.addi %mul3A_2, %add3A_450 : i32
      %jit3A_588 = arith.constant 32 : i32
      %div3A_589 = arith.divsi %add3A_587, %jit3A_588 : i32
      %sign3A_590 = arith.constant 0 : i32
      %sign3A_591 = arith.cmpi sgt, %add3A_587, %sign3A_590 : i32
      %sign3A_592 = arith.extui %sign3A_591 : i1 to i32
      %sign3A_593 = arith.constant 0 : i32
      %sign3A_594 = arith.cmpi slt, %add3A_587, %sign3A_593 : i32
      %sign3A_595 = arith.extui %sign3A_594 : i1 to i32
      %sign3A_596 = arith.subi %sign3A_592, %sign3A_595 : i32
      %sign3A_597 = arith.constant 0 : i32
      %sign3A_598 = arith.cmpi sgt, %jit3A_588, %sign3A_597 : i32
      %sign3A_599 = arith.extui %sign3A_598 : i1 to i32
      %sign3A_600 = arith.constant 0 : i32
      %sign3A_601 = arith.cmpi slt, %jit3A_588, %sign3A_600 : i32
      %sign3A_602 = arith.extui %sign3A_601 : i1 to i32
      %sign3A_603 = arith.subi %sign3A_599, %sign3A_602 : i32
      %ne3A_604 = arith.cmpi ne, %sign3A_596, %sign3A_603 : i32
      %rem3A_605 = arith.remsi %add3A_587, %jit3A_588 : i32
      %ne3A_606 = arith.constant 0 : i32
      %ne3A_607 = arith.cmpi ne, %rem3A_605, %ne3A_606 : i32
      %and3A_608 = arith.andi %ne3A_604, %ne3A_607 : i1
      %sub3A_609 = arith.constant 1 : i32
      %sub3A_610 = arith.subi %div3A_589, %sub3A_609 : i32
      %select_n3A_611 = arith.select %and3A_608, %sub3A_610, %div3A_589 : i32
      %jit3A_612 = arith.constant 32 : i32
      %eq3A_613 = arith.constant 0 : i32
      %eq3A_614 = arith.cmpi eq, %jit3A_612, %eq3A_613 : i32
      %jit3A_615 = arith.constant 1 : i32
      %select_n3A_616 = arith.select %eq3A_614, %jit3A_615, %jit3A_612 : i32
      %rem3A_617 = arith.remsi %add3A_587, %select_n3A_616 : i32
      %ne3A_618 = arith.constant 0 : i32
      %ne3A_619 = arith.cmpi ne, %rem3A_617, %ne3A_618 : i32
      %lt3A_620 = arith.constant 0 : i32
      %lt3A_621 = arith.cmpi slt, %rem3A_617, %lt3A_620 : i32
      %lt3A_622 = arith.constant 0 : i32
      %lt3A_623 = arith.cmpi slt, %select_n3A_616, %lt3A_622 : i32
      %ne3A_624 = arith.xori %lt3A_621, %lt3A_623 : i1
      %and3A_625 = arith.andi %ne3A_624, %ne3A_619 : i1
      %add3A_626 = arith.addi %rem3A_617, %select_n3A_616 : i32
      %select_n3A_627 = arith.select %and3A_625, %add3A_626, %rem3A_617 : i32
      %mul3A_628 = arith.constant 128 : i32
      %mul3A_629 = arith.muli %select_n3A_627, %mul3A_628 : i32
      %dma_start3A_630 = arith.constant 1 : i32
      %dma_start3A_631 = arith.constant 0 : i32
      %dma_start3A_632 = arith.constant 0 : i32
      %dma_start3A_633 = tpu.memref_slice %arg13[%dma_start3A_630, %dma_start3A_631, %dma_start3A_632] : memref<2x64x129xf32, #tpu.memory_space<vmem>> -> memref<1x64x128xf32, #tpu.memory_space<vmem>>
      %dma_start3A_634 = tpu.memref_squeeze %dma_start3A_633 : memref<1x64x128xf32, #tpu.memory_space<vmem>> -> memref<64x128xf32, #tpu.memory_space<vmem>>
      %dma_start3A_635 = arith.constant 0 : i32
      %dma_start3A_636 = tpu.memref_slice %arg7[%select_n3A_611, %dma_start3A_635, %mul3A_629] : memref<200x64x4096xf32, #tpu.memory_space<hbm>> -> memref<1x64x128xf32, #tpu.memory_space<hbm>>
      %dma_start3A_637 = tpu.memref_squeeze %dma_start3A_636 : memref<1x64x128xf32, #tpu.memory_space<hbm>> -> memref<64x128xf32, #tpu.memory_space<hbm>>
      %dma_start3A_638 = arith.constant 0 : i32
      %dma_start3A_639 = tpu.memref_slice %arg7[%select_n3A_611, %dma_start3A_638, %mul3A_629] : memref<200x64x4096xf32, #tpu.memory_space<hbm>> -> memref<1x64x128xf32, #tpu.memory_space<hbm>>
      %dma_start3A_640 = tpu.memref_squeeze %dma_start3A_639 : memref<1x64x128xf32, #tpu.memory_space<hbm>> -> memref<64x128xf32, #tpu.memory_space<hbm>>
      %dma_start3A_641 = arith.constant 0 : i32
      %dma_start3A_642 = arith.constant 0 : i32
      %dma_start3A_643 = tpu.memref_slice %arg13[%dma_start3A_630, %dma_start3A_641, %dma_start3A_642] : memref<2x64x129xf32, #tpu.memory_space<vmem>> -> memref<1x64x128xf32, #tpu.memory_space<vmem>>
      %dma_start3A_644 = tpu.memref_squeeze %dma_start3A_643 : memref<1x64x128xf32, #tpu.memory_space<vmem>> -> memref<64x128xf32, #tpu.memory_space<vmem>>
      tpu.enqueue_dma source(%dma_start3A_644 : memref<64x128xf32, #tpu.memory_space<vmem>>) target(%dma_start3A_640 : memref<64x128xf32, #tpu.memory_space<hbm>>) target_semaphore(%arg23 : memref<!tpu.dma_semaphore, #tpu.memory_space<semaphore_mem>>)
      %scan3A_645 = arith.constant 0 : i32
      scf.yield %scan3A_645 : i32
    }
    %scan3A_215 = arith.constant 100 : i32
    %dma_wait3A_216 = arith.constant 0 : i32
    %dma_wait3A_217 = arith.constant 0 : i32
    %dma_wait3A_218 = arith.constant 0 : i32
    %dma_wait3A_219 = arith.constant 0 : i32
    %dma_wait3A_220 = tpu.memref_slice %arg13[%dma_wait3A_216, %dma_wait3A_218, %dma_wait3A_219] : memref<2x64x129xf32, #tpu.memory_space<vmem>> -> memref<1x64x128xf32, #tpu.memory_space<vmem>>
    %dma_wait3A_221 = tpu.memref_squeeze %dma_wait3A_220 : memref<1x64x128xf32, #tpu.memory_space<vmem>> -> memref<64x128xf32, #tpu.memory_space<vmem>>
    %dma_wait3A_222 = arith.constant 0 : i32
    %dma_wait3A_223 = arith.constant 0 : i32
    %dma_wait3A_224 = tpu.memref_slice %arg7[%dma_wait3A_217, %dma_wait3A_222, %dma_wait3A_223] : memref<200x64x4096xf32, #tpu.memory_space<hbm>> -> memref<1x64x128xf32, #tpu.memory_space<hbm>>
    %dma_wait3A_225 = tpu.memref_squeeze %dma_wait3A_224 : memref<1x64x128xf32, #tpu.memory_space<hbm>> -> memref<64x128xf32, #tpu.memory_space<hbm>>
    %dma_wait3A_226 = arith.constant 0 : i32
    %dma_wait3A_227 = arith.constant 0 : i32
    %dma_wait3A_228 = tpu.memref_slice %arg7[%dma_wait3A_217, %dma_wait3A_226, %dma_wait3A_227] : memref<200x64x4096xf32, #tpu.memory_space<hbm>> -> memref<1x64x128xf32, #tpu.memory_space<hbm>>
    %dma_wait3A_229 = tpu.memref_squeeze %dma_wait3A_228 : memref<1x64x128xf32, #tpu.memory_space<hbm>> -> memref<64x128xf32, #tpu.memory_space<hbm>>
    %dma_wait3A_230 = arith.constant 0 : i32
    %dma_wait3A_231 = arith.constant 0 : i32
    %dma_wait3A_232 = tpu.memref_slice %arg13[%dma_wait3A_216, %dma_wait3A_230, %dma_wait3A_231] : memref<2x64x129xf32, #tpu.memory_space<vmem>> -> memref<1x64x128xf32, #tpu.memory_space<vmem>>
    %dma_wait3A_233 = tpu.memref_squeeze %dma_wait3A_232 : memref<1x64x128xf32, #tpu.memory_space<vmem>> -> memref<64x128xf32, #tpu.memory_space<vmem>>
    tpu.wait_dma2 semaphore(%arg22 : memref<!tpu.dma_semaphore, #tpu.memory_space<semaphore_mem>>) src(%dma_wait3A_233 : memref<64x128xf32, #tpu.memory_space<vmem>>) dst(%dma_wait3A_229 : memref<64x128xf32, #tpu.memory_space<hbm>>)
    %dma_wait3A_234 = arith.constant 1 : i32
    %dma_wait3A_235 = arith.constant 0 : i32
    %dma_wait3A_236 = arith.constant 0 : i32
    %dma_wait3A_237 = arith.constant 0 : i32
    %dma_wait3A_238 = tpu.memref_slice %arg13[%dma_wait3A_234, %dma_wait3A_236, %dma_wait3A_237] : memref<2x64x129xf32, #tpu.memory_space<vmem>> -> memref<1x64x128xf32, #tpu.memory_space<vmem>>
    %dma_wait3A_239 = tpu.memref_squeeze %dma_wait3A_238 : memref<1x64x128xf32, #tpu.memory_space<vmem>> -> memref<64x128xf32, #tpu.memory_space<vmem>>
    %dma_wait3A_240 = arith.constant 0 : i32
    %dma_wait3A_241 = arith.constant 0 : i32
    %dma_wait3A_242 = tpu.memref_slice %arg7[%dma_wait3A_235, %dma_wait3A_240, %dma_wait3A_241] : memref<200x64x4096xf32, #tpu.memory_space<hbm>> -> memref<1x64x128xf32, #tpu.memory_space<hbm>>
    %dma_wait3A_243 = tpu.memref_squeeze %dma_wait3A_242 : memref<1x64x128xf32, #tpu.memory_space<hbm>> -> memref<64x128xf32, #tpu.memory_space<hbm>>
    %dma_wait3A_244 = arith.constant 0 : i32
    %dma_wait3A_245 = arith.constant 0 : i32
    %dma_wait3A_246 = tpu.memref_slice %arg7[%dma_wait3A_235, %dma_wait3A_244, %dma_wait3A_245] : memref<200x64x4096xf32, #tpu.memory_space<hbm>> -> memref<1x64x128xf32, #tpu.memory_space<hbm>>
    %dma_wait3A_247 = tpu.memref_squeeze %dma_wait3A_246 : memref<1x64x128xf32, #tpu.memory_space<hbm>> -> memref<64x128xf32, #tpu.memory_space<hbm>>
    %dma_wait3A_248 = arith.constant 0 : i32
    %dma_wait3A_249 = arith.constant 0 : i32
    %dma_wait3A_250 = tpu.memref_slice %arg13[%dma_wait3A_234, %dma_wait3A_248, %dma_wait3A_249] : memref<2x64x129xf32, #tpu.memory_space<vmem>> -> memref<1x64x128xf32, #tpu.memory_space<vmem>>
    %dma_wait3A_251 = tpu.memref_squeeze %dma_wait3A_250 : memref<1x64x128xf32, #tpu.memory_space<vmem>> -> memref<64x128xf32, #tpu.memory_space<vmem>>
    tpu.wait_dma2 semaphore(%arg23 : memref<!tpu.dma_semaphore, #tpu.memory_space<semaphore_mem>>) src(%dma_wait3A_251 : memref<64x128xf32, #tpu.memory_space<vmem>>) dst(%dma_wait3A_247 : memref<64x128xf32, #tpu.memory_space<hbm>>)
    return
  }
}

</mosaic_0001>

<sc_bundles>
// kernel: kernel.3.cloned.1.call-start
scs
__scs_entry_jumppad:
0x0: {  	(pc) =	sbr.rel $0x88, $3  }
0x1: {  	(tag) =	ssettag $0x0;
	lr =	simm.s32 $0x1  }
0x2: {  	[smem:$0x3F9C] =	sst lr;
	_ =	strace $0xD0000000  }
0x3: {  	_ = 	snop  }
0x4: {  	_ = 	snop  }
0x5: {  	_ = 	snop  }
0x6: {  	_ = 	snop  }
0x7: {  	_ = 	snop  }
__scs_overlays_trampoline_lowered:
0x8: {  	[smem:$0x3FAB] =	sst s0  }
0x9: {  	[smem:$0x3FAC] =	sst s1  }
0xa: {  	[smem:$0x3FAD] =	sst s2  }
0xb: {  	[smem:$0x3FAE] =	sst s3  }
0xc: {  	[smem:$0x3FAF] =	sst s4  }
0xd: {  	[smem:$0x3FB0] =	sst s5  }
0xe: {  	[smem:$0x3FB1] =	sst s6  }
0xf: {  	[smem:$0x3FB2] =	sst s7  }
0x10: {  	[smem:$0x3FB3] =	sst s8  }
0x11: {  	[smem:$0x3FB4] =	sst s9;
	s0 =	simm.s32 @!p0 $0x0  }
0x12: {  	s1 =	sld [smem:$0x3F9A];
	s0 =	simm.s32 @p0 $0x1  }
0x13: {  	[smem:$0x3FB5] =	sst s0;
	s0 =	simm.s32 @!p1 $0x0  }
0x14: {  	s2 =	sld [smem:$0x3F99];
	s0 =	simm.s32 @p1 $0x1  }
0x15: {  	[smem:$0x3FB6] =	sst s0;
	s0 =	simm.s32 @!p2 $0x0  }
0x16: {  	s3 =	sld [smem:$0x3FDB];
	s0 =	simm.s32 @p2 $0x1  }
0x17: {  	s4 =	simm.s32 $0x1BF5;
	[smem:$0x3FB8] =	sst s0  }
0x18: {  	s0 =	sld [smem:$0x3F9B];
	_ =	swait.ge [sflag:s4], $0x0  }
0x19: {  	s7 =	sld [smem:$0x3F9C]  }
0x1a: {  	s8 =	sadd.s32 $0xFFFFE003, lr  }
0x1b: {  	s9 =	sadd.s32 $0xFFFFFEF7, lr;
	s5 =	simm.s32 $0xFFFFFFFF;
	p2 =	slt.u32 s8, $0xFFFFF086  }
0x1c: {  	p1 =	slt.u32 s9, $0xF7A;
	s5 =	simm.s32 @!p2 $0x0  }
0x1d: {  	s5 =	simm.s32 @p1 $0x1;
	p0 =	seq.s32 s7, s2  }
0x1e: {  	s7 =	smul.u32 @!p0 $0xF7A, s2;
	p2 =	seq.s32 @!p0 s5, $0x0  }
0x1f: {  	s9 =	smul.u32 $0xF7A, s1;
	s8 =	simm.s32 @!p0 $0x1BF5;
	p2 =	por !p2, p0  }
0x20: {  	[sflag:s8] =	ssyncset.s32 @!p0 $0xFFFFF086;
	s6 =	sadd.s32 @!p0 s3, s7;
	s7 =	simm.s32 @!p0 $0x108  }
0x21: {  	s3 =	sadd.s32 s3, s9;
	s6 =	sadd.s32 @!p0 $0x88, s6;
	s7 =	simm.s32 @p2 $0x1082  }
0x22: {  	[simem:s7], [sflag:s8] =	dma.local @!p0 [hbm:s6], $0xF7A  }
0x23: {  	s9 =	sor.u32 $0xD0000000, s2;
	s6 =	simm.s32 $0x108;
	_ =	swait.ge @!p0 [sflag:s8], $0x0  }
0x24: {  	s3 =	sadd.s32 $0x88, s3;
	s6 =	simm.s32 @!p1 $0x1082;
	[sflag:s4] =	ssyncset.s32 $0xFFFFF086  }
0x25: {  	[simem:s6], [sflag:s4] =	dma.local [hbm:s3], $0xF7A  }
0x26: {  	[smem:$0x3F9C] =	sst s1;
	(tag) =	ssettag s2;
	_ =	strace s9  }
0x27: {  	s1 =	sld [smem:$0x3FAC]  }
0x28: {  	s2 =	sld [smem:$0x3FAD]  }
0x29: {  	s4 =	sld [smem:$0x3FAF]  }
0x2a: {  	p0 =	seq.s32 s5, $0x0;
	s5 =	sld [smem:$0x3FB0]  }
0x2b: {  	s6 =	sld [smem:$0x3FB1]  }
0x2c: {  	s7 =	sld [smem:$0x3FB2]  }
0x2d: {  	s3 =	simm.s32 $0x108;
	s8 =	sld [smem:$0x3FB3]  }
0x2e: {  	s3 =	simm.s32 @!p0 $0x1082;
	s9 =	sld [smem:$0x3FB4]  }
0x2f: {  	lr =	sadd.s32 s0, s3;
	s0 =	sld [smem:$0x3FAB]  }
0x30: {  	s3 =	sld [smem:$0x3FAE]  }
0x31: {  	[smem:$0x3FB7] =	sst s10  }
0x32: {  	s10 =	sld [smem:$0x3FB5];
	_ =	sdelay $0x3  }
0x33: {  	p0 =	seq.s32 s10, $0x1;
	s10 =	sld [smem:$0x3FB7];
	_ =	sdelay $0x3  }
0x34: {  	[smem:$0x3FB7] =	sst s10  }
0x35: {  	s10 =	sld [smem:$0x3FB6];
	_ =	sdelay $0x3  }
0x36: {  	p1 =	seq.s32 s10, $0x1;
	s10 =	sld [smem:$0x3FB7];
	_ =	sdelay $0x3  }
0x37: {  	[smem:$0x3FB7] =	sst s10  }
0x38: {  	s10 =	sld [smem:$0x3FB8]  }
0x39: {  	_ = 	snop;
	(pc) =	sbr.ind lr, $3  }
0x3a: {  	_ = 	snop  }
0x3b: {  	_ = 	snop  }
0x3c: {  	p2 =	seq.s32 s10, $0x1;
	s10 =	sld [smem:$0x3FB7]  }
0x3d: {  	_ =	shalt  }
0x3e: {  	_ =	shalt  }
0x3f: {  	_ =	shalt  }
0x40: {  	_ =	shalt  }
0x41: {  	_ =	shalt  }
0x42: {  	_ =	shalt  }
0x43: {  	_ =	shalt  }
0x44: {  	_ =	shalt  }
0x45: {  	_ =	shalt  }
0x46: {  	_ =	shalt  }
0x47: {  	_ =	shalt  }
0x48: {  	_ =	shalt  }
0x49: {  	_ =	shalt  }
0x4a: {  	_ =	shalt  }
0x4b: {  	_ =	shalt  }
0x4c: {  	_ =	shalt  }
0x4d: {  	_ =	shalt  }
0x4e: {  	_ =	shalt  }
0x4f: {  	_ =	shalt  }
0x50: {  	_ =	shalt  }
0x51: {  	_ =	shalt  }
0x52: {  	_ =	shalt  }
0x53: {  	_ =	shalt  }
0x54: {  	_ =	shalt  }
0x55: {  	_ =	shalt  }
0x56: {  	_ =	shalt  }
0x57: {  	_ =	shalt  }
0x58: {  	_ =	shalt  }
0x59: {  	_ =	shalt  }
0x5a: {  	_ =	shalt  }
0x5b: {  	_ =	shalt  }
0x5c: {  	_ =	shalt  }
0x5d: {  	_ =	shalt  }
0x5e: {  	_ =	shalt  }
0x5f: {  	_ =	shalt  }
0x60: {  	_ =	shalt  }
0x61: {  	_ =	shalt  }
0x62: {  	_ =	shalt  }
0x63: {  	_ =	shalt  }
0x64: {  	_ =	shalt  }
0x65: {  	_ =	shalt  }
0x66: {  	_ =	shalt  }
0x67: {  	_ =	shalt  }
0x68: {  	_ =	shalt  }
0x69: {  	_ =	shalt  }
0x6a: {  	_ =	shalt  }
0x6b: {  	_ =	shalt  }
0x6c: {  	_ =	shalt  }
0x6d: {  	_ =	shalt  }
0x6e: {  	_ =	shalt  }
0x6f: {  	_ =	shalt  }
0x70: {  	_ =	shalt  }
0x71: {  	_ =	shalt  }
0x72: {  	_ =	shalt  }
0x73: {  	_ =	shalt  }
0x74: {  	_ =	shalt  }
0x75: {  	_ =	shalt  }
0x76: {  	_ =	shalt  }
0x77: {  	_ =	shalt  }
0x78: {  	_ =	shalt  }
0x79: {  	_ =	shalt  }
0x7a: {  	_ =	shalt  }
0x7b: {  	_ =	shalt  }
0x7c: {  	_ =	shalt  }
0x7d: {  	_ =	shalt  }
0x7e: {  	_ =	shalt  }
0x7f: {  	_ =	shalt  }
0x80: {  	_ =	shalt  }
0x81: {  	_ =	shalt  }
0x82: {  	_ =	shalt  }
0x83: {  	_ =	shalt  }
0x84: {  	_ =	shalt  }
0x85: {  	_ =	shalt  }
0x86: {  	_ =	shalt  }
0x87: {  	_ =	shalt  }
.Lfunc_end0:
.L_simem_size_0:
called_computation_lowered:
.L_overlay_start_0:
0x88: {  	s2 =	sld [smem:$0x3FD9]  }
0x89: {  	s3 =	sld [smem:$0x3FFE];
	_ =	sdelay $0x1  }
0x8a: {  	s1 =	srdreg.scid  }
0x8b: {  	s0 =	sand.u32 $0x1, s1  }
0x8c: {  	s16 =	sshll.u32 s0, $0xA;
	s2 =	sadd.s32 s3, s2  }
0x8d: {  	s2 =	sadd.s32 s2, s16  }
0x8e: {  	[smem:$0x3FC3] =	sst s2  }
0x8f: {  	_ = 	snop  }
0x90: {  	(tm) =	ssettm $0x1  }
0x91: {  	s17 =	sld [smem:$0x3FFB];
	_ =	sdelay $0x3  }
0x92: {  	_ =	strace s17  }
0x93: {  	s2 =	sld [smem:$0x3FFC];
	_ =	sdelay $0x3  }
0x94: {  	_ =	strace s2  }
0x95: {  	s2 =	sld [smem:$0x3FFD];
	_ =	sdelay $0x3  }
0x96: {  	_ =	strace s2  }
0x97: {  	_ =	strace $0x8FFFFFFF  }
0x98: {  	s18 =	sld [smem:$0x3FDB];
	_ =	sdelay $0x1  }
0x99: {  	s19 =	simm.s32 $_scs_section_size  }
0x9a: {  	s4 =	simm.s32 $_size__tile_overlayer_lowered;
	s5 =	simm.s32 $_tile_overlayer_lowered  }
0x9b: {  	s22 =	simm.s32 $0x1BFF;
	s21 =	sshll.u32 s5, $0x1;
	s2 =	sadd.s32 s19, s18  }
0x9c: {  	s6 =	simm.s32 $0x0;
	s20 =	sshll.u32 s4, $0x1;
	s4 =	sadd.s32 s21, s2  }
0x9d: {  	[timem:s6], [sflag:s22] =	dma.local [hbm:s4], s20  }
0x9e: {  	_ =	swait.ge [sflag:s22], s20  }
0x9f: {  	s3 =	ssub.s32 $0x0, s20;
	[sflag:s22] =	ssyncset.done $0x0  }
0xa0: {  	[sflag:s22] =	ssyncadd.s32 s3;
	_ =	sdelay $0x1  }
0xa1: {  	s23 =	simm.s32 $0x1B8B  }
0xa2: {  	_ =	swait.ge [sflag:s23], $0x1  }
0xa3: {  	[sflag:s23] =	ssyncset.done $0x0  }
0xa4: {  	s25 =	simm.s32 $0x1B8E;
	s24 =	sld [smem:$0x3FFE];
	[sflag:s23] =	ssyncadd.s32 $0xFFFFFFFF  }
0xa5: {  	s26 =	simm.s32 $execute0_lowered;
	[smem:$0x3FD2] =	sst s25  }
0xa6: {  	s4 =	sshll.u32 s26, $0x1;
	_ =	strace $0x80000046;
	[dreg:$0x1] =	wrdreg $0xFFFFFFFF  }
0xa7: {  	s28 =	simm.s32 $_size_execute0_lowered;
	s2 =	sadd.s32 s2, s4;
	[dreg:$0x0] =	wrdreg $0x0  }
0xa8: {  	s4 =	sshll.u32 s28, $0x1;
	[dreg:$0x2] =	wrdreg s2  }
0xa9: {  	[dreg:$0x3] =	wrdreg s4  }
0xaa: {  	[dreg:$0x4] =	wrdreg $0xC0  }
0xab: {  	_ =	task [dreg:s6], $0x5FFFF  }
0xac: {  	[dreg:$0x1] =	wrdreg $0xFFFFFFFF  }
0xad: {  	[dreg:$0x0] =	wrdreg $0x60  }
0xae: {  	[dreg:$0x2] =	wrdreg s24  }
0xaf: {  	[dreg:$0x3] =	wrdreg $0x9  }
0xb0: {  	_ =	task.clear_ibuf [dreg:s6], $0x4FFFF;
	_ =	strace $0x90000046  }
0xb1: {  	s29 =	simm.s32 $0x9;
	_ =	strace $0x80000048  }
0xb2: {  	_ =	swait.ge [sflag:s29], $0x1  }
0xb3: {  	[sflag:s29] =	ssyncadd.s32 $0xFFFFFFFF  }
0xb4: {  	_ =	strace $0x90000048  }
0xb5: {  	_ =	sfence  }
0xb6: {  	s30 =	sld [smem:$0x0];
	_ =	sdelay $0x2  }
0xb7: {  	s31 =	sshll.u32 s1, $0xD;
	s1 =	sshrl.u32 s1, $0x2  }
0xb8: {  	s3 =	sand.u32 $0x4000, s31;
	s1 =	sadd.s32 s1, s30  }
0xb9: {  	s0 =	sor.u32 s3, s0;
	s1 =	sshll.u32 s1, $0x11  }
0xba: {  	s0 =	sor.u32 s1, s0  }
0xbb: {  	s0 =	sadd.s32 $0x8F2B, s0  }
0xbc: {  	[sflag:s0] =	ssyncadd.remote.s32 $0x1  }
0xbd: {  	_ =	sfence.sel $0xFFFF  }
0xbe: {  	[dreg:$0x0] =	wrdreg $0xFFFFFFFF;
	(pc) =	sbr.abs _section_cstart, $3  }
0xbf: {  	[dreg:$0x1] =	wrdreg $0xFFFFFFFF  }
0xc0: {  	_ =	task.clear_ibuf [dreg:s6], $0x2FFFF;
	_ =	strace $0x9FFFFFFF  }
0xc1: {  	(tm) =	ssettm $0x7FFFFFFF  }
tec
execute0_lowered:
.L_overlay_start_1:
0x0: {  	(tag) =	ssettag $0x1  }
0x1: {  	s0 =	rddreg [dreg:$0x0];
	s2 =	simm.s32 $0x0;
	s1 =	srdreg.scid  }
0x2: {  	s3 =	stileid.u32;
	s18 =	simm.s32 $0x9;
	s19 =	simm.s32 $0x4200  }
0x3: {  	s28 =	simm.s32 $0x4;
	s29 =	simm.s32 $0x2200;
	s30 =	simm.s32 $0x5  }
0x4: {  	s31 =	simm.s32 $0x16E00;
	s17 =	simm.s32 $0x7;
	[smem:$0x7FF] =	sst s2  }
0x5: {  	v0 =	vlaneseq.u32;
	s1 =	sand.u32 $0x1, s1;
	s4 =	sshll.u32 s3, $0x1;
	s3 =	sadd.s32 $0x2C00, s0  }
0x6: {  	v1 =	vimm.s32 $0x0;
	vm0 =	vcmask $0x300;
	v2 =	vmul.u32 $0x88, v0;
	s5 =	sadd.s32 $0x34C00, s0;
	s8 =	sadd.s32 $0xC00, s0;
	s20 =	sadd.s32 $0x400, s0  }
0x7: {  	v3 =	vsel vm0, $0x3, v1;
	v4 =	vor.u32 $0x10, v0;
	_ =	strace $0x80000047;
	s6 =	sor.u32 s1, s4;
	[dreg:$0x2] =	wrdreg s8  }
0x8: {  	v6 =	vor.u32 $0x20, v0;
	v8 =	vor.u32 $0x30, v0;
	s4 =	sadd.s32 $0x1BC00, s0;
	[dreg:$0x3] =	wrdreg s20;
	s1 =	ssub.s32 $0x2, s1;
	v5 =	vadd.s32 $0x880, v2  }
0x9: {  	s8 =	sadd.s32 $0xF8200, s0;
	v7 =	vadd.s32 $0x1100, v2;
	v9 =	vadd.s32 $0x1980, v2;
	s7 =	smul.u32 $0x6400, s6;
	v11 =	vor.u32 $0x1, v2;
	s21 =	sshll.u32 s6, $0xA  }
0xa: {  	s20 =	simm.s32 $0x8;
	v12 =	vadd.s32 $0x881, v2;
	v13 =	vadd.s32 $0x1101, v2;
	v14 =	vadd.s32 $0x1981, v2;
	s22 =	sshrl.u32 s1, $0x1;
	s9 =	sand.u32 $0xC00, s21  }
0xb: {  	v16 =	vor.u32 $0x2, v2;
	v17 =	vadd.s32 $0x882, v2;
	v18 =	vadd.s32 $0x1102, v2;
	s0 =	ssub.s32 s1, s22;
	s21 =	simm.s32 $0x80;
	s7 =	sand.u32 $0xFF000, s7  }
0xc: {  	v19 =	vadd.s32 $0x1982, v2;
	v21 =	vor.u32 $0x3, v2;
	v22 =	vadd.s32 $0x883, v2;
	s22 =	simm.s32 $0x0;
	s0 =	smax.u32 s0, $0x1;
	s7 =	sor.u32 s9, s7  }
0xd: {  	v23 =	vadd.s32 $0x1103, v2;
	v24 =	vadd.s32 $0x1983, v2;
	v26 =	vor.u32 $0x4, v2;
	s9 =	smul.u32 $0xC8, s6;
	[dreg:$0x8] =	wrdreg s0;
	s23 =	sshrl.u32 s7, $0x3  }
0xe: {  	v27 =	vadd.s32 $0x884, v2;
	v28 =	vadd.s32 $0x1104, v2;
	v29 =	vadd.s32 $0x1984, v2;
	s0 =	simm.s32 $0x6;
	s24 =	sadd.s32 s3, s23;
	s25 =	sadd.s32 s4, s23  }
0xf: {  	v31 =	vor.u32 $0x5, v2;
	v32 =	vadd.s32 $0x885, v2;
	v33 =	vadd.s32 $0x1105, v2;
	s1 =	sor.u32 $0x10, s23;
	s14 =	sor.u32 $0x2, s9;
	[dreg:$0x4] =	wrdreg s24  }
0x10: {  	v34 =	vadd.s32 $0x1985, v2;
	v36 =	vor.u32 $0x6, v2;
	v37 =	vadd.s32 $0x886, v2;
	s15 =	sor.u32 $0x3, s9;
	[dreg:$0x5] =	wrdreg s25;
	s26 =	sadd.s32 s3, s1  }
0x11: {  	v38 =	vadd.s32 $0x1106, v2;
	v39 =	vadd.s32 $0x1986, v2;
	v41 =	vor.u32 $0x7, v2;
	s1 =	sadd.s32 s4, s1;
	s24 =	simm.s32 $0x3;
	[dreg:$0x6] =	wrdreg s26  }
0x12: {  	v42 =	vadd.s32 $0x887, v2;
	v43 =	vadd.s32 $0x1107, v2;
	v44 =	vadd.s32 $0x1987, v2;
	[dreg:$0x7] =	wrdreg s1;
	s26 =	simm.s32 $0x2;
	s1 =	simm.s32 $0x19000  }
.LBB2_1:
0x13: {  	s6 =	rddreg [dreg:$0x3];
	s7 =	simm.s32 $0x13C00  }
0x14: {  	[tilespmem:s7], [sflag:$0x9] =	stream.linear.gather [hbm4b:s6+s2], $0x3200, $0x38;
	[tilespmem:$0x1B200] =	vst v63  }
0x15: {  	_ =	swait.ge [sflag:s18], $0x3200  }
0x16: {  	[sflag:s18] =	ssyncset.done $0x0  }
0x17: {  	s25 =	rddreg [dreg:$0x2];
	[sflag:s18] =	ssyncadd.s32 $0xFFFFCE00  }
0x18: {  	[tilespmem:s19], [sflag:$0x9] =	stream.linear.gather [hbm4b:s25+s2], $0xFA00, $0x38;
	[tilespmem:$0x1B200] =	vst v63  }
0x19: {  	_ =	swait.ge [sflag:s18], $0xFA00  }
0x1a: {  	[sflag:s18] =	ssyncset.done $0x0  }
0x1b: {  	s7 =	rddreg [dreg:$0x4];
	[sflag:s18] =	ssyncadd.s32 $0xFFFF0600  }
0x1c: {  	[tilespmem:s2], [sflag:$0x1] =	stream.linear.gather [hbm4b:s7+s2], $0x80, $0x38;
	[tilespmem:$0x1B200] =	vst v63  }
0x1d: {  	s11 =	simm.s32 $0x100;
	s10 =	rddreg [dreg:$0x5]  }
0x1e: {  	[tilespmem:s11], [sflag:$0x3] =	stream.linear.gather [hbm4b:s10+s2], $0x80, $0x38;
	[tilespmem:$0x1B200] =	vst v63  }
0x1f: {  	s12 =	rddreg [dreg:$0x6]  }
0x20: {  	[tilespmem:s21], [sflag:$0x2] =	stream.linear.gather [hbm4b:s12+s2], $0x80, $0x38;
	[tilespmem:$0x1B200] =	vst v63  }
0x21: {  	s16 =	simm.s32 $0x180;
	s23 =	simm.s32 $0x1;
	s13 =	rddreg [dreg:$0x7]  }
0x22: {  	[tilespmem:s16], [sflag:$0x4] =	stream.linear.gather [hbm4b:s13+s2], $0x80, $0x38;
	[tilespmem:$0x1B200] =	vst v63  }
0x23: {  	_ =	swait.ge [sflag:s23], $0x80  }
0x24: {  	[sflag:s23] =	ssyncset.done $0x0  }
0x25: {  	[sflag:s23] =	ssyncadd.s32 $0xFFFFFF80  }
0x26: {  	_ =	swait.ge [sflag:s24], $0x80  }
0x27: {  	[sflag:s24] =	ssyncset.done $0x0  }
0x28: {  	s25 =	simm.s32 $0x200;
	[sflag:s24] =	ssyncadd.s32 $0xFFFFFF80  }
0x29: {  	[tilespmem:s25], [sflag:$0x5] =	stream.indirect.gather [hbm4b:s5+s21], $0x40, s2, s21, $0xb8;
	[tilespmem:$0x1B200] =	vst v63  }
0x2a: {  	s25 =	simm.s32 $0x0  }
.LBB2_2:
0x2b: {  	_ =	swait.ge [sflag:s26], $0x80  }
0x2c: {  	[sflag:s26] =	ssyncset.done $0x0  }
0x2d: {  	[sflag:s26] =	ssyncadd.s32 $0xFFFFFF80  }
0x2e: {  	_ =	swait.ge [sflag:s28], $0x80  }
0x2f: {  	s6 =	sshll.u32 s25, $0x1;
	p0 =	seq.s32 s25, $0x63;
	[sflag:s28] =	ssyncset.done $0x0  }
0x30: {  	s7 =	sadd.s32 @!p0 s6, s14;
	[sflag:s28] =	ssyncadd.s32 $0xFFFFFF80  }
0x31: {  	[tilespmem:s29], [sflag:$0x6] =	stream.indirect.gather [hbm4b:s5+s21], $0x40, s21, s21, $0xb8;
	[tilespmem:$0x1B200] =	vst v63  }
0x32: {  	s7 =	sshll.u32 @!p0 s7, $0x4;
	_ =	swait.ge [sflag:s30], $0x2000  }
0x33: {  	s11 =	simm.s32 @!p0 $0x0;
	s7 =	sand.u32 @!p0 $0xFFFFFE0, s7;
	[sflag:s30] =	ssyncset.done $0x0  }
0x34: {  	p1 =	seq.s32 @!p0 s25, $0x0;
	s10 =	sadd.s32 @!p0 s3, s7;
	[sflag:s30] =	ssyncadd.s32 $0xFFFFE000  }
0x35: {  	[tilespmem:s11], [sflag:$0x1] =	stream.linear.gather @!p0 [hbm4b:s10+s11], $0x80, $0x38;
	[tilespmem:$0x1B200] =	vst v63  }
0x36: {  	p1 =	por p0, !p1;
	s7 =	sadd.s32 @!p0 s4, s7;
	s10 =	simm.s32 @!p0 $0x100  }
0x37: {  	[tilespmem:s10], [sflag:$0x3] =	stream.linear.gather @!p0 [hbm4b:s7+s11], $0x80, $0x38;
	[tilespmem:$0x1B200] =	vst v63  }
0x38: {  	s7 =	sadd.s32 s9, s6;
	_ =	swait.ge @p1 [sflag:s17], $0x2000  }
0x39: {  	s23 =	sshll.u32 s7, $0x1;
	[sflag:s17] =	ssyncset.done @p1 $0x0  }
0x3a: {  	s10 =	sand.u32 $0x7FFFFFC0, s23;
	[sflag:s17] =	ssyncadd.s32 @p1 $0xFFFFE000  }
0x3b: {  	v45 =	vimm.s32 $0x4;
	v46 =	vimm.s32 $0x5;
	s12 =	sadd.s32 $0x13C00, s10;
	v53 =	vld [tilespmem:s10+$0x13C00]  }
0x3c: {  	v47 =	vimm.s32 $0x6;
	v48 =	vimm.s32 $0x7;
	v49 =	vimm.s32 $0x8;
	v54 =	vld [tilespmem:s12+$0x10]  }
0x3d: {  	s13 =	simm.s32 $0x110;
	s16 =	simm.s32 $0x600;
	v50 =	vimm.s32 $0x9;
	v51 =	vimm.s32 $0xA;
	v52 =	vimm.s32 $0xB;
	v55 =	vld [tilespmem:s12+$0x20]  }
0x3e: {  	v30 =	vimm.s32 $0xC;
	v35 =	vimm.s32 $0xD;
	v40 =	vimm.s32 $0xE;
	s11 =	simm.s32 $0xFFFFFFFE;
	s10 =	sshrl.u32 s7, $0x5;
	v56 =	vld [tilespmem:s12+$0x30];
	s12 =	simm.s32 $0x1F  }
.LBB2_3:
0x3f: {  	v58 =	vld [tilespmem:s13+$0xFFFFFFF0];
	_ =	sdelay $0x1  }
0x40: {  	v57 =	vld [tilespmem:s13+$0x0];
	_ =	sdelay $0x2  }
0x41: {  	v59 =	vperm.xlane v58, v1;
	_ =	sdelay $0x1  }
0x42: {  	v60 =	vperm.xlane v57, v1;
	v59 =	vshll.u32 v59, $0x6  }
0x43: {  	v61 =	vor.u32 v0, v59  }
0x44: {  	v60 =	vshll.u32 v60, $0x6  }
0x45: {  	v62 =	vor.u32 v0, v60  }
0x46: {  	s23 =	sadd.s32 $0xFFFFFFE1, s12  }
0x47: {  	v63 =	vmov s23;
	v1 =	vld [tilespmem:s16+$0xFFFFFC00]  }
0x48: {  	s23 =	sadd.s32 $0xFFFFFFF1, s12;
	v63 =	vshrl.u32 v63, $0x3;
	v61 =	vld.idx.msk [tilespmem:v61+s19+$0x0], $0xffff  }
0x49: {  	v15 =	vld [tilespmem:s16+$0x0];
	v10 =	vmov s23;
	v63 =	vshll.u32 v63, v3  }
0x4a: {  	v10 =	vshrl.u32 v10, $0x3;
	v63 =	vbroadcast v63, $0x0;
	v62 =	vld.idx.msk [tilespmem:v62+s19+$0x0], $0xffff  }
0x4b: {  	v10 =	vshll.u32 v10, v3  }
0x4c: {  	v10 =	vbroadcast v10, $0x0;
	v20 =	vadd.s32 v2, v63  }
0x4d: {  	v1 =	vadd.f32 v1, v61;
	v61 =	vor.u32 v4, v59  }
0x4e: {  	v25 =	vadd.s32 v2, v10  }
0x4f: {  	v15 =	vadd.f32 v15, v62;
	v62 =	vor.u32 v4, v60;
	v1 =	vadd.f32 v1, v53;
	_ =	sdelay $0x1  }
0x50: {  	[tilespmem:v20+s31+$0x0] =	vst.idx.msk $0xffff, v1;
	v1 =	vadd.f32 v15, v53  }
0x51: {  	v15 =	vld.idx.msk [tilespmem:v61+s19+$0x0], $0xffff  }
0x52: {  	v20 =	vld [tilespmem:s16+$0xFFFFFC10];
	[tilespmem:v25+s31+$0x0] =	vst.idx.msk $0xffff, v1  }
0x53: {  	v1 =	vld.idx.msk [tilespmem:v62+s19+$0x0], $0xffff  }
0x54: {  	v25 =	vld [tilespmem:s16+$0x10];
	_ =	sdelay $0x1  }
0x55: {  	v61 =	vadd.s32 v5, v63  }
0x56: {  	v15 =	vadd.f32 v20, v15;
	v20 =	vor.u32 v6, v59  }
0x57: {  	v62 =	vadd.s32 v5, v10  }
0x58: {  	v15 =	vadd.f32 v15, v54;
	v1 =	vadd.f32 v25, v1;
	v25 =	vor.u32 v6, v60;
	_ =	sdelay $0x1  }
0x59: {  	[tilespmem:v61+s31+$0x0] =	vst.idx.msk $0xffff, v15;
	v1 =	vadd.f32 v1, v54  }
0x5a: {  	v15 =	vld.idx.msk [tilespmem:v20+s19+$0x0], $0xffff  }
0x5b: {  	v20 =	vld [tilespmem:s16+$0xFFFFFC20];
	[tilespmem:v62+s31+$0x0] =	vst.idx.msk $0xffff, v1  }
0x5c: {  	v1 =	vld.idx.msk [tilespmem:v25+s19+$0x0], $0xffff  }
0x5d: {  	v25 =	vld [tilespmem:s16+$0x20];
	_ =	sdelay $0x1  }
0x5e: {  	v61 =	vadd.s32 v7, v63  }
0x5f: {  	v15 =	vadd.f32 v20, v15;
	v20 =	vor.u32 v8, v59  }
0x60: {  	v62 =	vadd.s32 v7, v10  }
0x61: {  	v15 =	vadd.f32 v15, v55;
	v1 =	vadd.f32 v25, v1;
	v25 =	vor.u32 v8, v60;
	_ =	sdelay $0x1  }
0x62: {  	[tilespmem:v61+s31+$0x0] =	vst.idx.msk $0xffff, v15;
	v1 =	vadd.f32 v1, v55  }
0x63: {  	v15 =	vld.idx.msk [tilespmem:v20+s19+$0x0], $0xffff  }
0x64: {  	v20 =	vld [tilespmem:s16+$0xFFFFFC30];
	[tilespmem:v62+s31+$0x0] =	vst.idx.msk $0xffff, v1  }
0x65: {  	v61 =	vimm.s32 $0x1;
	v1 =	vld.idx.msk [tilespmem:v25+s19+$0x0], $0xffff  }
0x66: {  	v25 =	vperm.xlane v58, v61;
	v59 =	vld [tilespmem:s16+$0x30];
	_ =	sdelay $0x1  }
0x67: {  	v60 =	vadd.s32 v9, v63;
	v61 =	vperm.xlane v57, v61;
	v25 =	vshll.u32 v25, $0x6  }
0x68: {  	v15 =	vadd.f32 v20, v15;
	v20 =	vor.u32 v0, v25  }
0x69: {  	v10 =	vadd.s32 v9, v10;
	v61 =	vshll.u32 v61, $0x6  }
0x6a: {  	v15 =	vadd.f32 v15, v56;
	v1 =	vadd.f32 v59, v1;
	v59 =	vor.u32 v0, v61;
	_ =	sdelay $0x1  }
0x6b: {  	s23 =	sadd.s32 $0xFFFFFFE2, s12;
	[tilespmem:v60+s31+$0x0] =	vst.idx.msk $0xffff, v15;
	v1 =	vadd.f32 v1, v56  }
0x6c: {  	v15 =	vmov s23;
	v20 =	vld.idx.msk [tilespmem:v20+s19+$0x0], $0xffff  }
0x6d: {  	s23 =	sadd.s32 $0xFFFFFFF2, s12;
	v60 =	vld [tilespmem:s16+$0xFFFFFC40];
	v15 =	vshrl.u32 v15, $0x3;
	[tilespmem:v10+s31+$0x0] =	vst.idx.msk $0xffff, v1  }
0x6e: {  	v1 =	vshll.u32 v15, v3;
	v10 =	vmov s23;
	v15 =	vld.idx.msk [tilespmem:v59+s19+$0x0], $0xffff  }
0x6f: {  	v1 =	vbroadcast v1, $0x0;
	v59 =	vld [tilespmem:s16+$0x40];
	v10 =	vshrl.u32 v10, $0x3  }
0x70: {  	v10 =	vshll.u32 v10, v3  }
0x71: {  	v62 =	vadd.s32 v11, v1;
	v10 =	vbroadcast v10, $0x0  }
0x72: {  	v20 =	vadd.f32 v60, v20;
	v60 =	vor.u32 v4, v25  }
0x73: {  	v63 =	vadd.s32 v11, v10  }
0x74: {  	v20 =	vadd.f32 v20, v53;
	v15 =	vadd.f32 v59, v15;
	v59 =	vor.u32 v4, v61;
	_ =	sdelay $0x1  }
0x75: {  	[tilespmem:v62+s31+$0x0] =	vst.idx.msk $0xffff, v20;
	v15 =	vadd.f32 v15, v53  }
0x76: {  	v20 =	vld.idx.msk [tilespmem:v60+s19+$0x0], $0xffff  }
0x77: {  	v60 =	vld [tilespmem:s16+$0xFFFFFC50];
	[tilespmem:v63+s31+$0x0] =	vst.idx.msk $0xffff, v15  }
0x78: {  	v15 =	vld.idx.msk [tilespmem:v59+s19+$0x0], $0xffff  }
0x79: {  	v59 =	vld [tilespmem:s16+$0x50];
	_ =	sdelay $0x1  }
0x7a: {  	v62 =	vadd.s32 v12, v1  }
0x7b: {  	v20 =	vadd.f32 v60, v20;
	v60 =	vor.u32 v6, v25  }
0x7c: {  	v63 =	vadd.s32 v12, v10  }
0x7d: {  	v20 =	vadd.f32 v20, v54;
	v15 =	vadd.f32 v59, v15;
	v59 =	vor.u32 v6, v61;
	_ =	sdelay $0x1  }
0x7e: {  	[tilespmem:v62+s31+$0x0] =	vst.idx.msk $0xffff, v20;
	v15 =	vadd.f32 v15, v54  }
0x7f: {  	v20 =	vld.idx.msk [tilespmem:v60+s19+$0x0], $0xffff  }
0x80: {  	v60 =	vld [tilespmem:s16+$0xFFFFFC60];
	[tilespmem:v63+s31+$0x0] =	vst.idx.msk $0xffff, v15  }
0x81: {  	v15 =	vld.idx.msk [tilespmem:v59+s19+$0x0], $0xffff  }
0x82: {  	v59 =	vld [tilespmem:s16+$0x60];
	_ =	sdelay $0x1  }
0x83: {  	v62 =	vadd.s32 v13, v1  }
0x84: {  	v25 =	vor.u32 v8, v25;
	v20 =	vadd.f32 v60, v20  }
0x85: {  	v60 =	vadd.s32 v13, v10  }
0x86: {  	v63 =	vor.u32 v8, v61;
	v20 =	vadd.f32 v20, v55;
	v15 =	vadd.f32 v59, v15;
	_ =	sdelay $0x1  }
0x87: {  	[tilespmem:v62+s31+$0x0] =	vst.idx.msk $0xffff, v20;
	v15 =	vadd.f32 v15, v55  }
0x88: {  	v20 =	vld.idx.msk [tilespmem:v25+s19+$0x0], $0xffff  }
0x89: {  	v25 =	vld [tilespmem:s16+$0xFFFFFC70];
	[tilespmem:v60+s31+$0x0] =	vst.idx.msk $0xffff, v15  }
0x8a: {  	v61 =	vimm.s32 $0x2;
	v15 =	vld.idx.msk [tilespmem:v63+s19+$0x0], $0xffff  }
0x8b: {  	v59 =	vperm.xlane v58, v61;
	v60 =	vld [tilespmem:s16+$0x70];
	_ =	sdelay $0x1  }
0x8c: {  	v1 =	vadd.s32 v14, v1;
	v61 =	vperm.xlane v57, v61;
	v59 =	vshll.u32 v59, $0x6  }
0x8d: {  	v20 =	vadd.f32 v25, v20;
	v25 =	vor.u32 v0, v59  }
0x8e: {  	v10 =	vadd.s32 v14, v10;
	v61 =	vshll.u32 v61, $0x6  }
0x8f: {  	v20 =	vadd.f32 v20, v56;
	v15 =	vadd.f32 v60, v15;
	v60 =	vor.u32 v0, v61;
	_ =	sdelay $0x1  }
0x90: {  	s23 =	sadd.s32 $0xFFFFFFE3, s12;
	[tilespmem:v1+s31+$0x0] =	vst.idx.msk $0xffff, v20;
	v1 =	vadd.f32 v15, v56  }
0x91: {  	v15 =	vmov s23;
	v20 =	vld.idx.msk [tilespmem:v25+s19+$0x0], $0xffff  }
0x92: {  	s23 =	sadd.s32 $0xFFFFFFF3, s12;
	v25 =	vld [tilespmem:s16+$0xFFFFFC80];
	v15 =	vshrl.u32 v15, $0x3;
	[tilespmem:v10+s31+$0x0] =	vst.idx.msk $0xffff, v1  }
0x93: {  	v1 =	vshll.u32 v15, v3;
	v10 =	vmov s23;
	v15 =	vld.idx.msk [tilespmem:v60+s19+$0x0], $0xffff  }
0x94: {  	v1 =	vbroadcast v1, $0x0;
	v60 =	vld [tilespmem:s16+$0x80];
	v10 =	vshrl.u32 v10, $0x3  }
0x95: {  	v10 =	vshll.u32 v10, v3  }
0x96: {  	v62 =	vadd.s32 v16, v1;
	v10 =	vbroadcast v10, $0x0  }
0x97: {  	v20 =	vadd.f32 v25, v20;
	v25 =	vor.u32 v4, v59  }
0x98: {  	v63 =	vadd.s32 v16, v10  }
0x99: {  	v20 =	vadd.f32 v20, v53;
	v15 =	vadd.f32 v60, v15;
	v60 =	vor.u32 v4, v61;
	_ =	sdelay $0x1  }
0x9a: {  	[tilespmem:v62+s31+$0x0] =	vst.idx.msk $0xffff, v20;
	v15 =	vadd.f32 v15, v53  }
0x9b: {  	v20 =	vld.idx.msk [tilespmem:v25+s19+$0x0], $0xffff  }
0x9c: {  	v25 =	vld [tilespmem:s16+$0xFFFFFC90];
	[tilespmem:v63+s31+$0x0] =	vst.idx.msk $0xffff, v15  }
0x9d: {  	v15 =	vld.idx.msk [tilespmem:v60+s19+$0x0], $0xffff  }
0x9e: {  	v60 =	vld [tilespmem:s16+$0x90];
	_ =	sdelay $0x1  }
0x9f: {  	v62 =	vadd.s32 v17, v1  }
0xa0: {  	v20 =	vadd.f32 v25, v20;
	v25 =	vor.u32 v6, v59  }
0xa1: {  	v63 =	vadd.s32 v17, v10  }
0xa2: {  	v20 =	vadd.f32 v20, v54;
	v15 =	vadd.f32 v60, v15;
	v60 =	vor.u32 v6, v61;
	_ =	sdelay $0x1  }
0xa3: {  	[tilespmem:v62+s31+$0x0] =	vst.idx.msk $0xffff, v20;
	v15 =	vadd.f32 v15, v54  }
0xa4: {  	v20 =	vld.idx.msk [tilespmem:v25+s19+$0x0], $0xffff  }
0xa5: {  	v25 =	vld [tilespmem:s16+$0xFFFFFCA0];
	[tilespmem:v63+s31+$0x0] =	vst.idx.msk $0xffff, v15  }
0xa6: {  	v15 =	vld.idx.msk [tilespmem:v60+s19+$0x0], $0xffff  }
0xa7: {  	v60 =	vld [tilespmem:s16+$0xA0];
	_ =	sdelay $0x1  }
0xa8: {  	v62 =	vadd.s32 v18, v1  }
0xa9: {  	v20 =	vadd.f32 v25, v20;
	v25 =	vor.u32 v8, v59  }
0xaa: {  	v59 =	vadd.s32 v18, v10  }
0xab: {  	v20 =	vadd.f32 v20, v55;
	v15 =	vadd.f32 v60, v15;
	v60 =	vor.u32 v8, v61;
	_ =	sdelay $0x1  }
0xac: {  	[tilespmem:v62+s31+$0x0] =	vst.idx.msk $0xffff, v20;
	v15 =	vadd.f32 v15, v55  }
0xad: {  	v20 =	vld.idx.msk [tilespmem:v25+s19+$0x0], $0xffff  }
0xae: {  	v25 =	vld [tilespmem:s16+$0xFFFFFCB0];
	[tilespmem:v59+s31+$0x0] =	vst.idx.msk $0xffff, v15  }
0xaf: {  	v61 =	vimm.s32 $0x3;
	v15 =	vld.idx.msk [tilespmem:v60+s19+$0x0], $0xffff  }
0xb0: {  	v59 =	vperm.xlane v58, v61;
	v60 =	vld [tilespmem:s16+$0xB0];
	_ =	sdelay $0x1  }
0xb1: {  	v1 =	vadd.s32 v19, v1;
	v61 =	vperm.xlane v57, v61;
	v59 =	vshll.u32 v59, $0x6  }
0xb2: {  	v20 =	vadd.f32 v25, v20;
	v25 =	vor.u32 v0, v59  }
0xb3: {  	v10 =	vadd.s32 v19, v10;
	v61 =	vshll.u32 v61, $0x6  }
0xb4: {  	v20 =	vadd.f32 v20, v56;
	v15 =	vadd.f32 v60, v15;
	v60 =	vor.u32 v0, v61;
	_ =	sdelay $0x1  }
0xb5: {  	s23 =	sadd.s32 $0xFFFFFFE4, s12;
	[tilespmem:v1+s31+$0x0] =	vst.idx.msk $0xffff, v20;
	v1 =	vadd.f32 v15, v56  }
0xb6: {  	v15 =	vmov s23;
	v20 =	vld.idx.msk [tilespmem:v25+s19+$0x0], $0xffff  }
0xb7: {  	s23 =	sadd.s32 $0xFFFFFFF4, s12;
	v25 =	vld [tilespmem:s16+$0xFFFFFCC0];
	v15 =	vshrl.u32 v15, $0x3;
	[tilespmem:v10+s31+$0x0] =	vst.idx.msk $0xffff, v1  }
0xb8: {  	v1 =	vshll.u32 v15, v3;
	v10 =	vmov s23;
	v15 =	vld.idx.msk [tilespmem:v60+s19+$0x0], $0xffff  }
0xb9: {  	v1 =	vbroadcast v1, $0x0;
	v60 =	vld [tilespmem:s16+$0xC0];
	v10 =	vshrl.u32 v10, $0x3  }
0xba: {  	v10 =	vshll.u32 v10, v3  }
0xbb: {  	v62 =	vadd.s32 v21, v1;
	v10 =	vbroadcast v10, $0x0  }
0xbc: {  	v20 =	vadd.f32 v25, v20;
	v25 =	vor.u32 v4, v59  }
0xbd: {  	v63 =	vadd.s32 v21, v10  }
0xbe: {  	v20 =	vadd.f32 v20, v53;
	v15 =	vadd.f32 v60, v15;
	v60 =	vor.u32 v4, v61;
	_ =	sdelay $0x1  }
0xbf: {  	[tilespmem:v62+s31+$0x0] =	vst.idx.msk $0xffff, v20;
	v15 =	vadd.f32 v15, v53  }
0xc0: {  	v20 =	vld.idx.msk [tilespmem:v25+s19+$0x0], $0xffff  }
0xc1: {  	v25 =	vld [tilespmem:s16+$0xFFFFFCD0];
	[tilespmem:v63+s31+$0x0] =	vst.idx.msk $0xffff, v15  }
0xc2: {  	v15 =	vld.idx.msk [tilespmem:v60+s19+$0x0], $0xffff  }
0xc3: {  	v60 =	vld [tilespmem:s16+$0xD0];
	_ =	sdelay $0x1  }
0xc4: {  	v62 =	vadd.s32 v22, v1  }
0xc5: {  	v20 =	vadd.f32 v25, v20;
	v25 =	vor.u32 v6, v59  }
0xc6: {  	v63 =	vadd.s32 v22, v10  }
0xc7: {  	v20 =	vadd.f32 v20, v54;
	v15 =	vadd.f32 v60, v15;
	v60 =	vor.u32 v6, v61;
	_ =	sdelay $0x1  }
0xc8: {  	[tilespmem:v62+s31+$0x0] =	vst.idx.msk $0xffff, v20;
	v15 =	vadd.f32 v15, v54  }
0xc9: {  	v20 =	vld.idx.msk [tilespmem:v25+s19+$0x0], $0xffff  }
0xca: {  	v25 =	vld [tilespmem:s16+$0xFFFFFCE0];
	[tilespmem:v63+s31+$0x0] =	vst.idx.msk $0xffff, v15  }
0xcb: {  	v15 =	vld.idx.msk [tilespmem:v60+s19+$0x0], $0xffff  }
0xcc: {  	v60 =	vld [tilespmem:s16+$0xE0];
	_ =	sdelay $0x1  }
0xcd: {  	v62 =	vadd.s32 v23, v1  }
0xce: {  	v20 =	vadd.f32 v25, v20;
	v25 =	vor.u32 v8, v59  }
0xcf: {  	v59 =	vadd.s32 v23, v10  }
0xd0: {  	v20 =	vadd.f32 v20, v55;
	v15 =	vadd.f32 v60, v15;
	v60 =	vor.u32 v8, v61;
	_ =	sdelay $0x1  }
0xd1: {  	[tilespmem:v62+s31+$0x0] =	vst.idx.msk $0xffff, v20;
	v15 =	vadd.f32 v15, v55  }
0xd2: {  	v20 =	vld.idx.msk [tilespmem:v25+s19+$0x0], $0xffff  }
0xd3: {  	v25 =	vld [tilespmem:s16+$0xFFFFFCF0];
	[tilespmem:v59+s31+$0x0] =	vst.idx.msk $0xffff, v15  }
0xd4: {  	v15 =	vld.idx.msk [tilespmem:v60+s19+$0x0], $0xffff  }
0xd5: {  	v59 =	vperm.xlane v58, v45;
	v60 =	vld [tilespmem:s16+$0xF0];
	_ =	sdelay $0x1  }
0xd6: {  	v1 =	vadd.s32 v24, v1;
	v61 =	vperm.xlane v57, v45;
	v59 =	vshll.u32 v59, $0x6  }
0xd7: {  	v20 =	vadd.f32 v25, v20;
	v25 =	vor.u32 v0, v59  }
0xd8: {  	v10 =	vadd.s32 v24, v10;
	v61 =	vshll.u32 v61, $0x6  }
0xd9: {  	v20 =	vadd.f32 v20, v56;
	v15 =	vadd.f32 v60, v15;
	v60 =	vor.u32 v0, v61;
	_ =	sdelay $0x1  }
0xda: {  	s23 =	sadd.s32 $0xFFFFFFE5, s12;
	[tilespmem:v1+s31+$0x0] =	vst.idx.msk $0xffff, v20;
	v1 =	vadd.f32 v15, v56  }
0xdb: {  	v15 =	vmov s23;
	v20 =	vld.idx.msk [tilespmem:v25+s19+$0x0], $0xffff  }
0xdc: {  	s23 =	sadd.s32 $0xFFFFFFF5, s12;
	v25 =	vld [tilespmem:s16+$0xFFFFFD00];
	v15 =	vshrl.u32 v15, $0x3;
	[tilespmem:v10+s31+$0x0] =	vst.idx.msk $0xffff, v1  }
0xdd: {  	v1 =	vshll.u32 v15, v3;
	v10 =	vmov s23;
	v15 =	vld.idx.msk [tilespmem:v60+s19+$0x0], $0xffff  }
0xde: {  	v1 =	vbroadcast v1, $0x0;
	v60 =	vld [tilespmem:s16+$0x100];
	v10 =	vshrl.u32 v10, $0x3  }
0xdf: {  	v10 =	vshll.u32 v10, v3  }
0xe0: {  	v62 =	vadd.s32 v26, v1;
	v10 =	vbroadcast v10, $0x0  }
0xe1: {  	v20 =	vadd.f32 v25, v20;
	v25 =	vor.u32 v4, v59  }
0xe2: {  	v63 =	vadd.s32 v26, v10  }
0xe3: {  	v20 =	vadd.f32 v20, v53;
	v15 =	vadd.f32 v60, v15;
	v60 =	vor.u32 v4, v61;
	_ =	sdelay $0x1  }
0xe4: {  	[tilespmem:v62+s31+$0x0] =	vst.idx.msk $0xffff, v20;
	v15 =	vadd.f32 v15, v53  }
0xe5: {  	v20 =	vld.idx.msk [tilespmem:v25+s19+$0x0], $0xffff  }
0xe6: {  	v25 =	vld [tilespmem:s16+$0xFFFFFD10];
	[tilespmem:v63+s31+$0x0] =	vst.idx.msk $0xffff, v15  }
0xe7: {  	v15 =	vld.idx.msk [tilespmem:v60+s19+$0x0], $0xffff  }
0xe8: {  	v60 =	vld [tilespmem:s16+$0x110];
	_ =	sdelay $0x1  }
0xe9: {  	v62 =	vadd.s32 v27, v1  }
0xea: {  	v20 =	vadd.f32 v25, v20;
	v25 =	vor.u32 v6, v59  }
0xeb: {  	v63 =	vadd.s32 v27, v10  }
0xec: {  	v20 =	vadd.f32 v20, v54;
	v15 =	vadd.f32 v60, v15;
	v60 =	vor.u32 v6, v61;
	_ =	sdelay $0x1  }
0xed: {  	[tilespmem:v62+s31+$0x0] =	vst.idx.msk $0xffff, v20;
	v15 =	vadd.f32 v15, v54  }
0xee: {  	v20 =	vld.idx.msk [tilespmem:v25+s19+$0x0], $0xffff  }
0xef: {  	v25 =	vld [tilespmem:s16+$0xFFFFFD20];
	[tilespmem:v63+s31+$0x0] =	vst.idx.msk $0xffff, v15  }
0xf0: {  	v15 =	vld.idx.msk [tilespmem:v60+s19+$0x0], $0xffff  }
0xf1: {  	v60 =	vld [tilespmem:s16+$0x120];
	_ =	sdelay $0x1  }
0xf2: {  	v62 =	vadd.s32 v28, v1  }
0xf3: {  	v20 =	vadd.f32 v25, v20;
	v25 =	vor.u32 v8, v59  }
0xf4: {  	v59 =	vadd.s32 v28, v10  }
0xf5: {  	v20 =	vadd.f32 v20, v55;
	v15 =	vadd.f32 v60, v15;
	v60 =	vor.u32 v8, v61;
	_ =	sdelay $0x1  }
0xf6: {  	[tilespmem:v62+s31+$0x0] =	vst.idx.msk $0xffff, v20;
	v15 =	vadd.f32 v15, v55  }
0xf7: {  	v20 =	vld.idx.msk [tilespmem:v25+s19+$0x0], $0xffff  }
0xf8: {  	v25 =	vld [tilespmem:s16+$0xFFFFFD30];
	[tilespmem:v59+s31+$0x0] =	vst.idx.msk $0xffff, v15  }
0xf9: {  	v15 =	vld.idx.msk [tilespmem:v60+s19+$0x0], $0xffff  }
0xfa: {  	v59 =	vperm.xlane v58, v46;
	v60 =	vld [tilespmem:s16+$0x130];
	_ =	sdelay $0x1  }
0xfb: {  	v1 =	vadd.s32 v29, v1;
	v61 =	vperm.xlane v57, v46;
	v59 =	vshll.u32 v59, $0x6  }
0xfc: {  	v20 =	vadd.f32 v25, v20;
	v25 =	vor.u32 v0, v59  }
0xfd: {  	v10 =	vadd.s32 v29, v10;
	v61 =	vshll.u32 v61, $0x6  }
0xfe: {  	v20 =	vadd.f32 v20, v56;
	v15 =	vadd.f32 v60, v15;
	v60 =	vor.u32 v0, v61;
	_ =	sdelay $0x1  }
0xff: {  	s23 =	sadd.s32 $0xFFFFFFE6, s12;
	[tilespmem:v1+s31+$0x0] =	vst.idx.msk $0xffff, v20;
	v1 =	vadd.f32 v15, v56  }
0x100: {  	v15 =	vmov s23;
	v20 =	vld.idx.msk [tilespmem:v25+s19+$0x0], $0xffff  }
0x101: {  	s23 =	sadd.s32 $0xFFFFFFF6, s12;
	v25 =	vld [tilespmem:s16+$0xFFFFFD40];
	v15 =	vshrl.u32 v15, $0x3;
	[tilespmem:v10+s31+$0x0] =	vst.idx.msk $0xffff, v1  }
0x102: {  	v1 =	vshll.u32 v15, v3;
	v10 =	vmov s23;
	v15 =	vld.idx.msk [tilespmem:v60+s19+$0x0], $0xffff  }
0x103: {  	v1 =	vbroadcast v1, $0x0;
	v60 =	vld [tilespmem:s16+$0x140];
	v10 =	vshrl.u32 v10, $0x3  }
0x104: {  	v10 =	vshll.u32 v10, v3  }
0x105: {  	v62 =	vadd.s32 v31, v1;
	v10 =	vbroadcast v10, $0x0  }
0x106: {  	v20 =	vadd.f32 v25, v20;
	v25 =	vor.u32 v4, v59  }
0x107: {  	v63 =	vadd.s32 v31, v10  }
0x108: {  	v20 =	vadd.f32 v20, v53;
	v15 =	vadd.f32 v60, v15;
	v60 =	vor.u32 v4, v61;
	_ =	sdelay $0x1  }
0x109: {  	[tilespmem:v62+s31+$0x0] =	vst.idx.msk $0xffff, v20;
	v15 =	vadd.f32 v15, v53  }
0x10a: {  	v20 =	vld.idx.msk [tilespmem:v25+s19+$0x0], $0xffff  }
0x10b: {  	v25 =	vld [tilespmem:s16+$0xFFFFFD50];
	[tilespmem:v63+s31+$0x0] =	vst.idx.msk $0xffff, v15  }
0x10c: {  	v15 =	vld.idx.msk [tilespmem:v60+s19+$0x0], $0xffff  }
0x10d: {  	v60 =	vld [tilespmem:s16+$0x150];
	_ =	sdelay $0x1  }
0x10e: {  	v62 =	vadd.s32 v32, v1  }
0x10f: {  	v20 =	vadd.f32 v25, v20;
	v25 =	vor.u32 v6, v59  }
0x110: {  	v63 =	vadd.s32 v32, v10  }
0x111: {  	v20 =	vadd.f32 v20, v54;
	v15 =	vadd.f32 v60, v15;
	v60 =	vor.u32 v6, v61;
	_ =	sdelay $0x1  }
0x112: {  	[tilespmem:v62+s31+$0x0] =	vst.idx.msk $0xffff, v20;
	v15 =	vadd.f32 v15, v54  }
0x113: {  	v20 =	vld.idx.msk [tilespmem:v25+s19+$0x0], $0xffff  }
0x114: {  	v25 =	vld [tilespmem:s16+$0xFFFFFD60];
	[tilespmem:v63+s31+$0x0] =	vst.idx.msk $0xffff, v15  }
0x115: {  	v15 =	vld.idx.msk [tilespmem:v60+s19+$0x0], $0xffff  }
0x116: {  	v60 =	vld [tilespmem:s16+$0x160];
	_ =	sdelay $0x1  }
0x117: {  	v62 =	vadd.s32 v33, v1  }
0x118: {  	v20 =	vadd.f32 v25, v20;
	v25 =	vor.u32 v8, v59  }
0x119: {  	v59 =	vadd.s32 v33, v10  }
0x11a: {  	v20 =	vadd.f32 v20, v55;
	v15 =	vadd.f32 v60, v15;
	v60 =	vor.u32 v8, v61;
	_ =	sdelay $0x1  }
0x11b: {  	[tilespmem:v62+s31+$0x0] =	vst.idx.msk $0xffff, v20;
	v15 =	vadd.f32 v15, v55  }
0x11c: {  	v20 =	vld.idx.msk [tilespmem:v25+s19+$0x0], $0xffff  }
0x11d: {  	v25 =	vld [tilespmem:s16+$0xFFFFFD70];
	[tilespmem:v59+s31+$0x0] =	vst.idx.msk $0xffff, v15  }
0x11e: {  	v15 =	vld.idx.msk [tilespmem:v60+s19+$0x0], $0xffff  }
0x11f: {  	v59 =	vperm.xlane v58, v47;
	v60 =	vld [tilespmem:s16+$0x170];
	_ =	sdelay $0x1  }
0x120: {  	v1 =	vadd.s32 v34, v1;
	v61 =	vperm.xlane v57, v47;
	v59 =	vshll.u32 v59, $0x6  }
0x121: {  	v20 =	vadd.f32 v25, v20;
	v25 =	vor.u32 v0, v59  }
0x122: {  	v10 =	vadd.s32 v34, v10;
	v61 =	vshll.u32 v61, $0x6  }
0x123: {  	v20 =	vadd.f32 v20, v56;
	v15 =	vadd.f32 v60, v15;
	v60 =	vor.u32 v0, v61;
	_ =	sdelay $0x1  }
0x124: {  	s23 =	sadd.s32 $0xFFFFFFE7, s12;
	[tilespmem:v1+s31+$0x0] =	vst.idx.msk $0xffff, v20;
	v1 =	vadd.f32 v15, v56  }
0x125: {  	v15 =	vmov s23;
	v20 =	vld.idx.msk [tilespmem:v25+s19+$0x0], $0xffff  }
0x126: {  	s23 =	sadd.s32 $0xFFFFFFF7, s12;
	v25 =	vld [tilespmem:s16+$0xFFFFFD80];
	v15 =	vshrl.u32 v15, $0x3;
	[tilespmem:v10+s31+$0x0] =	vst.idx.msk $0xffff, v1  }
0x127: {  	v1 =	vshll.u32 v15, v3;
	v10 =	vmov s23;
	v15 =	vld.idx.msk [tilespmem:v60+s19+$0x0], $0xffff  }
0x128: {  	v1 =	vbroadcast v1, $0x0;
	v60 =	vld [tilespmem:s16+$0x180];
	v10 =	vshrl.u32 v10, $0x3  }
0x129: {  	v10 =	vshll.u32 v10, v3  }
0x12a: {  	v62 =	vadd.s32 v36, v1;
	v10 =	vbroadcast v10, $0x0  }
0x12b: {  	v20 =	vadd.f32 v25, v20;
	v25 =	vor.u32 v4, v59  }
0x12c: {  	v63 =	vadd.s32 v36, v10  }
0x12d: {  	v20 =	vadd.f32 v20, v53;
	v15 =	vadd.f32 v60, v15;
	v60 =	vor.u32 v4, v61;
	_ =	sdelay $0x1  }
0x12e: {  	[tilespmem:v62+s31+$0x0] =	vst.idx.msk $0xffff, v20;
	v15 =	vadd.f32 v15, v53  }
0x12f: {  	v20 =	vld.idx.msk [tilespmem:v25+s19+$0x0], $0xffff  }
0x130: {  	v25 =	vld [tilespmem:s16+$0xFFFFFD90];
	[tilespmem:v63+s31+$0x0] =	vst.idx.msk $0xffff, v15  }
0x131: {  	v15 =	vld.idx.msk [tilespmem:v60+s19+$0x0], $0xffff  }
0x132: {  	v60 =	vld [tilespmem:s16+$0x190];
	_ =	sdelay $0x1  }
0x133: {  	v62 =	vadd.s32 v37, v1  }
0x134: {  	v20 =	vadd.f32 v25, v20;
	v25 =	vor.u32 v6, v59  }
0x135: {  	v63 =	vadd.s32 v37, v10  }
0x136: {  	v20 =	vadd.f32 v20, v54;
	v15 =	vadd.f32 v60, v15;
	v60 =	vor.u32 v6, v61;
	_ =	sdelay $0x1  }
0x137: {  	[tilespmem:v62+s31+$0x0] =	vst.idx.msk $0xffff, v20;
	v15 =	vadd.f32 v15, v54  }
0x138: {  	v20 =	vld.idx.msk [tilespmem:v25+s19+$0x0], $0xffff  }
0x139: {  	v25 =	vld [tilespmem:s16+$0xFFFFFDA0];
	[tilespmem:v63+s31+$0x0] =	vst.idx.msk $0xffff, v15  }
0x13a: {  	v15 =	vld.idx.msk [tilespmem:v60+s19+$0x0], $0xffff  }
0x13b: {  	v60 =	vld [tilespmem:s16+$0x1A0];
	_ =	sdelay $0x1  }
0x13c: {  	v62 =	vadd.s32 v38, v1  }
0x13d: {  	v20 =	vadd.f32 v25, v20;
	v25 =	vor.u32 v8, v59  }
0x13e: {  	v59 =	vadd.s32 v38, v10  }
0x13f: {  	v20 =	vadd.f32 v20, v55;
	v15 =	vadd.f32 v60, v15;
	v60 =	vor.u32 v8, v61;
	_ =	sdelay $0x1  }
0x140: {  	[tilespmem:v62+s31+$0x0] =	vst.idx.msk $0xffff, v20;
	v15 =	vadd.f32 v15, v55  }
0x141: {  	v20 =	vld.idx.msk [tilespmem:v25+s19+$0x0], $0xffff  }
0x142: {  	v25 =	vld [tilespmem:s16+$0xFFFFFDB0];
	[tilespmem:v59+s31+$0x0] =	vst.idx.msk $0xffff, v15  }
0x143: {  	v15 =	vld.idx.msk [tilespmem:v60+s19+$0x0], $0xffff  }
0x144: {  	v59 =	vperm.xlane v58, v48;
	v60 =	vld [tilespmem:s16+$0x1B0];
	_ =	sdelay $0x1  }
0x145: {  	v1 =	vadd.s32 v39, v1;
	v61 =	vperm.xlane v57, v48;
	v59 =	vshll.u32 v59, $0x6  }
0x146: {  	v20 =	vadd.f32 v25, v20;
	v25 =	vor.u32 v0, v59  }
0x147: {  	v10 =	vadd.s32 v39, v10;
	v61 =	vshll.u32 v61, $0x6  }
0x148: {  	v20 =	vadd.f32 v20, v56;
	v15 =	vadd.f32 v60, v15;
	v60 =	vor.u32 v0, v61;
	_ =	sdelay $0x1  }
0x149: {  	s23 =	sadd.s32 $0xFFFFFFE8, s12;
	[tilespmem:v1+s31+$0x0] =	vst.idx.msk $0xffff, v20;
	v1 =	vadd.f32 v15, v56  }
0x14a: {  	v15 =	vmov s23;
	v20 =	vld.idx.msk [tilespmem:v25+s19+$0x0], $0xffff  }
0x14b: {  	s23 =	sadd.s32 $0xFFFFFFF8, s12;
	v25 =	vld [tilespmem:s16+$0xFFFFFDC0];
	v15 =	vshrl.u32 v15, $0x3;
	[tilespmem:v10+s31+$0x0] =	vst.idx.msk $0xffff, v1  }
0x14c: {  	v1 =	vshll.u32 v15, v3;
	v10 =	vmov s23;
	v15 =	vld.idx.msk [tilespmem:v60+s19+$0x0], $0xffff  }
0x14d: {  	v1 =	vbroadcast v1, $0x0;
	v60 =	vld [tilespmem:s16+$0x1C0];
	v10 =	vshrl.u32 v10, $0x3  }
0x14e: {  	v10 =	vshll.u32 v10, v3  }
0x14f: {  	v62 =	vadd.s32 v41, v1;
	v10 =	vbroadcast v10, $0x0  }
0x150: {  	v20 =	vadd.f32 v25, v20;
	v25 =	vor.u32 v4, v59  }
0x151: {  	v63 =	vadd.s32 v41, v10  }
0x152: {  	v20 =	vadd.f32 v20, v53;
	v15 =	vadd.f32 v60, v15;
	v60 =	vor.u32 v4, v61;
	_ =	sdelay $0x1  }
0x153: {  	[tilespmem:v62+s31+$0x0] =	vst.idx.msk $0xffff, v20;
	v15 =	vadd.f32 v15, v53  }
0x154: {  	v20 =	vld.idx.msk [tilespmem:v25+s19+$0x0], $0xffff  }
0x155: {  	v25 =	vld [tilespmem:s16+$0xFFFFFDD0];
	[tilespmem:v63+s31+$0x0] =	vst.idx.msk $0xffff, v15  }
0x156: {  	v15 =	vld.idx.msk [tilespmem:v60+s19+$0x0], $0xffff  }
0x157: {  	v60 =	vld [tilespmem:s16+$0x1D0];
	_ =	sdelay $0x1  }
0x158: {  	v62 =	vadd.s32 v42, v1  }
0x159: {  	v20 =	vadd.f32 v25, v20;
	v25 =	vor.u32 v6, v59  }
0x15a: {  	v63 =	vadd.s32 v42, v10  }
0x15b: {  	v20 =	vadd.f32 v20, v54;
	v15 =	vadd.f32 v60, v15;
	v60 =	vor.u32 v6, v61;
	_ =	sdelay $0x1  }
0x15c: {  	[tilespmem:v62+s31+$0x0] =	vst.idx.msk $0xffff, v20;
	v15 =	vadd.f32 v15, v54  }
0x15d: {  	v20 =	vld.idx.msk [tilespmem:v25+s19+$0x0], $0xffff  }
0x15e: {  	v25 =	vld [tilespmem:s16+$0xFFFFFDE0];
	[tilespmem:v63+s31+$0x0] =	vst.idx.msk $0xffff, v15  }
0x15f: {  	v15 =	vld.idx.msk [tilespmem:v60+s19+$0x0], $0xffff  }
0x160: {  	v60 =	vld [tilespmem:s16+$0x1E0];
	_ =	sdelay $0x1  }
0x161: {  	v62 =	vadd.s32 v43, v1  }
0x162: {  	v20 =	vadd.f32 v25, v20;
	v25 =	vor.u32 v8, v59  }
0x163: {  	v59 =	vadd.s32 v43, v10  }
0x164: {  	v20 =	vadd.f32 v20, v55;
	v15 =	vadd.f32 v60, v15;
	v60 =	vor.u32 v8, v61;
	_ =	sdelay $0x1  }
0x165: {  	[tilespmem:v62+s31+$0x0] =	vst.idx.msk $0xffff, v20;
	v15 =	vadd.f32 v15, v55  }
0x166: {  	v20 =	vld.idx.msk [tilespmem:v25+s19+$0x0], $0xffff  }
0x167: {  	v25 =	vld [tilespmem:s16+$0xFFFFFDF0];
	[tilespmem:v59+s31+$0x0] =	vst.idx.msk $0xffff, v15  }
0x168: {  	v15 =	vld.idx.msk [tilespmem:v60+s19+$0x0], $0xffff  }
0x169: {  	v59 =	vperm.xlane v58, v49;
	v60 =	vld [tilespmem:s16+$0x1F0];
	_ =	sdelay $0x1  }
0x16a: {  	v1 =	vadd.s32 v44, v1;
	v61 =	vperm.xlane v57, v49;
	v59 =	vshll.u32 v59, $0x6  }
0x16b: {  	v20 =	vadd.f32 v25, v20;
	v25 =	vor.u32 v0, v59  }
0x16c: {  	v10 =	vadd.s32 v44, v10;
	v61 =	vshll.u32 v61, $0x6  }
0x16d: {  	v20 =	vadd.f32 v20, v56;
	v15 =	vadd.f32 v60, v15;
	v60 =	vor.u32 v0, v61;
	_ =	sdelay $0x1  }
0x16e: {  	s23 =	sadd.s32 $0xFFFFFFE9, s12;
	[tilespmem:v1+s31+$0x0] =	vst.idx.msk $0xffff, v20;
	v1 =	vadd.f32 v15, v56  }
0x16f: {  	v15 =	vmov s23;
	v20 =	vld.idx.msk [tilespmem:v25+s19+$0x0], $0xffff  }
0x170: {  	s23 =	sadd.s32 $0xFFFFFFF9, s12;
	v25 =	vld [tilespmem:s16+$0xFFFFFE00];
	v15 =	vshrl.u32 v15, $0x3;
	[tilespmem:v10+s31+$0x0] =	vst.idx.msk $0xffff, v1  }
0x171: {  	v1 =	vshll.u32 v15, v3;
	v10 =	vmov s23;
	v15 =	vld.idx.msk [tilespmem:v60+s19+$0x0], $0xffff  }
0x172: {  	v1 =	vbroadcast v1, $0x0;
	v60 =	vld [tilespmem:s16+$0x200];
	v10 =	vshrl.u32 v10, $0x3  }
0x173: {  	v10 =	vshll.u32 v10, v3  }
0x174: {  	v62 =	vadd.s32 v2, v1;
	v10 =	vbroadcast v10, $0x0  }
0x175: {  	v20 =	vadd.f32 v25, v20;
	v25 =	vor.u32 v4, v59  }
0x176: {  	v63 =	vadd.s32 v2, v10  }
0x177: {  	v20 =	vadd.f32 v20, v53;
	v15 =	vadd.f32 v60, v15;
	v60 =	vor.u32 v4, v61;
	_ =	sdelay $0x1  }
0x178: {  	[tilespmem:v62+s31+$0x0] =	vst.idx.msk $0xffff, v20;
	v15 =	vadd.f32 v15, v53  }
0x179: {  	v20 =	vld.idx.msk [tilespmem:v25+s19+$0x0], $0xffff  }
0x17a: {  	v25 =	vld [tilespmem:s16+$0xFFFFFE10];
	[tilespmem:v63+s31+$0x0] =	vst.idx.msk $0xffff, v15  }
0x17b: {  	v15 =	vld.idx.msk [tilespmem:v60+s19+$0x0], $0xffff  }
0x17c: {  	v60 =	vld [tilespmem:s16+$0x210];
	_ =	sdelay $0x1  }
0x17d: {  	v62 =	vadd.s32 v5, v1  }
0x17e: {  	v20 =	vadd.f32 v25, v20;
	v25 =	vor.u32 v6, v59  }
0x17f: {  	v63 =	vadd.s32 v5, v10  }
0x180: {  	v20 =	vadd.f32 v20, v54;
	v15 =	vadd.f32 v60, v15;
	v60 =	vor.u32 v6, v61;
	_ =	sdelay $0x1  }
0x181: {  	[tilespmem:v62+s31+$0x0] =	vst.idx.msk $0xffff, v20;
	v15 =	vadd.f32 v15, v54  }
0x182: {  	v20 =	vld.idx.msk [tilespmem:v25+s19+$0x0], $0xffff  }
0x183: {  	v25 =	vld [tilespmem:s16+$0xFFFFFE20];
	[tilespmem:v63+s31+$0x0] =	vst.idx.msk $0xffff, v15  }
0x184: {  	v15 =	vld.idx.msk [tilespmem:v60+s19+$0x0], $0xffff  }
0x185: {  	v60 =	vld [tilespmem:s16+$0x220];
	_ =	sdelay $0x1  }
0x186: {  	v62 =	vadd.s32 v7, v1  }
0x187: {  	v20 =	vadd.f32 v25, v20;
	v25 =	vor.u32 v8, v59  }
0x188: {  	v59 =	vadd.s32 v7, v10  }
0x189: {  	v20 =	vadd.f32 v20, v55;
	v15 =	vadd.f32 v60, v15;
	v60 =	vor.u32 v8, v61;
	_ =	sdelay $0x1  }
0x18a: {  	[tilespmem:v62+s31+$0x0] =	vst.idx.msk $0xffff, v20;
	v15 =	vadd.f32 v15, v55  }
0x18b: {  	v20 =	vld.idx.msk [tilespmem:v25+s19+$0x0], $0xffff  }
0x18c: {  	v25 =	vld [tilespmem:s16+$0xFFFFFE30];
	[tilespmem:v59+s31+$0x0] =	vst.idx.msk $0xffff, v15  }
0x18d: {  	v15 =	vld.idx.msk [tilespmem:v60+s19+$0x0], $0xffff  }
0x18e: {  	v59 =	vperm.xlane v58, v50;
	v60 =	vld [tilespmem:s16+$0x230];
	_ =	sdelay $0x1  }
0x18f: {  	v1 =	vadd.s32 v9, v1;
	v61 =	vperm.xlane v57, v50;
	v59 =	vshll.u32 v59, $0x6  }
0x190: {  	v20 =	vadd.f32 v25, v20;
	v25 =	vor.u32 v0, v59  }
0x191: {  	v10 =	vadd.s32 v9, v10;
	v61 =	vshll.u32 v61, $0x6  }
0x192: {  	v20 =	vadd.f32 v20, v56;
	v15 =	vadd.f32 v60, v15;
	v60 =	vor.u32 v0, v61;
	_ =	sdelay $0x1  }
0x193: {  	s23 =	sadd.s32 $0xFFFFFFEA, s12;
	[tilespmem:v1+s31+$0x0] =	vst.idx.msk $0xffff, v20;
	v1 =	vadd.f32 v15, v56  }
0x194: {  	v15 =	vmov s23;
	v20 =	vld.idx.msk [tilespmem:v25+s19+$0x0], $0xffff  }
0x195: {  	s23 =	sadd.s32 $0xFFFFFFFA, s12;
	v25 =	vld [tilespmem:s16+$0xFFFFFE40];
	v15 =	vshrl.u32 v15, $0x3;
	[tilespmem:v10+s31+$0x0] =	vst.idx.msk $0xffff, v1  }
0x196: {  	v1 =	vshll.u32 v15, v3;
	v10 =	vmov s23;
	v15 =	vld.idx.msk [tilespmem:v60+s19+$0x0], $0xffff  }
0x197: {  	v1 =	vbroadcast v1, $0x0;
	v60 =	vld [tilespmem:s16+$0x240];
	v10 =	vshrl.u32 v10, $0x3  }
0x198: {  	v10 =	vshll.u32 v10, v3  }
0x199: {  	v62 =	vadd.s32 v11, v1;
	v10 =	vbroadcast v10, $0x0  }
0x19a: {  	v20 =	vadd.f32 v25, v20;
	v25 =	vor.u32 v4, v59  }
0x19b: {  	v63 =	vadd.s32 v11, v10  }
0x19c: {  	v20 =	vadd.f32 v20, v53;
	v15 =	vadd.f32 v60, v15;
	v60 =	vor.u32 v4, v61;
	_ =	sdelay $0x1  }
0x19d: {  	[tilespmem:v62+s31+$0x0] =	vst.idx.msk $0xffff, v20;
	v15 =	vadd.f32 v15, v53  }
0x19e: {  	v20 =	vld.idx.msk [tilespmem:v25+s19+$0x0], $0xffff  }
0x19f: {  	v25 =	vld [tilespmem:s16+$0xFFFFFE50];
	[tilespmem:v63+s31+$0x0] =	vst.idx.msk $0xffff, v15  }
0x1a0: {  	v15 =	vld.idx.msk [tilespmem:v60+s19+$0x0], $0xffff  }
0x1a1: {  	v60 =	vld [tilespmem:s16+$0x250];
	_ =	sdelay $0x1  }
0x1a2: {  	v62 =	vadd.s32 v12, v1  }
0x1a3: {  	v20 =	vadd.f32 v25, v20;
	v25 =	vor.u32 v6, v59  }
0x1a4: {  	v63 =	vadd.s32 v12, v10  }
0x1a5: {  	v20 =	vadd.f32 v20, v54;
	v15 =	vadd.f32 v60, v15;
	v60 =	vor.u32 v6, v61;
	_ =	sdelay $0x1  }
0x1a6: {  	[tilespmem:v62+s31+$0x0] =	vst.idx.msk $0xffff, v20;
	v15 =	vadd.f32 v15, v54  }
0x1a7: {  	v20 =	vld.idx.msk [tilespmem:v25+s19+$0x0], $0xffff  }
0x1a8: {  	v25 =	vld [tilespmem:s16+$0xFFFFFE60];
	[tilespmem:v63+s31+$0x0] =	vst.idx.msk $0xffff, v15  }
0x1a9: {  	v15 =	vld.idx.msk [tilespmem:v60+s19+$0x0], $0xffff  }
0x1aa: {  	v60 =	vld [tilespmem:s16+$0x260];
	_ =	sdelay $0x1  }
0x1ab: {  	v62 =	vadd.s32 v13, v1  }
0x1ac: {  	v20 =	vadd.f32 v25, v20;
	v25 =	vor.u32 v8, v59  }
0x1ad: {  	v59 =	vadd.s32 v13, v10  }
0x1ae: {  	v20 =	vadd.f32 v20, v55;
	v15 =	vadd.f32 v60, v15;
	v60 =	vor.u32 v8, v61;
	_ =	sdelay $0x1  }
0x1af: {  	[tilespmem:v62+s31+$0x0] =	vst.idx.msk $0xffff, v20;
	v15 =	vadd.f32 v15, v55  }
0x1b0: {  	v20 =	vld.idx.msk [tilespmem:v25+s19+$0x0], $0xffff  }
0x1b1: {  	v25 =	vld [tilespmem:s16+$0xFFFFFE70];
	[tilespmem:v59+s31+$0x0] =	vst.idx.msk $0xffff, v15  }
0x1b2: {  	v15 =	vld.idx.msk [tilespmem:v60+s19+$0x0], $0xffff  }
0x1b3: {  	v59 =	vperm.xlane v58, v51;
	v60 =	vld [tilespmem:s16+$0x270];
	_ =	sdelay $0x1  }
0x1b4: {  	v1 =	vadd.s32 v14, v1;
	v61 =	vperm.xlane v57, v51;
	v59 =	vshll.u32 v59, $0x6  }
0x1b5: {  	v20 =	vadd.f32 v25, v20;
	v25 =	vor.u32 v0, v59  }
0x1b6: {  	v10 =	vadd.s32 v14, v10;
	v61 =	vshll.u32 v61, $0x6  }
0x1b7: {  	v20 =	vadd.f32 v20, v56;
	v15 =	vadd.f32 v60, v15;
	v60 =	vor.u32 v0, v61;
	_ =	sdelay $0x1  }
0x1b8: {  	s23 =	sadd.s32 $0xFFFFFFEB, s12;
	[tilespmem:v1+s31+$0x0] =	vst.idx.msk $0xffff, v20;
	v1 =	vadd.f32 v15, v56  }
0x1b9: {  	v15 =	vmov s23;
	v20 =	vld.idx.msk [tilespmem:v25+s19+$0x0], $0xffff  }
0x1ba: {  	s23 =	sadd.s32 $0xFFFFFFFB, s12;
	v25 =	vld [tilespmem:s16+$0xFFFFFE80];
	v15 =	vshrl.u32 v15, $0x3;
	[tilespmem:v10+s31+$0x0] =	vst.idx.msk $0xffff, v1  }
0x1bb: {  	v1 =	vshll.u32 v15, v3;
	v10 =	vmov s23;
	v15 =	vld.idx.msk [tilespmem:v60+s19+$0x0], $0xffff  }
0x1bc: {  	v1 =	vbroadcast v1, $0x0;
	v60 =	vld [tilespmem:s16+$0x280];
	v10 =	vshrl.u32 v10, $0x3  }
0x1bd: {  	v10 =	vshll.u32 v10, v3  }
0x1be: {  	v62 =	vadd.s32 v16, v1;
	v10 =	vbroadcast v10, $0x0  }
0x1bf: {  	v20 =	vadd.f32 v25, v20;
	v25 =	vor.u32 v4, v59  }
0x1c0: {  	v63 =	vadd.s32 v16, v10  }
0x1c1: {  	v20 =	vadd.f32 v20, v53;
	v15 =	vadd.f32 v60, v15;
	v60 =	vor.u32 v4, v61;
	_ =	sdelay $0x1  }
0x1c2: {  	[tilespmem:v62+s31+$0x0] =	vst.idx.msk $0xffff, v20;
	v15 =	vadd.f32 v15, v53  }
0x1c3: {  	v20 =	vld.idx.msk [tilespmem:v25+s19+$0x0], $0xffff  }
0x1c4: {  	v25 =	vld [tilespmem:s16+$0xFFFFFE90];
	[tilespmem:v63+s31+$0x0] =	vst.idx.msk $0xffff, v15  }
0x1c5: {  	v15 =	vld.idx.msk [tilespmem:v60+s19+$0x0], $0xffff  }
0x1c6: {  	v60 =	vld [tilespmem:s16+$0x290];
	_ =	sdelay $0x1  }
0x1c7: {  	v62 =	vadd.s32 v17, v1  }
0x1c8: {  	v20 =	vadd.f32 v25, v20;
	v25 =	vor.u32 v6, v59  }
0x1c9: {  	v63 =	vadd.s32 v17, v10  }
0x1ca: {  	v20 =	vadd.f32 v20, v54;
	v15 =	vadd.f32 v60, v15;
	v60 =	vor.u32 v6, v61;
	_ =	sdelay $0x1  }
0x1cb: {  	[tilespmem:v62+s31+$0x0] =	vst.idx.msk $0xffff, v20;
	v15 =	vadd.f32 v15, v54  }
0x1cc: {  	v20 =	vld.idx.msk [tilespmem:v25+s19+$0x0], $0xffff  }
0x1cd: {  	v25 =	vld [tilespmem:s16+$0xFFFFFEA0];
	[tilespmem:v63+s31+$0x0] =	vst.idx.msk $0xffff, v15  }
0x1ce: {  	v15 =	vld.idx.msk [tilespmem:v60+s19+$0x0], $0xffff  }
0x1cf: {  	v60 =	vld [tilespmem:s16+$0x2A0];
	_ =	sdelay $0x1  }
0x1d0: {  	v62 =	vadd.s32 v18, v1  }
0x1d1: {  	v20 =	vadd.f32 v25, v20;
	v25 =	vor.u32 v8, v59  }
0x1d2: {  	v59 =	vadd.s32 v18, v10  }
0x1d3: {  	v20 =	vadd.f32 v20, v55;
	v15 =	vadd.f32 v60, v15;
	v60 =	vor.u32 v8, v61;
	_ =	sdelay $0x1  }
0x1d4: {  	[tilespmem:v62+s31+$0x0] =	vst.idx.msk $0xffff, v20;
	v15 =	vadd.f32 v15, v55  }
0x1d5: {  	v20 =	vld.idx.msk [tilespmem:v25+s19+$0x0], $0xffff  }
0x1d6: {  	v25 =	vld [tilespmem:s16+$0xFFFFFEB0];
	[tilespmem:v59+s31+$0x0] =	vst.idx.msk $0xffff, v15  }
0x1d7: {  	v15 =	vld.idx.msk [tilespmem:v60+s19+$0x0], $0xffff  }
0x1d8: {  	v59 =	vperm.xlane v58, v52;
	v60 =	vld [tilespmem:s16+$0x2B0];
	_ =	sdelay $0x1  }
0x1d9: {  	v1 =	vadd.s32 v19, v1;
	v61 =	vperm.xlane v57, v52;
	v59 =	vshll.u32 v59, $0x6  }
0x1da: {  	v20 =	vadd.f32 v25, v20;
	v25 =	vor.u32 v0, v59  }
0x1db: {  	v10 =	vadd.s32 v19, v10;
	v61 =	vshll.u32 v61, $0x6  }
0x1dc: {  	v20 =	vadd.f32 v20, v56;
	v15 =	vadd.f32 v60, v15;
	v60 =	vor.u32 v0, v61;
	_ =	sdelay $0x1  }
0x1dd: {  	s23 =	sadd.s32 $0xFFFFFFEC, s12;
	[tilespmem:v1+s31+$0x0] =	vst.idx.msk $0xffff, v20;
	v1 =	vadd.f32 v15, v56  }
0x1de: {  	v15 =	vmov s23;
	v20 =	vld.idx.msk [tilespmem:v25+s19+$0x0], $0xffff  }
0x1df: {  	s23 =	sadd.s32 $0xFFFFFFFC, s12;
	v25 =	vld [tilespmem:s16+$0xFFFFFEC0];
	v15 =	vshrl.u32 v15, $0x3;
	[tilespmem:v10+s31+$0x0] =	vst.idx.msk $0xffff, v1  }
0x1e0: {  	v1 =	vshll.u32 v15, v3;
	v10 =	vmov s23;
	v15 =	vld.idx.msk [tilespmem:v60+s19+$0x0], $0xffff  }
0x1e1: {  	v1 =	vbroadcast v1, $0x0;
	v60 =	vld [tilespmem:s16+$0x2C0];
	v10 =	vshrl.u32 v10, $0x3  }
0x1e2: {  	v10 =	vshll.u32 v10, v3  }
0x1e3: {  	v62 =	vadd.s32 v21, v1;
	v10 =	vbroadcast v10, $0x0  }
0x1e4: {  	v20 =	vadd.f32 v25, v20;
	v25 =	vor.u32 v4, v59  }
0x1e5: {  	v63 =	vadd.s32 v21, v10  }
0x1e6: {  	v20 =	vadd.f32 v20, v53;
	v15 =	vadd.f32 v60, v15;
	v60 =	vor.u32 v4, v61;
	_ =	sdelay $0x1  }
0x1e7: {  	[tilespmem:v62+s31+$0x0] =	vst.idx.msk $0xffff, v20;
	v15 =	vadd.f32 v15, v53  }
0x1e8: {  	v20 =	vld.idx.msk [tilespmem:v25+s19+$0x0], $0xffff  }
0x1e9: {  	v25 =	vld [tilespmem:s16+$0xFFFFFED0];
	[tilespmem:v63+s31+$0x0] =	vst.idx.msk $0xffff, v15  }
0x1ea: {  	v15 =	vld.idx.msk [tilespmem:v60+s19+$0x0], $0xffff  }
0x1eb: {  	v60 =	vld [tilespmem:s16+$0x2D0];
	_ =	sdelay $0x1  }
0x1ec: {  	v62 =	vadd.s32 v22, v1  }
0x1ed: {  	v20 =	vadd.f32 v25, v20;
	v25 =	vor.u32 v6, v59  }
0x1ee: {  	v63 =	vadd.s32 v22, v10  }
0x1ef: {  	v20 =	vadd.f32 v20, v54;
	v15 =	vadd.f32 v60, v15;
	v60 =	vor.u32 v6, v61;
	_ =	sdelay $0x1  }
0x1f0: {  	[tilespmem:v62+s31+$0x0] =	vst.idx.msk $0xffff, v20;
	v15 =	vadd.f32 v15, v54  }
0x1f1: {  	v20 =	vld.idx.msk [tilespmem:v25+s19+$0x0], $0xffff  }
0x1f2: {  	v25 =	vld [tilespmem:s16+$0xFFFFFEE0];
	[tilespmem:v63+s31+$0x0] =	vst.idx.msk $0xffff, v15  }
0x1f3: {  	v15 =	vld.idx.msk [tilespmem:v60+s19+$0x0], $0xffff  }
0x1f4: {  	v60 =	vld [tilespmem:s16+$0x2E0];
	_ =	sdelay $0x1  }
0x1f5: {  	v62 =	vadd.s32 v23, v1  }
0x1f6: {  	v20 =	vadd.f32 v25, v20;
	v25 =	vor.u32 v8, v59  }
0x1f7: {  	v59 =	vadd.s32 v23, v10  }
0x1f8: {  	v20 =	vadd.f32 v20, v55;
	v15 =	vadd.f32 v60, v15;
	v60 =	vor.u32 v8, v61;
	_ =	sdelay $0x1  }
0x1f9: {  	[tilespmem:v62+s31+$0x0] =	vst.idx.msk $0xffff, v20;
	v15 =	vadd.f32 v15, v55  }
0x1fa: {  	v20 =	vld.idx.msk [tilespmem:v25+s19+$0x0], $0xffff  }
0x1fb: {  	v25 =	vld [tilespmem:s16+$0xFFFFFEF0];
	[tilespmem:v59+s31+$0x0] =	vst.idx.msk $0xffff, v15  }
0x1fc: {  	v15 =	vld.idx.msk [tilespmem:v60+s19+$0x0], $0xffff  }
0x1fd: {  	v59 =	vperm.xlane v58, v30;
	v60 =	vld [tilespmem:s16+$0x2F0];
	_ =	sdelay $0x1  }
0x1fe: {  	v1 =	vadd.s32 v24, v1;
	v61 =	vperm.xlane v57, v30;
	v59 =	vshll.u32 v59, $0x6  }
0x1ff: {  	v20 =	vadd.f32 v25, v20;
	v25 =	vor.u32 v0, v59  }
0x200: {  	v10 =	vadd.s32 v24, v10;
	v61 =	vshll.u32 v61, $0x6  }
0x201: {  	v20 =	vadd.f32 v20, v56;
	v15 =	vadd.f32 v60, v15;
	v60 =	vor.u32 v0, v61;
	_ =	sdelay $0x1  }
0x202: {  	s23 =	sadd.s32 $0xFFFFFFED, s12;
	[tilespmem:v1+s31+$0x0] =	vst.idx.msk $0xffff, v20;
	v1 =	vadd.f32 v15, v56  }
0x203: {  	v15 =	vmov s23;
	v20 =	vld.idx.msk [tilespmem:v25+s19+$0x0], $0xffff  }
0x204: {  	s23 =	sadd.s32 $0xFFFFFFFD, s12;
	v25 =	vld [tilespmem:s16+$0xFFFFFF00];
	v15 =	vshrl.u32 v15, $0x3;
	[tilespmem:v10+s31+$0x0] =	vst.idx.msk $0xffff, v1  }
0x205: {  	v1 =	vshll.u32 v15, v3;
	v10 =	vmov s23;
	v15 =	vld.idx.msk [tilespmem:v60+s19+$0x0], $0xffff  }
0x206: {  	v1 =	vbroadcast v1, $0x0;
	v60 =	vld [tilespmem:s16+$0x300];
	v10 =	vshrl.u32 v10, $0x3  }
0x207: {  	v10 =	vshll.u32 v10, v3  }
0x208: {  	v62 =	vadd.s32 v26, v1;
	v10 =	vbroadcast v10, $0x0  }
0x209: {  	v20 =	vadd.f32 v25, v20;
	v25 =	vor.u32 v4, v59  }
0x20a: {  	v63 =	vadd.s32 v26, v10  }
0x20b: {  	v20 =	vadd.f32 v20, v53;
	v15 =	vadd.f32 v60, v15;
	v60 =	vor.u32 v4, v61;
	_ =	sdelay $0x1  }
0x20c: {  	[tilespmem:v62+s31+$0x0] =	vst.idx.msk $0xffff, v20;
	v15 =	vadd.f32 v15, v53  }
0x20d: {  	v20 =	vld.idx.msk [tilespmem:v25+s19+$0x0], $0xffff  }
0x20e: {  	v25 =	vld [tilespmem:s16+$0xFFFFFF10];
	[tilespmem:v63+s31+$0x0] =	vst.idx.msk $0xffff, v15  }
0x20f: {  	v15 =	vld.idx.msk [tilespmem:v60+s19+$0x0], $0xffff  }
0x210: {  	v60 =	vld [tilespmem:s16+$0x310];
	_ =	sdelay $0x1  }
0x211: {  	v62 =	vadd.s32 v27, v1  }
0x212: {  	v20 =	vadd.f32 v25, v20;
	v25 =	vor.u32 v6, v59  }
0x213: {  	v63 =	vadd.s32 v27, v10  }
0x214: {  	v20 =	vadd.f32 v20, v54;
	v15 =	vadd.f32 v60, v15;
	v60 =	vor.u32 v6, v61;
	_ =	sdelay $0x1  }
0x215: {  	[tilespmem:v62+s31+$0x0] =	vst.idx.msk $0xffff, v20;
	v15 =	vadd.f32 v15, v54  }
0x216: {  	v20 =	vld.idx.msk [tilespmem:v25+s19+$0x0], $0xffff  }
0x217: {  	v25 =	vld [tilespmem:s16+$0xFFFFFF20];
	[tilespmem:v63+s31+$0x0] =	vst.idx.msk $0xffff, v15  }
0x218: {  	v15 =	vld.idx.msk [tilespmem:v60+s19+$0x0], $0xffff  }
0x219: {  	v60 =	vld [tilespmem:s16+$0x320];
	_ =	sdelay $0x1  }
0x21a: {  	v62 =	vadd.s32 v28, v1  }
0x21b: {  	v20 =	vadd.f32 v25, v20;
	v25 =	vor.u32 v8, v59  }
0x21c: {  	v59 =	vadd.s32 v28, v10  }
0x21d: {  	v20 =	vadd.f32 v20, v55;
	v15 =	vadd.f32 v60, v15;
	v60 =	vor.u32 v8, v61;
	_ =	sdelay $0x1  }
0x21e: {  	[tilespmem:v62+s31+$0x0] =	vst.idx.msk $0xffff, v20;
	v15 =	vadd.f32 v15, v55  }
0x21f: {  	v20 =	vld.idx.msk [tilespmem:v25+s19+$0x0], $0xffff  }
0x220: {  	v25 =	vld [tilespmem:s16+$0xFFFFFF30];
	[tilespmem:v59+s31+$0x0] =	vst.idx.msk $0xffff, v15  }
0x221: {  	v15 =	vld.idx.msk [tilespmem:v60+s19+$0x0], $0xffff  }
0x222: {  	v59 =	vperm.xlane v58, v35;
	v60 =	vld [tilespmem:s16+$0x330];
	_ =	sdelay $0x1  }
0x223: {  	v1 =	vadd.s32 v29, v1;
	v61 =	vperm.xlane v57, v35;
	v59 =	vshll.u32 v59, $0x6  }
0x224: {  	v20 =	vadd.f32 v25, v20;
	v25 =	vor.u32 v0, v59  }
0x225: {  	v10 =	vadd.s32 v29, v10;
	v61 =	vshll.u32 v61, $0x6  }
0x226: {  	v20 =	vadd.f32 v20, v56;
	v15 =	vadd.f32 v60, v15;
	v60 =	vor.u32 v0, v61;
	_ =	sdelay $0x1  }
0x227: {  	s23 =	sadd.s32 $0xFFFFFFEE, s12;
	[tilespmem:v1+s31+$0x0] =	vst.idx.msk $0xffff, v20;
	v1 =	vadd.f32 v15, v56  }
0x228: {  	v15 =	vmov s23;
	v20 =	vld.idx.msk [tilespmem:v25+s19+$0x0], $0xffff  }
0x229: {  	s23 =	sadd.s32 $0xFFFFFFFE, s12;
	v25 =	vld [tilespmem:s16+$0xFFFFFF40];
	v15 =	vshrl.u32 v15, $0x3;
	[tilespmem:v10+s31+$0x0] =	vst.idx.msk $0xffff, v1  }
0x22a: {  	v1 =	vshll.u32 v15, v3;
	v10 =	vmov s23;
	v15 =	vld.idx.msk [tilespmem:v60+s19+$0x0], $0xffff  }
0x22b: {  	v1 =	vbroadcast v1, $0x0;
	v60 =	vld [tilespmem:s16+$0x340];
	v10 =	vshrl.u32 v10, $0x3  }
0x22c: {  	v10 =	vshll.u32 v10, v3  }
0x22d: {  	v62 =	vadd.s32 v31, v1;
	v10 =	vbroadcast v10, $0x0  }
0x22e: {  	v20 =	vadd.f32 v25, v20;
	v25 =	vor.u32 v4, v59  }
0x22f: {  	v63 =	vadd.s32 v31, v10  }
0x230: {  	v20 =	vadd.f32 v20, v53;
	v15 =	vadd.f32 v60, v15;
	v60 =	vor.u32 v4, v61;
	_ =	sdelay $0x1  }
0x231: {  	[tilespmem:v62+s31+$0x0] =	vst.idx.msk $0xffff, v20;
	v15 =	vadd.f32 v15, v53  }
0x232: {  	v20 =	vld.idx.msk [tilespmem:v25+s19+$0x0], $0xffff  }
0x233: {  	v25 =	vld [tilespmem:s16+$0xFFFFFF50];
	[tilespmem:v63+s31+$0x0] =	vst.idx.msk $0xffff, v15  }
0x234: {  	v15 =	vld.idx.msk [tilespmem:v60+s19+$0x0], $0xffff  }
0x235: {  	v60 =	vld [tilespmem:s16+$0x350];
	_ =	sdelay $0x1  }
0x236: {  	v62 =	vadd.s32 v32, v1  }
0x237: {  	v20 =	vadd.f32 v25, v20;
	v25 =	vor.u32 v6, v59  }
0x238: {  	v63 =	vadd.s32 v32, v10  }
0x239: {  	v20 =	vadd.f32 v20, v54;
	v15 =	vadd.f32 v60, v15;
	v60 =	vor.u32 v6, v61;
	_ =	sdelay $0x1  }
0x23a: {  	[tilespmem:v62+s31+$0x0] =	vst.idx.msk $0xffff, v20;
	v15 =	vadd.f32 v15, v54  }
0x23b: {  	v20 =	vld.idx.msk [tilespmem:v25+s19+$0x0], $0xffff  }
0x23c: {  	v25 =	vld [tilespmem:s16+$0xFFFFFF60];
	[tilespmem:v63+s31+$0x0] =	vst.idx.msk $0xffff, v15  }
0x23d: {  	v15 =	vld.idx.msk [tilespmem:v60+s19+$0x0], $0xffff  }
0x23e: {  	v60 =	vld [tilespmem:s16+$0x360];
	_ =	sdelay $0x1  }
0x23f: {  	v62 =	vadd.s32 v33, v1  }
0x240: {  	v20 =	vadd.f32 v25, v20;
	v25 =	vor.u32 v8, v59  }
0x241: {  	v59 =	vadd.s32 v33, v10  }
0x242: {  	v20 =	vadd.f32 v20, v55;
	v15 =	vadd.f32 v60, v15;
	v60 =	vor.u32 v8, v61;
	_ =	sdelay $0x1  }
0x243: {  	[tilespmem:v62+s31+$0x0] =	vst.idx.msk $0xffff, v20;
	v15 =	vadd.f32 v15, v55  }
0x244: {  	v20 =	vld.idx.msk [tilespmem:v25+s19+$0x0], $0xffff  }
0x245: {  	v25 =	vld [tilespmem:s16+$0xFFFFFF70];
	[tilespmem:v59+s31+$0x0] =	vst.idx.msk $0xffff, v15  }
0x246: {  	v15 =	vld.idx.msk [tilespmem:v60+s19+$0x0], $0xffff  }
0x247: {  	v59 =	vperm.xlane v58, v40;
	v60 =	vld [tilespmem:s16+$0x370];
	_ =	sdelay $0x1  }
0x248: {  	v1 =	vadd.s32 v34, v1;
	v61 =	vperm.xlane v57, v40;
	v59 =	vshll.u32 v59, $0x6  }
0x249: {  	v20 =	vadd.f32 v25, v20;
	v25 =	vor.u32 v0, v59  }
0x24a: {  	v10 =	vadd.s32 v34, v10;
	v61 =	vshll.u32 v61, $0x6  }
0x24b: {  	v20 =	vadd.f32 v20, v56;
	v15 =	vadd.f32 v60, v15;
	v60 =	vor.u32 v0, v61;
	_ =	sdelay $0x1  }
0x24c: {  	s23 =	sadd.s32 $0xFFFFFFEF, s12;
	[tilespmem:v1+s31+$0x0] =	vst.idx.msk $0xffff, v20;
	v1 =	vadd.f32 v15, v56  }
0x24d: {  	v15 =	vmov s23;
	v20 =	vld.idx.msk [tilespmem:v25+s19+$0x0], $0xffff  }
0x24e: {  	s23 =	sadd.s32 $0xFFFFFFFF, s12;
	v25 =	vld [tilespmem:s16+$0xFFFFFF80];
	v15 =	vshrl.u32 v15, $0x3;
	[tilespmem:v10+s31+$0x0] =	vst.idx.msk $0xffff, v1  }
0x24f: {  	v1 =	vshll.u32 v15, v3;
	v10 =	vmov s23;
	v15 =	vld.idx.msk [tilespmem:v60+s19+$0x0], $0xffff  }
0x250: {  	v1 =	vbroadcast v1, $0x0;
	v60 =	vld [tilespmem:s16+$0x380];
	v10 =	vshrl.u32 v10, $0x3  }
0x251: {  	v10 =	vshll.u32 v10, v3  }
0x252: {  	v62 =	vadd.s32 v36, v1;
	v10 =	vbroadcast v10, $0x0  }
0x253: {  	v20 =	vadd.f32 v25, v20;
	v25 =	vor.u32 v4, v59  }
0x254: {  	v63 =	vadd.s32 v36, v10  }
0x255: {  	v20 =	vadd.f32 v20, v53;
	v15 =	vadd.f32 v60, v15;
	v60 =	vor.u32 v4, v61;
	_ =	sdelay $0x1  }
0x256: {  	[tilespmem:v62+s31+$0x0] =	vst.idx.msk $0xffff, v20;
	v15 =	vadd.f32 v15, v53  }
0x257: {  	v20 =	vld.idx.msk [tilespmem:v25+s19+$0x0], $0xffff  }
0x258: {  	v25 =	vld [tilespmem:s16+$0xFFFFFF90];
	[tilespmem:v63+s31+$0x0] =	vst.idx.msk $0xffff, v15  }
0x259: {  	v15 =	vld.idx.msk [tilespmem:v60+s19+$0x0], $0xffff  }
0x25a: {  	v60 =	vld [tilespmem:s16+$0x390];
	_ =	sdelay $0x1  }
0x25b: {  	v62 =	vadd.s32 v37, v1  }
0x25c: {  	v20 =	vadd.f32 v25, v20;
	v25 =	vor.u32 v6, v59  }
0x25d: {  	v63 =	vadd.s32 v37, v10  }
0x25e: {  	v20 =	vadd.f32 v20, v54;
	v15 =	vadd.f32 v60, v15;
	v60 =	vor.u32 v6, v61;
	_ =	sdelay $0x1  }
0x25f: {  	[tilespmem:v62+s31+$0x0] =	vst.idx.msk $0xffff, v20;
	v15 =	vadd.f32 v15, v54  }
0x260: {  	v20 =	vld.idx.msk [tilespmem:v25+s19+$0x0], $0xffff  }
0x261: {  	v25 =	vld [tilespmem:s16+$0xFFFFFFA0];
	[tilespmem:v63+s31+$0x0] =	vst.idx.msk $0xffff, v15  }
0x262: {  	v15 =	vld.idx.msk [tilespmem:v60+s19+$0x0], $0xffff  }
0x263: {  	v60 =	vld [tilespmem:s16+$0x3A0];
	_ =	sdelay $0x1  }
0x264: {  	v62 =	vadd.s32 v38, v1  }
0x265: {  	v20 =	vadd.f32 v25, v20;
	v25 =	vor.u32 v8, v59  }
0x266: {  	v59 =	vadd.s32 v38, v10  }
0x267: {  	v15 =	vadd.f32 v60, v15;
	v20 =	vadd.f32 v20, v55;
	v60 =	vor.u32 v8, v61;
	_ =	sdelay $0x1  }
0x268: {  	[tilespmem:v62+s31+$0x0] =	vst.idx.msk $0xffff, v20;
	v15 =	vadd.f32 v15, v55  }
0x269: {  	v20 =	vld.idx.msk [tilespmem:v25+s19+$0x0], $0xffff  }
0x26a: {  	v25 =	vld [tilespmem:s16+$0xFFFFFFB0];
	[tilespmem:v59+s31+$0x0] =	vst.idx.msk $0xffff, v15  }
0x26b: {  	v61 =	vimm.s32 $0xF;
	v15 =	vld.idx.msk [tilespmem:v60+s19+$0x0], $0xffff  }
0x26c: {  	v58 =	vperm.xlane v58, v61;
	v59 =	vld [tilespmem:s16+$0x3B0];
	_ =	sdelay $0x1  }
0x26d: {  	v1 =	vadd.s32 v39, v1;
	v57 =	vperm.xlane v57, v61;
	v58 =	vshll.u32 v58, $0x6  }
0x26e: {  	v20 =	vadd.f32 v25, v20;
	v25 =	vor.u32 v0, v58  }
0x26f: {  	v10 =	vadd.s32 v39, v10;
	v57 =	vshll.u32 v57, $0x6  }
0x270: {  	v61 =	vor.u32 v0, v57;
	v20 =	vadd.f32 v20, v56;
	v15 =	vadd.f32 v59, v15;
	_ =	sdelay $0x1  }
0x271: {  	s23 =	sadd.s32 $0xFFFFFFF0, s12;
	[tilespmem:v1+s31+$0x0] =	vst.idx.msk $0xffff, v20;
	v1 =	vadd.f32 v15, v56  }
0x272: {  	v15 =	vmov s23;
	v20 =	vld.idx.msk [tilespmem:v25+s19+$0x0], $0xffff  }
0x273: {  	v25 =	vld [tilespmem:s16+$0xFFFFFFC0];
	v15 =	vshrl.u32 v15, $0x3;
	[tilespmem:v10+s31+$0x0] =	vst.idx.msk $0xffff, v1  }
0x274: {  	v1 =	vshll.u32 v15, v3;
	v10 =	vmov s12;
	v15 =	vld.idx.msk [tilespmem:v61+s19+$0x0], $0xffff  }
0x275: {  	v1 =	vbroadcast v1, $0x0;
	v59 =	vld [tilespmem:s16+$0x3C0];
	v10 =	vshrl.u32 v10, $0x3  }
0x276: {  	v10 =	vshll.u32 v10, v3  }
0x277: {  	v60 =	vadd.s32 v41, v1;
	v10 =	vbroadcast v10, $0x0  }
0x278: {  	v20 =	vadd.f32 v25, v20;
	v25 =	vor.u32 v4, v58  }
0x279: {  	v61 =	vadd.s32 v41, v10  }
0x27a: {  	v62 =	vor.u32 v4, v57;
	v20 =	vadd.f32 v20, v53;
	v15 =	vadd.f32 v59, v15;
	_ =	sdelay $0x1  }
0x27b: {  	[tilespmem:v60+s31+$0x0] =	vst.idx.msk $0xffff, v20;
	v15 =	vadd.f32 v15, v53  }
0x27c: {  	v20 =	vld.idx.msk [tilespmem:v25+s19+$0x0], $0xffff  }
0x27d: {  	v25 =	vld [tilespmem:s16+$0xFFFFFFD0];
	[tilespmem:v61+s31+$0x0] =	vst.idx.msk $0xffff, v15  }
0x27e: {  	v15 =	vld.idx.msk [tilespmem:v62+s19+$0x0], $0xffff  }
0x27f: {  	v59 =	vld [tilespmem:s16+$0x3D0];
	_ =	sdelay $0x1  }
0x280: {  	v60 =	vadd.s32 v42, v1  }
0x281: {  	v20 =	vadd.f32 v25, v20;
	v25 =	vor.u32 v6, v58  }
0x282: {  	v61 =	vadd.s32 v42, v10  }
0x283: {  	v63 =	vor.u32 v6, v57;
	v20 =	vadd.f32 v20, v54;
	v15 =	vadd.f32 v59, v15;
	_ =	sdelay $0x1  }
0x284: {  	[tilespmem:v60+s31+$0x0] =	vst.idx.msk $0xffff, v20;
	v15 =	vadd.f32 v15, v54  }
0x285: {  	v20 =	vld.idx.msk [tilespmem:v25+s19+$0x0], $0xffff  }
0x286: {  	v25 =	vld [tilespmem:s16+$0xFFFFFFE0];
	[tilespmem:v61+s31+$0x0] =	vst.idx.msk $0xffff, v15  }
0x287: {  	v15 =	vld.idx.msk [tilespmem:v63+s19+$0x0], $0xffff  }
0x288: {  	v59 =	vld [tilespmem:s16+$0x3E0];
	_ =	sdelay $0x1  }
0x289: {  	v60 =	vadd.s32 v43, v1  }
0x28a: {  	v20 =	vadd.f32 v25, v20;
	v25 =	vor.u32 v8, v58  }
0x28b: {  	v62 =	vadd.s32 v43, v10  }
0x28c: {  	v57 =	vor.u32 v8, v57;
	v15 =	vadd.f32 v59, v15;
	v20 =	vadd.f32 v20, v55;
	_ =	sdelay $0x1  }
0x28d: {  	[tilespmem:v60+s31+$0x0] =	vst.idx.msk $0xffff, v20;
	v15 =	vadd.f32 v15, v55  }
0x28e: {  	v20 =	vld.idx.msk [tilespmem:v25+s19+$0x0], $0xffff  }
0x28f: {  	[tilespmem:v62+s31+$0x0] =	vst.idx.msk $0xffff, v15;
	v15 =	vld [tilespmem:s16+$0xFFFFFFF0]  }
0x290: {  	v25 =	vld.idx.msk [tilespmem:v57+s19+$0x0], $0xffff  }
0x291: {  	v63 =	vld [tilespmem:s16+$0x3F0];
	_ =	sdelay $0x2  }
0x292: {  	s11 =	sadd.s32 $0x2, s11;
	v1 =	vadd.s32 v44, v1  }
0x293: {  	p2 =	slt.u32 s11, $0x6;
	v10 =	vadd.s32 v44, v10;
	v15 =	vadd.f32 v15, v20  }
.Ltmp0:
0x294: {  	v20 =	vadd.f32 v63, v25;
	(pc) =	sbr.rel @p2 .LBB2_3-.Ltmp0, $4  }
0x295: {  	v15 =	vadd.f32 v15, v56  }
0x296: {  	v20 =	vadd.f32 v20, v56  }
0x297: {  	[tilespmem:v1+s31+$0x0] =	vst.idx.msk $0xffff, v15  }
0x298: {  	s13 =	sadd.s32 $0x20, s13;
	s12 =	sadd.s32 $0x20, s12;
	s16 =	sadd.s32 $0x800, s16;
	v1 =	vimm.s32 $0x0;
	[tilespmem:v10+s31+$0x0] =	vst.idx.msk $0xffff, v20  }
0x299: {  	s7 =	sshll.u32 s7, $0x4  }
0x29a: {  	s7 =	sand.u32 $0x1E0, s7  }
0x29b: {  	s10 =	sshll.u32 s10, $0xF;
	s7 =	sadd.s32 s8, s7  }
0x29c: {  	s11 =	simm.s32 $0x200;
	s7 =	sadd.s32 s10, s7  }
0x29d: {  	s12 =	simm.s32 $0x16E88;
	s10 =	simm.s32 $0x16E00;
	s13 =	sadd.s32 $0x0, s7  }
.LBB2_5:
0x29e: {  	[hbm4b:s13+s2] =	stream.linear.scatter [tilespmem:s10], [sflag:$0x7], $0x80, $0x38;
	[tilespmem:$0x1B200] =	vst v63  }
0x29f: {  	s13 =	smov.u32 s11;
	s10 =	smov.u32 s12;
	p2 =	sne.s32 s11, $0x7E00  }
.Ltmp1:
0x2a0: {  	s11 =	sadd.s32 $0x200, s11;
	(pc) =	sbr.rel @p2 .LBB2_5-.Ltmp1, $2  }
0x2a1: {  	_ =	sdelay $0x2  }
0x2a2: {  	s12 =	sadd.s32 $0x88, s12;
	s13 =	sadd.s32 s13, s7  }
0x2a3: {  	[hbm4b:s13+s2] =	stream.linear.scatter [tilespmem:s10], [sflag:$0x7], $0x80, $0x38;
	[tilespmem:$0x1B200] =	vst v63  }
0x2a4: {  	s7 =	sor.u32 $0x1, s6  }
0x2a5: {  	p2 =	sgt.u32 s7, $0xC6  }
0x2a6: {  	s10 =	simm.s32 @!p2 $0x1  }
0x2a7: {  	_ =	swait.ge @!p2 [sflag:s10], $0x80  }
0x2a8: {  	[sflag:s10] =	ssyncset.done @!p2 $0x0  }
0x2a9: {  	[sflag:s10] =	ssyncadd.s32 @!p2 $0xFFFFFF80;
	s10 =	simm.s32 @!p2 $0x3  }
0x2aa: {  	s6 =	sadd.s32 @!p0 s6, s15;
	_ =	swait.ge @!p2 [sflag:s10], $0x80  }
0x2ab: {  	s6 =	sshll.u32 @!p0 s6, $0x4;
	s11 =	simm.s32 @!p2 $0x0;
	[sflag:s10] =	ssyncset.done @!p2 $0x0  }
0x2ac: {  	s12 =	simm.s32 @!p2 $0x200;
	[sflag:s10] =	ssyncadd.s32 @!p2 $0xFFFFFF80;
	s10 =	simm.s32 @!p2 $0x80  }
0x2ad: {  	[tilespmem:s12], [sflag:$0x5] =	stream.indirect.gather @!p2 [hbm4b:s5+s10], $0x40, s11, s10, $0xb8;
	[tilespmem:$0x1B200] =	vst v63  }
0x2ae: {  	s6 =	sand.u32 @!p0 $0xFFFFFF0, s6;
	_ =	swait.ge [sflag:s0], $0x2000  }
0x2af: {  	s10 =	sadd.s32 @!p0 s3, s6;
	[sflag:s0] =	ssyncset.done $0x0  }
0x2b0: {  	s11 =	simm.s32 @!p0 $0x0;
	s12 =	simm.s32 @!p0 $0x80;
	[sflag:s0] =	ssyncadd.s32 $0xFFFFE000  }
0x2b1: {  	[tilespmem:s12], [sflag:$0x2] =	stream.linear.gather @!p0 [hbm4b:s10+s11], $0x80, $0x38;
	[tilespmem:$0x1B200] =	vst v63  }
0x2b2: {  	s6 =	sadd.s32 @!p0 s4, s6;
	s10 =	simm.s32 @!p0 $0x180  }
0x2b3: {  	[tilespmem:s10], [sflag:$0x4] =	stream.linear.gather @!p0 [hbm4b:s6+s11], $0x80, $0x38;
	[tilespmem:$0x1B200] =	vst v63  }
0x2b4: {  	s6 =	sadd.s32 s9, s7;
	_ =	swait.ge @p1 [sflag:s20], $0x2000  }
0x2b5: {  	s7 =	sshll.u32 s6, $0x1;
	[sflag:s20] =	ssyncset.done @p1 $0x0  }
0x2b6: {  	s7 =	sand.u32 $0x7FFFFFC0, s7;
	[sflag:s20] =	ssyncadd.s32 @p1 $0xFFFFE000  }
0x2b7: {  	v45 =	vimm.s32 $0x4;
	v46 =	vimm.s32 $0x5;
	s23 =	sadd.s32 $0x13C00, s7;
	v53 =	vld [tilespmem:s7+$0x13C00]  }
0x2b8: {  	v47 =	vimm.s32 $0x6;
	v48 =	vimm.s32 $0x7;
	v49 =	vimm.s32 $0x8;
	v54 =	vld [tilespmem:s23+$0x10]  }
0x2b9: {  	s13 =	simm.s32 $0x29F0;
	v50 =	vimm.s32 $0x9;
	v51 =	vimm.s32 $0xA;
	v52 =	vimm.s32 $0xB;
	s12 =	simm.s32 $0x190;
	v55 =	vld [tilespmem:s23+$0x20]  }
0x2ba: {  	v30 =	vimm.s32 $0xC;
	v35 =	vimm.s32 $0xD;
	v40 =	vimm.s32 $0xE;
	s10 =	simm.s32 $0xFFFFFFFE;
	s11 =	simm.s32 $0x1F;
	s7 =	sshrl.u32 s6, $0x5;
	v56 =	vld [tilespmem:s23+$0x30]  }
.LBB2_7:
0x2bb: {  	v58 =	vld [tilespmem:s12+$0xFFFFFFF0];
	_ =	sdelay $0x1  }
0x2bc: {  	v57 =	vld [tilespmem:s12+$0x0];
	_ =	sdelay $0x2  }
0x2bd: {  	v1 =	vperm.xlane v58, v1  }
0x2be: {  	v10 =	vimm.s32 $0x0  }
0x2bf: {  	v10 =	vperm.xlane v57, v10;
	v1 =	vshll.u32 v1, $0x6  }
0x2c0: {  	v15 =	vor.u32 v0, v1  }
0x2c1: {  	v10 =	vshll.u32 v10, $0x6  }
0x2c2: {  	v20 =	vor.u32 v0, v10  }
0x2c3: {  	s16 =	sadd.s32 $0xFFFFFFE1, s11  }
0x2c4: {  	v59 =	vld [tilespmem:s13+$0xFFFFF810];
	v25 =	vmov s16  }
0x2c5: {  	s23 =	sadd.s32 $0xFFFFFFF1, s11;
	v25 =	vshrl.u32 v25, $0x3;
	v15 =	vld.idx.msk [tilespmem:v15+s19+$0x0], $0xffff  }
0x2c6: {  	v61 =	vld [tilespmem:s13+$0xFFFFFC10];
	v60 =	vmov s23;
	v25 =	vshll.u32 v25, v3  }
0x2c7: {  	v60 =	vshrl.u32 v60, $0x3;
	v25 =	vbroadcast v25, $0x0;
	v20 =	vld.idx.msk [tilespmem:v20+s19+$0x0], $0xffff  }
0x2c8: {  	v60 =	vshll.u32 v60, v3  }
0x2c9: {  	v60 =	vbroadcast v60, $0x0;
	v62 =	vadd.s32 v2, v25  }
0x2ca: {  	v15 =	vadd.f32 v59, v15;
	v59 =	vor.u32 v4, v1  }
0x2cb: {  	v63 =	vadd.s32 v2, v60  }
0x2cc: {  	v20 =	vadd.f32 v61, v20;
	v61 =	vor.u32 v4, v10;
	v15 =	vadd.f32 v15, v53;
	_ =	sdelay $0x1  }
0x2cd: {  	[tilespmem:v62+s1+$0x0] =	vst.idx.msk $0xffff, v15;
	v15 =	vadd.f32 v20, v53  }
0x2ce: {  	v20 =	vld.idx.msk [tilespmem:v59+s19+$0x0], $0xffff  }
0x2cf: {  	v59 =	vld [tilespmem:s13+$0xFFFFF820];
	[tilespmem:v63+s1+$0x0] =	vst.idx.msk $0xffff, v15  }
0x2d0: {  	v15 =	vld.idx.msk [tilespmem:v61+s19+$0x0], $0xffff  }
0x2d1: {  	v61 =	vld [tilespmem:s13+$0xFFFFFC20];
	_ =	sdelay $0x1  }
0x2d2: {  	v62 =	vadd.s32 v5, v25  }
0x2d3: {  	v20 =	vadd.f32 v59, v20;
	v59 =	vor.u32 v6, v1  }
0x2d4: {  	v63 =	vadd.s32 v5, v60  }
0x2d5: {  	v20 =	vadd.f32 v20, v54;
	v15 =	vadd.f32 v61, v15;
	v61 =	vor.u32 v6, v10;
	_ =	sdelay $0x1  }
0x2d6: {  	[tilespmem:v62+s1+$0x0] =	vst.idx.msk $0xffff, v20;
	v15 =	vadd.f32 v15, v54  }
0x2d7: {  	v20 =	vld.idx.msk [tilespmem:v59+s19+$0x0], $0xffff  }
0x2d8: {  	v59 =	vld [tilespmem:s13+$0xFFFFF830];
	[tilespmem:v63+s1+$0x0] =	vst.idx.msk $0xffff, v15  }
0x2d9: {  	v15 =	vld.idx.msk [tilespmem:v61+s19+$0x0], $0xffff  }
0x2da: {  	v61 =	vld [tilespmem:s13+$0xFFFFFC30];
	_ =	sdelay $0x1  }
0x2db: {  	v62 =	vadd.s32 v7, v25  }
0x2dc: {  	v1 =	vor.u32 v8, v1;
	v20 =	vadd.f32 v59, v20  }
0x2dd: {  	v63 =	vadd.s32 v7, v60  }
0x2de: {  	v10 =	vor.u32 v8, v10;
	v20 =	vadd.f32 v20, v55;
	v15 =	vadd.f32 v61, v15;
	_ =	sdelay $0x1  }
0x2df: {  	[tilespmem:v62+s1+$0x0] =	vst.idx.msk $0xffff, v20;
	v15 =	vadd.f32 v15, v55  }
0x2e0: {  	v1 =	vld.idx.msk [tilespmem:v1+s19+$0x0], $0xffff  }
0x2e1: {  	v20 =	vld [tilespmem:s13+$0xFFFFF840];
	[tilespmem:v63+s1+$0x0] =	vst.idx.msk $0xffff, v15  }
0x2e2: {  	v61 =	vimm.s32 $0x1;
	v10 =	vld.idx.msk [tilespmem:v10+s19+$0x0], $0xffff  }
0x2e3: {  	v15 =	vperm.xlane v58, v61;
	v59 =	vld [tilespmem:s13+$0xFFFFFC40];
	_ =	sdelay $0x1  }
0x2e4: {  	v25 =	vadd.s32 v9, v25;
	v61 =	vperm.xlane v57, v61;
	v15 =	vshll.u32 v15, $0x6  }
0x2e5: {  	v1 =	vadd.f32 v20, v1;
	v20 =	vor.u32 v0, v15  }
0x2e6: {  	v60 =	vadd.s32 v9, v60;
	v61 =	vshll.u32 v61, $0x6  }
0x2e7: {  	v63 =	vor.u32 v0, v61;
	v1 =	vadd.f32 v1, v56;
	v10 =	vadd.f32 v59, v10;
	_ =	sdelay $0x1  }
0x2e8: {  	s23 =	sadd.s32 $0xFFFFFFE2, s11;
	[tilespmem:v25+s1+$0x0] =	vst.idx.msk $0xffff, v1;
	v1 =	vadd.f32 v10, v56  }
0x2e9: {  	v10 =	vmov s23;
	v20 =	vld.idx.msk [tilespmem:v20+s19+$0x0], $0xffff  }
0x2ea: {  	s23 =	sadd.s32 $0xFFFFFFF2, s11;
	v25 =	vld [tilespmem:s13+$0xFFFFF850];
	v10 =	vshrl.u32 v10, $0x3;
	[tilespmem:v60+s1+$0x0] =	vst.idx.msk $0xffff, v1  }
0x2eb: {  	v1 =	vshll.u32 v10, v3;
	v10 =	vmov s23;
	v59 =	vld.idx.msk [tilespmem:v63+s19+$0x0], $0xffff  }
0x2ec: {  	v1 =	vbroadcast v1, $0x0;
	v60 =	vld [tilespmem:s13+$0xFFFFFC50];
	v10 =	vshrl.u32 v10, $0x3  }
0x2ed: {  	v10 =	vshll.u32 v10, v3  }
0x2ee: {  	v62 =	vadd.s32 v11, v1;
	v10 =	vbroadcast v10, $0x0  }
0x2ef: {  	v20 =	vadd.f32 v25, v20;
	v25 =	vor.u32 v4, v15  }
0x2f0: {  	v63 =	vadd.s32 v11, v10  }
0x2f1: {  	v20 =	vadd.f32 v20, v53;
	v59 =	vadd.f32 v60, v59;
	v60 =	vor.u32 v4, v61;
	_ =	sdelay $0x1  }
0x2f2: {  	[tilespmem:v62+s1+$0x0] =	vst.idx.msk $0xffff, v20;
	v20 =	vadd.f32 v59, v53  }
0x2f3: {  	v25 =	vld.idx.msk [tilespmem:v25+s19+$0x0], $0xffff  }
0x2f4: {  	v59 =	vld [tilespmem:s13+$0xFFFFF860];
	[tilespmem:v63+s1+$0x0] =	vst.idx.msk $0xffff, v20  }
0x2f5: {  	v20 =	vld.idx.msk [tilespmem:v60+s19+$0x0], $0xffff  }
0x2f6: {  	v60 =	vld [tilespmem:s13+$0xFFFFFC60];
	_ =	sdelay $0x1  }
0x2f7: {  	v62 =	vadd.s32 v12, v1  }
0x2f8: {  	v25 =	vadd.f32 v59, v25;
	v59 =	vor.u32 v6, v15  }
0x2f9: {  	v63 =	vadd.s32 v12, v10  }
0x2fa: {  	v25 =	vadd.f32 v25, v54;
	v20 =	vadd.f32 v60, v20;
	v60 =	vor.u32 v6, v61;
	_ =	sdelay $0x1  }
0x2fb: {  	[tilespmem:v62+s1+$0x0] =	vst.idx.msk $0xffff, v25;
	v20 =	vadd.f32 v20, v54  }
0x2fc: {  	v25 =	vld.idx.msk [tilespmem:v59+s19+$0x0], $0xffff  }
0x2fd: {  	v59 =	vld [tilespmem:s13+$0xFFFFF870];
	[tilespmem:v63+s1+$0x0] =	vst.idx.msk $0xffff, v20  }
0x2fe: {  	v20 =	vld.idx.msk [tilespmem:v60+s19+$0x0], $0xffff  }
0x2ff: {  	v60 =	vld [tilespmem:s13+$0xFFFFFC70];
	_ =	sdelay $0x1  }
0x300: {  	v62 =	vadd.s32 v13, v1  }
0x301: {  	v15 =	vor.u32 v8, v15;
	v25 =	vadd.f32 v59, v25  }
0x302: {  	v59 =	vadd.s32 v13, v10  }
0x303: {  	v25 =	vadd.f32 v25, v55;
	v20 =	vadd.f32 v60, v20;
	v60 =	vor.u32 v8, v61;
	_ =	sdelay $0x1  }
0x304: {  	[tilespmem:v62+s1+$0x0] =	vst.idx.msk $0xffff, v25;
	v20 =	vadd.f32 v20, v55  }
0x305: {  	v15 =	vld.idx.msk [tilespmem:v15+s19+$0x0], $0xffff  }
0x306: {  	v25 =	vld [tilespmem:s13+$0xFFFFF880];
	[tilespmem:v59+s1+$0x0] =	vst.idx.msk $0xffff, v20  }
0x307: {  	v61 =	vimm.s32 $0x2;
	v20 =	vld.idx.msk [tilespmem:v60+s19+$0x0], $0xffff  }
0x308: {  	v59 =	vperm.xlane v58, v61;
	v60 =	vld [tilespmem:s13+$0xFFFFFC80];
	_ =	sdelay $0x1  }
0x309: {  	v1 =	vadd.s32 v14, v1;
	v61 =	vperm.xlane v57, v61;
	v59 =	vshll.u32 v59, $0x6  }
0x30a: {  	v15 =	vadd.f32 v25, v15;
	v25 =	vor.u32 v0, v59  }
0x30b: {  	v10 =	vadd.s32 v14, v10;
	v61 =	vshll.u32 v61, $0x6  }
0x30c: {  	v15 =	vadd.f32 v15, v56;
	v20 =	vadd.f32 v60, v20;
	v60 =	vor.u32 v0, v61;
	_ =	sdelay $0x1  }
0x30d: {  	s23 =	sadd.s32 $0xFFFFFFE3, s11;
	[tilespmem:v1+s1+$0x0] =	vst.idx.msk $0xffff, v15;
	v1 =	vadd.f32 v20, v56  }
0x30e: {  	v15 =	vmov s23;
	v20 =	vld.idx.msk [tilespmem:v25+s19+$0x0], $0xffff  }
0x30f: {  	s23 =	sadd.s32 $0xFFFFFFF3, s11;
	v25 =	vld [tilespmem:s13+$0xFFFFF890];
	v15 =	vshrl.u32 v15, $0x3;
	[tilespmem:v10+s1+$0x0] =	vst.idx.msk $0xffff, v1  }
0x310: {  	v1 =	vshll.u32 v15, v3;
	v10 =	vmov s23;
	v15 =	vld.idx.msk [tilespmem:v60+s19+$0x0], $0xffff  }
0x311: {  	v1 =	vbroadcast v1, $0x0;
	v60 =	vld [tilespmem:s13+$0xFFFFFC90];
	v10 =	vshrl.u32 v10, $0x3  }
0x312: {  	v10 =	vshll.u32 v10, v3  }
0x313: {  	v62 =	vadd.s32 v16, v1;
	v10 =	vbroadcast v10, $0x0  }
0x314: {  	v20 =	vadd.f32 v25, v20;
	v25 =	vor.u32 v4, v59  }
0x315: {  	v63 =	vadd.s32 v16, v10  }
0x316: {  	v20 =	vadd.f32 v20, v53;
	v15 =	vadd.f32 v60, v15;
	v60 =	vor.u32 v4, v61;
	_ =	sdelay $0x1  }
0x317: {  	[tilespmem:v62+s1+$0x0] =	vst.idx.msk $0xffff, v20;
	v15 =	vadd.f32 v15, v53  }
0x318: {  	v20 =	vld.idx.msk [tilespmem:v25+s19+$0x0], $0xffff  }
0x319: {  	v25 =	vld [tilespmem:s13+$0xFFFFF8A0];
	[tilespmem:v63+s1+$0x0] =	vst.idx.msk $0xffff, v15  }
0x31a: {  	v15 =	vld.idx.msk [tilespmem:v60+s19+$0x0], $0xffff  }
0x31b: {  	v60 =	vld [tilespmem:s13+$0xFFFFFCA0];
	_ =	sdelay $0x1  }
0x31c: {  	v62 =	vadd.s32 v17, v1  }
0x31d: {  	v20 =	vadd.f32 v25, v20;
	v25 =	vor.u32 v6, v59  }
0x31e: {  	v63 =	vadd.s32 v17, v10  }
0x31f: {  	v20 =	vadd.f32 v20, v54;
	v15 =	vadd.f32 v60, v15;
	v60 =	vor.u32 v6, v61;
	_ =	sdelay $0x1  }
0x320: {  	[tilespmem:v62+s1+$0x0] =	vst.idx.msk $0xffff, v20;
	v15 =	vadd.f32 v15, v54  }
0x321: {  	v20 =	vld.idx.msk [tilespmem:v25+s19+$0x0], $0xffff  }
0x322: {  	v25 =	vld [tilespmem:s13+$0xFFFFF8B0];
	[tilespmem:v63+s1+$0x0] =	vst.idx.msk $0xffff, v15  }
0x323: {  	v15 =	vld.idx.msk [tilespmem:v60+s19+$0x0], $0xffff  }
0x324: {  	v60 =	vld [tilespmem:s13+$0xFFFFFCB0];
	_ =	sdelay $0x1  }
0x325: {  	v62 =	vadd.s32 v18, v1  }
0x326: {  	v20 =	vadd.f32 v25, v20;
	v25 =	vor.u32 v8, v59  }
0x327: {  	v59 =	vadd.s32 v18, v10  }
0x328: {  	v20 =	vadd.f32 v20, v55;
	v15 =	vadd.f32 v60, v15;
	v60 =	vor.u32 v8, v61;
	_ =	sdelay $0x1  }
0x329: {  	[tilespmem:v62+s1+$0x0] =	vst.idx.msk $0xffff, v20;
	v15 =	vadd.f32 v15, v55  }
0x32a: {  	v20 =	vld.idx.msk [tilespmem:v25+s19+$0x0], $0xffff  }
0x32b: {  	v25 =	vld [tilespmem:s13+$0xFFFFF8C0];
	[tilespmem:v59+s1+$0x0] =	vst.idx.msk $0xffff, v15  }
0x32c: {  	v61 =	vimm.s32 $0x3;
	v15 =	vld.idx.msk [tilespmem:v60+s19+$0x0], $0xffff  }
0x32d: {  	v59 =	vperm.xlane v58, v61;
	v60 =	vld [tilespmem:s13+$0xFFFFFCC0];
	_ =	sdelay $0x1  }
0x32e: {  	v1 =	vadd.s32 v19, v1;
	v61 =	vperm.xlane v57, v61;
	v59 =	vshll.u32 v59, $0x6  }
0x32f: {  	v20 =	vadd.f32 v25, v20;
	v25 =	vor.u32 v0, v59  }
0x330: {  	v10 =	vadd.s32 v19, v10;
	v61 =	vshll.u32 v61, $0x6  }
0x331: {  	v20 =	vadd.f32 v20, v56;
	v15 =	vadd.f32 v60, v15;
	v60 =	vor.u32 v0, v61;
	_ =	sdelay $0x1  }
0x332: {  	s23 =	sadd.s32 $0xFFFFFFE4, s11;
	[tilespmem:v1+s1+$0x0] =	vst.idx.msk $0xffff, v20;
	v1 =	vadd.f32 v15, v56  }
0x333: {  	v15 =	vmov s23;
	v20 =	vld.idx.msk [tilespmem:v25+s19+$0x0], $0xffff  }
0x334: {  	s23 =	sadd.s32 $0xFFFFFFF4, s11;
	v25 =	vld [tilespmem:s13+$0xFFFFF8D0];
	v15 =	vshrl.u32 v15, $0x3;
	[tilespmem:v10+s1+$0x0] =	vst.idx.msk $0xffff, v1  }
0x335: {  	v1 =	vshll.u32 v15, v3;
	v10 =	vmov s23;
	v15 =	vld.idx.msk [tilespmem:v60+s19+$0x0], $0xffff  }
0x336: {  	v1 =	vbroadcast v1, $0x0;
	v60 =	vld [tilespmem:s13+$0xFFFFFCD0];
	v10 =	vshrl.u32 v10, $0x3  }
0x337: {  	v10 =	vshll.u32 v10, v3  }
0x338: {  	v62 =	vadd.s32 v21, v1;
	v10 =	vbroadcast v10, $0x0  }
0x339: {  	v20 =	vadd.f32 v25, v20;
	v25 =	vor.u32 v4, v59  }
0x33a: {  	v63 =	vadd.s32 v21, v10  }
0x33b: {  	v20 =	vadd.f32 v20, v53;
	v15 =	vadd.f32 v60, v15;
	v60 =	vor.u32 v4, v61;
	_ =	sdelay $0x1  }
0x33c: {  	[tilespmem:v62+s1+$0x0] =	vst.idx.msk $0xffff, v20;
	v15 =	vadd.f32 v15, v53  }
0x33d: {  	v20 =	vld.idx.msk [tilespmem:v25+s19+$0x0], $0xffff  }
0x33e: {  	v25 =	vld [tilespmem:s13+$0xFFFFF8E0];
	[tilespmem:v63+s1+$0x0] =	vst.idx.msk $0xffff, v15  }
0x33f: {  	v15 =	vld.idx.msk [tilespmem:v60+s19+$0x0], $0xffff  }
0x340: {  	v60 =	vld [tilespmem:s13+$0xFFFFFCE0];
	_ =	sdelay $0x1  }
0x341: {  	v62 =	vadd.s32 v22, v1  }
0x342: {  	v20 =	vadd.f32 v25, v20;
	v25 =	vor.u32 v6, v59  }
0x343: {  	v63 =	vadd.s32 v22, v10  }
0x344: {  	v20 =	vadd.f32 v20, v54;
	v15 =	vadd.f32 v60, v15;
	v60 =	vor.u32 v6, v61;
	_ =	sdelay $0x1  }
0x345: {  	[tilespmem:v62+s1+$0x0] =	vst.idx.msk $0xffff, v20;
	v15 =	vadd.f32 v15, v54  }
0x346: {  	v20 =	vld.idx.msk [tilespmem:v25+s19+$0x0], $0xffff  }
0x347: {  	v25 =	vld [tilespmem:s13+$0xFFFFF8F0];
	[tilespmem:v63+s1+$0x0] =	vst.idx.msk $0xffff, v15  }
0x348: {  	v15 =	vld.idx.msk [tilespmem:v60+s19+$0x0], $0xffff  }
0x349: {  	v60 =	vld [tilespmem:s13+$0xFFFFFCF0];
	_ =	sdelay $0x1  }
0x34a: {  	v62 =	vadd.s32 v23, v1  }
0x34b: {  	v20 =	vadd.f32 v25, v20;
	v25 =	vor.u32 v8, v59  }
0x34c: {  	v59 =	vadd.s32 v23, v10  }
0x34d: {  	v20 =	vadd.f32 v20, v55;
	v15 =	vadd.f32 v60, v15;
	v60 =	vor.u32 v8, v61;
	_ =	sdelay $0x1  }
0x34e: {  	[tilespmem:v62+s1+$0x0] =	vst.idx.msk $0xffff, v20;
	v15 =	vadd.f32 v15, v55  }
0x34f: {  	v20 =	vld.idx.msk [tilespmem:v25+s19+$0x0], $0xffff  }
0x350: {  	v25 =	vld [tilespmem:s13+$0xFFFFF900];
	[tilespmem:v59+s1+$0x0] =	vst.idx.msk $0xffff, v15  }
0x351: {  	v15 =	vld.idx.msk [tilespmem:v60+s19+$0x0], $0xffff  }
0x352: {  	v59 =	vperm.xlane v58, v45;
	v60 =	vld [tilespmem:s13+$0xFFFFFD00];
	_ =	sdelay $0x1  }
0x353: {  	v1 =	vadd.s32 v24, v1;
	v61 =	vperm.xlane v57, v45;
	v59 =	vshll.u32 v59, $0x6  }
0x354: {  	v20 =	vadd.f32 v25, v20;
	v25 =	vor.u32 v0, v59  }
0x355: {  	v10 =	vadd.s32 v24, v10;
	v61 =	vshll.u32 v61, $0x6  }
0x356: {  	v20 =	vadd.f32 v20, v56;
	v15 =	vadd.f32 v60, v15;
	v60 =	vor.u32 v0, v61;
	_ =	sdelay $0x1  }
0x357: {  	s23 =	sadd.s32 $0xFFFFFFE5, s11;
	[tilespmem:v1+s1+$0x0] =	vst.idx.msk $0xffff, v20;
	v1 =	vadd.f32 v15, v56  }
0x358: {  	v15 =	vmov s23;
	v20 =	vld.idx.msk [tilespmem:v25+s19+$0x0], $0xffff  }
0x359: {  	s23 =	sadd.s32 $0xFFFFFFF5, s11;
	v25 =	vld [tilespmem:s13+$0xFFFFF910];
	v15 =	vshrl.u32 v15, $0x3;
	[tilespmem:v10+s1+$0x0] =	vst.idx.msk $0xffff, v1  }
0x35a: {  	v1 =	vshll.u32 v15, v3;
	v10 =	vmov s23;
	v15 =	vld.idx.msk [tilespmem:v60+s19+$0x0], $0xffff  }
0x35b: {  	v1 =	vbroadcast v1, $0x0;
	v60 =	vld [tilespmem:s13+$0xFFFFFD10];
	v10 =	vshrl.u32 v10, $0x3  }
0x35c: {  	v10 =	vshll.u32 v10, v3  }
0x35d: {  	v62 =	vadd.s32 v26, v1;
	v10 =	vbroadcast v10, $0x0  }
0x35e: {  	v20 =	vadd.f32 v25, v20;
	v25 =	vor.u32 v4, v59  }
0x35f: {  	v63 =	vadd.s32 v26, v10  }
0x360: {  	v20 =	vadd.f32 v20, v53;
	v15 =	vadd.f32 v60, v15;
	v60 =	vor.u32 v4, v61;
	_ =	sdelay $0x1  }
0x361: {  	[tilespmem:v62+s1+$0x0] =	vst.idx.msk $0xffff, v20;
	v15 =	vadd.f32 v15, v53  }
0x362: {  	v20 =	vld.idx.msk [tilespmem:v25+s19+$0x0], $0xffff  }
0x363: {  	v25 =	vld [tilespmem:s13+$0xFFFFF920];
	[tilespmem:v63+s1+$0x0] =	vst.idx.msk $0xffff, v15  }
0x364: {  	v15 =	vld.idx.msk [tilespmem:v60+s19+$0x0], $0xffff  }
0x365: {  	v60 =	vld [tilespmem:s13+$0xFFFFFD20];
	_ =	sdelay $0x1  }
0x366: {  	v62 =	vadd.s32 v27, v1  }
0x367: {  	v20 =	vadd.f32 v25, v20;
	v25 =	vor.u32 v6, v59  }
0x368: {  	v63 =	vadd.s32 v27, v10  }
0x369: {  	v20 =	vadd.f32 v20, v54;
	v15 =	vadd.f32 v60, v15;
	v60 =	vor.u32 v6, v61;
	_ =	sdelay $0x1  }
0x36a: {  	[tilespmem:v62+s1+$0x0] =	vst.idx.msk $0xffff, v20;
	v15 =	vadd.f32 v15, v54  }
0x36b: {  	v20 =	vld.idx.msk [tilespmem:v25+s19+$0x0], $0xffff  }
0x36c: {  	v25 =	vld [tilespmem:s13+$0xFFFFF930];
	[tilespmem:v63+s1+$0x0] =	vst.idx.msk $0xffff, v15  }
0x36d: {  	v15 =	vld.idx.msk [tilespmem:v60+s19+$0x0], $0xffff  }
0x36e: {  	v60 =	vld [tilespmem:s13+$0xFFFFFD30];
	_ =	sdelay $0x1  }
0x36f: {  	v62 =	vadd.s32 v28, v1  }
0x370: {  	v20 =	vadd.f32 v25, v20;
	v25 =	vor.u32 v8, v59  }
0x371: {  	v59 =	vadd.s32 v28, v10  }
0x372: {  	v20 =	vadd.f32 v20, v55;
	v15 =	vadd.f32 v60, v15;
	v60 =	vor.u32 v8, v61;
	_ =	sdelay $0x1  }
0x373: {  	[tilespmem:v62+s1+$0x0] =	vst.idx.msk $0xffff, v20;
	v15 =	vadd.f32 v15, v55  }
0x374: {  	v20 =	vld.idx.msk [tilespmem:v25+s19+$0x0], $0xffff  }
0x375: {  	v25 =	vld [tilespmem:s13+$0xFFFFF940];
	[tilespmem:v59+s1+$0x0] =	vst.idx.msk $0xffff, v15  }
0x376: {  	v15 =	vld.idx.msk [tilespmem:v60+s19+$0x0], $0xffff  }
0x377: {  	v59 =	vperm.xlane v58, v46;
	v60 =	vld [tilespmem:s13+$0xFFFFFD40];
	_ =	sdelay $0x1  }
0x378: {  	v1 =	vadd.s32 v29, v1;
	v61 =	vperm.xlane v57, v46;
	v59 =	vshll.u32 v59, $0x6  }
0x379: {  	v20 =	vadd.f32 v25, v20;
	v25 =	vor.u32 v0, v59  }
0x37a: {  	v10 =	vadd.s32 v29, v10;
	v61 =	vshll.u32 v61, $0x6  }
0x37b: {  	v20 =	vadd.f32 v20, v56;
	v15 =	vadd.f32 v60, v15;
	v60 =	vor.u32 v0, v61;
	_ =	sdelay $0x1  }
0x37c: {  	s23 =	sadd.s32 $0xFFFFFFE6, s11;
	[tilespmem:v1+s1+$0x0] =	vst.idx.msk $0xffff, v20;
	v1 =	vadd.f32 v15, v56  }
0x37d: {  	v15 =	vmov s23;
	v20 =	vld.idx.msk [tilespmem:v25+s19+$0x0], $0xffff  }
0x37e: {  	s23 =	sadd.s32 $0xFFFFFFF6, s11;
	v25 =	vld [tilespmem:s13+$0xFFFFF950];
	v15 =	vshrl.u32 v15, $0x3;
	[tilespmem:v10+s1+$0x0] =	vst.idx.msk $0xffff, v1  }
0x37f: {  	v1 =	vshll.u32 v15, v3;
	v10 =	vmov s23;
	v15 =	vld.idx.msk [tilespmem:v60+s19+$0x0], $0xffff  }
0x380: {  	v1 =	vbroadcast v1, $0x0;
	v60 =	vld [tilespmem:s13+$0xFFFFFD50];
	v10 =	vshrl.u32 v10, $0x3  }
0x381: {  	v10 =	vshll.u32 v10, v3  }
0x382: {  	v62 =	vadd.s32 v31, v1;
	v10 =	vbroadcast v10, $0x0  }
0x383: {  	v20 =	vadd.f32 v25, v20;
	v25 =	vor.u32 v4, v59  }
0x384: {  	v63 =	vadd.s32 v31, v10  }
0x385: {  	v20 =	vadd.f32 v20, v53;
	v15 =	vadd.f32 v60, v15;
	v60 =	vor.u32 v4, v61;
	_ =	sdelay $0x1  }
0x386: {  	[tilespmem:v62+s1+$0x0] =	vst.idx.msk $0xffff, v20;
	v15 =	vadd.f32 v15, v53  }
0x387: {  	v20 =	vld.idx.msk [tilespmem:v25+s19+$0x0], $0xffff  }
0x388: {  	v25 =	vld [tilespmem:s13+$0xFFFFF960];
	[tilespmem:v63+s1+$0x0] =	vst.idx.msk $0xffff, v15  }
0x389: {  	v15 =	vld.idx.msk [tilespmem:v60+s19+$0x0], $0xffff  }
0x38a: {  	v60 =	vld [tilespmem:s13+$0xFFFFFD60];
	_ =	sdelay $0x1  }
0x38b: {  	v62 =	vadd.s32 v32, v1  }
0x38c: {  	v20 =	vadd.f32 v25, v20;
	v25 =	vor.u32 v6, v59  }
0x38d: {  	v63 =	vadd.s32 v32, v10  }
0x38e: {  	v20 =	vadd.f32 v20, v54;
	v15 =	vadd.f32 v60, v15;
	v60 =	vor.u32 v6, v61;
	_ =	sdelay $0x1  }
0x38f: {  	[tilespmem:v62+s1+$0x0] =	vst.idx.msk $0xffff, v20;
	v15 =	vadd.f32 v15, v54  }
0x390: {  	v20 =	vld.idx.msk [tilespmem:v25+s19+$0x0], $0xffff  }
0x391: {  	v25 =	vld [tilespmem:s13+$0xFFFFF970];
	[tilespmem:v63+s1+$0x0] =	vst.idx.msk $0xffff, v15  }
0x392: {  	v15 =	vld.idx.msk [tilespmem:v60+s19+$0x0], $0xffff  }
0x393: {  	v60 =	vld [tilespmem:s13+$0xFFFFFD70];
	_ =	sdelay $0x1  }
0x394: {  	v62 =	vadd.s32 v33, v1  }
0x395: {  	v20 =	vadd.f32 v25, v20;
	v25 =	vor.u32 v8, v59  }
0x396: {  	v59 =	vadd.s32 v33, v10  }
0x397: {  	v20 =	vadd.f32 v20, v55;
	v15 =	vadd.f32 v60, v15;
	v60 =	vor.u32 v8, v61;
	_ =	sdelay $0x1  }
0x398: {  	[tilespmem:v62+s1+$0x0] =	vst.idx.msk $0xffff, v20;
	v15 =	vadd.f32 v15, v55  }
0x399: {  	v20 =	vld.idx.msk [tilespmem:v25+s19+$0x0], $0xffff  }
0x39a: {  	v25 =	vld [tilespmem:s13+$0xFFFFF980];
	[tilespmem:v59+s1+$0x0] =	vst.idx.msk $0xffff, v15  }
0x39b: {  	v15 =	vld.idx.msk [tilespmem:v60+s19+$0x0], $0xffff  }
0x39c: {  	v59 =	vperm.xlane v58, v47;
	v60 =	vld [tilespmem:s13+$0xFFFFFD80];
	_ =	sdelay $0x1  }
0x39d: {  	v1 =	vadd.s32 v34, v1;
	v61 =	vperm.xlane v57, v47;
	v59 =	vshll.u32 v59, $0x6  }
0x39e: {  	v20 =	vadd.f32 v25, v20;
	v25 =	vor.u32 v0, v59  }
0x39f: {  	v10 =	vadd.s32 v34, v10;
	v61 =	vshll.u32 v61, $0x6  }
0x3a0: {  	v20 =	vadd.f32 v20, v56;
	v15 =	vadd.f32 v60, v15;
	v60 =	vor.u32 v0, v61;
	_ =	sdelay $0x1  }
0x3a1: {  	s23 =	sadd.s32 $0xFFFFFFE7, s11;
	[tilespmem:v1+s1+$0x0] =	vst.idx.msk $0xffff, v20;
	v1 =	vadd.f32 v15, v56  }
0x3a2: {  	v15 =	vmov s23;
	v20 =	vld.idx.msk [tilespmem:v25+s19+$0x0], $0xffff  }
0x3a3: {  	s23 =	sadd.s32 $0xFFFFFFF7, s11;
	v25 =	vld [tilespmem:s13+$0xFFFFF990];
	v15 =	vshrl.u32 v15, $0x3;
	[tilespmem:v10+s1+$0x0] =	vst.idx.msk $0xffff, v1  }
0x3a4: {  	v1 =	vshll.u32 v15, v3;
	v10 =	vmov s23;
	v15 =	vld.idx.msk [tilespmem:v60+s19+$0x0], $0xffff  }
0x3a5: {  	v1 =	vbroadcast v1, $0x0;
	v60 =	vld [tilespmem:s13+$0xFFFFFD90];
	v10 =	vshrl.u32 v10, $0x3  }
0x3a6: {  	v10 =	vshll.u32 v10, v3  }
0x3a7: {  	v62 =	vadd.s32 v36, v1;
	v10 =	vbroadcast v10, $0x0  }
0x3a8: {  	v20 =	vadd.f32 v25, v20;
	v25 =	vor.u32 v4, v59  }
0x3a9: {  	v63 =	vadd.s32 v36, v10  }
0x3aa: {  	v20 =	vadd.f32 v20, v53;
	v15 =	vadd.f32 v60, v15;
	v60 =	vor.u32 v4, v61;
	_ =	sdelay $0x1  }
0x3ab: {  	[tilespmem:v62+s1+$0x0] =	vst.idx.msk $0xffff, v20;
	v15 =	vadd.f32 v15, v53  }
0x3ac: {  	v20 =	vld.idx.msk [tilespmem:v25+s19+$0x0], $0xffff  }
0x3ad: {  	v25 =	vld [tilespmem:s13+$0xFFFFF9A0];
	[tilespmem:v63+s1+$0x0] =	vst.idx.msk $0xffff, v15  }
0x3ae: {  	v15 =	vld.idx.msk [tilespmem:v60+s19+$0x0], $0xffff  }
0x3af: {  	v60 =	vld [tilespmem:s13+$0xFFFFFDA0];
	_ =	sdelay $0x1  }
0x3b0: {  	v62 =	vadd.s32 v37, v1  }
0x3b1: {  	v20 =	vadd.f32 v25, v20;
	v25 =	vor.u32 v6, v59  }
0x3b2: {  	v63 =	vadd.s32 v37, v10  }
0x3b3: {  	v20 =	vadd.f32 v20, v54;
	v15 =	vadd.f32 v60, v15;
	v60 =	vor.u32 v6, v61;
	_ =	sdelay $0x1  }
0x3b4: {  	[tilespmem:v62+s1+$0x0] =	vst.idx.msk $0xffff, v20;
	v15 =	vadd.f32 v15, v54  }
0x3b5: {  	v20 =	vld.idx.msk [tilespmem:v25+s19+$0x0], $0xffff  }
0x3b6: {  	v25 =	vld [tilespmem:s13+$0xFFFFF9B0];
	[tilespmem:v63+s1+$0x0] =	vst.idx.msk $0xffff, v15  }
0x3b7: {  	v15 =	vld.idx.msk [tilespmem:v60+s19+$0x0], $0xffff  }
0x3b8: {  	v60 =	vld [tilespmem:s13+$0xFFFFFDB0];
	_ =	sdelay $0x1  }
0x3b9: {  	v62 =	vadd.s32 v38, v1  }
0x3ba: {  	v20 =	vadd.f32 v25, v20;
	v25 =	vor.u32 v8, v59  }
0x3bb: {  	v59 =	vadd.s32 v38, v10  }
0x3bc: {  	v20 =	vadd.f32 v20, v55;
	v15 =	vadd.f32 v60, v15;
	v60 =	vor.u32 v8, v61;
	_ =	sdelay $0x1  }
0x3bd: {  	[tilespmem:v62+s1+$0x0] =	vst.idx.msk $0xffff, v20;
	v15 =	vadd.f32 v15, v55  }
0x3be: {  	v20 =	vld.idx.msk [tilespmem:v25+s19+$0x0], $0xffff  }
0x3bf: {  	v25 =	vld [tilespmem:s13+$0xFFFFF9C0];
	[tilespmem:v59+s1+$0x0] =	vst.idx.msk $0xffff, v15  }
0x3c0: {  	v15 =	vld.idx.msk [tilespmem:v60+s19+$0x0], $0xffff  }
0x3c1: {  	v59 =	vperm.xlane v58, v48;
	v60 =	vld [tilespmem:s13+$0xFFFFFDC0];
	_ =	sdelay $0x1  }
0x3c2: {  	v1 =	vadd.s32 v39, v1;
	v61 =	vperm.xlane v57, v48;
	v59 =	vshll.u32 v59, $0x6  }
0x3c3: {  	v20 =	vadd.f32 v25, v20;
	v25 =	vor.u32 v0, v59  }
0x3c4: {  	v10 =	vadd.s32 v39, v10;
	v61 =	vshll.u32 v61, $0x6  }
0x3c5: {  	v20 =	vadd.f32 v20, v56;
	v15 =	vadd.f32 v60, v15;
	v60 =	vor.u32 v0, v61;
	_ =	sdelay $0x1  }
0x3c6: {  	s23 =	sadd.s32 $0xFFFFFFE8, s11;
	[tilespmem:v1+s1+$0x0] =	vst.idx.msk $0xffff, v20;
	v1 =	vadd.f32 v15, v56  }
0x3c7: {  	v15 =	vmov s23;
	v20 =	vld.idx.msk [tilespmem:v25+s19+$0x0], $0xffff  }
0x3c8: {  	s23 =	sadd.s32 $0xFFFFFFF8, s11;
	v25 =	vld [tilespmem:s13+$0xFFFFF9D0];
	v15 =	vshrl.u32 v15, $0x3;
	[tilespmem:v10+s1+$0x0] =	vst.idx.msk $0xffff, v1  }
0x3c9: {  	v1 =	vshll.u32 v15, v3;
	v10 =	vmov s23;
	v15 =	vld.idx.msk [tilespmem:v60+s19+$0x0], $0xffff  }
0x3ca: {  	v1 =	vbroadcast v1, $0x0;
	v60 =	vld [tilespmem:s13+$0xFFFFFDD0];
	v10 =	vshrl.u32 v10, $0x3  }
0x3cb: {  	v10 =	vshll.u32 v10, v3  }
0x3cc: {  	v62 =	vadd.s32 v41, v1;
	v10 =	vbroadcast v10, $0x0  }
0x3cd: {  	v20 =	vadd.f32 v25, v20;
	v25 =	vor.u32 v4, v59  }
0x3ce: {  	v63 =	vadd.s32 v41, v10  }
0x3cf: {  	v20 =	vadd.f32 v20, v53;
	v15 =	vadd.f32 v60, v15;
	v60 =	vor.u32 v4, v61;
	_ =	sdelay $0x1  }
0x3d0: {  	[tilespmem:v62+s1+$0x0] =	vst.idx.msk $0xffff, v20;
	v15 =	vadd.f32 v15, v53  }
0x3d1: {  	v20 =	vld.idx.msk [tilespmem:v25+s19+$0x0], $0xffff  }
0x3d2: {  	v25 =	vld [tilespmem:s13+$0xFFFFF9E0];
	[tilespmem:v63+s1+$0x0] =	vst.idx.msk $0xffff, v15  }
0x3d3: {  	v15 =	vld.idx.msk [tilespmem:v60+s19+$0x0], $0xffff  }
0x3d4: {  	v60 =	vld [tilespmem:s13+$0xFFFFFDE0];
	_ =	sdelay $0x1  }
0x3d5: {  	v62 =	vadd.s32 v42, v1  }
0x3d6: {  	v20 =	vadd.f32 v25, v20;
	v25 =	vor.u32 v6, v59  }
0x3d7: {  	v63 =	vadd.s32 v42, v10  }
0x3d8: {  	v20 =	vadd.f32 v20, v54;
	v15 =	vadd.f32 v60, v15;
	v60 =	vor.u32 v6, v61;
	_ =	sdelay $0x1  }
0x3d9: {  	[tilespmem:v62+s1+$0x0] =	vst.idx.msk $0xffff, v20;
	v15 =	vadd.f32 v15, v54  }
0x3da: {  	v20 =	vld.idx.msk [tilespmem:v25+s19+$0x0], $0xffff  }
0x3db: {  	v25 =	vld [tilespmem:s13+$0xFFFFF9F0];
	[tilespmem:v63+s1+$0x0] =	vst.idx.msk $0xffff, v15  }
0x3dc: {  	v15 =	vld.idx.msk [tilespmem:v60+s19+$0x0], $0xffff  }
0x3dd: {  	v60 =	vld [tilespmem:s13+$0xFFFFFDF0];
	_ =	sdelay $0x1  }
0x3de: {  	v62 =	vadd.s32 v43, v1  }
0x3df: {  	v20 =	vadd.f32 v25, v20;
	v25 =	vor.u32 v8, v59  }
0x3e0: {  	v59 =	vadd.s32 v43, v10  }
0x3e1: {  	v20 =	vadd.f32 v20, v55;
	v15 =	vadd.f32 v60, v15;
	v60 =	vor.u32 v8, v61;
	_ =	sdelay $0x1  }
0x3e2: {  	[tilespmem:v62+s1+$0x0] =	vst.idx.msk $0xffff, v20;
	v15 =	vadd.f32 v15, v55  }
0x3e3: {  	v20 =	vld.idx.msk [tilespmem:v25+s19+$0x0], $0xffff  }
0x3e4: {  	v25 =	vld [tilespmem:s13+$0xFFFFFA00];
	[tilespmem:v59+s1+$0x0] =	vst.idx.msk $0xffff, v15  }
0x3e5: {  	v15 =	vld.idx.msk [tilespmem:v60+s19+$0x0], $0xffff  }
0x3e6: {  	v59 =	vperm.xlane v58, v49;
	v60 =	vld [tilespmem:s13+$0xFFFFFE00];
	_ =	sdelay $0x1  }
0x3e7: {  	v1 =	vadd.s32 v44, v1;
	v61 =	vperm.xlane v57, v49;
	v59 =	vshll.u32 v59, $0x6  }
0x3e8: {  	v20 =	vadd.f32 v25, v20;
	v25 =	vor.u32 v0, v59  }
0x3e9: {  	v10 =	vadd.s32 v44, v10;
	v61 =	vshll.u32 v61, $0x6  }
0x3ea: {  	v20 =	vadd.f32 v20, v56;
	v15 =	vadd.f32 v60, v15;
	v60 =	vor.u32 v0, v61;
	_ =	sdelay $0x1  }
0x3eb: {  	s23 =	sadd.s32 $0xFFFFFFE9, s11;
	[tilespmem:v1+s1+$0x0] =	vst.idx.msk $0xffff, v20;
	v1 =	vadd.f32 v15, v56  }
0x3ec: {  	v15 =	vmov s23;
	v20 =	vld.idx.msk [tilespmem:v25+s19+$0x0], $0xffff  }
0x3ed: {  	s23 =	sadd.s32 $0xFFFFFFF9, s11;
	v25 =	vld [tilespmem:s13+$0xFFFFFA10];
	v15 =	vshrl.u32 v15, $0x3;
	[tilespmem:v10+s1+$0x0] =	vst.idx.msk $0xffff, v1  }
0x3ee: {  	v1 =	vshll.u32 v15, v3;
	v10 =	vmov s23;
	v15 =	vld.idx.msk [tilespmem:v60+s19+$0x0], $0xffff  }
0x3ef: {  	v1 =	vbroadcast v1, $0x0;
	v60 =	vld [tilespmem:s13+$0xFFFFFE10];
	v10 =	vshrl.u32 v10, $0x3  }
0x3f0: {  	v10 =	vshll.u32 v10, v3  }
0x3f1: {  	v62 =	vadd.s32 v2, v1;
	v10 =	vbroadcast v10, $0x0  }
0x3f2: {  	v20 =	vadd.f32 v25, v20;
	v25 =	vor.u32 v4, v59  }
0x3f3: {  	v63 =	vadd.s32 v2, v10  }
0x3f4: {  	v20 =	vadd.f32 v20, v53;
	v15 =	vadd.f32 v60, v15;
	v60 =	vor.u32 v4, v61;
	_ =	sdelay $0x1  }
0x3f5: {  	[tilespmem:v62+s1+$0x0] =	vst.idx.msk $0xffff, v20;
	v15 =	vadd.f32 v15, v53  }
0x3f6: {  	v20 =	vld.idx.msk [tilespmem:v25+s19+$0x0], $0xffff  }
0x3f7: {  	v25 =	vld [tilespmem:s13+$0xFFFFFA20];
	[tilespmem:v63+s1+$0x0] =	vst.idx.msk $0xffff, v15  }
0x3f8: {  	v15 =	vld.idx.msk [tilespmem:v60+s19+$0x0], $0xffff  }
0x3f9: {  	v60 =	vld [tilespmem:s13+$0xFFFFFE20];
	_ =	sdelay $0x1  }
0x3fa: {  	v62 =	vadd.s32 v5, v1  }
0x3fb: {  	v20 =	vadd.f32 v25, v20;
	v25 =	vor.u32 v6, v59  }
0x3fc: {  	v63 =	vadd.s32 v5, v10  }
0x3fd: {  	v20 =	vadd.f32 v20, v54;
	v15 =	vadd.f32 v60, v15;
	v60 =	vor.u32 v6, v61;
	_ =	sdelay $0x1  }
0x3fe: {  	[tilespmem:v62+s1+$0x0] =	vst.idx.msk $0xffff, v20;
	v15 =	vadd.f32 v15, v54  }
0x3ff: {  	v20 =	vld.idx.msk [tilespmem:v25+s19+$0x0], $0xffff  }
0x400: {  	v25 =	vld [tilespmem:s13+$0xFFFFFA30];
	[tilespmem:v63+s1+$0x0] =	vst.idx.msk $0xffff, v15  }
0x401: {  	v15 =	vld.idx.msk [tilespmem:v60+s19+$0x0], $0xffff  }
0x402: {  	v60 =	vld [tilespmem:s13+$0xFFFFFE30];
	_ =	sdelay $0x1  }
0x403: {  	v62 =	vadd.s32 v7, v1  }
0x404: {  	v20 =	vadd.f32 v25, v20;
	v25 =	vor.u32 v8, v59  }
0x405: {  	v59 =	vadd.s32 v7, v10  }
0x406: {  	v20 =	vadd.f32 v20, v55;
	v15 =	vadd.f32 v60, v15;
	v60 =	vor.u32 v8, v61;
	_ =	sdelay $0x1  }
0x407: {  	[tilespmem:v62+s1+$0x0] =	vst.idx.msk $0xffff, v20;
	v15 =	vadd.f32 v15, v55  }
0x408: {  	v20 =	vld.idx.msk [tilespmem:v25+s19+$0x0], $0xffff  }
0x409: {  	v25 =	vld [tilespmem:s13+$0xFFFFFA40];
	[tilespmem:v59+s1+$0x0] =	vst.idx.msk $0xffff, v15  }
0x40a: {  	v15 =	vld.idx.msk [tilespmem:v60+s19+$0x0], $0xffff  }
0x40b: {  	v59 =	vperm.xlane v58, v50;
	v60 =	vld [tilespmem:s13+$0xFFFFFE40];
	_ =	sdelay $0x1  }
0x40c: {  	v1 =	vadd.s32 v9, v1;
	v61 =	vperm.xlane v57, v50;
	v59 =	vshll.u32 v59, $0x6  }
0x40d: {  	v20 =	vadd.f32 v25, v20;
	v25 =	vor.u32 v0, v59  }
0x40e: {  	v10 =	vadd.s32 v9, v10;
	v61 =	vshll.u32 v61, $0x6  }
0x40f: {  	v20 =	vadd.f32 v20, v56;
	v15 =	vadd.f32 v60, v15;
	v60 =	vor.u32 v0, v61;
	_ =	sdelay $0x1  }
0x410: {  	s23 =	sadd.s32 $0xFFFFFFEA, s11;
	[tilespmem:v1+s1+$0x0] =	vst.idx.msk $0xffff, v20;
	v1 =	vadd.f32 v15, v56  }
0x411: {  	v15 =	vmov s23;
	v20 =	vld.idx.msk [tilespmem:v25+s19+$0x0], $0xffff  }
0x412: {  	s23 =	sadd.s32 $0xFFFFFFFA, s11;
	v25 =	vld [tilespmem:s13+$0xFFFFFA50];
	v15 =	vshrl.u32 v15, $0x3;
	[tilespmem:v10+s1+$0x0] =	vst.idx.msk $0xffff, v1  }
0x413: {  	v1 =	vshll.u32 v15, v3;
	v10 =	vmov s23;
	v15 =	vld.idx.msk [tilespmem:v60+s19+$0x0], $0xffff  }
0x414: {  	v1 =	vbroadcast v1, $0x0;
	v60 =	vld [tilespmem:s13+$0xFFFFFE50];
	v10 =	vshrl.u32 v10, $0x3  }
0x415: {  	v10 =	vshll.u32 v10, v3  }
0x416: {  	v62 =	vadd.s32 v11, v1;
	v10 =	vbroadcast v10, $0x0  }
0x417: {  	v20 =	vadd.f32 v25, v20;
	v25 =	vor.u32 v4, v59  }
0x418: {  	v63 =	vadd.s32 v11, v10  }
0x419: {  	v20 =	vadd.f32 v20, v53;
	v15 =	vadd.f32 v60, v15;
	v60 =	vor.u32 v4, v61;
	_ =	sdelay $0x1  }
0x41a: {  	[tilespmem:v62+s1+$0x0] =	vst.idx.msk $0xffff, v20;
	v15 =	vadd.f32 v15, v53  }
0x41b: {  	v20 =	vld.idx.msk [tilespmem:v25+s19+$0x0], $0xffff  }
0x41c: {  	v25 =	vld [tilespmem:s13+$0xFFFFFA60];
	[tilespmem:v63+s1+$0x0] =	vst.idx.msk $0xffff, v15  }
0x41d: {  	v15 =	vld.idx.msk [tilespmem:v60+s19+$0x0], $0xffff  }
0x41e: {  	v60 =	vld [tilespmem:s13+$0xFFFFFE60];
	_ =	sdelay $0x1  }
0x41f: {  	v62 =	vadd.s32 v12, v1  }
0x420: {  	v20 =	vadd.f32 v25, v20;
	v25 =	vor.u32 v6, v59  }
0x421: {  	v63 =	vadd.s32 v12, v10  }
0x422: {  	v20 =	vadd.f32 v20, v54;
	v15 =	vadd.f32 v60, v15;
	v60 =	vor.u32 v6, v61;
	_ =	sdelay $0x1  }
0x423: {  	[tilespmem:v62+s1+$0x0] =	vst.idx.msk $0xffff, v20;
	v15 =	vadd.f32 v15, v54  }
0x424: {  	v20 =	vld.idx.msk [tilespmem:v25+s19+$0x0], $0xffff  }
0x425: {  	v25 =	vld [tilespmem:s13+$0xFFFFFA70];
	[tilespmem:v63+s1+$0x0] =	vst.idx.msk $0xffff, v15  }
0x426: {  	v15 =	vld.idx.msk [tilespmem:v60+s19+$0x0], $0xffff  }
0x427: {  	v60 =	vld [tilespmem:s13+$0xFFFFFE70];
	_ =	sdelay $0x1  }
0x428: {  	v62 =	vadd.s32 v13, v1  }
0x429: {  	v20 =	vadd.f32 v25, v20;
	v25 =	vor.u32 v8, v59  }
0x42a: {  	v59 =	vadd.s32 v13, v10  }
0x42b: {  	v20 =	vadd.f32 v20, v55;
	v15 =	vadd.f32 v60, v15;
	v60 =	vor.u32 v8, v61;
	_ =	sdelay $0x1  }
0x42c: {  	[tilespmem:v62+s1+$0x0] =	vst.idx.msk $0xffff, v20;
	v15 =	vadd.f32 v15, v55  }
0x42d: {  	v20 =	vld.idx.msk [tilespmem:v25+s19+$0x0], $0xffff  }
0x42e: {  	v25 =	vld [tilespmem:s13+$0xFFFFFA80];
	[tilespmem:v59+s1+$0x0] =	vst.idx.msk $0xffff, v15  }
0x42f: {  	v15 =	vld.idx.msk [tilespmem:v60+s19+$0x0], $0xffff  }
0x430: {  	v59 =	vperm.xlane v58, v51;
	v60 =	vld [tilespmem:s13+$0xFFFFFE80];
	_ =	sdelay $0x1  }
0x431: {  	v1 =	vadd.s32 v14, v1;
	v61 =	vperm.xlane v57, v51;
	v59 =	vshll.u32 v59, $0x6  }
0x432: {  	v20 =	vadd.f32 v25, v20;
	v25 =	vor.u32 v0, v59  }
0x433: {  	v10 =	vadd.s32 v14, v10;
	v61 =	vshll.u32 v61, $0x6  }
0x434: {  	v20 =	vadd.f32 v20, v56;
	v15 =	vadd.f32 v60, v15;
	v60 =	vor.u32 v0, v61;
	_ =	sdelay $0x1  }
0x435: {  	s23 =	sadd.s32 $0xFFFFFFEB, s11;
	[tilespmem:v1+s1+$0x0] =	vst.idx.msk $0xffff, v20;
	v1 =	vadd.f32 v15, v56  }
0x436: {  	v15 =	vmov s23;
	v20 =	vld.idx.msk [tilespmem:v25+s19+$0x0], $0xffff  }
0x437: {  	s23 =	sadd.s32 $0xFFFFFFFB, s11;
	v25 =	vld [tilespmem:s13+$0xFFFFFA90];
	v15 =	vshrl.u32 v15, $0x3;
	[tilespmem:v10+s1+$0x0] =	vst.idx.msk $0xffff, v1  }
0x438: {  	v1 =	vshll.u32 v15, v3;
	v10 =	vmov s23;
	v15 =	vld.idx.msk [tilespmem:v60+s19+$0x0], $0xffff  }
0x439: {  	v1 =	vbroadcast v1, $0x0;
	v60 =	vld [tilespmem:s13+$0xFFFFFE90];
	v10 =	vshrl.u32 v10, $0x3  }
0x43a: {  	v10 =	vshll.u32 v10, v3  }
0x43b: {  	v62 =	vadd.s32 v16, v1;
	v10 =	vbroadcast v10, $0x0  }
0x43c: {  	v20 =	vadd.f32 v25, v20;
	v25 =	vor.u32 v4, v59  }
0x43d: {  	v63 =	vadd.s32 v16, v10  }
0x43e: {  	v20 =	vadd.f32 v20, v53;
	v15 =	vadd.f32 v60, v15;
	v60 =	vor.u32 v4, v61;
	_ =	sdelay $0x1  }
0x43f: {  	[tilespmem:v62+s1+$0x0] =	vst.idx.msk $0xffff, v20;
	v15 =	vadd.f32 v15, v53  }
0x440: {  	v20 =	vld.idx.msk [tilespmem:v25+s19+$0x0], $0xffff  }
0x441: {  	v25 =	vld [tilespmem:s13+$0xFFFFFAA0];
	[tilespmem:v63+s1+$0x0] =	vst.idx.msk $0xffff, v15  }
0x442: {  	v15 =	vld.idx.msk [tilespmem:v60+s19+$0x0], $0xffff  }
0x443: {  	v60 =	vld [tilespmem:s13+$0xFFFFFEA0];
	_ =	sdelay $0x1  }
0x444: {  	v62 =	vadd.s32 v17, v1  }
0x445: {  	v20 =	vadd.f32 v25, v20;
	v25 =	vor.u32 v6, v59  }
0x446: {  	v63 =	vadd.s32 v17, v10  }
0x447: {  	v20 =	vadd.f32 v20, v54;
	v15 =	vadd.f32 v60, v15;
	v60 =	vor.u32 v6, v61;
	_ =	sdelay $0x1  }
0x448: {  	[tilespmem:v62+s1+$0x0] =	vst.idx.msk $0xffff, v20;
	v15 =	vadd.f32 v15, v54  }
0x449: {  	v20 =	vld.idx.msk [tilespmem:v25+s19+$0x0], $0xffff  }
0x44a: {  	v25 =	vld [tilespmem:s13+$0xFFFFFAB0];
	[tilespmem:v63+s1+$0x0] =	vst.idx.msk $0xffff, v15  }
0x44b: {  	v15 =	vld.idx.msk [tilespmem:v60+s19+$0x0], $0xffff  }
0x44c: {  	v60 =	vld [tilespmem:s13+$0xFFFFFEB0];
	_ =	sdelay $0x1  }
0x44d: {  	v62 =	vadd.s32 v18, v1  }
0x44e: {  	v20 =	vadd.f32 v25, v20;
	v25 =	vor.u32 v8, v59  }
0x44f: {  	v59 =	vadd.s32 v18, v10  }
0x450: {  	v20 =	vadd.f32 v20, v55;
	v15 =	vadd.f32 v60, v15;
	v60 =	vor.u32 v8, v61;
	_ =	sdelay $0x1  }
0x451: {  	[tilespmem:v62+s1+$0x0] =	vst.idx.msk $0xffff, v20;
	v15 =	vadd.f32 v15, v55  }
0x452: {  	v20 =	vld.idx.msk [tilespmem:v25+s19+$0x0], $0xffff  }
0x453: {  	v25 =	vld [tilespmem:s13+$0xFFFFFAC0];
	[tilespmem:v59+s1+$0x0] =	vst.idx.msk $0xffff, v15  }
0x454: {  	v15 =	vld.idx.msk [tilespmem:v60+s19+$0x0], $0xffff  }
0x455: {  	v59 =	vperm.xlane v58, v52;
	v60 =	vld [tilespmem:s13+$0xFFFFFEC0];
	_ =	sdelay $0x1  }
0x456: {  	v1 =	vadd.s32 v19, v1;
	v61 =	vperm.xlane v57, v52;
	v59 =	vshll.u32 v59, $0x6  }
0x457: {  	v20 =	vadd.f32 v25, v20;
	v25 =	vor.u32 v0, v59  }
0x458: {  	v10 =	vadd.s32 v19, v10;
	v61 =	vshll.u32 v61, $0x6  }
0x459: {  	v20 =	vadd.f32 v20, v56;
	v15 =	vadd.f32 v60, v15;
	v60 =	vor.u32 v0, v61;
	_ =	sdelay $0x1  }
0x45a: {  	s23 =	sadd.s32 $0xFFFFFFEC, s11;
	[tilespmem:v1+s1+$0x0] =	vst.idx.msk $0xffff, v20;
	v1 =	vadd.f32 v15, v56  }
0x45b: {  	v15 =	vmov s23;
	v20 =	vld.idx.msk [tilespmem:v25+s19+$0x0], $0xffff  }
0x45c: {  	s23 =	sadd.s32 $0xFFFFFFFC, s11;
	v25 =	vld [tilespmem:s13+$0xFFFFFAD0];
	v15 =	vshrl.u32 v15, $0x3;
	[tilespmem:v10+s1+$0x0] =	vst.idx.msk $0xffff, v1  }
0x45d: {  	v1 =	vshll.u32 v15, v3;
	v10 =	vmov s23;
	v15 =	vld.idx.msk [tilespmem:v60+s19+$0x0], $0xffff  }
0x45e: {  	v1 =	vbroadcast v1, $0x0;
	v60 =	vld [tilespmem:s13+$0xFFFFFED0];
	v10 =	vshrl.u32 v10, $0x3  }
0x45f: {  	v10 =	vshll.u32 v10, v3  }
0x460: {  	v62 =	vadd.s32 v21, v1;
	v10 =	vbroadcast v10, $0x0  }
0x461: {  	v20 =	vadd.f32 v25, v20;
	v25 =	vor.u32 v4, v59  }
0x462: {  	v63 =	vadd.s32 v21, v10  }
0x463: {  	v20 =	vadd.f32 v20, v53;
	v15 =	vadd.f32 v60, v15;
	v60 =	vor.u32 v4, v61;
	_ =	sdelay $0x1  }
0x464: {  	[tilespmem:v62+s1+$0x0] =	vst.idx.msk $0xffff, v20;
	v15 =	vadd.f32 v15, v53  }
0x465: {  	v20 =	vld.idx.msk [tilespmem:v25+s19+$0x0], $0xffff  }
0x466: {  	v25 =	vld [tilespmem:s13+$0xFFFFFAE0];
	[tilespmem:v63+s1+$0x0] =	vst.idx.msk $0xffff, v15  }
0x467: {  	v15 =	vld.idx.msk [tilespmem:v60+s19+$0x0], $0xffff  }
0x468: {  	v60 =	vld [tilespmem:s13+$0xFFFFFEE0];
	_ =	sdelay $0x1  }
0x469: {  	v62 =	vadd.s32 v22, v1  }
0x46a: {  	v20 =	vadd.f32 v25, v20;
	v25 =	vor.u32 v6, v59  }
0x46b: {  	v63 =	vadd.s32 v22, v10  }
0x46c: {  	v20 =	vadd.f32 v20, v54;
	v15 =	vadd.f32 v60, v15;
	v60 =	vor.u32 v6, v61;
	_ =	sdelay $0x1  }
0x46d: {  	[tilespmem:v62+s1+$0x0] =	vst.idx.msk $0xffff, v20;
	v15 =	vadd.f32 v15, v54  }
0x46e: {  	v20 =	vld.idx.msk [tilespmem:v25+s19+$0x0], $0xffff  }
0x46f: {  	v25 =	vld [tilespmem:s13+$0xFFFFFAF0];
	[tilespmem:v63+s1+$0x0] =	vst.idx.msk $0xffff, v15  }
0x470: {  	v15 =	vld.idx.msk [tilespmem:v60+s19+$0x0], $0xffff  }
0x471: {  	v60 =	vld [tilespmem:s13+$0xFFFFFEF0];
	_ =	sdelay $0x1  }
0x472: {  	v62 =	vadd.s32 v23, v1  }
0x473: {  	v20 =	vadd.f32 v25, v20;
	v25 =	vor.u32 v8, v59  }
0x474: {  	v59 =	vadd.s32 v23, v10  }
0x475: {  	v20 =	vadd.f32 v20, v55;
	v15 =	vadd.f32 v60, v15;
	v60 =	vor.u32 v8, v61;
	_ =	sdelay $0x1  }
0x476: {  	[tilespmem:v62+s1+$0x0] =	vst.idx.msk $0xffff, v20;
	v15 =	vadd.f32 v15, v55  }
0x477: {  	v20 =	vld.idx.msk [tilespmem:v25+s19+$0x0], $0xffff  }
0x478: {  	v25 =	vld [tilespmem:s13+$0xFFFFFB00];
	[tilespmem:v59+s1+$0x0] =	vst.idx.msk $0xffff, v15  }
0x479: {  	v15 =	vld.idx.msk [tilespmem:v60+s19+$0x0], $0xffff  }
0x47a: {  	v59 =	vperm.xlane v58, v30;
	v60 =	vld [tilespmem:s13+$0xFFFFFF00];
	_ =	sdelay $0x1  }
0x47b: {  	v1 =	vadd.s32 v24, v1;
	v61 =	vperm.xlane v57, v30;
	v59 =	vshll.u32 v59, $0x6  }
0x47c: {  	v20 =	vadd.f32 v25, v20;
	v25 =	vor.u32 v0, v59  }
0x47d: {  	v10 =	vadd.s32 v24, v10;
	v61 =	vshll.u32 v61, $0x6  }
0x47e: {  	v20 =	vadd.f32 v20, v56;
	v15 =	vadd.f32 v60, v15;
	v60 =	vor.u32 v0, v61;
	_ =	sdelay $0x1  }
0x47f: {  	s23 =	sadd.s32 $0xFFFFFFED, s11;
	[tilespmem:v1+s1+$0x0] =	vst.idx.msk $0xffff, v20;
	v1 =	vadd.f32 v15, v56  }
0x480: {  	v15 =	vmov s23;
	v20 =	vld.idx.msk [tilespmem:v25+s19+$0x0], $0xffff  }
0x481: {  	s23 =	sadd.s32 $0xFFFFFFFD, s11;
	v25 =	vld [tilespmem:s13+$0xFFFFFB10];
	v15 =	vshrl.u32 v15, $0x3;
	[tilespmem:v10+s1+$0x0] =	vst.idx.msk $0xffff, v1  }
0x482: {  	v1 =	vshll.u32 v15, v3;
	v10 =	vmov s23;
	v15 =	vld.idx.msk [tilespmem:v60+s19+$0x0], $0xffff  }
0x483: {  	v1 =	vbroadcast v1, $0x0;
	v60 =	vld [tilespmem:s13+$0xFFFFFF10];
	v10 =	vshrl.u32 v10, $0x3  }
0x484: {  	v10 =	vshll.u32 v10, v3  }
0x485: {  	v62 =	vadd.s32 v26, v1;
	v10 =	vbroadcast v10, $0x0  }
0x486: {  	v20 =	vadd.f32 v25, v20;
	v25 =	vor.u32 v4, v59  }
0x487: {  	v63 =	vadd.s32 v26, v10  }
0x488: {  	v20 =	vadd.f32 v20, v53;
	v15 =	vadd.f32 v60, v15;
	v60 =	vor.u32 v4, v61;
	_ =	sdelay $0x1  }
0x489: {  	[tilespmem:v62+s1+$0x0] =	vst.idx.msk $0xffff, v20;
	v15 =	vadd.f32 v15, v53  }
0x48a: {  	v20 =	vld.idx.msk [tilespmem:v25+s19+$0x0], $0xffff  }
0x48b: {  	v25 =	vld [tilespmem:s13+$0xFFFFFB20];
	[tilespmem:v63+s1+$0x0] =	vst.idx.msk $0xffff, v15  }
0x48c: {  	v15 =	vld.idx.msk [tilespmem:v60+s19+$0x0], $0xffff  }
0x48d: {  	v60 =	vld [tilespmem:s13+$0xFFFFFF20];
	_ =	sdelay $0x1  }
0x48e: {  	v62 =	vadd.s32 v27, v1  }
0x48f: {  	v20 =	vadd.f32 v25, v20;
	v25 =	vor.u32 v6, v59  }
0x490: {  	v63 =	vadd.s32 v27, v10  }
0x491: {  	v20 =	vadd.f32 v20, v54;
	v15 =	vadd.f32 v60, v15;
	v60 =	vor.u32 v6, v61;
	_ =	sdelay $0x1  }
0x492: {  	[tilespmem:v62+s1+$0x0] =	vst.idx.msk $0xffff, v20;
	v15 =	vadd.f32 v15, v54  }
0x493: {  	v20 =	vld.idx.msk [tilespmem:v25+s19+$0x0], $0xffff  }
0x494: {  	v25 =	vld [tilespmem:s13+$0xFFFFFB30];
	[tilespmem:v63+s1+$0x0] =	vst.idx.msk $0xffff, v15  }
0x495: {  	v15 =	vld.idx.msk [tilespmem:v60+s19+$0x0], $0xffff  }
0x496: {  	v60 =	vld [tilespmem:s13+$0xFFFFFF30];
	_ =	sdelay $0x1  }
0x497: {  	v62 =	vadd.s32 v28, v1  }
0x498: {  	v20 =	vadd.f32 v25, v20;
	v25 =	vor.u32 v8, v59  }
0x499: {  	v59 =	vadd.s32 v28, v10  }
0x49a: {  	v20 =	vadd.f32 v20, v55;
	v15 =	vadd.f32 v60, v15;
	v60 =	vor.u32 v8, v61;
	_ =	sdelay $0x1  }
0x49b: {  	[tilespmem:v62+s1+$0x0] =	vst.idx.msk $0xffff, v20;
	v15 =	vadd.f32 v15, v55  }
0x49c: {  	v20 =	vld.idx.msk [tilespmem:v25+s19+$0x0], $0xffff  }
0x49d: {  	v25 =	vld [tilespmem:s13+$0xFFFFFB40];
	[tilespmem:v59+s1+$0x0] =	vst.idx.msk $0xffff, v15  }
0x49e: {  	v15 =	vld.idx.msk [tilespmem:v60+s19+$0x0], $0xffff  }
0x49f: {  	v59 =	vperm.xlane v58, v35;
	v60 =	vld [tilespmem:s13+$0xFFFFFF40];
	_ =	sdelay $0x1  }
0x4a0: {  	v1 =	vadd.s32 v29, v1;
	v61 =	vperm.xlane v57, v35;
	v59 =	vshll.u32 v59, $0x6  }
0x4a1: {  	v20 =	vadd.f32 v25, v20;
	v25 =	vor.u32 v0, v59  }
0x4a2: {  	v10 =	vadd.s32 v29, v10;
	v61 =	vshll.u32 v61, $0x6  }
0x4a3: {  	v20 =	vadd.f32 v20, v56;
	v15 =	vadd.f32 v60, v15;
	v60 =	vor.u32 v0, v61;
	_ =	sdelay $0x1  }
0x4a4: {  	s23 =	sadd.s32 $0xFFFFFFEE, s11;
	[tilespmem:v1+s1+$0x0] =	vst.idx.msk $0xffff, v20;
	v1 =	vadd.f32 v15, v56  }
0x4a5: {  	v15 =	vmov s23;
	v20 =	vld.idx.msk [tilespmem:v25+s19+$0x0], $0xffff  }
0x4a6: {  	s23 =	sadd.s32 $0xFFFFFFFE, s11;
	v25 =	vld [tilespmem:s13+$0xFFFFFB50];
	v15 =	vshrl.u32 v15, $0x3;
	[tilespmem:v10+s1+$0x0] =	vst.idx.msk $0xffff, v1  }
0x4a7: {  	v1 =	vshll.u32 v15, v3;
	v10 =	vmov s23;
	v15 =	vld.idx.msk [tilespmem:v60+s19+$0x0], $0xffff  }
0x4a8: {  	v1 =	vbroadcast v1, $0x0;
	v60 =	vld [tilespmem:s13+$0xFFFFFF50];
	v10 =	vshrl.u32 v10, $0x3  }
0x4a9: {  	v10 =	vshll.u32 v10, v3  }
0x4aa: {  	v62 =	vadd.s32 v31, v1;
	v10 =	vbroadcast v10, $0x0  }
0x4ab: {  	v20 =	vadd.f32 v25, v20;
	v25 =	vor.u32 v4, v59  }
0x4ac: {  	v63 =	vadd.s32 v31, v10  }
0x4ad: {  	v20 =	vadd.f32 v20, v53;
	v15 =	vadd.f32 v60, v15;
	v60 =	vor.u32 v4, v61;
	_ =	sdelay $0x1  }
0x4ae: {  	[tilespmem:v62+s1+$0x0] =	vst.idx.msk $0xffff, v20;
	v15 =	vadd.f32 v15, v53  }
0x4af: {  	v20 =	vld.idx.msk [tilespmem:v25+s19+$0x0], $0xffff  }
0x4b0: {  	v25 =	vld [tilespmem:s13+$0xFFFFFB60];
	[tilespmem:v63+s1+$0x0] =	vst.idx.msk $0xffff, v15  }
0x4b1: {  	v15 =	vld.idx.msk [tilespmem:v60+s19+$0x0], $0xffff  }
0x4b2: {  	v60 =	vld [tilespmem:s13+$0xFFFFFF60];
	_ =	sdelay $0x1  }
0x4b3: {  	v62 =	vadd.s32 v32, v1  }
0x4b4: {  	v20 =	vadd.f32 v25, v20;
	v25 =	vor.u32 v6, v59  }
0x4b5: {  	v63 =	vadd.s32 v32, v10  }
0x4b6: {  	v20 =	vadd.f32 v20, v54;
	v15 =	vadd.f32 v60, v15;
	v60 =	vor.u32 v6, v61;
	_ =	sdelay $0x1  }
0x4b7: {  	[tilespmem:v62+s1+$0x0] =	vst.idx.msk $0xffff, v20;
	v15 =	vadd.f32 v15, v54  }
0x4b8: {  	v20 =	vld.idx.msk [tilespmem:v25+s19+$0x0], $0xffff  }
0x4b9: {  	v25 =	vld [tilespmem:s13+$0xFFFFFB70];
	[tilespmem:v63+s1+$0x0] =	vst.idx.msk $0xffff, v15  }
0x4ba: {  	v15 =	vld.idx.msk [tilespmem:v60+s19+$0x0], $0xffff  }
0x4bb: {  	v60 =	vld [tilespmem:s13+$0xFFFFFF70];
	_ =	sdelay $0x1  }
0x4bc: {  	v62 =	vadd.s32 v33, v1  }
0x4bd: {  	v20 =	vadd.f32 v25, v20;
	v25 =	vor.u32 v8, v59  }
0x4be: {  	v59 =	vadd.s32 v33, v10  }
0x4bf: {  	v20 =	vadd.f32 v20, v55;
	v15 =	vadd.f32 v60, v15;
	v60 =	vor.u32 v8, v61;
	_ =	sdelay $0x1  }
0x4c0: {  	[tilespmem:v62+s1+$0x0] =	vst.idx.msk $0xffff, v20;
	v15 =	vadd.f32 v15, v55  }
0x4c1: {  	v20 =	vld.idx.msk [tilespmem:v25+s19+$0x0], $0xffff  }
0x4c2: {  	v25 =	vld [tilespmem:s13+$0xFFFFFB80];
	[tilespmem:v59+s1+$0x0] =	vst.idx.msk $0xffff, v15  }
0x4c3: {  	v15 =	vld.idx.msk [tilespmem:v60+s19+$0x0], $0xffff  }
0x4c4: {  	v59 =	vperm.xlane v58, v40;
	v60 =	vld [tilespmem:s13+$0xFFFFFF80];
	_ =	sdelay $0x1  }
0x4c5: {  	v1 =	vadd.s32 v34, v1;
	v61 =	vperm.xlane v57, v40;
	v59 =	vshll.u32 v59, $0x6  }
0x4c6: {  	v20 =	vadd.f32 v25, v20;
	v25 =	vor.u32 v0, v59  }
0x4c7: {  	v10 =	vadd.s32 v34, v10;
	v61 =	vshll.u32 v61, $0x6  }
0x4c8: {  	v20 =	vadd.f32 v20, v56;
	v15 =	vadd.f32 v60, v15;
	v60 =	vor.u32 v0, v61;
	_ =	sdelay $0x1  }
0x4c9: {  	s23 =	sadd.s32 $0xFFFFFFEF, s11;
	[tilespmem:v1+s1+$0x0] =	vst.idx.msk $0xffff, v20;
	v1 =	vadd.f32 v15, v56  }
0x4ca: {  	v15 =	vmov s23;
	v20 =	vld.idx.msk [tilespmem:v25+s19+$0x0], $0xffff  }
0x4cb: {  	s23 =	sadd.s32 $0xFFFFFFFF, s11;
	v25 =	vld [tilespmem:s13+$0xFFFFFB90];
	v15 =	vshrl.u32 v15, $0x3;
	[tilespmem:v10+s1+$0x0] =	vst.idx.msk $0xffff, v1  }
0x4cc: {  	v1 =	vshll.u32 v15, v3;
	v10 =	vmov s23;
	v15 =	vld.idx.msk [tilespmem:v60+s19+$0x0], $0xffff  }
0x4cd: {  	v1 =	vbroadcast v1, $0x0;
	v60 =	vld [tilespmem:s13+$0xFFFFFF90];
	v10 =	vshrl.u32 v10, $0x3  }
0x4ce: {  	v10 =	vshll.u32 v10, v3  }
0x4cf: {  	v62 =	vadd.s32 v36, v1;
	v10 =	vbroadcast v10, $0x0  }
0x4d0: {  	v20 =	vadd.f32 v25, v20;
	v25 =	vor.u32 v4, v59  }
0x4d1: {  	v63 =	vadd.s32 v36, v10  }
0x4d2: {  	v20 =	vadd.f32 v20, v53;
	v15 =	vadd.f32 v60, v15;
	v60 =	vor.u32 v4, v61;
	_ =	sdelay $0x1  }
0x4d3: {  	[tilespmem:v62+s1+$0x0] =	vst.idx.msk $0xffff, v20;
	v15 =	vadd.f32 v15, v53  }
0x4d4: {  	v20 =	vld.idx.msk [tilespmem:v25+s19+$0x0], $0xffff  }
0x4d5: {  	v25 =	vld [tilespmem:s13+$0xFFFFFBA0];
	[tilespmem:v63+s1+$0x0] =	vst.idx.msk $0xffff, v15  }
0x4d6: {  	v15 =	vld.idx.msk [tilespmem:v60+s19+$0x0], $0xffff  }
0x4d7: {  	v60 =	vld [tilespmem:s13+$0xFFFFFFA0];
	_ =	sdelay $0x1  }
0x4d8: {  	v62 =	vadd.s32 v37, v1  }
0x4d9: {  	v20 =	vadd.f32 v25, v20;
	v25 =	vor.u32 v6, v59  }
0x4da: {  	v63 =	vadd.s32 v37, v10  }
0x4db: {  	v20 =	vadd.f32 v20, v54;
	v15 =	vadd.f32 v60, v15;
	v60 =	vor.u32 v6, v61;
	_ =	sdelay $0x1  }
0x4dc: {  	[tilespmem:v62+s1+$0x0] =	vst.idx.msk $0xffff, v20;
	v15 =	vadd.f32 v15, v54  }
0x4dd: {  	v20 =	vld.idx.msk [tilespmem:v25+s19+$0x0], $0xffff  }
0x4de: {  	v25 =	vld [tilespmem:s13+$0xFFFFFBB0];
	[tilespmem:v63+s1+$0x0] =	vst.idx.msk $0xffff, v15  }
0x4df: {  	v15 =	vld.idx.msk [tilespmem:v60+s19+$0x0], $0xffff  }
0x4e0: {  	v60 =	vld [tilespmem:s13+$0xFFFFFFB0];
	_ =	sdelay $0x1  }
0x4e1: {  	v62 =	vadd.s32 v38, v1  }
0x4e2: {  	v20 =	vadd.f32 v25, v20;
	v25 =	vor.u32 v8, v59  }
0x4e3: {  	v59 =	vadd.s32 v38, v10  }
0x4e4: {  	v15 =	vadd.f32 v60, v15;
	v20 =	vadd.f32 v20, v55;
	v60 =	vor.u32 v8, v61;
	_ =	sdelay $0x1  }
0x4e5: {  	[tilespmem:v62+s1+$0x0] =	vst.idx.msk $0xffff, v20;
	v15 =	vadd.f32 v15, v55  }
0x4e6: {  	v20 =	vld.idx.msk [tilespmem:v25+s19+$0x0], $0xffff  }
0x4e7: {  	v25 =	vld [tilespmem:s13+$0xFFFFFBC0];
	[tilespmem:v59+s1+$0x0] =	vst.idx.msk $0xffff, v15  }
0x4e8: {  	v61 =	vimm.s32 $0xF;
	v15 =	vld.idx.msk [tilespmem:v60+s19+$0x0], $0xffff  }
0x4e9: {  	v58 =	vperm.xlane v58, v61;
	v59 =	vld [tilespmem:s13+$0xFFFFFFC0];
	_ =	sdelay $0x1  }
0x4ea: {  	v1 =	vadd.s32 v39, v1;
	v57 =	vperm.xlane v57, v61;
	v58 =	vshll.u32 v58, $0x6  }
0x4eb: {  	v20 =	vadd.f32 v25, v20;
	v25 =	vor.u32 v0, v58  }
0x4ec: {  	v10 =	vadd.s32 v39, v10;
	v57 =	vshll.u32 v57, $0x6  }
0x4ed: {  	v61 =	vor.u32 v0, v57;
	v20 =	vadd.f32 v20, v56;
	v15 =	vadd.f32 v59, v15;
	_ =	sdelay $0x1  }
0x4ee: {  	s23 =	sadd.s32 $0xFFFFFFF0, s11;
	[tilespmem:v1+s1+$0x0] =	vst.idx.msk $0xffff, v20;
	v1 =	vadd.f32 v15, v56  }
0x4ef: {  	v15 =	vmov s23;
	v20 =	vld.idx.msk [tilespmem:v25+s19+$0x0], $0xffff  }
0x4f0: {  	v25 =	vld [tilespmem:s13+$0xFFFFFBD0];
	v15 =	vshrl.u32 v15, $0x3;
	[tilespmem:v10+s1+$0x0] =	vst.idx.msk $0xffff, v1  }
0x4f1: {  	v1 =	vshll.u32 v15, v3;
	v10 =	vmov s11;
	v15 =	vld.idx.msk [tilespmem:v61+s19+$0x0], $0xffff  }
0x4f2: {  	v1 =	vbroadcast v1, $0x0;
	v59 =	vld [tilespmem:s13+$0xFFFFFFD0];
	v10 =	vshrl.u32 v10, $0x3  }
0x4f3: {  	v10 =	vshll.u32 v10, v3  }
0x4f4: {  	v60 =	vadd.s32 v41, v1;
	v10 =	vbroadcast v10, $0x0  }
0x4f5: {  	v20 =	vadd.f32 v25, v20;
	v25 =	vor.u32 v4, v58  }
0x4f6: {  	v61 =	vadd.s32 v41, v10  }
0x4f7: {  	v62 =	vor.u32 v4, v57;
	v20 =	vadd.f32 v20, v53;
	v15 =	vadd.f32 v59, v15;
	_ =	sdelay $0x1  }
0x4f8: {  	[tilespmem:v60+s1+$0x0] =	vst.idx.msk $0xffff, v20;
	v15 =	vadd.f32 v15, v53  }
0x4f9: {  	v20 =	vld.idx.msk [tilespmem:v25+s19+$0x0], $0xffff  }
0x4fa: {  	v25 =	vld [tilespmem:s13+$0xFFFFFBE0];
	[tilespmem:v61+s1+$0x0] =	vst.idx.msk $0xffff, v15  }
0x4fb: {  	v15 =	vld.idx.msk [tilespmem:v62+s19+$0x0], $0xffff  }
0x4fc: {  	v59 =	vld [tilespmem:s13+$0xFFFFFFE0];
	_ =	sdelay $0x1  }
0x4fd: {  	v60 =	vadd.s32 v42, v1  }
0x4fe: {  	v20 =	vadd.f32 v25, v20;
	v25 =	vor.u32 v6, v58  }
0x4ff: {  	v61 =	vadd.s32 v42, v10  }
0x500: {  	v63 =	vor.u32 v6, v57;
	v20 =	vadd.f32 v20, v54;
	v15 =	vadd.f32 v59, v15;
	_ =	sdelay $0x1  }
0x501: {  	[tilespmem:v60+s1+$0x0] =	vst.idx.msk $0xffff, v20;
	v15 =	vadd.f32 v15, v54  }
0x502: {  	v20 =	vld.idx.msk [tilespmem:v25+s19+$0x0], $0xffff  }
0x503: {  	v25 =	vld [tilespmem:s13+$0xFFFFFBF0];
	[tilespmem:v61+s1+$0x0] =	vst.idx.msk $0xffff, v15  }
0x504: {  	v15 =	vld.idx.msk [tilespmem:v63+s19+$0x0], $0xffff  }
0x505: {  	v59 =	vld [tilespmem:s13+$0xFFFFFFF0];
	_ =	sdelay $0x1  }
0x506: {  	v60 =	vadd.s32 v43, v1  }
0x507: {  	v20 =	vadd.f32 v25, v20;
	v25 =	vor.u32 v8, v58  }
0x508: {  	v62 =	vadd.s32 v43, v10  }
0x509: {  	v57 =	vor.u32 v8, v57;
	v15 =	vadd.f32 v59, v15;
	v20 =	vadd.f32 v20, v55;
	_ =	sdelay $0x1  }
0x50a: {  	[tilespmem:v60+s1+$0x0] =	vst.idx.msk $0xffff, v20;
	v15 =	vadd.f32 v15, v55  }
0x50b: {  	v20 =	vld.idx.msk [tilespmem:v25+s19+$0x0], $0xffff  }
0x50c: {  	[tilespmem:v62+s1+$0x0] =	vst.idx.msk $0xffff, v15;
	v15 =	vld [tilespmem:s13+$0xFFFFFC00]  }
0x50d: {  	v25 =	vld.idx.msk [tilespmem:v57+s19+$0x0], $0xffff  }
0x50e: {  	v63 =	vld [tilespmem:s13+$0x0];
	_ =	sdelay $0x2  }
0x50f: {  	s10 =	sadd.s32 $0x2, s10;
	v1 =	vadd.s32 v44, v1  }
0x510: {  	p0 =	slt.u32 s10, $0x6;
	v10 =	vadd.s32 v44, v10;
	v15 =	vadd.f32 v15, v20  }
.Ltmp2:
0x511: {  	v20 =	vadd.f32 v63, v25;
	(pc) =	sbr.rel @p0 .LBB2_7-.Ltmp2, $4  }
0x512: {  	v15 =	vadd.f32 v15, v56  }
0x513: {  	v20 =	vadd.f32 v20, v56  }
0x514: {  	[tilespmem:v1+s1+$0x0] =	vst.idx.msk $0xffff, v15  }
0x515: {  	s12 =	sadd.s32 $0x20, s12;
	s11 =	sadd.s32 $0x20, s11;
	s13 =	sadd.s32 $0x800, s13;
	v1 =	vimm.s32 $0x0;
	[tilespmem:v10+s1+$0x0] =	vst.idx.msk $0xffff, v20  }
0x516: {  	s6 =	sshll.u32 s6, $0x4  }
0x517: {  	s6 =	sand.u32 $0x1F0, s6  }
0x518: {  	s7 =	sshll.u32 s7, $0xF;
	s6 =	sadd.s32 s8, s6  }
0x519: {  	s10 =	simm.s32 $0x200;
	s6 =	sadd.s32 s7, s6  }
0x51a: {  	s11 =	simm.s32 $0x19088;
	s7 =	simm.s32 $0x19000;
	s12 =	sadd.s32 $0x0, s6  }
.LBB2_9:
0x51b: {  	[hbm4b:s12+s2] =	stream.linear.scatter [tilespmem:s7], [sflag:$0x8], $0x80, $0x38;
	[tilespmem:$0x1B200] =	vst v63  }
0x51c: {  	s12 =	smov.u32 s10;
	s7 =	smov.u32 s11;
	p0 =	sne.s32 s10, $0x7E00  }
.Ltmp3:
0x51d: {  	s10 =	sadd.s32 $0x200, s10;
	(pc) =	sbr.rel @p0 .LBB2_9-.Ltmp3, $2  }
0x51e: {  	_ =	sdelay $0x2  }
0x51f: {  	s11 =	sadd.s32 $0x88, s11;
	s12 =	sadd.s32 s12, s6  }
0x520: {  	s25 =	sadd.s32 $0x1, s25  }
0x521: {  	p0 =	sne.s32 s25, $0x64  }
.Ltmp4:
0x522: {  	_ = 	snop;
	(pc) =	sbr.rel @p0 .LBB2_2-.Ltmp4, $2  }
0x523: {  	_ =	sdelay $0x2  }
0x524: {  	[hbm4b:s12+s2] =	stream.linear.scatter [tilespmem:s7], [sflag:$0x8], $0x80, $0x38;
	[tilespmem:$0x1B200] =	vst v63  }
0x525: {  	_ =	swait.ge [sflag:s17], $0x2000  }
0x526: {  	[sflag:s17] =	ssyncset.done $0x0  }
0x527: {  	[sflag:s17] =	ssyncadd.s32 $0xFFFFE000  }
0x528: {  	_ =	swait.ge [sflag:s20], $0x2000  }
0x529: {  	s22 =	sadd.s32 $0x1, s22;
	s6 =	rddreg [dreg:$0x8]  }
0x52a: {  	p0 =	sne.s32 s22, s6  }
.Ltmp5:
0x52b: {  	_ = 	snop;
	(pc) =	sbr.rel @p0 .LBB2_1-.Ltmp5, $3  }
0x52c: {  	_ =	sdelay $0x1  }
0x52d: {  	[sflag:s20] =	ssyncset.done $0x0  }
0x52e: {  	[sflag:s20] =	ssyncadd.s32 $0xFFFFE000  }
0x52f: {  	_ =	sfence.sel $0x180000  }
0x530: {  	[bflag:$0x0] =	sbarrier.arrive $0xFFFF  }
0x531: {  	_ =	strace $0x90000047  }
0x532: {  	s0 =	stileid.u32;
	[bflag:$0x2] =	sbarrier.arrive $0xFFFF  }
0x533: {  	p0 =	sne.s32 s0, $0x0;
	s0 =	rddreg [dreg:$0x1]  }
0x534: {  	s0 =	sadd.s32 @!p0 $0x100000, s0  }
0x535: {  	[sflag:s0] =	ssyncadd.tile.s32 @!p0 $0x1;
	_ =	shalt  }
.Lfunc_end2:
_tile_overlayer_lowered:
.L_overlay_start_2:
0x536: {  	(tag) =	ssettag $0x2  }
0x537: {  	s0 =	rddreg [dreg:$0x0];
	s2 =	stileid.u32  }
0x538: {  	s1 =	rddreg [dreg:$0x1];
	p0 =	sne.s32 s2, $0x0  }
0x539: {  	s3 =	rddreg [dreg:$0x2];
	[bflag:$0x3] =	sbarrier.arrive $0xFFFF;
	s2 =	simm.s32 @!p0 $0x1C09  }
0x53a: {  	[timem:s3], [sflag:s2] =	dma.local @!p0 [hbm:s0], s1  }
0x53b: {  	s0 =	simm.s32 @!p0 $0x9  }
0x53c: {  	_ =	swait.ge @!p0 [sflag:s0], s1  }
0x53d: {  	s1 =	ssub.s32 @!p0 $0x0, s1;
	[sflag:s0] =	ssyncset.done @!p0 $0x0  }
0x53e: {  	[sflag:s0] =	ssyncadd.s32 @!p0 s1  }
0x53f: {  	[bflag:$0x3] =	sbarrier.arrive $0xFFFF  }
0x540: {  	_ =	shalt  }

</sc_bundles>
